<compile_context>
chip_gen: v7x
topology: tpu7x:2x2x1
jax: 0.10.2.dev20260603
libtpu: 0.0.44.dev20260713+nightly
codegen_flags: <defaults>
</compile_context>

<pallas_src>
import functools

import jax
import jax.numpy as jnp
from jax import lax
from jax.experimental import pallas as pl
from jax.experimental.pallas import tpu as pltpu
from jax.experimental.pallas import tpu_sc as plsc


def kernel(x):
    b, s, m, d = x.shape
    cr = m // 2
    nc = cr - 2
    K = nc * 6
    HD = d // 2
    QD = d // 4
    NLQ = 18
    NS = 5
    PF = 3

    xp = jnp.transpose(x, (0, 2, 3, 1))

    mesh = plsc.VectorSubcoreMesh(core_axis_name="c", subcore_axis_name="s")

    @functools.partial(
        pl.kernel,
        mesh=mesh,
        out_type=jax.ShapeDtypeStruct((b, K, d, s), jnp.float32),
        scratch_types=(
            [pltpu.VMEM((HD, s), jnp.float32)]
            + [pltpu.VMEM((QD, s), jnp.float32)] * NS
            + [pltpu.SemaphoreType.DMA] * (2 + 2 * NS)
        ),
        compiler_params=pltpu.CompilerParams(use_tc_tiling_on_sc=True),
    )
    def recombine(x_hbm, out_hbm, hbuf, *rest):
        lbuf = rest[:NS]
        s_hr, s_hw = rest[NS], rest[NS + 1]
        s_lr = rest[NS + 2:NS + 2 + NS]
        s_lw = rest[NS + 2 + NS:]

        cid = lax.axis_index("c")
        sid = lax.axis_index("s")
        wid = sid * 2 + cid
        bb = wid // 8
        h8 = wid % 8

        t = h8 // 2
        hh = (h8 % 2) * HD
        r_h = t + jnp.where(t >= 2, m // 2 - 2, 0)
        j_h = t + jnp.where(t >= 2, 1, 0)

        def light_coords(q):
            li = h8 * NLQ + q
            row_idx = li // 4
            lh = (li % 4) * QD
            r_l = row_idx + 2 + jnp.where(row_idx >= nc, 2, 0)
            k_l = jnp.where(row_idx < nc,
                            row_idx * 6 + 2, (row_idx - nc) * 6 + 5)
            return r_l, k_l, lh

        def rd(r, h, ht, buf, sem):
            pltpu.async_copy(x_hbm.at[bb, r, pl.ds(h, ht), :], buf, sem)

        def wr(k, h, ht, buf, sem):
            pltpu.async_copy(buf, out_hbm.at[bb, k, pl.ds(h, ht), :], sem)

        def wait_rd(ht, buf, sem):
            pltpu.make_async_copy(
                x_hbm.at[bb, 0, pl.ds(0, ht), :], buf, sem).wait()

        def wait_wr(ht, buf, sem):
            pltpu.make_async_copy(
                buf, out_hbm.at[bb, 0, pl.ds(0, ht), :], sem).wait()

        rd(r_h, hh, HD, hbuf, s_hr)
        for q in range(PF):
            r_l, _, lh = light_coords(q)
            rd(r_l, lh, QD, lbuf[q], s_lr[q])

        wait_rd(HD, hbuf, s_hr)
        for c in range(nc):
            wr(c * 6 + j_h, hh, HD, hbuf, s_hw)

        for q in range(NLQ):
            sl = q % NS
            r_l, k_l, lh = light_coords(q)
            wait_rd(QD, lbuf[sl], s_lr[sl])
            wr(k_l, lh, QD, lbuf[sl], s_lw[sl])
            i = q + PF
            if i < NLQ:
                si = i % NS
                if i - NS >= 0:
                    wait_wr(QD, lbuf[si], s_lw[si])
                r_n, _, nh = light_coords(i)
                rd(r_n, nh, QD, lbuf[si], s_lr[si])

        for _ in range(nc):
            wait_wr(HD, hbuf, s_hw)
        for i in range(NLQ - NS, NLQ):
            wait_wr(QD, lbuf[i % NS], s_lw[i % NS])

    outp = recombine(xp)
    out = outp.reshape(b, nc, 6, d, s)
    return jnp.transpose(out, (0, 4, 1, 2, 3))

# --- scband reference (transcript-rebuilt; emitter-appended) ---
"""Pipeline reference for scband-recombine-3582002725281 (READ-ONLY COPY).

The authoritative reference and input builder live on the scoring server;
editing this copy changes nothing except your own understanding.
"""

import jax, jax.numpy as jnp
import numpy as np


def setup_inputs(seed: int = 0) -> dict:
    key = jax.random.key(seed)
    x = jax.random.normal(key, (4, 2048, 40, 32), dtype=jnp.float32)
    return {"x": x}


def reference(x):
    b, s, m, d = x.shape
    cr = m // 2
    num_candidates = cr - 2
    indices = []
    for i in range(2, cr):
        indices += [0, 1, i, cr, cr + 1, cr + i]
    idx = jnp.asarray(indices, dtype=jnp.int32)
    out = jnp.take(x, idx, axis=2)
    return out.reshape(b, s, num_candidates, 6, d)

if __name__ == "__main__":
    import jax
    _d = setup_inputs()
    print(jax.jit(kernel)(*tuple(_d.values())))

</pallas_src>

<mosaic_0001>
#map = affine_map<(d0, d1) -> (0, 0, 0, 0)>
module attributes {stable_mosaic.version = 14 : i64} {
  func.func @recombine(%arg0: i32, %arg1: i32, %arg2: memref<4x40x32x2048xf32, #tpu.memory_space<hbm>>, %arg3: memref<4x108x32x2048xf32, #tpu.memory_space<hbm>>, %arg4: memref<16x2048xf32, #tpu.memory_space<vmem>>, %arg5: memref<8x2048xf32, #tpu.memory_space<vmem>>, %arg6: memref<8x2048xf32, #tpu.memory_space<vmem>>, %arg7: memref<8x2048xf32, #tpu.memory_space<vmem>>, %arg8: memref<8x2048xf32, #tpu.memory_space<vmem>>, %arg9: memref<8x2048xf32, #tpu.memory_space<vmem>>, %arg10: memref<!tpu.dma_semaphore, #tpu.memory_space<semaphore_mem>>, %arg11: memref<!tpu.dma_semaphore, #tpu.memory_space<semaphore_mem>>, %arg12: memref<!tpu.dma_semaphore, #tpu.memory_space<semaphore_mem>>, %arg13: memref<!tpu.dma_semaphore, #tpu.memory_space<semaphore_mem>>, %arg14: memref<!tpu.dma_semaphore, #tpu.memory_space<semaphore_mem>>, %arg15: memref<!tpu.dma_semaphore, #tpu.memory_space<semaphore_mem>>, %arg16: memref<!tpu.dma_semaphore, #tpu.memory_space<semaphore_mem>>, %arg17: memref<!tpu.dma_semaphore, #tpu.memory_space<semaphore_mem>>, %arg18: memref<!tpu.dma_semaphore, #tpu.memory_space<semaphore_mem>>, %arg19: memref<!tpu.dma_semaphore, #tpu.memory_space<semaphore_mem>>, %arg20: memref<!tpu.dma_semaphore, #tpu.memory_space<semaphore_mem>>, %arg21: memref<!tpu.dma_semaphore, #tpu.memory_space<semaphore_mem>>) attributes {dimension_semantics = [#tpu.dimension_semantics<core_parallel>, #tpu.dimension_semantics<subcore_parallel>], iteration_bounds = array<i64: 2, 16>, scalar_prefetch = 0 : i64, scratch_operands = 18 : i64, tpu.core_type = #tpu.core_type<sc_vector_subcore>, window_params = [{transform_indices = #map}, {transform_indices = #map}]} {
    %mul3A = arith.constant 2 : i32
    %mul3A_0 = arith.muli %arg1, %mul3A : i32
    %add3A = arith.addi %mul3A_0, %arg0 : i32
    %jit3A = arith.constant 8 : i32
    %div3A = arith.divsi %add3A, %jit3A : i32
    %sign3A = arith.constant 0 : i32
    %sign3A_1 = arith.cmpi sgt, %add3A, %sign3A : i32
    %sign3A_2 = arith.extui %sign3A_1 : i1 to i32
    %sign3A_3 = arith.constant 0 : i32
    %sign3A_4 = arith.cmpi slt, %add3A, %sign3A_3 : i32
    %sign3A_5 = arith.extui %sign3A_4 : i1 to i32
    %sign3A_6 = arith.subi %sign3A_2, %sign3A_5 : i32
    %sign3A_7 = arith.constant 0 : i32
    %sign3A_8 = arith.cmpi sgt, %jit3A, %sign3A_7 : i32
    %sign3A_9 = arith.extui %sign3A_8 : i1 to i32
    %sign3A_10 = arith.constant 0 : i32
    %sign3A_11 = arith.cmpi slt, %jit3A, %sign3A_10 : i32
    %sign3A_12 = arith.extui %sign3A_11 : i1 to i32
    %sign3A_13 = arith.subi %sign3A_9, %sign3A_12 : i32
    %ne3A = arith.cmpi ne, %sign3A_6, %sign3A_13 : i32
    %rem3A = arith.remsi %add3A, %jit3A : i32
    %ne3A_14 = arith.constant 0 : i32
    %ne3A_15 = arith.cmpi ne, %rem3A, %ne3A_14 : i32
    %and3A = arith.andi %ne3A, %ne3A_15 : i1
    %sub3A = arith.constant 1 : i32
    %sub3A_16 = arith.subi %div3A, %sub3A : i32
    %select_n3A = arith.select %and3A, %sub3A_16, %div3A : i32
    %jit3A_17 = arith.constant 8 : i32
    %eq3A = arith.constant 0 : i32
    %eq3A_18 = arith.cmpi eq, %jit3A_17, %eq3A : i32
    %jit3A_19 = arith.constant 1 : i32
    %select_n3A_20 = arith.select %eq3A_18, %jit3A_19, %jit3A_17 : i32
    %rem3A_21 = arith.remsi %add3A, %select_n3A_20 : i32
    %ne3A_22 = arith.constant 0 : i32
    %ne3A_23 = arith.cmpi ne, %rem3A_21, %ne3A_22 : i32
    %lt3A = arith.constant 0 : i32
    %lt3A_24 = arith.cmpi slt, %rem3A_21, %lt3A : i32
    %lt3A_25 = arith.constant 0 : i32
    %lt3A_26 = arith.cmpi slt, %select_n3A_20, %lt3A_25 : i32
    %ne3A_27 = arith.xori %lt3A_24, %lt3A_26 : i1
    %and3A_28 = arith.andi %ne3A_27, %ne3A_23 : i1
    %add3A_29 = arith.addi %rem3A_21, %select_n3A_20 : i32
    %select_n3A_30 = arith.select %and3A_28, %add3A_29, %rem3A_21 : i32
    %jit3A_31 = arith.constant 2 : i32
    %div3A_32 = arith.divsi %select_n3A_30, %jit3A_31 : i32
    %sign3A_33 = arith.constant 0 : i32
    %sign3A_34 = arith.cmpi sgt, %select_n3A_30, %sign3A_33 : i32
    %sign3A_35 = arith.extui %sign3A_34 : i1 to i32
    %sign3A_36 = arith.constant 0 : i32
    %sign3A_37 = arith.cmpi slt, %select_n3A_30, %sign3A_36 : i32
    %sign3A_38 = arith.extui %sign3A_37 : i1 to i32
    %sign3A_39 = arith.subi %sign3A_35, %sign3A_38 : i32
    %sign3A_40 = arith.constant 0 : i32
    %sign3A_41 = arith.cmpi sgt, %jit3A_31, %sign3A_40 : i32
    %sign3A_42 = arith.extui %sign3A_41 : i1 to i32
    %sign3A_43 = arith.constant 0 : i32
    %sign3A_44 = arith.cmpi slt, %jit3A_31, %sign3A_43 : i32
    %sign3A_45 = arith.extui %sign3A_44 : i1 to i32
    %sign3A_46 = arith.subi %sign3A_42, %sign3A_45 : i32
    %ne3A_47 = arith.cmpi ne, %sign3A_39, %sign3A_46 : i32
    %rem3A_48 = arith.remsi %select_n3A_30, %jit3A_31 : i32
    %ne3A_49 = arith.constant 0 : i32
    %ne3A_50 = arith.cmpi ne, %rem3A_48, %ne3A_49 : i32
    %and3A_51 = arith.andi %ne3A_47, %ne3A_50 : i1
    %sub3A_52 = arith.constant 1 : i32
    %sub3A_53 = arith.subi %div3A_32, %sub3A_52 : i32
    %select_n3A_54 = arith.select %and3A_51, %sub3A_53, %div3A_32 : i32
    %jit3A_55 = arith.constant 2 : i32
    %eq3A_56 = arith.constant 0 : i32
    %eq3A_57 = arith.cmpi eq, %jit3A_55, %eq3A_56 : i32
    %jit3A_58 = arith.constant 1 : i32
    %select_n3A_59 = arith.select %eq3A_57, %jit3A_58, %jit3A_55 : i32
    %rem3A_60 = arith.remsi %select_n3A_30, %select_n3A_59 : i32
    %ne3A_61 = arith.constant 0 : i32
    %ne3A_62 = arith.cmpi ne, %rem3A_60, %ne3A_61 : i32
    %lt3A_63 = arith.constant 0 : i32
    %lt3A_64 = arith.cmpi slt, %rem3A_60, %lt3A_63 : i32
    %lt3A_65 = arith.constant 0 : i32
    %lt3A_66 = arith.cmpi slt, %select_n3A_59, %lt3A_65 : i32
    %ne3A_67 = arith.xori %lt3A_64, %lt3A_66 : i1
    %and3A_68 = arith.andi %ne3A_67, %ne3A_62 : i1
    %add3A_69 = arith.addi %rem3A_60, %select_n3A_59 : i32
    %select_n3A_70 = arith.select %and3A_68, %add3A_69, %rem3A_60 : i32
    %mul3A_71 = arith.constant 16 : i32
    %mul3A_72 = arith.muli %select_n3A_70, %mul3A_71 : i32
    %ge3A = arith.constant 2 : i32
    %ge3A_73 = arith.cmpi sge, %select_n3A_54, %ge3A : i32
    %jit3A_74 = arith.constant 18 : i32
    %jit3A_75 = arith.constant 0 : i32
    %select_n3A_76 = arith.select %ge3A_73, %jit3A_74, %jit3A_75 : i32
    %add3A_77 = arith.addi %select_n3A_54, %select_n3A_76 : i32
    %ge3A_78 = arith.constant 2 : i32
    %ge3A_79 = arith.cmpi sge, %select_n3A_54, %ge3A_78 : i32
    %jit3A_80 = arith.constant 1 : i32
    %jit3A_81 = arith.constant 0 : i32
    %select_n3A_82 = arith.select %ge3A_79, %jit3A_80, %jit3A_81 : i32
    %add3A_83 = arith.addi %select_n3A_54, %select_n3A_82 : i32
    %dma_start3A = arith.constant 0 : i32
    %dma_start3A_84 = tpu.memref_slice %arg2[%select_n3A, %add3A_77, %mul3A_72, %dma_start3A] : memref<4x40x32x2048xf32, #tpu.memory_space<hbm>> -> memref<1x1x16x2048xf32, #tpu.memory_space<hbm>>
    %dma_start3A_85 = tpu.memref_squeeze %dma_start3A_84 : memref<1x1x16x2048xf32, #tpu.memory_space<hbm>> -> memref<16x2048xf32, #tpu.memory_space<hbm>>
    %dma_start3A_86 = arith.constant 0 : i32
    %dma_start3A_87 = tpu.memref_slice %arg2[%select_n3A, %add3A_77, %mul3A_72, %dma_start3A_86] : memref<4x40x32x2048xf32, #tpu.memory_space<hbm>> -> memref<1x1x16x2048xf32, #tpu.memory_space<hbm>>
    %dma_start3A_88 = tpu.memref_squeeze %dma_start3A_87 : memref<1x1x16x2048xf32, #tpu.memory_space<hbm>> -> memref<16x2048xf32, #tpu.memory_space<hbm>>
    tpu.enqueue_dma source(%dma_start3A_88 : memref<16x2048xf32, #tpu.memory_space<hbm>>) target(%arg4 : memref<16x2048xf32, #tpu.memory_space<vmem>>) target_semaphore(%arg10 : memref<!tpu.dma_semaphore, #tpu.memory_space<semaphore_mem>>)
    %mul3A_89 = arith.constant 18 : i32
    %mul3A_90 = arith.muli %select_n3A_30, %mul3A_89 : i32
    %add3A_91 = arith.constant 0 : i32
    %add3A_92 = arith.addi %mul3A_90, %add3A_91 : i32
    %jit3A_93 = arith.constant 4 : i32
    %div3A_94 = arith.divsi %add3A_92, %jit3A_93 : i32
    %sign3A_95 = arith.constant 0 : i32
    %sign3A_96 = arith.cmpi sgt, %add3A_92, %sign3A_95 : i32
    %sign3A_97 = arith.extui %sign3A_96 : i1 to i32
    %sign3A_98 = arith.constant 0 : i32
    %sign3A_99 = arith.cmpi slt, %add3A_92, %sign3A_98 : i32
    %sign3A_100 = arith.extui %sign3A_99 : i1 to i32
    %sign3A_101 = arith.subi %sign3A_97, %sign3A_100 : i32
    %sign3A_102 = arith.constant 0 : i32
    %sign3A_103 = arith.cmpi sgt, %jit3A_93, %sign3A_102 : i32
    %sign3A_104 = arith.extui %sign3A_103 : i1 to i32
    %sign3A_105 = arith.constant 0 : i32
    %sign3A_106 = arith.cmpi slt, %jit3A_93, %sign3A_105 : i32
    %sign3A_107 = arith.extui %sign3A_106 : i1 to i32
    %sign3A_108 = arith.subi %sign3A_104, %sign3A_107 : i32
    %ne3A_109 = arith.cmpi ne, %sign3A_101, %sign3A_108 : i32
    %rem3A_110 = arith.remsi %add3A_92, %jit3A_93 : i32
    %ne3A_111 = arith.constant 0 : i32
    %ne3A_112 = arith.cmpi ne, %rem3A_110, %ne3A_111 : i32
    %and3A_113 = arith.andi %ne3A_109, %ne3A_112 : i1
    %sub3A_114 = arith.constant 1 : i32
    %sub3A_115 = arith.subi %div3A_94, %sub3A_114 : i32
    %select_n3A_116 = arith.select %and3A_113, %sub3A_115, %div3A_94 : i32
    %jit3A_117 = arith.constant 4 : i32
    %eq3A_118 = arith.constant 0 : i32
    %eq3A_119 = arith.cmpi eq, %jit3A_117, %eq3A_118 : i32
    %jit3A_120 = arith.constant 1 : i32
    %select_n3A_121 = arith.select %eq3A_119, %jit3A_120, %jit3A_117 : i32
    %rem3A_122 = arith.remsi %add3A_92, %select_n3A_121 : i32
    %ne3A_123 = arith.constant 0 : i32
    %ne3A_124 = arith.cmpi ne, %rem3A_122, %ne3A_123 : i32
    %lt3A_125 = arith.constant 0 : i32
    %lt3A_126 = arith.cmpi slt, %rem3A_122, %lt3A_125 : i32
    %lt3A_127 = arith.constant 0 : i32
    %lt3A_128 = arith.cmpi slt, %select_n3A_121, %lt3A_127 : i32
    %ne3A_129 = arith.xori %lt3A_126, %lt3A_128 : i1
    %and3A_130 = arith.andi %ne3A_129, %ne3A_124 : i1
    %add3A_131 = arith.addi %rem3A_122, %select_n3A_121 : i32
    %select_n3A_132 = arith.select %and3A_130, %add3A_131, %rem3A_122 : i32
    %mul3A_133 = arith.constant 8 : i32
    %mul3A_134 = arith.muli %select_n3A_132, %mul3A_133 : i32
    %add3A_135 = arith.constant 2 : i32
    %add3A_136 = arith.addi %select_n3A_116, %add3A_135 : i32
    %ge3A_137 = arith.constant 18 : i32
    %ge3A_138 = arith.cmpi sge, %select_n3A_116, %ge3A_137 : i32
    %jit3A_139 = arith.constant 2 : i32
    %jit3A_140 = arith.constant 0 : i32
    %select_n3A_141 = arith.select %ge3A_138, %jit3A_139, %jit3A_140 : i32
    %add3A_142 = arith.addi %add3A_136, %select_n3A_141 : i32
    %lt3A_143 = arith.constant 18 : i32
    %lt3A_144 = arith.cmpi slt, %select_n3A_116, %lt3A_143 : i32
    %mul3A_145 = arith.constant 6 : i32
    %mul3A_146 = arith.muli %select_n3A_116, %mul3A_145 : i32
    %add3A_147 = arith.constant 2 : i32
    %add3A_148 = arith.addi %mul3A_146, %add3A_147 : i32
    %sub3A_149 = arith.constant 18 : i32
    %sub3A_150 = arith.subi %select_n3A_116, %sub3A_149 : i32
    %mul3A_151 = arith.constant 6 : i32
    %mul3A_152 = arith.muli %sub3A_150, %mul3A_151 : i32
    %add3A_153 = arith.constant 5 : i32
    %add3A_154 = arith.addi %mul3A_152, %add3A_153 : i32
    %select_n3A_155 = arith.select %lt3A_144, %add3A_148, %add3A_154 : i32
    %dma_start3A_156 = arith.constant 0 : i32
    %dma_start3A_157 = tpu.memref_slice %arg2[%select_n3A, %add3A_142, %mul3A_134, %dma_start3A_156] : memref<4x40x32x2048xf32, #tpu.memory_space<hbm>> -> memref<1x1x8x2048xf32, #tpu.memory_space<hbm>>
    %dma_start3A_158 = tpu.memref_squeeze %dma_start3A_157 : memref<1x1x8x2048xf32, #tpu.memory_space<hbm>> -> memref<8x2048xf32, #tpu.memory_space<hbm>>
    %dma_start3A_159 = arith.constant 0 : i32
    %dma_start3A_160 = tpu.memref_slice %arg2[%select_n3A, %add3A_142, %mul3A_134, %dma_start3A_159] : memref<4x40x32x2048xf32, #tpu.memory_space<hbm>> -> memref<1x1x8x2048xf32, #tpu.memory_space<hbm>>
    %dma_start3A_161 = tpu.memref_squeeze %dma_start3A_160 : memref<1x1x8x2048xf32, #tpu.memory_space<hbm>> -> memref<8x2048xf32, #tpu.memory_space<hbm>>
    tpu.enqueue_dma source(%dma_start3A_161 : memref<8x2048xf32, #tpu.memory_space<hbm>>) target(%arg5 : memref<8x2048xf32, #tpu.memory_space<vmem>>) target_semaphore(%arg12 : memref<!tpu.dma_semaphore, #tpu.memory_space<semaphore_mem>>)
    %mul3A_162 = arith.constant 18 : i32
    %mul3A_163 = arith.muli %select_n3A_30, %mul3A_162 : i32
    %add3A_164 = arith.constant 1 : i32
    %add3A_165 = arith.addi %mul3A_163, %add3A_164 : i32
    %jit3A_166 = arith.constant 4 : i32
    %div3A_167 = arith.divsi %add3A_165, %jit3A_166 : i32
    %sign3A_168 = arith.constant 0 : i32
    %sign3A_169 = arith.cmpi sgt, %add3A_165, %sign3A_168 : i32
    %sign3A_170 = arith.extui %sign3A_169 : i1 to i32
    %sign3A_171 = arith.constant 0 : i32
    %sign3A_172 = arith.cmpi slt, %add3A_165, %sign3A_171 : i32
    %sign3A_173 = arith.extui %sign3A_172 : i1 to i32
    %sign3A_174 = arith.subi %sign3A_170, %sign3A_173 : i32
    %sign3A_175 = arith.constant 0 : i32
    %sign3A_176 = arith.cmpi sgt, %jit3A_166, %sign3A_175 : i32
    %sign3A_177 = arith.extui %sign3A_176 : i1 to i32
    %sign3A_178 = arith.constant 0 : i32
    %sign3A_179 = arith.cmpi slt, %jit3A_166, %sign3A_178 : i32
    %sign3A_180 = arith.extui %sign3A_179 : i1 to i32
    %sign3A_181 = arith.subi %sign3A_177, %sign3A_180 : i32
    %ne3A_182 = arith.cmpi ne, %sign3A_174, %sign3A_181 : i32
    %rem3A_183 = arith.remsi %add3A_165, %jit3A_166 : i32
    %ne3A_184 = arith.constant 0 : i32
    %ne3A_185 = arith.cmpi ne, %rem3A_183, %ne3A_184 : i32
    %and3A_186 = arith.andi %ne3A_182, %ne3A_185 : i1
    %sub3A_187 = arith.constant 1 : i32
    %sub3A_188 = arith.subi %div3A_167, %sub3A_187 : i32
    %select_n3A_189 = arith.select %and3A_186, %sub3A_188, %div3A_167 : i32
    %jit3A_190 = arith.constant 4 : i32
    %eq3A_191 = arith.constant 0 : i32
    %eq3A_192 = arith.cmpi eq, %jit3A_190, %eq3A_191 : i32
    %jit3A_193 = arith.constant 1 : i32
    %select_n3A_194 = arith.select %eq3A_192, %jit3A_193, %jit3A_190 : i32
    %rem3A_195 = arith.remsi %add3A_165, %select_n3A_194 : i32
    %ne3A_196 = arith.constant 0 : i32
    %ne3A_197 = arith.cmpi ne, %rem3A_195, %ne3A_196 : i32
    %lt3A_198 = arith.constant 0 : i32
    %lt3A_199 = arith.cmpi slt, %rem3A_195, %lt3A_198 : i32
    %lt3A_200 = arith.constant 0 : i32
    %lt3A_201 = arith.cmpi slt, %select_n3A_194, %lt3A_200 : i32
    %ne3A_202 = arith.xori %lt3A_199, %lt3A_201 : i1
    %and3A_203 = arith.andi %ne3A_202, %ne3A_197 : i1
    %add3A_204 = arith.addi %rem3A_195, %select_n3A_194 : i32
    %select_n3A_205 = arith.select %and3A_203, %add3A_204, %rem3A_195 : i32
    %mul3A_206 = arith.constant 8 : i32
    %mul3A_207 = arith.muli %select_n3A_205, %mul3A_206 : i32
    %add3A_208 = arith.constant 2 : i32
    %add3A_209 = arith.addi %select_n3A_189, %add3A_208 : i32
    %ge3A_210 = arith.constant 18 : i32
    %ge3A_211 = arith.cmpi sge, %select_n3A_189, %ge3A_210 : i32
    %jit3A_212 = arith.constant 2 : i32
    %jit3A_213 = arith.constant 0 : i32
    %select_n3A_214 = arith.select %ge3A_211, %jit3A_212, %jit3A_213 : i32
    %add3A_215 = arith.addi %add3A_209, %select_n3A_214 : i32
    %lt3A_216 = arith.constant 18 : i32
    %lt3A_217 = arith.cmpi slt, %select_n3A_189, %lt3A_216 : i32
    %mul3A_218 = arith.constant 6 : i32
    %mul3A_219 = arith.muli %select_n3A_189, %mul3A_218 : i32
    %add3A_220 = arith.constant 2 : i32
    %add3A_221 = arith.addi %mul3A_219, %add3A_220 : i32
    %sub3A_222 = arith.constant 18 : i32
    %sub3A_223 = arith.subi %select_n3A_189, %sub3A_222 : i32
    %mul3A_224 = arith.constant 6 : i32
    %mul3A_225 = arith.muli %sub3A_223, %mul3A_224 : i32
    %add3A_226 = arith.constant 5 : i32
    %add3A_227 = arith.addi %mul3A_225, %add3A_226 : i32
    %select_n3A_228 = arith.select %lt3A_217, %add3A_221, %add3A_227 : i32
    %dma_start3A_229 = arith.constant 0 : i32
    %dma_start3A_230 = tpu.memref_slice %arg2[%select_n3A, %add3A_215, %mul3A_207, %dma_start3A_229] : memref<4x40x32x2048xf32, #tpu.memory_space<hbm>> -> memref<1x1x8x2048xf32, #tpu.memory_space<hbm>>
    %dma_start3A_231 = tpu.memref_squeeze %dma_start3A_230 : memref<1x1x8x2048xf32, #tpu.memory_space<hbm>> -> memref<8x2048xf32, #tpu.memory_space<hbm>>
    %dma_start3A_232 = arith.constant 0 : i32
    %dma_start3A_233 = tpu.memref_slice %arg2[%select_n3A, %add3A_215, %mul3A_207, %dma_start3A_232] : memref<4x40x32x2048xf32, #tpu.memory_space<hbm>> -> memref<1x1x8x2048xf32, #tpu.memory_space<hbm>>
    %dma_start3A_234 = tpu.memref_squeeze %dma_start3A_233 : memref<1x1x8x2048xf32, #tpu.memory_space<hbm>> -> memref<8x2048xf32, #tpu.memory_space<hbm>>
    tpu.enqueue_dma source(%dma_start3A_234 : memref<8x2048xf32, #tpu.memory_space<hbm>>) target(%arg6 : memref<8x2048xf32, #tpu.memory_space<vmem>>) target_semaphore(%arg13 : memref<!tpu.dma_semaphore, #tpu.memory_space<semaphore_mem>>)
    %mul3A_235 = arith.constant 18 : i32
    %mul3A_236 = arith.muli %select_n3A_30, %mul3A_235 : i32
    %add3A_237 = arith.constant 2 : i32
    %add3A_238 = arith.addi %mul3A_236, %add3A_237 : i32
    %jit3A_239 = arith.constant 4 : i32
    %div3A_240 = arith.divsi %add3A_238, %jit3A_239 : i32
    %sign3A_241 = arith.constant 0 : i32
    %sign3A_242 = arith.cmpi sgt, %add3A_238, %sign3A_241 : i32
    %sign3A_243 = arith.extui %sign3A_242 : i1 to i32
    %sign3A_244 = arith.constant 0 : i32
    %sign3A_245 = arith.cmpi slt, %add3A_238, %sign3A_244 : i32
    %sign3A_246 = arith.extui %sign3A_245 : i1 to i32
    %sign3A_247 = arith.subi %sign3A_243, %sign3A_246 : i32
    %sign3A_248 = arith.constant 0 : i32
    %sign3A_249 = arith.cmpi sgt, %jit3A_239, %sign3A_248 : i32
    %sign3A_250 = arith.extui %sign3A_249 : i1 to i32
    %sign3A_251 = arith.constant 0 : i32
    %sign3A_252 = arith.cmpi slt, %jit3A_239, %sign3A_251 : i32
    %sign3A_253 = arith.extui %sign3A_252 : i1 to i32
    %sign3A_254 = arith.subi %sign3A_250, %sign3A_253 : i32
    %ne3A_255 = arith.cmpi ne, %sign3A_247, %sign3A_254 : i32
    %rem3A_256 = arith.remsi %add3A_238, %jit3A_239 : i32
    %ne3A_257 = arith.constant 0 : i32
    %ne3A_258 = arith.cmpi ne, %rem3A_256, %ne3A_257 : i32
    %and3A_259 = arith.andi %ne3A_255, %ne3A_258 : i1
    %sub3A_260 = arith.constant 1 : i32
    %sub3A_261 = arith.subi %div3A_240, %sub3A_260 : i32
    %select_n3A_262 = arith.select %and3A_259, %sub3A_261, %div3A_240 : i32
    %jit3A_263 = arith.constant 4 : i32
    %eq3A_264 = arith.constant 0 : i32
    %eq3A_265 = arith.cmpi eq, %jit3A_263, %eq3A_264 : i32
    %jit3A_266 = arith.constant 1 : i32
    %select_n3A_267 = arith.select %eq3A_265, %jit3A_266, %jit3A_263 : i32
    %rem3A_268 = arith.remsi %add3A_238, %select_n3A_267 : i32
    %ne3A_269 = arith.constant 0 : i32
    %ne3A_270 = arith.cmpi ne, %rem3A_268, %ne3A_269 : i32
    %lt3A_271 = arith.constant 0 : i32
    %lt3A_272 = arith.cmpi slt, %rem3A_268, %lt3A_271 : i32
    %lt3A_273 = arith.constant 0 : i32
    %lt3A_274 = arith.cmpi slt, %select_n3A_267, %lt3A_273 : i32
    %ne3A_275 = arith.xori %lt3A_272, %lt3A_274 : i1
    %and3A_276 = arith.andi %ne3A_275, %ne3A_270 : i1
    %add3A_277 = arith.addi %rem3A_268, %select_n3A_267 : i32
    %select_n3A_278 = arith.select %and3A_276, %add3A_277, %rem3A_268 : i32
    %mul3A_279 = arith.constant 8 : i32
    %mul3A_280 = arith.muli %select_n3A_278, %mul3A_279 : i32
    %add3A_281 = arith.constant 2 : i32
    %add3A_282 = arith.addi %select_n3A_262, %add3A_281 : i32
    %ge3A_283 = arith.constant 18 : i32
    %ge3A_284 = arith.cmpi sge, %select_n3A_262, %ge3A_283 : i32
    %jit3A_285 = arith.constant 2 : i32
    %jit3A_286 = arith.constant 0 : i32
    %select_n3A_287 = arith.select %ge3A_284, %jit3A_285, %jit3A_286 : i32
    %add3A_288 = arith.addi %add3A_282, %select_n3A_287 : i32
    %lt3A_289 = arith.constant 18 : i32
    %lt3A_290 = arith.cmpi slt, %select_n3A_262, %lt3A_289 : i32
    %mul3A_291 = arith.constant 6 : i32
    %mul3A_292 = arith.muli %select_n3A_262, %mul3A_291 : i32
    %add3A_293 = arith.constant 2 : i32
    %add3A_294 = arith.addi %mul3A_292, %add3A_293 : i32
    %sub3A_295 = arith.constant 18 : i32
    %sub3A_296 = arith.subi %select_n3A_262, %sub3A_295 : i32
    %mul3A_297 = arith.constant 6 : i32
    %mul3A_298 = arith.muli %sub3A_296, %mul3A_297 : i32
    %add3A_299 = arith.constant 5 : i32
    %add3A_300 = arith.addi %mul3A_298, %add3A_299 : i32
    %select_n3A_301 = arith.select %lt3A_290, %add3A_294, %add3A_300 : i32
    %dma_start3A_302 = arith.constant 0 : i32
    %dma_start3A_303 = tpu.memref_slice %arg2[%select_n3A, %add3A_288, %mul3A_280, %dma_start3A_302] : memref<4x40x32x2048xf32, #tpu.memory_space<hbm>> -> memref<1x1x8x2048xf32, #tpu.memory_space<hbm>>
    %dma_start3A_304 = tpu.memref_squeeze %dma_start3A_303 : memref<1x1x8x2048xf32, #tpu.memory_space<hbm>> -> memref<8x2048xf32, #tpu.memory_space<hbm>>
    %dma_start3A_305 = arith.constant 0 : i32
    %dma_start3A_306 = tpu.memref_slice %arg2[%select_n3A, %add3A_288, %mul3A_280, %dma_start3A_305] : memref<4x40x32x2048xf32, #tpu.memory_space<hbm>> -> memref<1x1x8x2048xf32, #tpu.memory_space<hbm>>
    %dma_start3A_307 = tpu.memref_squeeze %dma_start3A_306 : memref<1x1x8x2048xf32, #tpu.memory_space<hbm>> -> memref<8x2048xf32, #tpu.memory_space<hbm>>
    tpu.enqueue_dma source(%dma_start3A_307 : memref<8x2048xf32, #tpu.memory_space<hbm>>) target(%arg7 : memref<8x2048xf32, #tpu.memory_space<vmem>>) target_semaphore(%arg14 : memref<!tpu.dma_semaphore, #tpu.memory_space<semaphore_mem>>)
    %dma_wait3A = arith.constant 0 : i32
    %dma_wait3A_308 = arith.constant 0 : i32
    %dma_wait3A_309 = arith.constant 0 : i32
    %dma_wait3A_310 = tpu.memref_slice %arg2[%select_n3A, %dma_wait3A, %dma_wait3A_308, %dma_wait3A_309] : memref<4x40x32x2048xf32, #tpu.memory_space<hbm>> -> memref<1x1x16x2048xf32, #tpu.memory_space<hbm>>
    %dma_wait3A_311 = tpu.memref_squeeze %dma_wait3A_310 : memref<1x1x16x2048xf32, #tpu.memory_space<hbm>> -> memref<16x2048xf32, #tpu.memory_space<hbm>>
    %dma_wait3A_312 = arith.constant 0 : i32
    %dma_wait3A_313 = arith.constant 0 : i32
    %dma_wait3A_314 = tpu.memref_slice %arg2[%select_n3A, %dma_wait3A, %dma_wait3A_312, %dma_wait3A_313] : memref<4x40x32x2048xf32, #tpu.memory_space<hbm>> -> memref<1x1x16x2048xf32, #tpu.memory_space<hbm>>
    %dma_wait3A_315 = tpu.memref_squeeze %dma_wait3A_314 : memref<1x1x16x2048xf32, #tpu.memory_space<hbm>> -> memref<16x2048xf32, #tpu.memory_space<hbm>>
    tpu.wait_dma2 semaphore(%arg10 : memref<!tpu.dma_semaphore, #tpu.memory_space<semaphore_mem>>) src(%dma_wait3A_315 : memref<16x2048xf32, #tpu.memory_space<hbm>>) dst(%arg4 : memref<16x2048xf32, #tpu.memory_space<vmem>>)
    %add3A_316 = arith.constant 0 : i32
    %add3A_317 = arith.addi %add3A_316, %add3A_83 : i32
    %dma_start3A_318 = arith.constant 0 : i32
    %dma_start3A_319 = tpu.memref_slice %arg3[%select_n3A, %add3A_317, %mul3A_72, %dma_start3A_318] : memref<4x108x32x2048xf32, #tpu.memory_space<hbm>> -> memref<1x1x16x2048xf32, #tpu.memory_space<hbm>>
    %dma_start3A_320 = tpu.memref_squeeze %dma_start3A_319 : memref<1x1x16x2048xf32, #tpu.memory_space<hbm>> -> memref<16x2048xf32, #tpu.memory_space<hbm>>
    %dma_start3A_321 = arith.constant 0 : i32
    %dma_start3A_322 = tpu.memref_slice %arg3[%select_n3A, %add3A_317, %mul3A_72, %dma_start3A_321] : memref<4x108x32x2048xf32, #tpu.memory_space<hbm>> -> memref<1x1x16x2048xf32, #tpu.memory_space<hbm>>
    %dma_start3A_323 = tpu.memref_squeeze %dma_start3A_322 : memref<1x1x16x2048xf32, #tpu.memory_space<hbm>> -> memref<16x2048xf32, #tpu.memory_space<hbm>>
    tpu.enqueue_dma source(%arg4 : memref<16x2048xf32, #tpu.memory_space<vmem>>) target(%dma_start3A_323 : memref<16x2048xf32, #tpu.memory_space<hbm>>) target_semaphore(%arg11 : memref<!tpu.dma_semaphore, #tpu.memory_space<semaphore_mem>>)
    %add3A_324 = arith.constant 6 : i32
    %add3A_325 = arith.addi %add3A_324, %add3A_83 : i32
    %dma_start3A_326 = arith.constant 0 : i32
    %dma_start3A_327 = tpu.memref_slice %arg3[%select_n3A, %add3A_325, %mul3A_72, %dma_start3A_326] : memref<4x108x32x2048xf32, #tpu.memory_space<hbm>> -> memref<1x1x16x2048xf32, #tpu.memory_space<hbm>>
    %dma_start3A_328 = tpu.memref_squeeze %dma_start3A_327 : memref<1x1x16x2048xf32, #tpu.memory_space<hbm>> -> memref<16x2048xf32, #tpu.memory_space<hbm>>
    %dma_start3A_329 = arith.constant 0 : i32
    %dma_start3A_330 = tpu.memref_slice %arg3[%select_n3A, %add3A_325, %mul3A_72, %dma_start3A_329] : memref<4x108x32x2048xf32, #tpu.memory_space<hbm>> -> memref<1x1x16x2048xf32, #tpu.memory_space<hbm>>
    %dma_start3A_331 = tpu.memref_squeeze %dma_start3A_330 : memref<1x1x16x2048xf32, #tpu.memory_space<hbm>> -> memref<16x2048xf32, #tpu.memory_space<hbm>>
    tpu.enqueue_dma source(%arg4 : memref<16x2048xf32, #tpu.memory_space<vmem>>) target(%dma_start3A_331 : memref<16x2048xf32, #tpu.memory_space<hbm>>) target_semaphore(%arg11 : memref<!tpu.dma_semaphore, #tpu.memory_space<semaphore_mem>>)
    %add3A_332 = arith.constant 12 : i32
    %add3A_333 = arith.addi %add3A_332, %add3A_83 : i32
    %dma_start3A_334 = arith.constant 0 : i32
    %dma_start3A_335 = tpu.memref_slice %arg3[%select_n3A, %add3A_333, %mul3A_72, %dma_start3A_334] : memref<4x108x32x2048xf32, #tpu.memory_space<hbm>> -> memref<1x1x16x2048xf32, #tpu.memory_space<hbm>>
    %dma_start3A_336 = tpu.memref_squeeze %dma_start3A_335 : memref<1x1x16x2048xf32, #tpu.memory_space<hbm>> -> memref<16x2048xf32, #tpu.memory_space<hbm>>
    %dma_start3A_337 = arith.constant 0 : i32
    %dma_start3A_338 = tpu.memref_slice %arg3[%select_n3A, %add3A_333, %mul3A_72, %dma_start3A_337] : memref<4x108x32x2048xf32, #tpu.memory_space<hbm>> -> memref<1x1x16x2048xf32, #tpu.memory_space<hbm>>
    %dma_start3A_339 = tpu.memref_squeeze %dma_start3A_338 : memref<1x1x16x2048xf32, #tpu.memory_space<hbm>> -> memref<16x2048xf32, #tpu.memory_space<hbm>>
    tpu.enqueue_dma source(%arg4 : memref<16x2048xf32, #tpu.memory_space<vmem>>) target(%dma_start3A_339 : memref<16x2048xf32, #tpu.memory_space<hbm>>) target_semaphore(%arg11 : memref<!tpu.dma_semaphore, #tpu.memory_space<semaphore_mem>>)
    %add3A_340 = arith.constant 18 : i32
    %add3A_341 = arith.addi %add3A_340, %add3A_83 : i32
    %dma_start3A_342 = arith.constant 0 : i32
    %dma_start3A_343 = tpu.memref_slice %arg3[%select_n3A, %add3A_341, %mul3A_72, %dma_start3A_342] : memref<4x108x32x2048xf32, #tpu.memory_space<hbm>> -> memref<1x1x16x2048xf32, #tpu.memory_space<hbm>>
    %dma_start3A_344 = tpu.memref_squeeze %dma_start3A_343 : memref<1x1x16x2048xf32, #tpu.memory_space<hbm>> -> memref<16x2048xf32, #tpu.memory_space<hbm>>
    %dma_start3A_345 = arith.constant 0 : i32
    %dma_start3A_346 = tpu.memref_slice %arg3[%select_n3A, %add3A_341, %mul3A_72, %dma_start3A_345] : memref<4x108x32x2048xf32, #tpu.memory_space<hbm>> -> memref<1x1x16x2048xf32, #tpu.memory_space<hbm>>
    %dma_start3A_347 = tpu.memref_squeeze %dma_start3A_346 : memref<1x1x16x2048xf32, #tpu.memory_space<hbm>> -> memref<16x2048xf32, #tpu.memory_space<hbm>>
    tpu.enqueue_dma source(%arg4 : memref<16x2048xf32, #tpu.memory_space<vmem>>) target(%dma_start3A_347 : memref<16x2048xf32, #tpu.memory_space<hbm>>) target_semaphore(%arg11 : memref<!tpu.dma_semaphore, #tpu.memory_space<semaphore_mem>>)
    %add3A_348 = arith.constant 24 : i32
    %add3A_349 = arith.addi %add3A_348, %add3A_83 : i32
    %dma_start3A_350 = arith.constant 0 : i32
    %dma_start3A_351 = tpu.memref_slice %arg3[%select_n3A, %add3A_349, %mul3A_72, %dma_start3A_350] : memref<4x108x32x2048xf32, #tpu.memory_space<hbm>> -> memref<1x1x16x2048xf32, #tpu.memory_space<hbm>>
    %dma_start3A_352 = tpu.memref_squeeze %dma_start3A_351 : memref<1x1x16x2048xf32, #tpu.memory_space<hbm>> -> memref<16x2048xf32, #tpu.memory_space<hbm>>
    %dma_start3A_353 = arith.constant 0 : i32
    %dma_start3A_354 = tpu.memref_slice %arg3[%select_n3A, %add3A_349, %mul3A_72, %dma_start3A_353] : memref<4x108x32x2048xf32, #tpu.memory_space<hbm>> -> memref<1x1x16x2048xf32, #tpu.memory_space<hbm>>
    %dma_start3A_355 = tpu.memref_squeeze %dma_start3A_354 : memref<1x1x16x2048xf32, #tpu.memory_space<hbm>> -> memref<16x2048xf32, #tpu.memory_space<hbm>>
    tpu.enqueue_dma source(%arg4 : memref<16x2048xf32, #tpu.memory_space<vmem>>) target(%dma_start3A_355 : memref<16x2048xf32, #tpu.memory_space<hbm>>) target_semaphore(%arg11 : memref<!tpu.dma_semaphore, #tpu.memory_space<semaphore_mem>>)
    %add3A_356 = arith.constant 30 : i32
    %add3A_357 = arith.addi %add3A_356, %add3A_83 : i32
    %dma_start3A_358 = arith.constant 0 : i32
    %dma_start3A_359 = tpu.memref_slice %arg3[%select_n3A, %add3A_357, %mul3A_72, %dma_start3A_358] : memref<4x108x32x2048xf32, #tpu.memory_space<hbm>> -> memref<1x1x16x2048xf32, #tpu.memory_space<hbm>>
    %dma_start3A_360 = tpu.memref_squeeze %dma_start3A_359 : memref<1x1x16x2048xf32, #tpu.memory_space<hbm>> -> memref<16x2048xf32, #tpu.memory_space<hbm>>
    %dma_start3A_361 = arith.constant 0 : i32
    %dma_start3A_362 = tpu.memref_slice %arg3[%select_n3A, %add3A_357, %mul3A_72, %dma_start3A_361] : memref<4x108x32x2048xf32, #tpu.memory_space<hbm>> -> memref<1x1x16x2048xf32, #tpu.memory_space<hbm>>
    %dma_start3A_363 = tpu.memref_squeeze %dma_start3A_362 : memref<1x1x16x2048xf32, #tpu.memory_space<hbm>> -> memref<16x2048xf32, #tpu.memory_space<hbm>>
    tpu.enqueue_dma source(%arg4 : memref<16x2048xf32, #tpu.memory_space<vmem>>) target(%dma_start3A_363 : memref<16x2048xf32, #tpu.memory_space<hbm>>) target_semaphore(%arg11 : memref<!tpu.dma_semaphore, #tpu.memory_space<semaphore_mem>>)
    %add3A_364 = arith.constant 36 : i32
    %add3A_365 = arith.addi %add3A_364, %add3A_83 : i32
    %dma_start3A_366 = arith.constant 0 : i32
    %dma_start3A_367 = tpu.memref_slice %arg3[%select_n3A, %add3A_365, %mul3A_72, %dma_start3A_366] : memref<4x108x32x2048xf32, #tpu.memory_space<hbm>> -> memref<1x1x16x2048xf32, #tpu.memory_space<hbm>>
    %dma_start3A_368 = tpu.memref_squeeze %dma_start3A_367 : memref<1x1x16x2048xf32, #tpu.memory_space<hbm>> -> memref<16x2048xf32, #tpu.memory_space<hbm>>
    %dma_start3A_369 = arith.constant 0 : i32
    %dma_start3A_370 = tpu.memref_slice %arg3[%select_n3A, %add3A_365, %mul3A_72, %dma_start3A_369] : memref<4x108x32x2048xf32, #tpu.memory_space<hbm>> -> memref<1x1x16x2048xf32, #tpu.memory_space<hbm>>
    %dma_start3A_371 = tpu.memref_squeeze %dma_start3A_370 : memref<1x1x16x2048xf32, #tpu.memory_space<hbm>> -> memref<16x2048xf32, #tpu.memory_space<hbm>>
    tpu.enqueue_dma source(%arg4 : memref<16x2048xf32, #tpu.memory_space<vmem>>) target(%dma_start3A_371 : memref<16x2048xf32, #tpu.memory_space<hbm>>) target_semaphore(%arg11 : memref<!tpu.dma_semaphore, #tpu.memory_space<semaphore_mem>>)
    %add3A_372 = arith.constant 42 : i32
    %add3A_373 = arith.addi %add3A_372, %add3A_83 : i32
    %dma_start3A_374 = arith.constant 0 : i32
    %dma_start3A_375 = tpu.memref_slice %arg3[%select_n3A, %add3A_373, %mul3A_72, %dma_start3A_374] : memref<4x108x32x2048xf32, #tpu.memory_space<hbm>> -> memref<1x1x16x2048xf32, #tpu.memory_space<hbm>>
    %dma_start3A_376 = tpu.memref_squeeze %dma_start3A_375 : memref<1x1x16x2048xf32, #tpu.memory_space<hbm>> -> memref<16x2048xf32, #tpu.memory_space<hbm>>
    %dma_start3A_377 = arith.constant 0 : i32
    %dma_start3A_378 = tpu.memref_slice %arg3[%select_n3A, %add3A_373, %mul3A_72, %dma_start3A_377] : memref<4x108x32x2048xf32, #tpu.memory_space<hbm>> -> memref<1x1x16x2048xf32, #tpu.memory_space<hbm>>
    %dma_start3A_379 = tpu.memref_squeeze %dma_start3A_378 : memref<1x1x16x2048xf32, #tpu.memory_space<hbm>> -> memref<16x2048xf32, #tpu.memory_space<hbm>>
    tpu.enqueue_dma source(%arg4 : memref<16x2048xf32, #tpu.memory_space<vmem>>) target(%dma_start3A_379 : memref<16x2048xf32, #tpu.memory_space<hbm>>) target_semaphore(%arg11 : memref<!tpu.dma_semaphore, #tpu.memory_space<semaphore_mem>>)
    %add3A_380 = arith.constant 48 : i32
    %add3A_381 = arith.addi %add3A_380, %add3A_83 : i32
    %dma_start3A_382 = arith.constant 0 : i32
    %dma_start3A_383 = tpu.memref_slice %arg3[%select_n3A, %add3A_381, %mul3A_72, %dma_start3A_382] : memref<4x108x32x2048xf32, #tpu.memory_space<hbm>> -> memref<1x1x16x2048xf32, #tpu.memory_space<hbm>>
    %dma_start3A_384 = tpu.memref_squeeze %dma_start3A_383 : memref<1x1x16x2048xf32, #tpu.memory_space<hbm>> -> memref<16x2048xf32, #tpu.memory_space<hbm>>
    %dma_start3A_385 = arith.constant 0 : i32
    %dma_start3A_386 = tpu.memref_slice %arg3[%select_n3A, %add3A_381, %mul3A_72, %dma_start3A_385] : memref<4x108x32x2048xf32, #tpu.memory_space<hbm>> -> memref<1x1x16x2048xf32, #tpu.memory_space<hbm>>
    %dma_start3A_387 = tpu.memref_squeeze %dma_start3A_386 : memref<1x1x16x2048xf32, #tpu.memory_space<hbm>> -> memref<16x2048xf32, #tpu.memory_space<hbm>>
    tpu.enqueue_dma source(%arg4 : memref<16x2048xf32, #tpu.memory_space<vmem>>) target(%dma_start3A_387 : memref<16x2048xf32, #tpu.memory_space<hbm>>) target_semaphore(%arg11 : memref<!tpu.dma_semaphore, #tpu.memory_space<semaphore_mem>>)
    %add3A_388 = arith.constant 54 : i32
    %add3A_389 = arith.addi %add3A_388, %add3A_83 : i32
    %dma_start3A_390 = arith.constant 0 : i32
    %dma_start3A_391 = tpu.memref_slice %arg3[%select_n3A, %add3A_389, %mul3A_72, %dma_start3A_390] : memref<4x108x32x2048xf32, #tpu.memory_space<hbm>> -> memref<1x1x16x2048xf32, #tpu.memory_space<hbm>>
    %dma_start3A_392 = tpu.memref_squeeze %dma_start3A_391 : memref<1x1x16x2048xf32, #tpu.memory_space<hbm>> -> memref<16x2048xf32, #tpu.memory_space<hbm>>
    %dma_start3A_393 = arith.constant 0 : i32
    %dma_start3A_394 = tpu.memref_slice %arg3[%select_n3A, %add3A_389, %mul3A_72, %dma_start3A_393] : memref<4x108x32x2048xf32, #tpu.memory_space<hbm>> -> memref<1x1x16x2048xf32, #tpu.memory_space<hbm>>
    %dma_start3A_395 = tpu.memref_squeeze %dma_start3A_394 : memref<1x1x16x2048xf32, #tpu.memory_space<hbm>> -> memref<16x2048xf32, #tpu.memory_space<hbm>>
    tpu.enqueue_dma source(%arg4 : memref<16x2048xf32, #tpu.memory_space<vmem>>) target(%dma_start3A_395 : memref<16x2048xf32, #tpu.memory_space<hbm>>) target_semaphore(%arg11 : memref<!tpu.dma_semaphore, #tpu.memory_space<semaphore_mem>>)
    %add3A_396 = arith.constant 60 : i32
    %add3A_397 = arith.addi %add3A_396, %add3A_83 : i32
    %dma_start3A_398 = arith.constant 0 : i32
    %dma_start3A_399 = tpu.memref_slice %arg3[%select_n3A, %add3A_397, %mul3A_72, %dma_start3A_398] : memref<4x108x32x2048xf32, #tpu.memory_space<hbm>> -> memref<1x1x16x2048xf32, #tpu.memory_space<hbm>>
    %dma_start3A_400 = tpu.memref_squeeze %dma_start3A_399 : memref<1x1x16x2048xf32, #tpu.memory_space<hbm>> -> memref<16x2048xf32, #tpu.memory_space<hbm>>
    %dma_start3A_401 = arith.constant 0 : i32
    %dma_start3A_402 = tpu.memref_slice %arg3[%select_n3A, %add3A_397, %mul3A_72, %dma_start3A_401] : memref<4x108x32x2048xf32, #tpu.memory_space<hbm>> -> memref<1x1x16x2048xf32, #tpu.memory_space<hbm>>
    %dma_start3A_403 = tpu.memref_squeeze %dma_start3A_402 : memref<1x1x16x2048xf32, #tpu.memory_space<hbm>> -> memref<16x2048xf32, #tpu.memory_space<hbm>>
    tpu.enqueue_dma source(%arg4 : memref<16x2048xf32, #tpu.memory_space<vmem>>) target(%dma_start3A_403 : memref<16x2048xf32, #tpu.memory_space<hbm>>) target_semaphore(%arg11 : memref<!tpu.dma_semaphore, #tpu.memory_space<semaphore_mem>>)
    %add3A_404 = arith.constant 66 : i32
    %add3A_405 = arith.addi %add3A_404, %add3A_83 : i32
    %dma_start3A_406 = arith.constant 0 : i32
    %dma_start3A_407 = tpu.memref_slice %arg3[%select_n3A, %add3A_405, %mul3A_72, %dma_start3A_406] : memref<4x108x32x2048xf32, #tpu.memory_space<hbm>> -> memref<1x1x16x2048xf32, #tpu.memory_space<hbm>>
    %dma_start3A_408 = tpu.memref_squeeze %dma_start3A_407 : memref<1x1x16x2048xf32, #tpu.memory_space<hbm>> -> memref<16x2048xf32, #tpu.memory_space<hbm>>
    %dma_start3A_409 = arith.constant 0 : i32
    %dma_start3A_410 = tpu.memref_slice %arg3[%select_n3A, %add3A_405, %mul3A_72, %dma_start3A_409] : memref<4x108x32x2048xf32, #tpu.memory_space<hbm>> -> memref<1x1x16x2048xf32, #tpu.memory_space<hbm>>
    %dma_start3A_411 = tpu.memref_squeeze %dma_start3A_410 : memref<1x1x16x2048xf32, #tpu.memory_space<hbm>> -> memref<16x2048xf32, #tpu.memory_space<hbm>>
    tpu.enqueue_dma source(%arg4 : memref<16x2048xf32, #tpu.memory_space<vmem>>) target(%dma_start3A_411 : memref<16x2048xf32, #tpu.memory_space<hbm>>) target_semaphore(%arg11 : memref<!tpu.dma_semaphore, #tpu.memory_space<semaphore_mem>>)
    %add3A_412 = arith.constant 72 : i32
    %add3A_413 = arith.addi %add3A_412, %add3A_83 : i32
    %dma_start3A_414 = arith.constant 0 : i32
    %dma_start3A_415 = tpu.memref_slice %arg3[%select_n3A, %add3A_413, %mul3A_72, %dma_start3A_414] : memref<4x108x32x2048xf32, #tpu.memory_space<hbm>> -> memref<1x1x16x2048xf32, #tpu.memory_space<hbm>>
    %dma_start3A_416 = tpu.memref_squeeze %dma_start3A_415 : memref<1x1x16x2048xf32, #tpu.memory_space<hbm>> -> memref<16x2048xf32, #tpu.memory_space<hbm>>
    %dma_start3A_417 = arith.constant 0 : i32
    %dma_start3A_418 = tpu.memref_slice %arg3[%select_n3A, %add3A_413, %mul3A_72, %dma_start3A_417] : memref<4x108x32x2048xf32, #tpu.memory_space<hbm>> -> memref<1x1x16x2048xf32, #tpu.memory_space<hbm>>
    %dma_start3A_419 = tpu.memref_squeeze %dma_start3A_418 : memref<1x1x16x2048xf32, #tpu.memory_space<hbm>> -> memref<16x2048xf32, #tpu.memory_space<hbm>>
    tpu.enqueue_dma source(%arg4 : memref<16x2048xf32, #tpu.memory_space<vmem>>) target(%dma_start3A_419 : memref<16x2048xf32, #tpu.memory_space<hbm>>) target_semaphore(%arg11 : memref<!tpu.dma_semaphore, #tpu.memory_space<semaphore_mem>>)
    %add3A_420 = arith.constant 78 : i32
    %add3A_421 = arith.addi %add3A_420, %add3A_83 : i32
    %dma_start3A_422 = arith.constant 0 : i32
    %dma_start3A_423 = tpu.memref_slice %arg3[%select_n3A, %add3A_421, %mul3A_72, %dma_start3A_422] : memref<4x108x32x2048xf32, #tpu.memory_space<hbm>> -> memref<1x1x16x2048xf32, #tpu.memory_space<hbm>>
    %dma_start3A_424 = tpu.memref_squeeze %dma_start3A_423 : memref<1x1x16x2048xf32, #tpu.memory_space<hbm>> -> memref<16x2048xf32, #tpu.memory_space<hbm>>
    %dma_start3A_425 = arith.constant 0 : i32
    %dma_start3A_426 = tpu.memref_slice %arg3[%select_n3A, %add3A_421, %mul3A_72, %dma_start3A_425] : memref<4x108x32x2048xf32, #tpu.memory_space<hbm>> -> memref<1x1x16x2048xf32, #tpu.memory_space<hbm>>
    %dma_start3A_427 = tpu.memref_squeeze %dma_start3A_426 : memref<1x1x16x2048xf32, #tpu.memory_space<hbm>> -> memref<16x2048xf32, #tpu.memory_space<hbm>>
    tpu.enqueue_dma source(%arg4 : memref<16x2048xf32, #tpu.memory_space<vmem>>) target(%dma_start3A_427 : memref<16x2048xf32, #tpu.memory_space<hbm>>) target_semaphore(%arg11 : memref<!tpu.dma_semaphore, #tpu.memory_space<semaphore_mem>>)
    %add3A_428 = arith.constant 84 : i32
    %add3A_429 = arith.addi %add3A_428, %add3A_83 : i32
    %dma_start3A_430 = arith.constant 0 : i32
    %dma_start3A_431 = tpu.memref_slice %arg3[%select_n3A, %add3A_429, %mul3A_72, %dma_start3A_430] : memref<4x108x32x2048xf32, #tpu.memory_space<hbm>> -> memref<1x1x16x2048xf32, #tpu.memory_space<hbm>>
    %dma_start3A_432 = tpu.memref_squeeze %dma_start3A_431 : memref<1x1x16x2048xf32, #tpu.memory_space<hbm>> -> memref<16x2048xf32, #tpu.memory_space<hbm>>
    %dma_start3A_433 = arith.constant 0 : i32
    %dma_start3A_434 = tpu.memref_slice %arg3[%select_n3A, %add3A_429, %mul3A_72, %dma_start3A_433] : memref<4x108x32x2048xf32, #tpu.memory_space<hbm>> -> memref<1x1x16x2048xf32, #tpu.memory_space<hbm>>
    %dma_start3A_435 = tpu.memref_squeeze %dma_start3A_434 : memref<1x1x16x2048xf32, #tpu.memory_space<hbm>> -> memref<16x2048xf32, #tpu.memory_space<hbm>>
    tpu.enqueue_dma source(%arg4 : memref<16x2048xf32, #tpu.memory_space<vmem>>) target(%dma_start3A_435 : memref<16x2048xf32, #tpu.memory_space<hbm>>) target_semaphore(%arg11 : memref<!tpu.dma_semaphore, #tpu.memory_space<semaphore_mem>>)
    %add3A_436 = arith.constant 90 : i32
    %add3A_437 = arith.addi %add3A_436, %add3A_83 : i32
    %dma_start3A_438 = arith.constant 0 : i32
    %dma_start3A_439 = tpu.memref_slice %arg3[%select_n3A, %add3A_437, %mul3A_72, %dma_start3A_438] : memref<4x108x32x2048xf32, #tpu.memory_space<hbm>> -> memref<1x1x16x2048xf32, #tpu.memory_space<hbm>>
    %dma_start3A_440 = tpu.memref_squeeze %dma_start3A_439 : memref<1x1x16x2048xf32, #tpu.memory_space<hbm>> -> memref<16x2048xf32, #tpu.memory_space<hbm>>
    %dma_start3A_441 = arith.constant 0 : i32
    %dma_start3A_442 = tpu.memref_slice %arg3[%select_n3A, %add3A_437, %mul3A_72, %dma_start3A_441] : memref<4x108x32x2048xf32, #tpu.memory_space<hbm>> -> memref<1x1x16x2048xf32, #tpu.memory_space<hbm>>
    %dma_start3A_443 = tpu.memref_squeeze %dma_start3A_442 : memref<1x1x16x2048xf32, #tpu.memory_space<hbm>> -> memref<16x2048xf32, #tpu.memory_space<hbm>>
    tpu.enqueue_dma source(%arg4 : memref<16x2048xf32, #tpu.memory_space<vmem>>) target(%dma_start3A_443 : memref<16x2048xf32, #tpu.memory_space<hbm>>) target_semaphore(%arg11 : memref<!tpu.dma_semaphore, #tpu.memory_space<semaphore_mem>>)
    %add3A_444 = arith.constant 96 : i32
    %add3A_445 = arith.addi %add3A_444, %add3A_83 : i32
    %dma_start3A_446 = arith.constant 0 : i32
    %dma_start3A_447 = tpu.memref_slice %arg3[%select_n3A, %add3A_445, %mul3A_72, %dma_start3A_446] : memref<4x108x32x2048xf32, #tpu.memory_space<hbm>> -> memref<1x1x16x2048xf32, #tpu.memory_space<hbm>>
    %dma_start3A_448 = tpu.memref_squeeze %dma_start3A_447 : memref<1x1x16x2048xf32, #tpu.memory_space<hbm>> -> memref<16x2048xf32, #tpu.memory_space<hbm>>
    %dma_start3A_449 = arith.constant 0 : i32
    %dma_start3A_450 = tpu.memref_slice %arg3[%select_n3A, %add3A_445, %mul3A_72, %dma_start3A_449] : memref<4x108x32x2048xf32, #tpu.memory_space<hbm>> -> memref<1x1x16x2048xf32, #tpu.memory_space<hbm>>
    %dma_start3A_451 = tpu.memref_squeeze %dma_start3A_450 : memref<1x1x16x2048xf32, #tpu.memory_space<hbm>> -> memref<16x2048xf32, #tpu.memory_space<hbm>>
    tpu.enqueue_dma source(%arg4 : memref<16x2048xf32, #tpu.memory_space<vmem>>) target(%dma_start3A_451 : memref<16x2048xf32, #tpu.memory_space<hbm>>) target_semaphore(%arg11 : memref<!tpu.dma_semaphore, #tpu.memory_space<semaphore_mem>>)
    %add3A_452 = arith.constant 102 : i32
    %add3A_453 = arith.addi %add3A_452, %add3A_83 : i32
    %dma_start3A_454 = arith.constant 0 : i32
    %dma_start3A_455 = tpu.memref_slice %arg3[%select_n3A, %add3A_453, %mul3A_72, %dma_start3A_454] : memref<4x108x32x2048xf32, #tpu.memory_space<hbm>> -> memref<1x1x16x2048xf32, #tpu.memory_space<hbm>>
    %dma_start3A_456 = tpu.memref_squeeze %dma_start3A_455 : memref<1x1x16x2048xf32, #tpu.memory_space<hbm>> -> memref<16x2048xf32, #tpu.memory_space<hbm>>
    %dma_start3A_457 = arith.constant 0 : i32
    %dma_start3A_458 = tpu.memref_slice %arg3[%select_n3A, %add3A_453, %mul3A_72, %dma_start3A_457] : memref<4x108x32x2048xf32, #tpu.memory_space<hbm>> -> memref<1x1x16x2048xf32, #tpu.memory_space<hbm>>
    %dma_start3A_459 = tpu.memref_squeeze %dma_start3A_458 : memref<1x1x16x2048xf32, #tpu.memory_space<hbm>> -> memref<16x2048xf32, #tpu.memory_space<hbm>>
    tpu.enqueue_dma source(%arg4 : memref<16x2048xf32, #tpu.memory_space<vmem>>) target(%dma_start3A_459 : memref<16x2048xf32, #tpu.memory_space<hbm>>) target_semaphore(%arg11 : memref<!tpu.dma_semaphore, #tpu.memory_space<semaphore_mem>>)
    %mul3A_460 = arith.constant 18 : i32
    %mul3A_461 = arith.muli %select_n3A_30, %mul3A_460 : i32
    %add3A_462 = arith.constant 0 : i32
    %add3A_463 = arith.addi %mul3A_461, %add3A_462 : i32
    %jit3A_464 = arith.constant 4 : i32
    %div3A_465 = arith.divsi %add3A_463, %jit3A_464 : i32
    %sign3A_466 = arith.constant 0 : i32
    %sign3A_467 = arith.cmpi sgt, %add3A_463, %sign3A_466 : i32
    %sign3A_468 = arith.extui %sign3A_467 : i1 to i32
    %sign3A_469 = arith.constant 0 : i32
    %sign3A_470 = arith.cmpi slt, %add3A_463, %sign3A_469 : i32
    %sign3A_471 = arith.extui %sign3A_470 : i1 to i32
    %sign3A_472 = arith.subi %sign3A_468, %sign3A_471 : i32
    %sign3A_473 = arith.constant 0 : i32
    %sign3A_474 = arith.cmpi sgt, %jit3A_464, %sign3A_473 : i32
    %sign3A_475 = arith.extui %sign3A_474 : i1 to i32
    %sign3A_476 = arith.constant 0 : i32
    %sign3A_477 = arith.cmpi slt, %jit3A_464, %sign3A_476 : i32
    %sign3A_478 = arith.extui %sign3A_477 : i1 to i32
    %sign3A_479 = arith.subi %sign3A_475, %sign3A_478 : i32
    %ne3A_480 = arith.cmpi ne, %sign3A_472, %sign3A_479 : i32
    %rem3A_481 = arith.remsi %add3A_463, %jit3A_464 : i32
    %ne3A_482 = arith.constant 0 : i32
    %ne3A_483 = arith.cmpi ne, %rem3A_481, %ne3A_482 : i32
    %and3A_484 = arith.andi %ne3A_480, %ne3A_483 : i1
    %sub3A_485 = arith.constant 1 : i32
    %sub3A_486 = arith.subi %div3A_465, %sub3A_485 : i32
    %select_n3A_487 = arith.select %and3A_484, %sub3A_486, %div3A_465 : i32
    %jit3A_488 = arith.constant 4 : i32
    %eq3A_489 = arith.constant 0 : i32
    %eq3A_490 = arith.cmpi eq, %jit3A_488, %eq3A_489 : i32
    %jit3A_491 = arith.constant 1 : i32
    %select_n3A_492 = arith.select %eq3A_490, %jit3A_491, %jit3A_488 : i32
    %rem3A_493 = arith.remsi %add3A_463, %select_n3A_492 : i32
    %ne3A_494 = arith.constant 0 : i32
    %ne3A_495 = arith.cmpi ne, %rem3A_493, %ne3A_494 : i32
    %lt3A_496 = arith.constant 0 : i32
    %lt3A_497 = arith.cmpi slt, %rem3A_493, %lt3A_496 : i32
    %lt3A_498 = arith.constant 0 : i32
    %lt3A_499 = arith.cmpi slt, %select_n3A_492, %lt3A_498 : i32
    %ne3A_500 = arith.xori %lt3A_497, %lt3A_499 : i1
    %and3A_501 = arith.andi %ne3A_500, %ne3A_495 : i1
    %add3A_502 = arith.addi %rem3A_493, %select_n3A_492 : i32
    %select_n3A_503 = arith.select %and3A_501, %add3A_502, %rem3A_493 : i32
    %mul3A_504 = arith.constant 8 : i32
    %mul3A_505 = arith.muli %select_n3A_503, %mul3A_504 : i32
    %add3A_506 = arith.constant 2 : i32
    %add3A_507 = arith.addi %select_n3A_487, %add3A_506 : i32
    %ge3A_508 = arith.constant 18 : i32
    %ge3A_509 = arith.cmpi sge, %select_n3A_487, %ge3A_508 : i32
    %jit3A_510 = arith.constant 2 : i32
    %jit3A_511 = arith.constant 0 : i32
    %select_n3A_512 = arith.select %ge3A_509, %jit3A_510, %jit3A_511 : i32
    %add3A_513 = arith.addi %add3A_507, %select_n3A_512 : i32
    %lt3A_514 = arith.constant 18 : i32
    %lt3A_515 = arith.cmpi slt, %select_n3A_487, %lt3A_514 : i32
    %mul3A_516 = arith.constant 6 : i32
    %mul3A_517 = arith.muli %select_n3A_487, %mul3A_516 : i32
    %add3A_518 = arith.constant 2 : i32
    %add3A_519 = arith.addi %mul3A_517, %add3A_518 : i32
    %sub3A_520 = arith.constant 18 : i32
    %sub3A_521 = arith.subi %select_n3A_487, %sub3A_520 : i32
    %mul3A_522 = arith.constant 6 : i32
    %mul3A_523 = arith.muli %sub3A_521, %mul3A_522 : i32
    %add3A_524 = arith.constant 5 : i32
    %add3A_525 = arith.addi %mul3A_523, %add3A_524 : i32
    %select_n3A_526 = arith.select %lt3A_515, %add3A_519, %add3A_525 : i32
    %dma_wait3A_527 = arith.constant 0 : i32
    %dma_wait3A_528 = arith.constant 0 : i32
    %dma_wait3A_529 = arith.constant 0 : i32
    %dma_wait3A_530 = tpu.memref_slice %arg2[%select_n3A, %dma_wait3A_527, %dma_wait3A_528, %dma_wait3A_529] : memref<4x40x32x2048xf32, #tpu.memory_space<hbm>> -> memref<1x1x8x2048xf32, #tpu.memory_space<hbm>>
    %dma_wait3A_531 = tpu.memref_squeeze %dma_wait3A_530 : memref<1x1x8x2048xf32, #tpu.memory_space<hbm>> -> memref<8x2048xf32, #tpu.memory_space<hbm>>
    %dma_wait3A_532 = arith.constant 0 : i32
    %dma_wait3A_533 = arith.constant 0 : i32
    %dma_wait3A_534 = tpu.memref_slice %arg2[%select_n3A, %dma_wait3A_527, %dma_wait3A_532, %dma_wait3A_533] : memref<4x40x32x2048xf32, #tpu.memory_space<hbm>> -> memref<1x1x8x2048xf32, #tpu.memory_space<hbm>>
    %dma_wait3A_535 = tpu.memref_squeeze %dma_wait3A_534 : memref<1x1x8x2048xf32, #tpu.memory_space<hbm>> -> memref<8x2048xf32, #tpu.memory_space<hbm>>
    tpu.wait_dma2 semaphore(%arg12 : memref<!tpu.dma_semaphore, #tpu.memory_space<semaphore_mem>>) src(%dma_wait3A_535 : memref<8x2048xf32, #tpu.memory_space<hbm>>) dst(%arg5 : memref<8x2048xf32, #tpu.memory_space<vmem>>)
    %dma_start3A_536 = arith.constant 0 : i32
    %dma_start3A_537 = tpu.memref_slice %arg3[%select_n3A, %select_n3A_526, %mul3A_505, %dma_start3A_536] : memref<4x108x32x2048xf32, #tpu.memory_space<hbm>> -> memref<1x1x8x2048xf32, #tpu.memory_space<hbm>>
    %dma_start3A_538 = tpu.memref_squeeze %dma_start3A_537 : memref<1x1x8x2048xf32, #tpu.memory_space<hbm>> -> memref<8x2048xf32, #tpu.memory_space<hbm>>
    %dma_start3A_539 = arith.constant 0 : i32
    %dma_start3A_540 = tpu.memref_slice %arg3[%select_n3A, %select_n3A_526, %mul3A_505, %dma_start3A_539] : memref<4x108x32x2048xf32, #tpu.memory_space<hbm>> -> memref<1x1x8x2048xf32, #tpu.memory_space<hbm>>
    %dma_start3A_541 = tpu.memref_squeeze %dma_start3A_540 : memref<1x1x8x2048xf32, #tpu.memory_space<hbm>> -> memref<8x2048xf32, #tpu.memory_space<hbm>>
    tpu.enqueue_dma source(%arg5 : memref<8x2048xf32, #tpu.memory_space<vmem>>) target(%dma_start3A_541 : memref<8x2048xf32, #tpu.memory_space<hbm>>) target_semaphore(%arg17 : memref<!tpu.dma_semaphore, #tpu.memory_space<semaphore_mem>>)
    %mul3A_542 = arith.constant 18 : i32
    %mul3A_543 = arith.muli %select_n3A_30, %mul3A_542 : i32
    %add3A_544 = arith.constant 3 : i32
    %add3A_545 = arith.addi %mul3A_543, %add3A_544 : i32
    %jit3A_546 = arith.constant 4 : i32
    %div3A_547 = arith.divsi %add3A_545, %jit3A_546 : i32
    %sign3A_548 = arith.constant 0 : i32
    %sign3A_549 = arith.cmpi sgt, %add3A_545, %sign3A_548 : i32
    %sign3A_550 = arith.extui %sign3A_549 : i1 to i32
    %sign3A_551 = arith.constant 0 : i32
    %sign3A_552 = arith.cmpi slt, %add3A_545, %sign3A_551 : i32
    %sign3A_553 = arith.extui %sign3A_552 : i1 to i32
    %sign3A_554 = arith.subi %sign3A_550, %sign3A_553 : i32
    %sign3A_555 = arith.constant 0 : i32
    %sign3A_556 = arith.cmpi sgt, %jit3A_546, %sign3A_555 : i32
    %sign3A_557 = arith.extui %sign3A_556 : i1 to i32
    %sign3A_558 = arith.constant 0 : i32
    %sign3A_559 = arith.cmpi slt, %jit3A_546, %sign3A_558 : i32
    %sign3A_560 = arith.extui %sign3A_559 : i1 to i32
    %sign3A_561 = arith.subi %sign3A_557, %sign3A_560 : i32
    %ne3A_562 = arith.cmpi ne, %sign3A_554, %sign3A_561 : i32
    %rem3A_563 = arith.remsi %add3A_545, %jit3A_546 : i32
    %ne3A_564 = arith.constant 0 : i32
    %ne3A_565 = arith.cmpi ne, %rem3A_563, %ne3A_564 : i32
    %and3A_566 = arith.andi %ne3A_562, %ne3A_565 : i1
    %sub3A_567 = arith.constant 1 : i32
    %sub3A_568 = arith.subi %div3A_547, %sub3A_567 : i32
    %select_n3A_569 = arith.select %and3A_566, %sub3A_568, %div3A_547 : i32
    %jit3A_570 = arith.constant 4 : i32
    %eq3A_571 = arith.constant 0 : i32
    %eq3A_572 = arith.cmpi eq, %jit3A_570, %eq3A_571 : i32
    %jit3A_573 = arith.constant 1 : i32
    %select_n3A_574 = arith.select %eq3A_572, %jit3A_573, %jit3A_570 : i32
    %rem3A_575 = arith.remsi %add3A_545, %select_n3A_574 : i32
    %ne3A_576 = arith.constant 0 : i32
    %ne3A_577 = arith.cmpi ne, %rem3A_575, %ne3A_576 : i32
    %lt3A_578 = arith.constant 0 : i32
    %lt3A_579 = arith.cmpi slt, %rem3A_575, %lt3A_578 : i32
    %lt3A_580 = arith.constant 0 : i32
    %lt3A_581 = arith.cmpi slt, %select_n3A_574, %lt3A_580 : i32
    %ne3A_582 = arith.xori %lt3A_579, %lt3A_581 : i1
    %and3A_583 = arith.andi %ne3A_582, %ne3A_577 : i1
    %add3A_584 = arith.addi %rem3A_575, %select_n3A_574 : i32
    %select_n3A_585 = arith.select %and3A_583, %add3A_584, %rem3A_575 : i32
    %mul3A_586 = arith.constant 8 : i32
    %mul3A_587 = arith.muli %select_n3A_585, %mul3A_586 : i32
    %add3A_588 = arith.constant 2 : i32
    %add3A_589 = arith.addi %select_n3A_569, %add3A_588 : i32
    %ge3A_590 = arith.constant 18 : i32
    %ge3A_591 = arith.cmpi sge, %select_n3A_569, %ge3A_590 : i32
    %jit3A_592 = arith.constant 2 : i32
    %jit3A_593 = arith.constant 0 : i32
    %select_n3A_594 = arith.select %ge3A_591, %jit3A_592, %jit3A_593 : i32
    %add3A_595 = arith.addi %add3A_589, %select_n3A_594 : i32
    %lt3A_596 = arith.constant 18 : i32
    %lt3A_597 = arith.cmpi slt, %select_n3A_569, %lt3A_596 : i32
    %mul3A_598 = arith.constant 6 : i32
    %mul3A_599 = arith.muli %select_n3A_569, %mul3A_598 : i32
    %add3A_600 = arith.constant 2 : i32
    %add3A_601 = arith.addi %mul3A_599, %add3A_600 : i32
    %sub3A_602 = arith.constant 18 : i32
    %sub3A_603 = arith.subi %select_n3A_569, %sub3A_602 : i32
    %mul3A_604 = arith.constant 6 : i32
    %mul3A_605 = arith.muli %sub3A_603, %mul3A_604 : i32
    %add3A_606 = arith.constant 5 : i32
    %add3A_607 = arith.addi %mul3A_605, %add3A_606 : i32
    %select_n3A_608 = arith.select %lt3A_597, %add3A_601, %add3A_607 : i32
    %dma_start3A_609 = arith.constant 0 : i32
    %dma_start3A_610 = tpu.memref_slice %arg2[%select_n3A, %add3A_595, %mul3A_587, %dma_start3A_609] : memref<4x40x32x2048xf32, #tpu.memory_space<hbm>> -> memref<1x1x8x2048xf32, #tpu.memory_space<hbm>>
    %dma_start3A_611 = tpu.memref_squeeze %dma_start3A_610 : memref<1x1x8x2048xf32, #tpu.memory_space<hbm>> -> memref<8x2048xf32, #tpu.memory_space<hbm>>
    %dma_start3A_612 = arith.constant 0 : i32
    %dma_start3A_613 = tpu.memref_slice %arg2[%select_n3A, %add3A_595, %mul3A_587, %dma_start3A_612] : memref<4x40x32x2048xf32, #tpu.memory_space<hbm>> -> memref<1x1x8x2048xf32, #tpu.memory_space<hbm>>
    %dma_start3A_614 = tpu.memref_squeeze %dma_start3A_613 : memref<1x1x8x2048xf32, #tpu.memory_space<hbm>> -> memref<8x2048xf32, #tpu.memory_space<hbm>>
    tpu.enqueue_dma source(%dma_start3A_614 : memref<8x2048xf32, #tpu.memory_space<hbm>>) target(%arg8 : memref<8x2048xf32, #tpu.memory_space<vmem>>) target_semaphore(%arg15 : memref<!tpu.dma_semaphore, #tpu.memory_space<semaphore_mem>>)
    %mul3A_615 = arith.constant 18 : i32
    %mul3A_616 = arith.muli %select_n3A_30, %mul3A_615 : i32
    %add3A_617 = arith.constant 1 : i32
    %add3A_618 = arith.addi %mul3A_616, %add3A_617 : i32
    %jit3A_619 = arith.constant 4 : i32
    %div3A_620 = arith.divsi %add3A_618, %jit3A_619 : i32
    %sign3A_621 = arith.constant 0 : i32
    %sign3A_622 = arith.cmpi sgt, %add3A_618, %sign3A_621 : i32
    %sign3A_623 = arith.extui %sign3A_622 : i1 to i32
    %sign3A_624 = arith.constant 0 : i32
    %sign3A_625 = arith.cmpi slt, %add3A_618, %sign3A_624 : i32
    %sign3A_626 = arith.extui %sign3A_625 : i1 to i32
    %sign3A_627 = arith.subi %sign3A_623, %sign3A_626 : i32
    %sign3A_628 = arith.constant 0 : i32
    %sign3A_629 = arith.cmpi sgt, %jit3A_619, %sign3A_628 : i32
    %sign3A_630 = arith.extui %sign3A_629 : i1 to i32
    %sign3A_631 = arith.constant 0 : i32
    %sign3A_632 = arith.cmpi slt, %jit3A_619, %sign3A_631 : i32
    %sign3A_633 = arith.extui %sign3A_632 : i1 to i32
    %sign3A_634 = arith.subi %sign3A_630, %sign3A_633 : i32
    %ne3A_635 = arith.cmpi ne, %sign3A_627, %sign3A_634 : i32
    %rem3A_636 = arith.remsi %add3A_618, %jit3A_619 : i32
    %ne3A_637 = arith.constant 0 : i32
    %ne3A_638 = arith.cmpi ne, %rem3A_636, %ne3A_637 : i32
    %and3A_639 = arith.andi %ne3A_635, %ne3A_638 : i1
    %sub3A_640 = arith.constant 1 : i32
    %sub3A_641 = arith.subi %div3A_620, %sub3A_640 : i32
    %select_n3A_642 = arith.select %and3A_639, %sub3A_641, %div3A_620 : i32
    %jit3A_643 = arith.constant 4 : i32
    %eq3A_644 = arith.constant 0 : i32
    %eq3A_645 = arith.cmpi eq, %jit3A_643, %eq3A_644 : i32
    %jit3A_646 = arith.constant 1 : i32
    %select_n3A_647 = arith.select %eq3A_645, %jit3A_646, %jit3A_643 : i32
    %rem3A_648 = arith.remsi %add3A_618, %select_n3A_647 : i32
    %ne3A_649 = arith.constant 0 : i32
    %ne3A_650 = arith.cmpi ne, %rem3A_648, %ne3A_649 : i32
    %lt3A_651 = arith.constant 0 : i32
    %lt3A_652 = arith.cmpi slt, %rem3A_648, %lt3A_651 : i32
    %lt3A_653 = arith.constant 0 : i32
    %lt3A_654 = arith.cmpi slt, %select_n3A_647, %lt3A_653 : i32
    %ne3A_655 = arith.xori %lt3A_652, %lt3A_654 : i1
    %and3A_656 = arith.andi %ne3A_655, %ne3A_650 : i1
    %add3A_657 = arith.addi %rem3A_648, %select_n3A_647 : i32
    %select_n3A_658 = arith.select %and3A_656, %add3A_657, %rem3A_648 : i32
    %mul3A_659 = arith.constant 8 : i32
    %mul3A_660 = arith.muli %select_n3A_658, %mul3A_659 : i32
    %add3A_661 = arith.constant 2 : i32
    %add3A_662 = arith.addi %select_n3A_642, %add3A_661 : i32
    %ge3A_663 = arith.constant 18 : i32
    %ge3A_664 = arith.cmpi sge, %select_n3A_642, %ge3A_663 : i32
    %jit3A_665 = arith.constant 2 : i32
    %jit3A_666 = arith.constant 0 : i32
    %select_n3A_667 = arith.select %ge3A_664, %jit3A_665, %jit3A_666 : i32
    %add3A_668 = arith.addi %add3A_662, %select_n3A_667 : i32
    %lt3A_669 = arith.constant 18 : i32
    %lt3A_670 = arith.cmpi slt, %select_n3A_642, %lt3A_669 : i32
    %mul3A_671 = arith.constant 6 : i32
    %mul3A_672 = arith.muli %select_n3A_642, %mul3A_671 : i32
    %add3A_673 = arith.constant 2 : i32
    %add3A_674 = arith.addi %mul3A_672, %add3A_673 : i32
    %sub3A_675 = arith.constant 18 : i32
    %sub3A_676 = arith.subi %select_n3A_642, %sub3A_675 : i32
    %mul3A_677 = arith.constant 6 : i32
    %mul3A_678 = arith.muli %sub3A_676, %mul3A_677 : i32
    %add3A_679 = arith.constant 5 : i32
    %add3A_680 = arith.addi %mul3A_678, %add3A_679 : i32
    %select_n3A_681 = arith.select %lt3A_670, %add3A_674, %add3A_680 : i32
    %dma_wait3A_682 = arith.constant 0 : i32
    %dma_wait3A_683 = arith.constant 0 : i32
    %dma_wait3A_684 = arith.constant 0 : i32
    %dma_wait3A_685 = tpu.memref_slice %arg2[%select_n3A, %dma_wait3A_682, %dma_wait3A_683, %dma_wait3A_684] : memref<4x40x32x2048xf32, #tpu.memory_space<hbm>> -> memref<1x1x8x2048xf32, #tpu.memory_space<hbm>>
    %dma_wait3A_686 = tpu.memref_squeeze %dma_wait3A_685 : memref<1x1x8x2048xf32, #tpu.memory_space<hbm>> -> memref<8x2048xf32, #tpu.memory_space<hbm>>
    %dma_wait3A_687 = arith.constant 0 : i32
    %dma_wait3A_688 = arith.constant 0 : i32
    %dma_wait3A_689 = tpu.memref_slice %arg2[%select_n3A, %dma_wait3A_682, %dma_wait3A_687, %dma_wait3A_688] : memref<4x40x32x2048xf32, #tpu.memory_space<hbm>> -> memref<1x1x8x2048xf32, #tpu.memory_space<hbm>>
    %dma_wait3A_690 = tpu.memref_squeeze %dma_wait3A_689 : memref<1x1x8x2048xf32, #tpu.memory_space<hbm>> -> memref<8x2048xf32, #tpu.memory_space<hbm>>
    tpu.wait_dma2 semaphore(%arg13 : memref<!tpu.dma_semaphore, #tpu.memory_space<semaphore_mem>>) src(%dma_wait3A_690 : memref<8x2048xf32, #tpu.memory_space<hbm>>) dst(%arg6 : memref<8x2048xf32, #tpu.memory_space<vmem>>)
    %dma_start3A_691 = arith.constant 0 : i32
    %dma_start3A_692 = tpu.memref_slice %arg3[%select_n3A, %select_n3A_681, %mul3A_660, %dma_start3A_691] : memref<4x108x32x2048xf32, #tpu.memory_space<hbm>> -> memref<1x1x8x2048xf32, #tpu.memory_space<hbm>>
    %dma_start3A_693 = tpu.memref_squeeze %dma_start3A_692 : memref<1x1x8x2048xf32, #tpu.memory_space<hbm>> -> memref<8x2048xf32, #tpu.memory_space<hbm>>
    %dma_start3A_694 = arith.constant 0 : i32
    %dma_start3A_695 = tpu.memref_slice %arg3[%select_n3A, %select_n3A_681, %mul3A_660, %dma_start3A_694] : memref<4x108x32x2048xf32, #tpu.memory_space<hbm>> -> memref<1x1x8x2048xf32, #tpu.memory_space<hbm>>
    %dma_start3A_696 = tpu.memref_squeeze %dma_start3A_695 : memref<1x1x8x2048xf32, #tpu.memory_space<hbm>> -> memref<8x2048xf32, #tpu.memory_space<hbm>>
    tpu.enqueue_dma source(%arg6 : memref<8x2048xf32, #tpu.memory_space<vmem>>) target(%dma_start3A_696 : memref<8x2048xf32, #tpu.memory_space<hbm>>) target_semaphore(%arg18 : memref<!tpu.dma_semaphore, #tpu.memory_space<semaphore_mem>>)
    %mul3A_697 = arith.constant 18 : i32
    %mul3A_698 = arith.muli %select_n3A_30, %mul3A_697 : i32
    %add3A_699 = arith.constant 4 : i32
    %add3A_700 = arith.addi %mul3A_698, %add3A_699 : i32
    %jit3A_701 = arith.constant 4 : i32
    %div3A_702 = arith.divsi %add3A_700, %jit3A_701 : i32
    %sign3A_703 = arith.constant 0 : i32
    %sign3A_704 = arith.cmpi sgt, %add3A_700, %sign3A_703 : i32
    %sign3A_705 = arith.extui %sign3A_704 : i1 to i32
    %sign3A_706 = arith.constant 0 : i32
    %sign3A_707 = arith.cmpi slt, %add3A_700, %sign3A_706 : i32
    %sign3A_708 = arith.extui %sign3A_707 : i1 to i32
    %sign3A_709 = arith.subi %sign3A_705, %sign3A_708 : i32
    %sign3A_710 = arith.constant 0 : i32
    %sign3A_711 = arith.cmpi sgt, %jit3A_701, %sign3A_710 : i32
    %sign3A_712 = arith.extui %sign3A_711 : i1 to i32
    %sign3A_713 = arith.constant 0 : i32
    %sign3A_714 = arith.cmpi slt, %jit3A_701, %sign3A_713 : i32
    %sign3A_715 = arith.extui %sign3A_714 : i1 to i32
    %sign3A_716 = arith.subi %sign3A_712, %sign3A_715 : i32
    %ne3A_717 = arith.cmpi ne, %sign3A_709, %sign3A_716 : i32
    %rem3A_718 = arith.remsi %add3A_700, %jit3A_701 : i32
    %ne3A_719 = arith.constant 0 : i32
    %ne3A_720 = arith.cmpi ne, %rem3A_718, %ne3A_719 : i32
    %and3A_721 = arith.andi %ne3A_717, %ne3A_720 : i1
    %sub3A_722 = arith.constant 1 : i32
    %sub3A_723 = arith.subi %div3A_702, %sub3A_722 : i32
    %select_n3A_724 = arith.select %and3A_721, %sub3A_723, %div3A_702 : i32
    %jit3A_725 = arith.constant 4 : i32
    %eq3A_726 = arith.constant 0 : i32
    %eq3A_727 = arith.cmpi eq, %jit3A_725, %eq3A_726 : i32
    %jit3A_728 = arith.constant 1 : i32
    %select_n3A_729 = arith.select %eq3A_727, %jit3A_728, %jit3A_725 : i32
    %rem3A_730 = arith.remsi %add3A_700, %select_n3A_729 : i32
    %ne3A_731 = arith.constant 0 : i32
    %ne3A_732 = arith.cmpi ne, %rem3A_730, %ne3A_731 : i32
    %lt3A_733 = arith.constant 0 : i32
    %lt3A_734 = arith.cmpi slt, %rem3A_730, %lt3A_733 : i32
    %lt3A_735 = arith.constant 0 : i32
    %lt3A_736 = arith.cmpi slt, %select_n3A_729, %lt3A_735 : i32
    %ne3A_737 = arith.xori %lt3A_734, %lt3A_736 : i1
    %and3A_738 = arith.andi %ne3A_737, %ne3A_732 : i1
    %add3A_739 = arith.addi %rem3A_730, %select_n3A_729 : i32
    %select_n3A_740 = arith.select %and3A_738, %add3A_739, %rem3A_730 : i32
    %mul3A_741 = arith.constant 8 : i32
    %mul3A_742 = arith.muli %select_n3A_740, %mul3A_741 : i32
    %add3A_743 = arith.constant 2 : i32
    %add3A_744 = arith.addi %select_n3A_724, %add3A_743 : i32
    %ge3A_745 = arith.constant 18 : i32
    %ge3A_746 = arith.cmpi sge, %select_n3A_724, %ge3A_745 : i32
    %jit3A_747 = arith.constant 2 : i32
    %jit3A_748 = arith.constant 0 : i32
    %select_n3A_749 = arith.select %ge3A_746, %jit3A_747, %jit3A_748 : i32
    %add3A_750 = arith.addi %add3A_744, %select_n3A_749 : i32
    %lt3A_751 = arith.constant 18 : i32
    %lt3A_752 = arith.cmpi slt, %select_n3A_724, %lt3A_751 : i32
    %mul3A_753 = arith.constant 6 : i32
    %mul3A_754 = arith.muli %select_n3A_724, %mul3A_753 : i32
    %add3A_755 = arith.constant 2 : i32
    %add3A_756 = arith.addi %mul3A_754, %add3A_755 : i32
    %sub3A_757 = arith.constant 18 : i32
    %sub3A_758 = arith.subi %select_n3A_724, %sub3A_757 : i32
    %mul3A_759 = arith.constant 6 : i32
    %mul3A_760 = arith.muli %sub3A_758, %mul3A_759 : i32
    %add3A_761 = arith.constant 5 : i32
    %add3A_762 = arith.addi %mul3A_760, %add3A_761 : i32
    %select_n3A_763 = arith.select %lt3A_752, %add3A_756, %add3A_762 : i32
    %dma_start3A_764 = arith.constant 0 : i32
    %dma_start3A_765 = tpu.memref_slice %arg2[%select_n3A, %add3A_750, %mul3A_742, %dma_start3A_764] : memref<4x40x32x2048xf32, #tpu.memory_space<hbm>> -> memref<1x1x8x2048xf32, #tpu.memory_space<hbm>>
    %dma_start3A_766 = tpu.memref_squeeze %dma_start3A_765 : memref<1x1x8x2048xf32, #tpu.memory_space<hbm>> -> memref<8x2048xf32, #tpu.memory_space<hbm>>
    %dma_start3A_767 = arith.constant 0 : i32
    %dma_start3A_768 = tpu.memref_slice %arg2[%select_n3A, %add3A_750, %mul3A_742, %dma_start3A_767] : memref<4x40x32x2048xf32, #tpu.memory_space<hbm>> -> memref<1x1x8x2048xf32, #tpu.memory_space<hbm>>
    %dma_start3A_769 = tpu.memref_squeeze %dma_start3A_768 : memref<1x1x8x2048xf32, #tpu.memory_space<hbm>> -> memref<8x2048xf32, #tpu.memory_space<hbm>>
    tpu.enqueue_dma source(%dma_start3A_769 : memref<8x2048xf32, #tpu.memory_space<hbm>>) target(%arg9 : memref<8x2048xf32, #tpu.memory_space<vmem>>) target_semaphore(%arg16 : memref<!tpu.dma_semaphore, #tpu.memory_space<semaphore_mem>>)
    %mul3A_770 = arith.constant 18 : i32
    %mul3A_771 = arith.muli %select_n3A_30, %mul3A_770 : i32
    %add3A_772 = arith.constant 2 : i32
    %add3A_773 = arith.addi %mul3A_771, %add3A_772 : i32
    %jit3A_774 = arith.constant 4 : i32
    %div3A_775 = arith.divsi %add3A_773, %jit3A_774 : i32
    %sign3A_776 = arith.constant 0 : i32
    %sign3A_777 = arith.cmpi sgt, %add3A_773, %sign3A_776 : i32
    %sign3A_778 = arith.extui %sign3A_777 : i1 to i32
    %sign3A_779 = arith.constant 0 : i32
    %sign3A_780 = arith.cmpi slt, %add3A_773, %sign3A_779 : i32
    %sign3A_781 = arith.extui %sign3A_780 : i1 to i32
    %sign3A_782 = arith.subi %sign3A_778, %sign3A_781 : i32
    %sign3A_783 = arith.constant 0 : i32
    %sign3A_784 = arith.cmpi sgt, %jit3A_774, %sign3A_783 : i32
    %sign3A_785 = arith.extui %sign3A_784 : i1 to i32
    %sign3A_786 = arith.constant 0 : i32
    %sign3A_787 = arith.cmpi slt, %jit3A_774, %sign3A_786 : i32
    %sign3A_788 = arith.extui %sign3A_787 : i1 to i32
    %sign3A_789 = arith.subi %sign3A_785, %sign3A_788 : i32
    %ne3A_790 = arith.cmpi ne, %sign3A_782, %sign3A_789 : i32
    %rem3A_791 = arith.remsi %add3A_773, %jit3A_774 : i32
    %ne3A_792 = arith.constant 0 : i32
    %ne3A_793 = arith.cmpi ne, %rem3A_791, %ne3A_792 : i32
    %and3A_794 = arith.andi %ne3A_790, %ne3A_793 : i1
    %sub3A_795 = arith.constant 1 : i32
    %sub3A_796 = arith.subi %div3A_775, %sub3A_795 : i32
    %select_n3A_797 = arith.select %and3A_794, %sub3A_796, %div3A_775 : i32
    %jit3A_798 = arith.constant 4 : i32
    %eq3A_799 = arith.constant 0 : i32
    %eq3A_800 = arith.cmpi eq, %jit3A_798, %eq3A_799 : i32
    %jit3A_801 = arith.constant 1 : i32
    %select_n3A_802 = arith.select %eq3A_800, %jit3A_801, %jit3A_798 : i32
    %rem3A_803 = arith.remsi %add3A_773, %select_n3A_802 : i32
    %ne3A_804 = arith.constant 0 : i32
    %ne3A_805 = arith.cmpi ne, %rem3A_803, %ne3A_804 : i32
    %lt3A_806 = arith.constant 0 : i32
    %lt3A_807 = arith.cmpi slt, %rem3A_803, %lt3A_806 : i32
    %lt3A_808 = arith.constant 0 : i32
    %lt3A_809 = arith.cmpi slt, %select_n3A_802, %lt3A_808 : i32
    %ne3A_810 = arith.xori %lt3A_807, %lt3A_809 : i1
    %and3A_811 = arith.andi %ne3A_810, %ne3A_805 : i1
    %add3A_812 = arith.addi %rem3A_803, %select_n3A_802 : i32
    %select_n3A_813 = arith.select %and3A_811, %add3A_812, %rem3A_803 : i32
    %mul3A_814 = arith.constant 8 : i32
    %mul3A_815 = arith.muli %select_n3A_813, %mul3A_814 : i32
    %add3A_816 = arith.constant 2 : i32
    %add3A_817 = arith.addi %select_n3A_797, %add3A_816 : i32
    %ge3A_818 = arith.constant 18 : i32
    %ge3A_819 = arith.cmpi sge, %select_n3A_797, %ge3A_818 : i32
    %jit3A_820 = arith.constant 2 : i32
    %jit3A_821 = arith.constant 0 : i32
    %select_n3A_822 = arith.select %ge3A_819, %jit3A_820, %jit3A_821 : i32
    %add3A_823 = arith.addi %add3A_817, %select_n3A_822 : i32
    %lt3A_824 = arith.constant 18 : i32
    %lt3A_825 = arith.cmpi slt, %select_n3A_797, %lt3A_824 : i32
    %mul3A_826 = arith.constant 6 : i32
    %mul3A_827 = arith.muli %select_n3A_797, %mul3A_826 : i32
    %add3A_828 = arith.constant 2 : i32
    %add3A_829 = arith.addi %mul3A_827, %add3A_828 : i32
    %sub3A_830 = arith.constant 18 : i32
    %sub3A_831 = arith.subi %select_n3A_797, %sub3A_830 : i32
    %mul3A_832 = arith.constant 6 : i32
    %mul3A_833 = arith.muli %sub3A_831, %mul3A_832 : i32
    %add3A_834 = arith.constant 5 : i32
    %add3A_835 = arith.addi %mul3A_833, %add3A_834 : i32
    %select_n3A_836 = arith.select %lt3A_825, %add3A_829, %add3A_835 : i32
    %dma_wait3A_837 = arith.constant 0 : i32
    %dma_wait3A_838 = arith.constant 0 : i32
    %dma_wait3A_839 = arith.constant 0 : i32
    %dma_wait3A_840 = tpu.memref_slice %arg2[%select_n3A, %dma_wait3A_837, %dma_wait3A_838, %dma_wait3A_839] : memref<4x40x32x2048xf32, #tpu.memory_space<hbm>> -> memref<1x1x8x2048xf32, #tpu.memory_space<hbm>>
    %dma_wait3A_841 = tpu.memref_squeeze %dma_wait3A_840 : memref<1x1x8x2048xf32, #tpu.memory_space<hbm>> -> memref<8x2048xf32, #tpu.memory_space<hbm>>
    %dma_wait3A_842 = arith.constant 0 : i32
    %dma_wait3A_843 = arith.constant 0 : i32
    %dma_wait3A_844 = tpu.memref_slice %arg2[%select_n3A, %dma_wait3A_837, %dma_wait3A_842, %dma_wait3A_843] : memref<4x40x32x2048xf32, #tpu.memory_space<hbm>> -> memref<1x1x8x2048xf32, #tpu.memory_space<hbm>>
    %dma_wait3A_845 = tpu.memref_squeeze %dma_wait3A_844 : memref<1x1x8x2048xf32, #tpu.memory_space<hbm>> -> memref<8x2048xf32, #tpu.memory_space<hbm>>
    tpu.wait_dma2 semaphore(%arg14 : memref<!tpu.dma_semaphore, #tpu.memory_space<semaphore_mem>>) src(%dma_wait3A_845 : memref<8x2048xf32, #tpu.memory_space<hbm>>) dst(%arg7 : memref<8x2048xf32, #tpu.memory_space<vmem>>)
    %dma_start3A_846 = arith.constant 0 : i32
    %dma_start3A_847 = tpu.memref_slice %arg3[%select_n3A, %select_n3A_836, %mul3A_815, %dma_start3A_846] : memref<4x108x32x2048xf32, #tpu.memory_space<hbm>> -> memref<1x1x8x2048xf32, #tpu.memory_space<hbm>>
    %dma_start3A_848 = tpu.memref_squeeze %dma_start3A_847 : memref<1x1x8x2048xf32, #tpu.memory_space<hbm>> -> memref<8x2048xf32, #tpu.memory_space<hbm>>
    %dma_start3A_849 = arith.constant 0 : i32
    %dma_start3A_850 = tpu.memref_slice %arg3[%select_n3A, %select_n3A_836, %mul3A_815, %dma_start3A_849] : memref<4x108x32x2048xf32, #tpu.memory_space<hbm>> -> memref<1x1x8x2048xf32, #tpu.memory_space<hbm>>
    %dma_start3A_851 = tpu.memref_squeeze %dma_start3A_850 : memref<1x1x8x2048xf32, #tpu.memory_space<hbm>> -> memref<8x2048xf32, #tpu.memory_space<hbm>>
    tpu.enqueue_dma source(%arg7 : memref<8x2048xf32, #tpu.memory_space<vmem>>) target(%dma_start3A_851 : memref<8x2048xf32, #tpu.memory_space<hbm>>) target_semaphore(%arg19 : memref<!tpu.dma_semaphore, #tpu.memory_space<semaphore_mem>>)
    %dma_wait3A_852 = arith.constant 0 : i32
    %dma_wait3A_853 = arith.constant 0 : i32
    %dma_wait3A_854 = arith.constant 0 : i32
    %dma_wait3A_855 = tpu.memref_slice %arg3[%select_n3A, %dma_wait3A_852, %dma_wait3A_853, %dma_wait3A_854] : memref<4x108x32x2048xf32, #tpu.memory_space<hbm>> -> memref<1x1x8x2048xf32, #tpu.memory_space<hbm>>
    %dma_wait3A_856 = tpu.memref_squeeze %dma_wait3A_855 : memref<1x1x8x2048xf32, #tpu.memory_space<hbm>> -> memref<8x2048xf32, #tpu.memory_space<hbm>>
    %dma_wait3A_857 = arith.constant 0 : i32
    %dma_wait3A_858 = arith.constant 0 : i32
    %dma_wait3A_859 = tpu.memref_slice %arg3[%select_n3A, %dma_wait3A_852, %dma_wait3A_857, %dma_wait3A_858] : memref<4x108x32x2048xf32, #tpu.memory_space<hbm>> -> memref<1x1x8x2048xf32, #tpu.memory_space<hbm>>
    %dma_wait3A_860 = tpu.memref_squeeze %dma_wait3A_859 : memref<1x1x8x2048xf32, #tpu.memory_space<hbm>> -> memref<8x2048xf32, #tpu.memory_space<hbm>>
    tpu.wait_dma2 semaphore(%arg17 : memref<!tpu.dma_semaphore, #tpu.memory_space<semaphore_mem>>) src(%arg5 : memref<8x2048xf32, #tpu.memory_space<vmem>>) dst(%dma_wait3A_860 : memref<8x2048xf32, #tpu.memory_space<hbm>>)
    %mul3A_861 = arith.constant 18 : i32
    %mul3A_862 = arith.muli %select_n3A_30, %mul3A_861 : i32
    %add3A_863 = arith.constant 5 : i32
    %add3A_864 = arith.addi %mul3A_862, %add3A_863 : i32
    %jit3A_865 = arith.constant 4 : i32
    %div3A_866 = arith.divsi %add3A_864, %jit3A_865 : i32
    %sign3A_867 = arith.constant 0 : i32
    %sign3A_868 = arith.cmpi sgt, %add3A_864, %sign3A_867 : i32
    %sign3A_869 = arith.extui %sign3A_868 : i1 to i32
    %sign3A_870 = arith.constant 0 : i32
    %sign3A_871 = arith.cmpi slt, %add3A_864, %sign3A_870 : i32
    %sign3A_872 = arith.extui %sign3A_871 : i1 to i32
    %sign3A_873 = arith.subi %sign3A_869, %sign3A_872 : i32
    %sign3A_874 = arith.constant 0 : i32
    %sign3A_875 = arith.cmpi sgt, %jit3A_865, %sign3A_874 : i32
    %sign3A_876 = arith.extui %sign3A_875 : i1 to i32
    %sign3A_877 = arith.constant 0 : i32
    %sign3A_878 = arith.cmpi slt, %jit3A_865, %sign3A_877 : i32
    %sign3A_879 = arith.extui %sign3A_878 : i1 to i32
    %sign3A_880 = arith.subi %sign3A_876, %sign3A_879 : i32
    %ne3A_881 = arith.cmpi ne, %sign3A_873, %sign3A_880 : i32
    %rem3A_882 = arith.remsi %add3A_864, %jit3A_865 : i32
    %ne3A_883 = arith.constant 0 : i32
    %ne3A_884 = arith.cmpi ne, %rem3A_882, %ne3A_883 : i32
    %and3A_885 = arith.andi %ne3A_881, %ne3A_884 : i1
    %sub3A_886 = arith.constant 1 : i32
    %sub3A_887 = arith.subi %div3A_866, %sub3A_886 : i32
    %select_n3A_888 = arith.select %and3A_885, %sub3A_887, %div3A_866 : i32
    %jit3A_889 = arith.constant 4 : i32
    %eq3A_890 = arith.constant 0 : i32
    %eq3A_891 = arith.cmpi eq, %jit3A_889, %eq3A_890 : i32
    %jit3A_892 = arith.constant 1 : i32
    %select_n3A_893 = arith.select %eq3A_891, %jit3A_892, %jit3A_889 : i32
    %rem3A_894 = arith.remsi %add3A_864, %select_n3A_893 : i32
    %ne3A_895 = arith.constant 0 : i32
    %ne3A_896 = arith.cmpi ne, %rem3A_894, %ne3A_895 : i32
    %lt3A_897 = arith.constant 0 : i32
    %lt3A_898 = arith.cmpi slt, %rem3A_894, %lt3A_897 : i32
    %lt3A_899 = arith.constant 0 : i32
    %lt3A_900 = arith.cmpi slt, %select_n3A_893, %lt3A_899 : i32
    %ne3A_901 = arith.xori %lt3A_898, %lt3A_900 : i1
    %and3A_902 = arith.andi %ne3A_901, %ne3A_896 : i1
    %add3A_903 = arith.addi %rem3A_894, %select_n3A_893 : i32
    %select_n3A_904 = arith.select %and3A_902, %add3A_903, %rem3A_894 : i32
    %mul3A_905 = arith.constant 8 : i32
    %mul3A_906 = arith.muli %select_n3A_904, %mul3A_905 : i32
    %add3A_907 = arith.constant 2 : i32
    %add3A_908 = arith.addi %select_n3A_888, %add3A_907 : i32
    %ge3A_909 = arith.constant 18 : i32
    %ge3A_910 = arith.cmpi sge, %select_n3A_888, %ge3A_909 : i32
    %jit3A_911 = arith.constant 2 : i32
    %jit3A_912 = arith.constant 0 : i32
    %select_n3A_913 = arith.select %ge3A_910, %jit3A_911, %jit3A_912 : i32
    %add3A_914 = arith.addi %add3A_908, %select_n3A_913 : i32
    %lt3A_915 = arith.constant 18 : i32
    %lt3A_916 = arith.cmpi slt, %select_n3A_888, %lt3A_915 : i32
    %mul3A_917 = arith.constant 6 : i32
    %mul3A_918 = arith.muli %select_n3A_888, %mul3A_917 : i32
    %add3A_919 = arith.constant 2 : i32
    %add3A_920 = arith.addi %mul3A_918, %add3A_919 : i32
    %sub3A_921 = arith.constant 18 : i32
    %sub3A_922 = arith.subi %select_n3A_888, %sub3A_921 : i32
    %mul3A_923 = arith.constant 6 : i32
    %mul3A_924 = arith.muli %sub3A_922, %mul3A_923 : i32
    %add3A_925 = arith.constant 5 : i32
    %add3A_926 = arith.addi %mul3A_924, %add3A_925 : i32
    %select_n3A_927 = arith.select %lt3A_916, %add3A_920, %add3A_926 : i32
    %dma_start3A_928 = arith.constant 0 : i32
    %dma_start3A_929 = tpu.memref_slice %arg2[%select_n3A, %add3A_914, %mul3A_906, %dma_start3A_928] : memref<4x40x32x2048xf32, #tpu.memory_space<hbm>> -> memref<1x1x8x2048xf32, #tpu.memory_space<hbm>>
    %dma_start3A_930 = tpu.memref_squeeze %dma_start3A_929 : memref<1x1x8x2048xf32, #tpu.memory_space<hbm>> -> memref<8x2048xf32, #tpu.memory_space<hbm>>
    %dma_start3A_931 = arith.constant 0 : i32
    %dma_start3A_932 = tpu.memref_slice %arg2[%select_n3A, %add3A_914, %mul3A_906, %dma_start3A_931] : memref<4x40x32x2048xf32, #tpu.memory_space<hbm>> -> memref<1x1x8x2048xf32, #tpu.memory_space<hbm>>
    %dma_start3A_933 = tpu.memref_squeeze %dma_start3A_932 : memref<1x1x8x2048xf32, #tpu.memory_space<hbm>> -> memref<8x2048xf32, #tpu.memory_space<hbm>>
    tpu.enqueue_dma source(%dma_start3A_933 : memref<8x2048xf32, #tpu.memory_space<hbm>>) target(%arg5 : memref<8x2048xf32, #tpu.memory_space<vmem>>) target_semaphore(%arg12 : memref<!tpu.dma_semaphore, #tpu.memory_space<semaphore_mem>>)
    %mul3A_934 = arith.constant 18 : i32
    %mul3A_935 = arith.muli %select_n3A_30, %mul3A_934 : i32
    %add3A_936 = arith.constant 3 : i32
    %add3A_937 = arith.addi %mul3A_935, %add3A_936 : i32
    %jit3A_938 = arith.constant 4 : i32
    %div3A_939 = arith.divsi %add3A_937, %jit3A_938 : i32
    %sign3A_940 = arith.constant 0 : i32
    %sign3A_941 = arith.cmpi sgt, %add3A_937, %sign3A_940 : i32
    %sign3A_942 = arith.extui %sign3A_941 : i1 to i32
    %sign3A_943 = arith.constant 0 : i32
    %sign3A_944 = arith.cmpi slt, %add3A_937, %sign3A_943 : i32
    %sign3A_945 = arith.extui %sign3A_944 : i1 to i32
    %sign3A_946 = arith.subi %sign3A_942, %sign3A_945 : i32
    %sign3A_947 = arith.constant 0 : i32
    %sign3A_948 = arith.cmpi sgt, %jit3A_938, %sign3A_947 : i32
    %sign3A_949 = arith.extui %sign3A_948 : i1 to i32
    %sign3A_950 = arith.constant 0 : i32
    %sign3A_951 = arith.cmpi slt, %jit3A_938, %sign3A_950 : i32
    %sign3A_952 = arith.extui %sign3A_951 : i1 to i32
    %sign3A_953 = arith.subi %sign3A_949, %sign3A_952 : i32
    %ne3A_954 = arith.cmpi ne, %sign3A_946, %sign3A_953 : i32
    %rem3A_955 = arith.remsi %add3A_937, %jit3A_938 : i32
    %ne3A_956 = arith.constant 0 : i32
    %ne3A_957 = arith.cmpi ne, %rem3A_955, %ne3A_956 : i32
    %and3A_958 = arith.andi %ne3A_954, %ne3A_957 : i1
    %sub3A_959 = arith.constant 1 : i32
    %sub3A_960 = arith.subi %div3A_939, %sub3A_959 : i32
    %select_n3A_961 = arith.select %and3A_958, %sub3A_960, %div3A_939 : i32
    %jit3A_962 = arith.constant 4 : i32
    %eq3A_963 = arith.constant 0 : i32
    %eq3A_964 = arith.cmpi eq, %jit3A_962, %eq3A_963 : i32
    %jit3A_965 = arith.constant 1 : i32
    %select_n3A_966 = arith.select %eq3A_964, %jit3A_965, %jit3A_962 : i32
    %rem3A_967 = arith.remsi %add3A_937, %select_n3A_966 : i32
    %ne3A_968 = arith.constant 0 : i32
    %ne3A_969 = arith.cmpi ne, %rem3A_967, %ne3A_968 : i32
    %lt3A_970 = arith.constant 0 : i32
    %lt3A_971 = arith.cmpi slt, %rem3A_967, %lt3A_970 : i32
    %lt3A_972 = arith.constant 0 : i32
    %lt3A_973 = arith.cmpi slt, %select_n3A_966, %lt3A_972 : i32
    %ne3A_974 = arith.xori %lt3A_971, %lt3A_973 : i1
    %and3A_975 = arith.andi %ne3A_974, %ne3A_969 : i1
    %add3A_976 = arith.addi %rem3A_967, %select_n3A_966 : i32
    %select_n3A_977 = arith.select %and3A_975, %add3A_976, %rem3A_967 : i32
    %mul3A_978 = arith.constant 8 : i32
    %mul3A_979 = arith.muli %select_n3A_977, %mul3A_978 : i32
    %add3A_980 = arith.constant 2 : i32
    %add3A_981 = arith.addi %select_n3A_961, %add3A_980 : i32
    %ge3A_982 = arith.constant 18 : i32
    %ge3A_983 = arith.cmpi sge, %select_n3A_961, %ge3A_982 : i32
    %jit3A_984 = arith.constant 2 : i32
    %jit3A_985 = arith.constant 0 : i32
    %select_n3A_986 = arith.select %ge3A_983, %jit3A_984, %jit3A_985 : i32
    %add3A_987 = arith.addi %add3A_981, %select_n3A_986 : i32
    %lt3A_988 = arith.constant 18 : i32
    %lt3A_989 = arith.cmpi slt, %select_n3A_961, %lt3A_988 : i32
    %mul3A_990 = arith.constant 6 : i32
    %mul3A_991 = arith.muli %select_n3A_961, %mul3A_990 : i32
    %add3A_992 = arith.constant 2 : i32
    %add3A_993 = arith.addi %mul3A_991, %add3A_992 : i32
    %sub3A_994 = arith.constant 18 : i32
    %sub3A_995 = arith.subi %select_n3A_961, %sub3A_994 : i32
    %mul3A_996 = arith.constant 6 : i32
    %mul3A_997 = arith.muli %sub3A_995, %mul3A_996 : i32
    %add3A_998 = arith.constant 5 : i32
    %add3A_999 = arith.addi %mul3A_997, %add3A_998 : i32
    %select_n3A_1000 = arith.select %lt3A_989, %add3A_993, %add3A_999 : i32
    %dma_wait3A_1001 = arith.constant 0 : i32
    %dma_wait3A_1002 = arith.constant 0 : i32
    %dma_wait3A_1003 = arith.constant 0 : i32
    %dma_wait3A_1004 = tpu.memref_slice %arg2[%select_n3A, %dma_wait3A_1001, %dma_wait3A_1002, %dma_wait3A_1003] : memref<4x40x32x2048xf32, #tpu.memory_space<hbm>> -> memref<1x1x8x2048xf32, #tpu.memory_space<hbm>>
    %dma_wait3A_1005 = tpu.memref_squeeze %dma_wait3A_1004 : memref<1x1x8x2048xf32, #tpu.memory_space<hbm>> -> memref<8x2048xf32, #tpu.memory_space<hbm>>
    %dma_wait3A_1006 = arith.constant 0 : i32
    %dma_wait3A_1007 = arith.constant 0 : i32
    %dma_wait3A_1008 = tpu.memref_slice %arg2[%select_n3A, %dma_wait3A_1001, %dma_wait3A_1006, %dma_wait3A_1007] : memref<4x40x32x2048xf32, #tpu.memory_space<hbm>> -> memref<1x1x8x2048xf32, #tpu.memory_space<hbm>>
    %dma_wait3A_1009 = tpu.memref_squeeze %dma_wait3A_1008 : memref<1x1x8x2048xf32, #tpu.memory_space<hbm>> -> memref<8x2048xf32, #tpu.memory_space<hbm>>
    tpu.wait_dma2 semaphore(%arg15 : memref<!tpu.dma_semaphore, #tpu.memory_space<semaphore_mem>>) src(%dma_wait3A_1009 : memref<8x2048xf32, #tpu.memory_space<hbm>>) dst(%arg8 : memref<8x2048xf32, #tpu.memory_space<vmem>>)
    %dma_start3A_1010 = arith.constant 0 : i32
    %dma_start3A_1011 = tpu.memref_slice %arg3[%select_n3A, %select_n3A_1000, %mul3A_979, %dma_start3A_1010] : memref<4x108x32x2048xf32, #tpu.memory_space<hbm>> -> memref<1x1x8x2048xf32, #tpu.memory_space<hbm>>
    %dma_start3A_1012 = tpu.memref_squeeze %dma_start3A_1011 : memref<1x1x8x2048xf32, #tpu.memory_space<hbm>> -> memref<8x2048xf32, #tpu.memory_space<hbm>>
    %dma_start3A_1013 = arith.constant 0 : i32
    %dma_start3A_1014 = tpu.memref_slice %arg3[%select_n3A, %select_n3A_1000, %mul3A_979, %dma_start3A_1013] : memref<4x108x32x2048xf32, #tpu.memory_space<hbm>> -> memref<1x1x8x2048xf32, #tpu.memory_space<hbm>>
    %dma_start3A_1015 = tpu.memref_squeeze %dma_start3A_1014 : memref<1x1x8x2048xf32, #tpu.memory_space<hbm>> -> memref<8x2048xf32, #tpu.memory_space<hbm>>
    tpu.enqueue_dma source(%arg8 : memref<8x2048xf32, #tpu.memory_space<vmem>>) target(%dma_start3A_1015 : memref<8x2048xf32, #tpu.memory_space<hbm>>) target_semaphore(%arg20 : memref<!tpu.dma_semaphore, #tpu.memory_space<semaphore_mem>>)
    %dma_wait3A_1016 = arith.constant 0 : i32
    %dma_wait3A_1017 = arith.constant 0 : i32
    %dma_wait3A_1018 = arith.constant 0 : i32
    %dma_wait3A_1019 = tpu.memref_slice %arg3[%select_n3A, %dma_wait3A_1016, %dma_wait3A_1017, %dma_wait3A_1018] : memref<4x108x32x2048xf32, #tpu.memory_space<hbm>> -> memref<1x1x8x2048xf32, #tpu.memory_space<hbm>>
    %dma_wait3A_1020 = tpu.memref_squeeze %dma_wait3A_1019 : memref<1x1x8x2048xf32, #tpu.memory_space<hbm>> -> memref<8x2048xf32, #tpu.memory_space<hbm>>
    %dma_wait3A_1021 = arith.constant 0 : i32
    %dma_wait3A_1022 = arith.constant 0 : i32
    %dma_wait3A_1023 = tpu.memref_slice %arg3[%select_n3A, %dma_wait3A_1016, %dma_wait3A_1021, %dma_wait3A_1022] : memref<4x108x32x2048xf32, #tpu.memory_space<hbm>> -> memref<1x1x8x2048xf32, #tpu.memory_space<hbm>>
    %dma_wait3A_1024 = tpu.memref_squeeze %dma_wait3A_1023 : memref<1x1x8x2048xf32, #tpu.memory_space<hbm>> -> memref<8x2048xf32, #tpu.memory_space<hbm>>
    tpu.wait_dma2 semaphore(%arg18 : memref<!tpu.dma_semaphore, #tpu.memory_space<semaphore_mem>>) src(%arg6 : memref<8x2048xf32, #tpu.memory_space<vmem>>) dst(%dma_wait3A_1024 : memref<8x2048xf32, #tpu.memory_space<hbm>>)
    %mul3A_1025 = arith.constant 18 : i32
    %mul3A_1026 = arith.muli %select_n3A_30, %mul3A_1025 : i32
    %add3A_1027 = arith.constant 6 : i32
    %add3A_1028 = arith.addi %mul3A_1026, %add3A_1027 : i32
    %jit3A_1029 = arith.constant 4 : i32
    %div3A_1030 = arith.divsi %add3A_1028, %jit3A_1029 : i32
    %sign3A_1031 = arith.constant 0 : i32
    %sign3A_1032 = arith.cmpi sgt, %add3A_1028, %sign3A_1031 : i32
    %sign3A_1033 = arith.extui %sign3A_1032 : i1 to i32
    %sign3A_1034 = arith.constant 0 : i32
    %sign3A_1035 = arith.cmpi slt, %add3A_1028, %sign3A_1034 : i32
    %sign3A_1036 = arith.extui %sign3A_1035 : i1 to i32
    %sign3A_1037 = arith.subi %sign3A_1033, %sign3A_1036 : i32
    %sign3A_1038 = arith.constant 0 : i32
    %sign3A_1039 = arith.cmpi sgt, %jit3A_1029, %sign3A_1038 : i32
    %sign3A_1040 = arith.extui %sign3A_1039 : i1 to i32
    %sign3A_1041 = arith.constant 0 : i32
    %sign3A_1042 = arith.cmpi slt, %jit3A_1029, %sign3A_1041 : i32
    %sign3A_1043 = arith.extui %sign3A_1042 : i1 to i32
    %sign3A_1044 = arith.subi %sign3A_1040, %sign3A_1043 : i32
    %ne3A_1045 = arith.cmpi ne, %sign3A_1037, %sign3A_1044 : i32
    %rem3A_1046 = arith.remsi %add3A_1028, %jit3A_1029 : i32
    %ne3A_1047 = arith.constant 0 : i32
    %ne3A_1048 = arith.cmpi ne, %rem3A_1046, %ne3A_1047 : i32
    %and3A_1049 = arith.andi %ne3A_1045, %ne3A_1048 : i1
    %sub3A_1050 = arith.constant 1 : i32
    %sub3A_1051 = arith.subi %div3A_1030, %sub3A_1050 : i32
    %select_n3A_1052 = arith.select %and3A_1049, %sub3A_1051, %div3A_1030 : i32
    %jit3A_1053 = arith.constant 4 : i32
    %eq3A_1054 = arith.constant 0 : i32
    %eq3A_1055 = arith.cmpi eq, %jit3A_1053, %eq3A_1054 : i32
    %jit3A_1056 = arith.constant 1 : i32
    %select_n3A_1057 = arith.select %eq3A_1055, %jit3A_1056, %jit3A_1053 : i32
    %rem3A_1058 = arith.remsi %add3A_1028, %select_n3A_1057 : i32
    %ne3A_1059 = arith.constant 0 : i32
    %ne3A_1060 = arith.cmpi ne, %rem3A_1058, %ne3A_1059 : i32
    %lt3A_1061 = arith.constant 0 : i32
    %lt3A_1062 = arith.cmpi slt, %rem3A_1058, %lt3A_1061 : i32
    %lt3A_1063 = arith.constant 0 : i32
    %lt3A_1064 = arith.cmpi slt, %select_n3A_1057, %lt3A_1063 : i32
    %ne3A_1065 = arith.xori %lt3A_1062, %lt3A_1064 : i1
    %and3A_1066 = arith.andi %ne3A_1065, %ne3A_1060 : i1
    %add3A_1067 = arith.addi %rem3A_1058, %select_n3A_1057 : i32
    %select_n3A_1068 = arith.select %and3A_1066, %add3A_1067, %rem3A_1058 : i32
    %mul3A_1069 = arith.constant 8 : i32
    %mul3A_1070 = arith.muli %select_n3A_1068, %mul3A_1069 : i32
    %add3A_1071 = arith.constant 2 : i32
    %add3A_1072 = arith.addi %select_n3A_1052, %add3A_1071 : i32
    %ge3A_1073 = arith.constant 18 : i32
    %ge3A_1074 = arith.cmpi sge, %select_n3A_1052, %ge3A_1073 : i32
    %jit3A_1075 = arith.constant 2 : i32
    %jit3A_1076 = arith.constant 0 : i32
    %select_n3A_1077 = arith.select %ge3A_1074, %jit3A_1075, %jit3A_1076 : i32
    %add3A_1078 = arith.addi %add3A_1072, %select_n3A_1077 : i32
    %lt3A_1079 = arith.constant 18 : i32
    %lt3A_1080 = arith.cmpi slt, %select_n3A_1052, %lt3A_1079 : i32
    %mul3A_1081 = arith.constant 6 : i32
    %mul3A_1082 = arith.muli %select_n3A_1052, %mul3A_1081 : i32
    %add3A_1083 = arith.constant 2 : i32
    %add3A_1084 = arith.addi %mul3A_1082, %add3A_1083 : i32
    %sub3A_1085 = arith.constant 18 : i32
    %sub3A_1086 = arith.subi %select_n3A_1052, %sub3A_1085 : i32
    %mul3A_1087 = arith.constant 6 : i32
    %mul3A_1088 = arith.muli %sub3A_1086, %mul3A_1087 : i32
    %add3A_1089 = arith.constant 5 : i32
    %add3A_1090 = arith.addi %mul3A_1088, %add3A_1089 : i32
    %select_n3A_1091 = arith.select %lt3A_1080, %add3A_1084, %add3A_1090 : i32
    %dma_start3A_1092 = arith.constant 0 : i32
    %dma_start3A_1093 = tpu.memref_slice %arg2[%select_n3A, %add3A_1078, %mul3A_1070, %dma_start3A_1092] : memref<4x40x32x2048xf32, #tpu.memory_space<hbm>> -> memref<1x1x8x2048xf32, #tpu.memory_space<hbm>>
    %dma_start3A_1094 = tpu.memref_squeeze %dma_start3A_1093 : memref<1x1x8x2048xf32, #tpu.memory_space<hbm>> -> memref<8x2048xf32, #tpu.memory_space<hbm>>
    %dma_start3A_1095 = arith.constant 0 : i32
    %dma_start3A_1096 = tpu.memref_slice %arg2[%select_n3A, %add3A_1078, %mul3A_1070, %dma_start3A_1095] : memref<4x40x32x2048xf32, #tpu.memory_space<hbm>> -> memref<1x1x8x2048xf32, #tpu.memory_space<hbm>>
    %dma_start3A_1097 = tpu.memref_squeeze %dma_start3A_1096 : memref<1x1x8x2048xf32, #tpu.memory_space<hbm>> -> memref<8x2048xf32, #tpu.memory_space<hbm>>
    tpu.enqueue_dma source(%dma_start3A_1097 : memref<8x2048xf32, #tpu.memory_space<hbm>>) target(%arg6 : memref<8x2048xf32, #tpu.memory_space<vmem>>) target_semaphore(%arg13 : memref<!tpu.dma_semaphore, #tpu.memory_space<semaphore_mem>>)
    %mul3A_1098 = arith.constant 18 : i32
    %mul3A_1099 = arith.muli %select_n3A_30, %mul3A_1098 : i32
    %add3A_1100 = arith.constant 4 : i32
    %add3A_1101 = arith.addi %mul3A_1099, %add3A_1100 : i32
    %jit3A_1102 = arith.constant 4 : i32
    %div3A_1103 = arith.divsi %add3A_1101, %jit3A_1102 : i32
    %sign3A_1104 = arith.constant 0 : i32
    %sign3A_1105 = arith.cmpi sgt, %add3A_1101, %sign3A_1104 : i32
    %sign3A_1106 = arith.extui %sign3A_1105 : i1 to i32
    %sign3A_1107 = arith.constant 0 : i32
    %sign3A_1108 = arith.cmpi slt, %add3A_1101, %sign3A_1107 : i32
    %sign3A_1109 = arith.extui %sign3A_1108 : i1 to i32
    %sign3A_1110 = arith.subi %sign3A_1106, %sign3A_1109 : i32
    %sign3A_1111 = arith.constant 0 : i32
    %sign3A_1112 = arith.cmpi sgt, %jit3A_1102, %sign3A_1111 : i32
    %sign3A_1113 = arith.extui %sign3A_1112 : i1 to i32
    %sign3A_1114 = arith.constant 0 : i32
    %sign3A_1115 = arith.cmpi slt, %jit3A_1102, %sign3A_1114 : i32
    %sign3A_1116 = arith.extui %sign3A_1115 : i1 to i32
    %sign3A_1117 = arith.subi %sign3A_1113, %sign3A_1116 : i32
    %ne3A_1118 = arith.cmpi ne, %sign3A_1110, %sign3A_1117 : i32
    %rem3A_1119 = arith.remsi %add3A_1101, %jit3A_1102 : i32
    %ne3A_1120 = arith.constant 0 : i32
    %ne3A_1121 = arith.cmpi ne, %rem3A_1119, %ne3A_1120 : i32
    %and3A_1122 = arith.andi %ne3A_1118, %ne3A_1121 : i1
    %sub3A_1123 = arith.constant 1 : i32
    %sub3A_1124 = arith.subi %div3A_1103, %sub3A_1123 : i32
    %select_n3A_1125 = arith.select %and3A_1122, %sub3A_1124, %div3A_1103 : i32
    %jit3A_1126 = arith.constant 4 : i32
    %eq3A_1127 = arith.constant 0 : i32
    %eq3A_1128 = arith.cmpi eq, %jit3A_1126, %eq3A_1127 : i32
    %jit3A_1129 = arith.constant 1 : i32
    %select_n3A_1130 = arith.select %eq3A_1128, %jit3A_1129, %jit3A_1126 : i32
    %rem3A_1131 = arith.remsi %add3A_1101, %select_n3A_1130 : i32
    %ne3A_1132 = arith.constant 0 : i32
    %ne3A_1133 = arith.cmpi ne, %rem3A_1131, %ne3A_1132 : i32
    %lt3A_1134 = arith.constant 0 : i32
    %lt3A_1135 = arith.cmpi slt, %rem3A_1131, %lt3A_1134 : i32
    %lt3A_1136 = arith.constant 0 : i32
    %lt3A_1137 = arith.cmpi slt, %select_n3A_1130, %lt3A_1136 : i32
    %ne3A_1138 = arith.xori %lt3A_1135, %lt3A_1137 : i1
    %and3A_1139 = arith.andi %ne3A_1138, %ne3A_1133 : i1
    %add3A_1140 = arith.addi %rem3A_1131, %select_n3A_1130 : i32
    %select_n3A_1141 = arith.select %and3A_1139, %add3A_1140, %rem3A_1131 : i32
    %mul3A_1142 = arith.constant 8 : i32
    %mul3A_1143 = arith.muli %select_n3A_1141, %mul3A_1142 : i32
    %add3A_1144 = arith.constant 2 : i32
    %add3A_1145 = arith.addi %select_n3A_1125, %add3A_1144 : i32
    %ge3A_1146 = arith.constant 18 : i32
    %ge3A_1147 = arith.cmpi sge, %select_n3A_1125, %ge3A_1146 : i32
    %jit3A_1148 = arith.constant 2 : i32
    %jit3A_1149 = arith.constant 0 : i32
    %select_n3A_1150 = arith.select %ge3A_1147, %jit3A_1148, %jit3A_1149 : i32
    %add3A_1151 = arith.addi %add3A_1145, %select_n3A_1150 : i32
    %lt3A_1152 = arith.constant 18 : i32
    %lt3A_1153 = arith.cmpi slt, %select_n3A_1125, %lt3A_1152 : i32
    %mul3A_1154 = arith.constant 6 : i32
    %mul3A_1155 = arith.muli %select_n3A_1125, %mul3A_1154 : i32
    %add3A_1156 = arith.constant 2 : i32
    %add3A_1157 = arith.addi %mul3A_1155, %add3A_1156 : i32
    %sub3A_1158 = arith.constant 18 : i32
    %sub3A_1159 = arith.subi %select_n3A_1125, %sub3A_1158 : i32
    %mul3A_1160 = arith.constant 6 : i32
    %mul3A_1161 = arith.muli %sub3A_1159, %mul3A_1160 : i32
    %add3A_1162 = arith.constant 5 : i32
    %add3A_1163 = arith.addi %mul3A_1161, %add3A_1162 : i32
    %select_n3A_1164 = arith.select %lt3A_1153, %add3A_1157, %add3A_1163 : i32
    %dma_wait3A_1165 = arith.constant 0 : i32
    %dma_wait3A_1166 = arith.constant 0 : i32
    %dma_wait3A_1167 = arith.constant 0 : i32
    %dma_wait3A_1168 = tpu.memref_slice %arg2[%select_n3A, %dma_wait3A_1165, %dma_wait3A_1166, %dma_wait3A_1167] : memref<4x40x32x2048xf32, #tpu.memory_space<hbm>> -> memref<1x1x8x2048xf32, #tpu.memory_space<hbm>>
    %dma_wait3A_1169 = tpu.memref_squeeze %dma_wait3A_1168 : memref<1x1x8x2048xf32, #tpu.memory_space<hbm>> -> memref<8x2048xf32, #tpu.memory_space<hbm>>
    %dma_wait3A_1170 = arith.constant 0 : i32
    %dma_wait3A_1171 = arith.constant 0 : i32
    %dma_wait3A_1172 = tpu.memref_slice %arg2[%select_n3A, %dma_wait3A_1165, %dma_wait3A_1170, %dma_wait3A_1171] : memref<4x40x32x2048xf32, #tpu.memory_space<hbm>> -> memref<1x1x8x2048xf32, #tpu.memory_space<hbm>>
    %dma_wait3A_1173 = tpu.memref_squeeze %dma_wait3A_1172 : memref<1x1x8x2048xf32, #tpu.memory_space<hbm>> -> memref<8x2048xf32, #tpu.memory_space<hbm>>
    tpu.wait_dma2 semaphore(%arg16 : memref<!tpu.dma_semaphore, #tpu.memory_space<semaphore_mem>>) src(%dma_wait3A_1173 : memref<8x2048xf32, #tpu.memory_space<hbm>>) dst(%arg9 : memref<8x2048xf32, #tpu.memory_space<vmem>>)
    %dma_start3A_1174 = arith.constant 0 : i32
    %dma_start3A_1175 = tpu.memref_slice %arg3[%select_n3A, %select_n3A_1164, %mul3A_1143, %dma_start3A_1174] : memref<4x108x32x2048xf32, #tpu.memory_space<hbm>> -> memref<1x1x8x2048xf32, #tpu.memory_space<hbm>>
    %dma_start3A_1176 = tpu.memref_squeeze %dma_start3A_1175 : memref<1x1x8x2048xf32, #tpu.memory_space<hbm>> -> memref<8x2048xf32, #tpu.memory_space<hbm>>
    %dma_start3A_1177 = arith.constant 0 : i32
    %dma_start3A_1178 = tpu.memref_slice %arg3[%select_n3A, %select_n3A_1164, %mul3A_1143, %dma_start3A_1177] : memref<4x108x32x2048xf32, #tpu.memory_space<hbm>> -> memref<1x1x8x2048xf32, #tpu.memory_space<hbm>>
    %dma_start3A_1179 = tpu.memref_squeeze %dma_start3A_1178 : memref<1x1x8x2048xf32, #tpu.memory_space<hbm>> -> memref<8x2048xf32, #tpu.memory_space<hbm>>
    tpu.enqueue_dma source(%arg9 : memref<8x2048xf32, #tpu.memory_space<vmem>>) target(%dma_start3A_1179 : memref<8x2048xf32, #tpu.memory_space<hbm>>) target_semaphore(%arg21 : memref<!tpu.dma_semaphore, #tpu.memory_space<semaphore_mem>>)
    %dma_wait3A_1180 = arith.constant 0 : i32
    %dma_wait3A_1181 = arith.constant 0 : i32
    %dma_wait3A_1182 = arith.constant 0 : i32
    %dma_wait3A_1183 = tpu.memref_slice %arg3[%select_n3A, %dma_wait3A_1180, %dma_wait3A_1181, %dma_wait3A_1182] : memref<4x108x32x2048xf32, #tpu.memory_space<hbm>> -> memref<1x1x8x2048xf32, #tpu.memory_space<hbm>>
    %dma_wait3A_1184 = tpu.memref_squeeze %dma_wait3A_1183 : memref<1x1x8x2048xf32, #tpu.memory_space<hbm>> -> memref<8x2048xf32, #tpu.memory_space<hbm>>
    %dma_wait3A_1185 = arith.constant 0 : i32
    %dma_wait3A_1186 = arith.constant 0 : i32
    %dma_wait3A_1187 = tpu.memref_slice %arg3[%select_n3A, %dma_wait3A_1180, %dma_wait3A_1185, %dma_wait3A_1186] : memref<4x108x32x2048xf32, #tpu.memory_space<hbm>> -> memref<1x1x8x2048xf32, #tpu.memory_space<hbm>>
    %dma_wait3A_1188 = tpu.memref_squeeze %dma_wait3A_1187 : memref<1x1x8x2048xf32, #tpu.memory_space<hbm>> -> memref<8x2048xf32, #tpu.memory_space<hbm>>
    tpu.wait_dma2 semaphore(%arg19 : memref<!tpu.dma_semaphore, #tpu.memory_space<semaphore_mem>>) src(%arg7 : memref<8x2048xf32, #tpu.memory_space<vmem>>) dst(%dma_wait3A_1188 : memref<8x2048xf32, #tpu.memory_space<hbm>>)
    %mul3A_1189 = arith.constant 18 : i32
    %mul3A_1190 = arith.muli %select_n3A_30, %mul3A_1189 : i32
    %add3A_1191 = arith.constant 7 : i32
    %add3A_1192 = arith.addi %mul3A_1190, %add3A_1191 : i32
    %jit3A_1193 = arith.constant 4 : i32
    %div3A_1194 = arith.divsi %add3A_1192, %jit3A_1193 : i32
    %sign3A_1195 = arith.constant 0 : i32
    %sign3A_1196 = arith.cmpi sgt, %add3A_1192, %sign3A_1195 : i32
    %sign3A_1197 = arith.extui %sign3A_1196 : i1 to i32
    %sign3A_1198 = arith.constant 0 : i32
    %sign3A_1199 = arith.cmpi slt, %add3A_1192, %sign3A_1198 : i32
    %sign3A_1200 = arith.extui %sign3A_1199 : i1 to i32
    %sign3A_1201 = arith.subi %sign3A_1197, %sign3A_1200 : i32
    %sign3A_1202 = arith.constant 0 : i32
    %sign3A_1203 = arith.cmpi sgt, %jit3A_1193, %sign3A_1202 : i32
    %sign3A_1204 = arith.extui %sign3A_1203 : i1 to i32
    %sign3A_1205 = arith.constant 0 : i32
    %sign3A_1206 = arith.cmpi slt, %jit3A_1193, %sign3A_1205 : i32
    %sign3A_1207 = arith.extui %sign3A_1206 : i1 to i32
    %sign3A_1208 = arith.subi %sign3A_1204, %sign3A_1207 : i32
    %ne3A_1209 = arith.cmpi ne, %sign3A_1201, %sign3A_1208 : i32
    %rem3A_1210 = arith.remsi %add3A_1192, %jit3A_1193 : i32
    %ne3A_1211 = arith.constant 0 : i32
    %ne3A_1212 = arith.cmpi ne, %rem3A_1210, %ne3A_1211 : i32
    %and3A_1213 = arith.andi %ne3A_1209, %ne3A_1212 : i1
    %sub3A_1214 = arith.constant 1 : i32
    %sub3A_1215 = arith.subi %div3A_1194, %sub3A_1214 : i32
    %select_n3A_1216 = arith.select %and3A_1213, %sub3A_1215, %div3A_1194 : i32
    %jit3A_1217 = arith.constant 4 : i32
    %eq3A_1218 = arith.constant 0 : i32
    %eq3A_1219 = arith.cmpi eq, %jit3A_1217, %eq3A_1218 : i32
    %jit3A_1220 = arith.constant 1 : i32
    %select_n3A_1221 = arith.select %eq3A_1219, %jit3A_1220, %jit3A_1217 : i32
    %rem3A_1222 = arith.remsi %add3A_1192, %select_n3A_1221 : i32
    %ne3A_1223 = arith.constant 0 : i32
    %ne3A_1224 = arith.cmpi ne, %rem3A_1222, %ne3A_1223 : i32
    %lt3A_1225 = arith.constant 0 : i32
    %lt3A_1226 = arith.cmpi slt, %rem3A_1222, %lt3A_1225 : i32
    %lt3A_1227 = arith.constant 0 : i32
    %lt3A_1228 = arith.cmpi slt, %select_n3A_1221, %lt3A_1227 : i32
    %ne3A_1229 = arith.xori %lt3A_1226, %lt3A_1228 : i1
    %and3A_1230 = arith.andi %ne3A_1229, %ne3A_1224 : i1
    %add3A_1231 = arith.addi %rem3A_1222, %select_n3A_1221 : i32
    %select_n3A_1232 = arith.select %and3A_1230, %add3A_1231, %rem3A_1222 : i32
    %mul3A_1233 = arith.constant 8 : i32
    %mul3A_1234 = arith.muli %select_n3A_1232, %mul3A_1233 : i32
    %add3A_1235 = arith.constant 2 : i32
    %add3A_1236 = arith.addi %select_n3A_1216, %add3A_1235 : i32
    %ge3A_1237 = arith.constant 18 : i32
    %ge3A_1238 = arith.cmpi sge, %select_n3A_1216, %ge3A_1237 : i32
    %jit3A_1239 = arith.constant 2 : i32
    %jit3A_1240 = arith.constant 0 : i32
    %select_n3A_1241 = arith.select %ge3A_1238, %jit3A_1239, %jit3A_1240 : i32
    %add3A_1242 = arith.addi %add3A_1236, %select_n3A_1241 : i32
    %lt3A_1243 = arith.constant 18 : i32
    %lt3A_1244 = arith.cmpi slt, %select_n3A_1216, %lt3A_1243 : i32
    %mul3A_1245 = arith.constant 6 : i32
    %mul3A_1246 = arith.muli %select_n3A_1216, %mul3A_1245 : i32
    %add3A_1247 = arith.constant 2 : i32
    %add3A_1248 = arith.addi %mul3A_1246, %add3A_1247 : i32
    %sub3A_1249 = arith.constant 18 : i32
    %sub3A_1250 = arith.subi %select_n3A_1216, %sub3A_1249 : i32
    %mul3A_1251 = arith.constant 6 : i32
    %mul3A_1252 = arith.muli %sub3A_1250, %mul3A_1251 : i32
    %add3A_1253 = arith.constant 5 : i32
    %add3A_1254 = arith.addi %mul3A_1252, %add3A_1253 : i32
    %select_n3A_1255 = arith.select %lt3A_1244, %add3A_1248, %add3A_1254 : i32
    %dma_start3A_1256 = arith.constant 0 : i32
    %dma_start3A_1257 = tpu.memref_slice %arg2[%select_n3A, %add3A_1242, %mul3A_1234, %dma_start3A_1256] : memref<4x40x32x2048xf32, #tpu.memory_space<hbm>> -> memref<1x1x8x2048xf32, #tpu.memory_space<hbm>>
    %dma_start3A_1258 = tpu.memref_squeeze %dma_start3A_1257 : memref<1x1x8x2048xf32, #tpu.memory_space<hbm>> -> memref<8x2048xf32, #tpu.memory_space<hbm>>
    %dma_start3A_1259 = arith.constant 0 : i32
    %dma_start3A_1260 = tpu.memref_slice %arg2[%select_n3A, %add3A_1242, %mul3A_1234, %dma_start3A_1259] : memref<4x40x32x2048xf32, #tpu.memory_space<hbm>> -> memref<1x1x8x2048xf32, #tpu.memory_space<hbm>>
    %dma_start3A_1261 = tpu.memref_squeeze %dma_start3A_1260 : memref<1x1x8x2048xf32, #tpu.memory_space<hbm>> -> memref<8x2048xf32, #tpu.memory_space<hbm>>
    tpu.enqueue_dma source(%dma_start3A_1261 : memref<8x2048xf32, #tpu.memory_space<hbm>>) target(%arg7 : memref<8x2048xf32, #tpu.memory_space<vmem>>) target_semaphore(%arg14 : memref<!tpu.dma_semaphore, #tpu.memory_space<semaphore_mem>>)
    %mul3A_1262 = arith.constant 18 : i32
    %mul3A_1263 = arith.muli %select_n3A_30, %mul3A_1262 : i32
    %add3A_1264 = arith.constant 5 : i32
    %add3A_1265 = arith.addi %mul3A_1263, %add3A_1264 : i32
    %jit3A_1266 = arith.constant 4 : i32
    %div3A_1267 = arith.divsi %add3A_1265, %jit3A_1266 : i32
    %sign3A_1268 = arith.constant 0 : i32
    %sign3A_1269 = arith.cmpi sgt, %add3A_1265, %sign3A_1268 : i32
    %sign3A_1270 = arith.extui %sign3A_1269 : i1 to i32
    %sign3A_1271 = arith.constant 0 : i32
    %sign3A_1272 = arith.cmpi slt, %add3A_1265, %sign3A_1271 : i32
    %sign3A_1273 = arith.extui %sign3A_1272 : i1 to i32
    %sign3A_1274 = arith.subi %sign3A_1270, %sign3A_1273 : i32
    %sign3A_1275 = arith.constant 0 : i32
    %sign3A_1276 = arith.cmpi sgt, %jit3A_1266, %sign3A_1275 : i32
    %sign3A_1277 = arith.extui %sign3A_1276 : i1 to i32
    %sign3A_1278 = arith.constant 0 : i32
    %sign3A_1279 = arith.cmpi slt, %jit3A_1266, %sign3A_1278 : i32
    %sign3A_1280 = arith.extui %sign3A_1279 : i1 to i32
    %sign3A_1281 = arith.subi %sign3A_1277, %sign3A_1280 : i32
    %ne3A_1282 = arith.cmpi ne, %sign3A_1274, %sign3A_1281 : i32
    %rem3A_1283 = arith.remsi %add3A_1265, %jit3A_1266 : i32
    %ne3A_1284 = arith.constant 0 : i32
    %ne3A_1285 = arith.cmpi ne, %rem3A_1283, %ne3A_1284 : i32
    %and3A_1286 = arith.andi %ne3A_1282, %ne3A_1285 : i1
    %sub3A_1287 = arith.constant 1 : i32
    %sub3A_1288 = arith.subi %div3A_1267, %sub3A_1287 : i32
    %select_n3A_1289 = arith.select %and3A_1286, %sub3A_1288, %div3A_1267 : i32
    %jit3A_1290 = arith.constant 4 : i32
    %eq3A_1291 = arith.constant 0 : i32
    %eq3A_1292 = arith.cmpi eq, %jit3A_1290, %eq3A_1291 : i32
    %jit3A_1293 = arith.constant 1 : i32
    %select_n3A_1294 = arith.select %eq3A_1292, %jit3A_1293, %jit3A_1290 : i32
    %rem3A_1295 = arith.remsi %add3A_1265, %select_n3A_1294 : i32
    %ne3A_1296 = arith.constant 0 : i32
    %ne3A_1297 = arith.cmpi ne, %rem3A_1295, %ne3A_1296 : i32
    %lt3A_1298 = arith.constant 0 : i32
    %lt3A_1299 = arith.cmpi slt, %rem3A_1295, %lt3A_1298 : i32
    %lt3A_1300 = arith.constant 0 : i32
    %lt3A_1301 = arith.cmpi slt, %select_n3A_1294, %lt3A_1300 : i32
    %ne3A_1302 = arith.xori %lt3A_1299, %lt3A_1301 : i1
    %and3A_1303 = arith.andi %ne3A_1302, %ne3A_1297 : i1
    %add3A_1304 = arith.addi %rem3A_1295, %select_n3A_1294 : i32
    %select_n3A_1305 = arith.select %and3A_1303, %add3A_1304, %rem3A_1295 : i32
    %mul3A_1306 = arith.constant 8 : i32
    %mul3A_1307 = arith.muli %select_n3A_1305, %mul3A_1306 : i32
    %add3A_1308 = arith.constant 2 : i32
    %add3A_1309 = arith.addi %select_n3A_1289, %add3A_1308 : i32
    %ge3A_1310 = arith.constant 18 : i32
    %ge3A_1311 = arith.cmpi sge, %select_n3A_1289, %ge3A_1310 : i32
    %jit3A_1312 = arith.constant 2 : i32
    %jit3A_1313 = arith.constant 0 : i32
    %select_n3A_1314 = arith.select %ge3A_1311, %jit3A_1312, %jit3A_1313 : i32
    %add3A_1315 = arith.addi %add3A_1309, %select_n3A_1314 : i32
    %lt3A_1316 = arith.constant 18 : i32
    %lt3A_1317 = arith.cmpi slt, %select_n3A_1289, %lt3A_1316 : i32
    %mul3A_1318 = arith.constant 6 : i32
    %mul3A_1319 = arith.muli %select_n3A_1289, %mul3A_1318 : i32
    %add3A_1320 = arith.constant 2 : i32
    %add3A_1321 = arith.addi %mul3A_1319, %add3A_1320 : i32
    %sub3A_1322 = arith.constant 18 : i32
    %sub3A_1323 = arith.subi %select_n3A_1289, %sub3A_1322 : i32
    %mul3A_1324 = arith.constant 6 : i32
    %mul3A_1325 = arith.muli %sub3A_1323, %mul3A_1324 : i32
    %add3A_1326 = arith.constant 5 : i32
    %add3A_1327 = arith.addi %mul3A_1325, %add3A_1326 : i32
    %select_n3A_1328 = arith.select %lt3A_1317, %add3A_1321, %add3A_1327 : i32
    %dma_wait3A_1329 = arith.constant 0 : i32
    %dma_wait3A_1330 = arith.constant 0 : i32
    %dma_wait3A_1331 = arith.constant 0 : i32
    %dma_wait3A_1332 = tpu.memref_slice %arg2[%select_n3A, %dma_wait3A_1329, %dma_wait3A_1330, %dma_wait3A_1331] : memref<4x40x32x2048xf32, #tpu.memory_space<hbm>> -> memref<1x1x8x2048xf32, #tpu.memory_space<hbm>>
    %dma_wait3A_1333 = tpu.memref_squeeze %dma_wait3A_1332 : memref<1x1x8x2048xf32, #tpu.memory_space<hbm>> -> memref<8x2048xf32, #tpu.memory_space<hbm>>
    %dma_wait3A_1334 = arith.constant 0 : i32
    %dma_wait3A_1335 = arith.constant 0 : i32
    %dma_wait3A_1336 = tpu.memref_slice %arg2[%select_n3A, %dma_wait3A_1329, %dma_wait3A_1334, %dma_wait3A_1335] : memref<4x40x32x2048xf32, #tpu.memory_space<hbm>> -> memref<1x1x8x2048xf32, #tpu.memory_space<hbm>>
    %dma_wait3A_1337 = tpu.memref_squeeze %dma_wait3A_1336 : memref<1x1x8x2048xf32, #tpu.memory_space<hbm>> -> memref<8x2048xf32, #tpu.memory_space<hbm>>
    tpu.wait_dma2 semaphore(%arg12 : memref<!tpu.dma_semaphore, #tpu.memory_space<semaphore_mem>>) src(%dma_wait3A_1337 : memref<8x2048xf32, #tpu.memory_space<hbm>>) dst(%arg5 : memref<8x2048xf32, #tpu.memory_space<vmem>>)
    %dma_start3A_1338 = arith.constant 0 : i32
    %dma_start3A_1339 = tpu.memref_slice %arg3[%select_n3A, %select_n3A_1328, %mul3A_1307, %dma_start3A_1338] : memref<4x108x32x2048xf32, #tpu.memory_space<hbm>> -> memref<1x1x8x2048xf32, #tpu.memory_space<hbm>>
    %dma_start3A_1340 = tpu.memref_squeeze %dma_start3A_1339 : memref<1x1x8x2048xf32, #tpu.memory_space<hbm>> -> memref<8x2048xf32, #tpu.memory_space<hbm>>
    %dma_start3A_1341 = arith.constant 0 : i32
    %dma_start3A_1342 = tpu.memref_slice %arg3[%select_n3A, %select_n3A_1328, %mul3A_1307, %dma_start3A_1341] : memref<4x108x32x2048xf32, #tpu.memory_space<hbm>> -> memref<1x1x8x2048xf32, #tpu.memory_space<hbm>>
    %dma_start3A_1343 = tpu.memref_squeeze %dma_start3A_1342 : memref<1x1x8x2048xf32, #tpu.memory_space<hbm>> -> memref<8x2048xf32, #tpu.memory_space<hbm>>
    tpu.enqueue_dma source(%arg5 : memref<8x2048xf32, #tpu.memory_space<vmem>>) target(%dma_start3A_1343 : memref<8x2048xf32, #tpu.memory_space<hbm>>) target_semaphore(%arg17 : memref<!tpu.dma_semaphore, #tpu.memory_space<semaphore_mem>>)
    %dma_wait3A_1344 = arith.constant 0 : i32
    %dma_wait3A_1345 = arith.constant 0 : i32
    %dma_wait3A_1346 = arith.constant 0 : i32
    %dma_wait3A_1347 = tpu.memref_slice %arg3[%select_n3A, %dma_wait3A_1344, %dma_wait3A_1345, %dma_wait3A_1346] : memref<4x108x32x2048xf32, #tpu.memory_space<hbm>> -> memref<1x1x8x2048xf32, #tpu.memory_space<hbm>>
    %dma_wait3A_1348 = tpu.memref_squeeze %dma_wait3A_1347 : memref<1x1x8x2048xf32, #tpu.memory_space<hbm>> -> memref<8x2048xf32, #tpu.memory_space<hbm>>
    %dma_wait3A_1349 = arith.constant 0 : i32
    %dma_wait3A_1350 = arith.constant 0 : i32
    %dma_wait3A_1351 = tpu.memref_slice %arg3[%select_n3A, %dma_wait3A_1344, %dma_wait3A_1349, %dma_wait3A_1350] : memref<4x108x32x2048xf32, #tpu.memory_space<hbm>> -> memref<1x1x8x2048xf32, #tpu.memory_space<hbm>>
    %dma_wait3A_1352 = tpu.memref_squeeze %dma_wait3A_1351 : memref<1x1x8x2048xf32, #tpu.memory_space<hbm>> -> memref<8x2048xf32, #tpu.memory_space<hbm>>
    tpu.wait_dma2 semaphore(%arg20 : memref<!tpu.dma_semaphore, #tpu.memory_space<semaphore_mem>>) src(%arg8 : memref<8x2048xf32, #tpu.memory_space<vmem>>) dst(%dma_wait3A_1352 : memref<8x2048xf32, #tpu.memory_space<hbm>>)
    %mul3A_1353 = arith.constant 18 : i32
    %mul3A_1354 = arith.muli %select_n3A_30, %mul3A_1353 : i32
    %add3A_1355 = arith.constant 8 : i32
    %add3A_1356 = arith.addi %mul3A_1354, %add3A_1355 : i32
    %jit3A_1357 = arith.constant 4 : i32
    %div3A_1358 = arith.divsi %add3A_1356, %jit3A_1357 : i32
    %sign3A_1359 = arith.constant 0 : i32
    %sign3A_1360 = arith.cmpi sgt, %add3A_1356, %sign3A_1359 : i32
    %sign3A_1361 = arith.extui %sign3A_1360 : i1 to i32
    %sign3A_1362 = arith.constant 0 : i32
    %sign3A_1363 = arith.cmpi slt, %add3A_1356, %sign3A_1362 : i32
    %sign3A_1364 = arith.extui %sign3A_1363 : i1 to i32
    %sign3A_1365 = arith.subi %sign3A_1361, %sign3A_1364 : i32
    %sign3A_1366 = arith.constant 0 : i32
    %sign3A_1367 = arith.cmpi sgt, %jit3A_1357, %sign3A_1366 : i32
    %sign3A_1368 = arith.extui %sign3A_1367 : i1 to i32
    %sign3A_1369 = arith.constant 0 : i32
    %sign3A_1370 = arith.cmpi slt, %jit3A_1357, %sign3A_1369 : i32
    %sign3A_1371 = arith.extui %sign3A_1370 : i1 to i32
    %sign3A_1372 = arith.subi %sign3A_1368, %sign3A_1371 : i32
    %ne3A_1373 = arith.cmpi ne, %sign3A_1365, %sign3A_1372 : i32
    %rem3A_1374 = arith.remsi %add3A_1356, %jit3A_1357 : i32
    %ne3A_1375 = arith.constant 0 : i32
    %ne3A_1376 = arith.cmpi ne, %rem3A_1374, %ne3A_1375 : i32
    %and3A_1377 = arith.andi %ne3A_1373, %ne3A_1376 : i1
    %sub3A_1378 = arith.constant 1 : i32
    %sub3A_1379 = arith.subi %div3A_1358, %sub3A_1378 : i32
    %select_n3A_1380 = arith.select %and3A_1377, %sub3A_1379, %div3A_1358 : i32
    %jit3A_1381 = arith.constant 4 : i32
    %eq3A_1382 = arith.constant 0 : i32
    %eq3A_1383 = arith.cmpi eq, %jit3A_1381, %eq3A_1382 : i32
    %jit3A_1384 = arith.constant 1 : i32
    %select_n3A_1385 = arith.select %eq3A_1383, %jit3A_1384, %jit3A_1381 : i32
    %rem3A_1386 = arith.remsi %add3A_1356, %select_n3A_1385 : i32
    %ne3A_1387 = arith.constant 0 : i32
    %ne3A_1388 = arith.cmpi ne, %rem3A_1386, %ne3A_1387 : i32
    %lt3A_1389 = arith.constant 0 : i32
    %lt3A_1390 = arith.cmpi slt, %rem3A_1386, %lt3A_1389 : i32
    %lt3A_1391 = arith.constant 0 : i32
    %lt3A_1392 = arith.cmpi slt, %select_n3A_1385, %lt3A_1391 : i32
    %ne3A_1393 = arith.xori %lt3A_1390, %lt3A_1392 : i1
    %and3A_1394 = arith.andi %ne3A_1393, %ne3A_1388 : i1
    %add3A_1395 = arith.addi %rem3A_1386, %select_n3A_1385 : i32
    %select_n3A_1396 = arith.select %and3A_1394, %add3A_1395, %rem3A_1386 : i32
    %mul3A_1397 = arith.constant 8 : i32
    %mul3A_1398 = arith.muli %select_n3A_1396, %mul3A_1397 : i32
    %add3A_1399 = arith.constant 2 : i32
    %add3A_1400 = arith.addi %select_n3A_1380, %add3A_1399 : i32
    %ge3A_1401 = arith.constant 18 : i32
    %ge3A_1402 = arith.cmpi sge, %select_n3A_1380, %ge3A_1401 : i32
    %jit3A_1403 = arith.constant 2 : i32
    %jit3A_1404 = arith.constant 0 : i32
    %select_n3A_1405 = arith.select %ge3A_1402, %jit3A_1403, %jit3A_1404 : i32
    %add3A_1406 = arith.addi %add3A_1400, %select_n3A_1405 : i32
    %lt3A_1407 = arith.constant 18 : i32
    %lt3A_1408 = arith.cmpi slt, %select_n3A_1380, %lt3A_1407 : i32
    %mul3A_1409 = arith.constant 6 : i32
    %mul3A_1410 = arith.muli %select_n3A_1380, %mul3A_1409 : i32
    %add3A_1411 = arith.constant 2 : i32
    %add3A_1412 = arith.addi %mul3A_1410, %add3A_1411 : i32
    %sub3A_1413 = arith.constant 18 : i32
    %sub3A_1414 = arith.subi %select_n3A_1380, %sub3A_1413 : i32
    %mul3A_1415 = arith.constant 6 : i32
    %mul3A_1416 = arith.muli %sub3A_1414, %mul3A_1415 : i32
    %add3A_1417 = arith.constant 5 : i32
    %add3A_1418 = arith.addi %mul3A_1416, %add3A_1417 : i32
    %select_n3A_1419 = arith.select %lt3A_1408, %add3A_1412, %add3A_1418 : i32
    %dma_start3A_1420 = arith.constant 0 : i32
    %dma_start3A_1421 = tpu.memref_slice %arg2[%select_n3A, %add3A_1406, %mul3A_1398, %dma_start3A_1420] : memref<4x40x32x2048xf32, #tpu.memory_space<hbm>> -> memref<1x1x8x2048xf32, #tpu.memory_space<hbm>>
    %dma_start3A_1422 = tpu.memref_squeeze %dma_start3A_1421 : memref<1x1x8x2048xf32, #tpu.memory_space<hbm>> -> memref<8x2048xf32, #tpu.memory_space<hbm>>
    %dma_start3A_1423 = arith.constant 0 : i32
    %dma_start3A_1424 = tpu.memref_slice %arg2[%select_n3A, %add3A_1406, %mul3A_1398, %dma_start3A_1423] : memref<4x40x32x2048xf32, #tpu.memory_space<hbm>> -> memref<1x1x8x2048xf32, #tpu.memory_space<hbm>>
    %dma_start3A_1425 = tpu.memref_squeeze %dma_start3A_1424 : memref<1x1x8x2048xf32, #tpu.memory_space<hbm>> -> memref<8x2048xf32, #tpu.memory_space<hbm>>
    tpu.enqueue_dma source(%dma_start3A_1425 : memref<8x2048xf32, #tpu.memory_space<hbm>>) target(%arg8 : memref<8x2048xf32, #tpu.memory_space<vmem>>) target_semaphore(%arg15 : memref<!tpu.dma_semaphore, #tpu.memory_space<semaphore_mem>>)
    %mul3A_1426 = arith.constant 18 : i32
    %mul3A_1427 = arith.muli %select_n3A_30, %mul3A_1426 : i32
    %add3A_1428 = arith.constant 6 : i32
    %add3A_1429 = arith.addi %mul3A_1427, %add3A_1428 : i32
    %jit3A_1430 = arith.constant 4 : i32
    %div3A_1431 = arith.divsi %add3A_1429, %jit3A_1430 : i32
    %sign3A_1432 = arith.constant 0 : i32
    %sign3A_1433 = arith.cmpi sgt, %add3A_1429, %sign3A_1432 : i32
    %sign3A_1434 = arith.extui %sign3A_1433 : i1 to i32
    %sign3A_1435 = arith.constant 0 : i32
    %sign3A_1436 = arith.cmpi slt, %add3A_1429, %sign3A_1435 : i32
    %sign3A_1437 = arith.extui %sign3A_1436 : i1 to i32
    %sign3A_1438 = arith.subi %sign3A_1434, %sign3A_1437 : i32
    %sign3A_1439 = arith.constant 0 : i32
    %sign3A_1440 = arith.cmpi sgt, %jit3A_1430, %sign3A_1439 : i32
    %sign3A_1441 = arith.extui %sign3A_1440 : i1 to i32
    %sign3A_1442 = arith.constant 0 : i32
    %sign3A_1443 = arith.cmpi slt, %jit3A_1430, %sign3A_1442 : i32
    %sign3A_1444 = arith.extui %sign3A_1443 : i1 to i32
    %sign3A_1445 = arith.subi %sign3A_1441, %sign3A_1444 : i32
    %ne3A_1446 = arith.cmpi ne, %sign3A_1438, %sign3A_1445 : i32
    %rem3A_1447 = arith.remsi %add3A_1429, %jit3A_1430 : i32
    %ne3A_1448 = arith.constant 0 : i32
    %ne3A_1449 = arith.cmpi ne, %rem3A_1447, %ne3A_1448 : i32
    %and3A_1450 = arith.andi %ne3A_1446, %ne3A_1449 : i1
    %sub3A_1451 = arith.constant 1 : i32
    %sub3A_1452 = arith.subi %div3A_1431, %sub3A_1451 : i32
    %select_n3A_1453 = arith.select %and3A_1450, %sub3A_1452, %div3A_1431 : i32
    %jit3A_1454 = arith.constant 4 : i32
    %eq3A_1455 = arith.constant 0 : i32
    %eq3A_1456 = arith.cmpi eq, %jit3A_1454, %eq3A_1455 : i32
    %jit3A_1457 = arith.constant 1 : i32
    %select_n3A_1458 = arith.select %eq3A_1456, %jit3A_1457, %jit3A_1454 : i32
    %rem3A_1459 = arith.remsi %add3A_1429, %select_n3A_1458 : i32
    %ne3A_1460 = arith.constant 0 : i32
    %ne3A_1461 = arith.cmpi ne, %rem3A_1459, %ne3A_1460 : i32
    %lt3A_1462 = arith.constant 0 : i32
    %lt3A_1463 = arith.cmpi slt, %rem3A_1459, %lt3A_1462 : i32
    %lt3A_1464 = arith.constant 0 : i32
    %lt3A_1465 = arith.cmpi slt, %select_n3A_1458, %lt3A_1464 : i32
    %ne3A_1466 = arith.xori %lt3A_1463, %lt3A_1465 : i1
    %and3A_1467 = arith.andi %ne3A_1466, %ne3A_1461 : i1
    %add3A_1468 = arith.addi %rem3A_1459, %select_n3A_1458 : i32
    %select_n3A_1469 = arith.select %and3A_1467, %add3A_1468, %rem3A_1459 : i32
    %mul3A_1470 = arith.constant 8 : i32
    %mul3A_1471 = arith.muli %select_n3A_1469, %mul3A_1470 : i32
    %add3A_1472 = arith.constant 2 : i32
    %add3A_1473 = arith.addi %select_n3A_1453, %add3A_1472 : i32
    %ge3A_1474 = arith.constant 18 : i32
    %ge3A_1475 = arith.cmpi sge, %select_n3A_1453, %ge3A_1474 : i32
    %jit3A_1476 = arith.constant 2 : i32
    %jit3A_1477 = arith.constant 0 : i32
    %select_n3A_1478 = arith.select %ge3A_1475, %jit3A_1476, %jit3A_1477 : i32
    %add3A_1479 = arith.addi %add3A_1473, %select_n3A_1478 : i32
    %lt3A_1480 = arith.constant 18 : i32
    %lt3A_1481 = arith.cmpi slt, %select_n3A_1453, %lt3A_1480 : i32
    %mul3A_1482 = arith.constant 6 : i32
    %mul3A_1483 = arith.muli %select_n3A_1453, %mul3A_1482 : i32
    %add3A_1484 = arith.constant 2 : i32
    %add3A_1485 = arith.addi %mul3A_1483, %add3A_1484 : i32
    %sub3A_1486 = arith.constant 18 : i32
    %sub3A_1487 = arith.subi %select_n3A_1453, %sub3A_1486 : i32
    %mul3A_1488 = arith.constant 6 : i32
    %mul3A_1489 = arith.muli %sub3A_1487, %mul3A_1488 : i32
    %add3A_1490 = arith.constant 5 : i32
    %add3A_1491 = arith.addi %mul3A_1489, %add3A_1490 : i32
    %select_n3A_1492 = arith.select %lt3A_1481, %add3A_1485, %add3A_1491 : i32
    %dma_wait3A_1493 = arith.constant 0 : i32
    %dma_wait3A_1494 = arith.constant 0 : i32
    %dma_wait3A_1495 = arith.constant 0 : i32
    %dma_wait3A_1496 = tpu.memref_slice %arg2[%select_n3A, %dma_wait3A_1493, %dma_wait3A_1494, %dma_wait3A_1495] : memref<4x40x32x2048xf32, #tpu.memory_space<hbm>> -> memref<1x1x8x2048xf32, #tpu.memory_space<hbm>>
    %dma_wait3A_1497 = tpu.memref_squeeze %dma_wait3A_1496 : memref<1x1x8x2048xf32, #tpu.memory_space<hbm>> -> memref<8x2048xf32, #tpu.memory_space<hbm>>
    %dma_wait3A_1498 = arith.constant 0 : i32
    %dma_wait3A_1499 = arith.constant 0 : i32
    %dma_wait3A_1500 = tpu.memref_slice %arg2[%select_n3A, %dma_wait3A_1493, %dma_wait3A_1498, %dma_wait3A_1499] : memref<4x40x32x2048xf32, #tpu.memory_space<hbm>> -> memref<1x1x8x2048xf32, #tpu.memory_space<hbm>>
    %dma_wait3A_1501 = tpu.memref_squeeze %dma_wait3A_1500 : memref<1x1x8x2048xf32, #tpu.memory_space<hbm>> -> memref<8x2048xf32, #tpu.memory_space<hbm>>
    tpu.wait_dma2 semaphore(%arg13 : memref<!tpu.dma_semaphore, #tpu.memory_space<semaphore_mem>>) src(%dma_wait3A_1501 : memref<8x2048xf32, #tpu.memory_space<hbm>>) dst(%arg6 : memref<8x2048xf32, #tpu.memory_space<vmem>>)
    %dma_start3A_1502 = arith.constant 0 : i32
    %dma_start3A_1503 = tpu.memref_slice %arg3[%select_n3A, %select_n3A_1492, %mul3A_1471, %dma_start3A_1502] : memref<4x108x32x2048xf32, #tpu.memory_space<hbm>> -> memref<1x1x8x2048xf32, #tpu.memory_space<hbm>>
    %dma_start3A_1504 = tpu.memref_squeeze %dma_start3A_1503 : memref<1x1x8x2048xf32, #tpu.memory_space<hbm>> -> memref<8x2048xf32, #tpu.memory_space<hbm>>
    %dma_start3A_1505 = arith.constant 0 : i32
    %dma_start3A_1506 = tpu.memref_slice %arg3[%select_n3A, %select_n3A_1492, %mul3A_1471, %dma_start3A_1505] : memref<4x108x32x2048xf32, #tpu.memory_space<hbm>> -> memref<1x1x8x2048xf32, #tpu.memory_space<hbm>>
    %dma_start3A_1507 = tpu.memref_squeeze %dma_start3A_1506 : memref<1x1x8x2048xf32, #tpu.memory_space<hbm>> -> memref<8x2048xf32, #tpu.memory_space<hbm>>
    tpu.enqueue_dma source(%arg6 : memref<8x2048xf32, #tpu.memory_space<vmem>>) target(%dma_start3A_1507 : memref<8x2048xf32, #tpu.memory_space<hbm>>) target_semaphore(%arg18 : memref<!tpu.dma_semaphore, #tpu.memory_space<semaphore_mem>>)
    %dma_wait3A_1508 = arith.constant 0 : i32
    %dma_wait3A_1509 = arith.constant 0 : i32
    %dma_wait3A_1510 = arith.constant 0 : i32
    %dma_wait3A_1511 = tpu.memref_slice %arg3[%select_n3A, %dma_wait3A_1508, %dma_wait3A_1509, %dma_wait3A_1510] : memref<4x108x32x2048xf32, #tpu.memory_space<hbm>> -> memref<1x1x8x2048xf32, #tpu.memory_space<hbm>>
    %dma_wait3A_1512 = tpu.memref_squeeze %dma_wait3A_1511 : memref<1x1x8x2048xf32, #tpu.memory_space<hbm>> -> memref<8x2048xf32, #tpu.memory_space<hbm>>
    %dma_wait3A_1513 = arith.constant 0 : i32
    %dma_wait3A_1514 = arith.constant 0 : i32
    %dma_wait3A_1515 = tpu.memref_slice %arg3[%select_n3A, %dma_wait3A_1508, %dma_wait3A_1513, %dma_wait3A_1514] : memref<4x108x32x2048xf32, #tpu.memory_space<hbm>> -> memref<1x1x8x2048xf32, #tpu.memory_space<hbm>>
    %dma_wait3A_1516 = tpu.memref_squeeze %dma_wait3A_1515 : memref<1x1x8x2048xf32, #tpu.memory_space<hbm>> -> memref<8x2048xf32, #tpu.memory_space<hbm>>
    tpu.wait_dma2 semaphore(%arg21 : memref<!tpu.dma_semaphore, #tpu.memory_space<semaphore_mem>>) src(%arg9 : memref<8x2048xf32, #tpu.memory_space<vmem>>) dst(%dma_wait3A_1516 : memref<8x2048xf32, #tpu.memory_space<hbm>>)
    %mul3A_1517 = arith.constant 18 : i32
    %mul3A_1518 = arith.muli %select_n3A_30, %mul3A_1517 : i32
    %add3A_1519 = arith.constant 9 : i32
    %add3A_1520 = arith.addi %mul3A_1518, %add3A_1519 : i32
    %jit3A_1521 = arith.constant 4 : i32
    %div3A_1522 = arith.divsi %add3A_1520, %jit3A_1521 : i32
    %sign3A_1523 = arith.constant 0 : i32
    %sign3A_1524 = arith.cmpi sgt, %add3A_1520, %sign3A_1523 : i32
    %sign3A_1525 = arith.extui %sign3A_1524 : i1 to i32
    %sign3A_1526 = arith.constant 0 : i32
    %sign3A_1527 = arith.cmpi slt, %add3A_1520, %sign3A_1526 : i32
    %sign3A_1528 = arith.extui %sign3A_1527 : i1 to i32
    %sign3A_1529 = arith.subi %sign3A_1525, %sign3A_1528 : i32
    %sign3A_1530 = arith.constant 0 : i32
    %sign3A_1531 = arith.cmpi sgt, %jit3A_1521, %sign3A_1530 : i32
    %sign3A_1532 = arith.extui %sign3A_1531 : i1 to i32
    %sign3A_1533 = arith.constant 0 : i32
    %sign3A_1534 = arith.cmpi slt, %jit3A_1521, %sign3A_1533 : i32
    %sign3A_1535 = arith.extui %sign3A_1534 : i1 to i32
    %sign3A_1536 = arith.subi %sign3A_1532, %sign3A_1535 : i32
    %ne3A_1537 = arith.cmpi ne, %sign3A_1529, %sign3A_1536 : i32
    %rem3A_1538 = arith.remsi %add3A_1520, %jit3A_1521 : i32
    %ne3A_1539 = arith.constant 0 : i32
    %ne3A_1540 = arith.cmpi ne, %rem3A_1538, %ne3A_1539 : i32
    %and3A_1541 = arith.andi %ne3A_1537, %ne3A_1540 : i1
    %sub3A_1542 = arith.constant 1 : i32
    %sub3A_1543 = arith.subi %div3A_1522, %sub3A_1542 : i32
    %select_n3A_1544 = arith.select %and3A_1541, %sub3A_1543, %div3A_1522 : i32
    %jit3A_1545 = arith.constant 4 : i32
    %eq3A_1546 = arith.constant 0 : i32
    %eq3A_1547 = arith.cmpi eq, %jit3A_1545, %eq3A_1546 : i32
    %jit3A_1548 = arith.constant 1 : i32
    %select_n3A_1549 = arith.select %eq3A_1547, %jit3A_1548, %jit3A_1545 : i32
    %rem3A_1550 = arith.remsi %add3A_1520, %select_n3A_1549 : i32
    %ne3A_1551 = arith.constant 0 : i32
    %ne3A_1552 = arith.cmpi ne, %rem3A_1550, %ne3A_1551 : i32
    %lt3A_1553 = arith.constant 0 : i32
    %lt3A_1554 = arith.cmpi slt, %rem3A_1550, %lt3A_1553 : i32
    %lt3A_1555 = arith.constant 0 : i32
    %lt3A_1556 = arith.cmpi slt, %select_n3A_1549, %lt3A_1555 : i32
    %ne3A_1557 = arith.xori %lt3A_1554, %lt3A_1556 : i1
    %and3A_1558 = arith.andi %ne3A_1557, %ne3A_1552 : i1
    %add3A_1559 = arith.addi %rem3A_1550, %select_n3A_1549 : i32
    %select_n3A_1560 = arith.select %and3A_1558, %add3A_1559, %rem3A_1550 : i32
    %mul3A_1561 = arith.constant 8 : i32
    %mul3A_1562 = arith.muli %select_n3A_1560, %mul3A_1561 : i32
    %add3A_1563 = arith.constant 2 : i32
    %add3A_1564 = arith.addi %select_n3A_1544, %add3A_1563 : i32
    %ge3A_1565 = arith.constant 18 : i32
    %ge3A_1566 = arith.cmpi sge, %select_n3A_1544, %ge3A_1565 : i32
    %jit3A_1567 = arith.constant 2 : i32
    %jit3A_1568 = arith.constant 0 : i32
    %select_n3A_1569 = arith.select %ge3A_1566, %jit3A_1567, %jit3A_1568 : i32
    %add3A_1570 = arith.addi %add3A_1564, %select_n3A_1569 : i32
    %lt3A_1571 = arith.constant 18 : i32
    %lt3A_1572 = arith.cmpi slt, %select_n3A_1544, %lt3A_1571 : i32
    %mul3A_1573 = arith.constant 6 : i32
    %mul3A_1574 = arith.muli %select_n3A_1544, %mul3A_1573 : i32
    %add3A_1575 = arith.constant 2 : i32
    %add3A_1576 = arith.addi %mul3A_1574, %add3A_1575 : i32
    %sub3A_1577 = arith.constant 18 : i32
    %sub3A_1578 = arith.subi %select_n3A_1544, %sub3A_1577 : i32
    %mul3A_1579 = arith.constant 6 : i32
    %mul3A_1580 = arith.muli %sub3A_1578, %mul3A_1579 : i32
    %add3A_1581 = arith.constant 5 : i32
    %add3A_1582 = arith.addi %mul3A_1580, %add3A_1581 : i32
    %select_n3A_1583 = arith.select %lt3A_1572, %add3A_1576, %add3A_1582 : i32
    %dma_start3A_1584 = arith.constant 0 : i32
    %dma_start3A_1585 = tpu.memref_slice %arg2[%select_n3A, %add3A_1570, %mul3A_1562, %dma_start3A_1584] : memref<4x40x32x2048xf32, #tpu.memory_space<hbm>> -> memref<1x1x8x2048xf32, #tpu.memory_space<hbm>>
    %dma_start3A_1586 = tpu.memref_squeeze %dma_start3A_1585 : memref<1x1x8x2048xf32, #tpu.memory_space<hbm>> -> memref<8x2048xf32, #tpu.memory_space<hbm>>
    %dma_start3A_1587 = arith.constant 0 : i32
    %dma_start3A_1588 = tpu.memref_slice %arg2[%select_n3A, %add3A_1570, %mul3A_1562, %dma_start3A_1587] : memref<4x40x32x2048xf32, #tpu.memory_space<hbm>> -> memref<1x1x8x2048xf32, #tpu.memory_space<hbm>>
    %dma_start3A_1589 = tpu.memref_squeeze %dma_start3A_1588 : memref<1x1x8x2048xf32, #tpu.memory_space<hbm>> -> memref<8x2048xf32, #tpu.memory_space<hbm>>
    tpu.enqueue_dma source(%dma_start3A_1589 : memref<8x2048xf32, #tpu.memory_space<hbm>>) target(%arg9 : memref<8x2048xf32, #tpu.memory_space<vmem>>) target_semaphore(%arg16 : memref<!tpu.dma_semaphore, #tpu.memory_space<semaphore_mem>>)
    %mul3A_1590 = arith.constant 18 : i32
    %mul3A_1591 = arith.muli %select_n3A_30, %mul3A_1590 : i32
    %add3A_1592 = arith.constant 7 : i32
    %add3A_1593 = arith.addi %mul3A_1591, %add3A_1592 : i32
    %jit3A_1594 = arith.constant 4 : i32
    %div3A_1595 = arith.divsi %add3A_1593, %jit3A_1594 : i32
    %sign3A_1596 = arith.constant 0 : i32
    %sign3A_1597 = arith.cmpi sgt, %add3A_1593, %sign3A_1596 : i32
    %sign3A_1598 = arith.extui %sign3A_1597 : i1 to i32
    %sign3A_1599 = arith.constant 0 : i32
    %sign3A_1600 = arith.cmpi slt, %add3A_1593, %sign3A_1599 : i32
    %sign3A_1601 = arith.extui %sign3A_1600 : i1 to i32
    %sign3A_1602 = arith.subi %sign3A_1598, %sign3A_1601 : i32
    %sign3A_1603 = arith.constant 0 : i32
    %sign3A_1604 = arith.cmpi sgt, %jit3A_1594, %sign3A_1603 : i32
    %sign3A_1605 = arith.extui %sign3A_1604 : i1 to i32
    %sign3A_1606 = arith.constant 0 : i32
    %sign3A_1607 = arith.cmpi slt, %jit3A_1594, %sign3A_1606 : i32
    %sign3A_1608 = arith.extui %sign3A_1607 : i1 to i32
    %sign3A_1609 = arith.subi %sign3A_1605, %sign3A_1608 : i32
    %ne3A_1610 = arith.cmpi ne, %sign3A_1602, %sign3A_1609 : i32
    %rem3A_1611 = arith.remsi %add3A_1593, %jit3A_1594 : i32
    %ne3A_1612 = arith.constant 0 : i32
    %ne3A_1613 = arith.cmpi ne, %rem3A_1611, %ne3A_1612 : i32
    %and3A_1614 = arith.andi %ne3A_1610, %ne3A_1613 : i1
    %sub3A_1615 = arith.constant 1 : i32
    %sub3A_1616 = arith.subi %div3A_1595, %sub3A_1615 : i32
    %select_n3A_1617 = arith.select %and3A_1614, %sub3A_1616, %div3A_1595 : i32
    %jit3A_1618 = arith.constant 4 : i32
    %eq3A_1619 = arith.constant 0 : i32
    %eq3A_1620 = arith.cmpi eq, %jit3A_1618, %eq3A_1619 : i32
    %jit3A_1621 = arith.constant 1 : i32
    %select_n3A_1622 = arith.select %eq3A_1620, %jit3A_1621, %jit3A_1618 : i32
    %rem3A_1623 = arith.remsi %add3A_1593, %select_n3A_1622 : i32
    %ne3A_1624 = arith.constant 0 : i32
    %ne3A_1625 = arith.cmpi ne, %rem3A_1623, %ne3A_1624 : i32
    %lt3A_1626 = arith.constant 0 : i32
    %lt3A_1627 = arith.cmpi slt, %rem3A_1623, %lt3A_1626 : i32
    %lt3A_1628 = arith.constant 0 : i32
    %lt3A_1629 = arith.cmpi slt, %select_n3A_1622, %lt3A_1628 : i32
    %ne3A_1630 = arith.xori %lt3A_1627, %lt3A_1629 : i1
    %and3A_1631 = arith.andi %ne3A_1630, %ne3A_1625 : i1
    %add3A_1632 = arith.addi %rem3A_1623, %select_n3A_1622 : i32
    %select_n3A_1633 = arith.select %and3A_1631, %add3A_1632, %rem3A_1623 : i32
    %mul3A_1634 = arith.constant 8 : i32
    %mul3A_1635 = arith.muli %select_n3A_1633, %mul3A_1634 : i32
    %add3A_1636 = arith.constant 2 : i32
    %add3A_1637 = arith.addi %select_n3A_1617, %add3A_1636 : i32
    %ge3A_1638 = arith.constant 18 : i32
    %ge3A_1639 = arith.cmpi sge, %select_n3A_1617, %ge3A_1638 : i32
    %jit3A_1640 = arith.constant 2 : i32
    %jit3A_1641 = arith.constant 0 : i32
    %select_n3A_1642 = arith.select %ge3A_1639, %jit3A_1640, %jit3A_1641 : i32
    %add3A_1643 = arith.addi %add3A_1637, %select_n3A_1642 : i32
    %lt3A_1644 = arith.constant 18 : i32
    %lt3A_1645 = arith.cmpi slt, %select_n3A_1617, %lt3A_1644 : i32
    %mul3A_1646 = arith.constant 6 : i32
    %mul3A_1647 = arith.muli %select_n3A_1617, %mul3A_1646 : i32
    %add3A_1648 = arith.constant 2 : i32
    %add3A_1649 = arith.addi %mul3A_1647, %add3A_1648 : i32
    %sub3A_1650 = arith.constant 18 : i32
    %sub3A_1651 = arith.subi %select_n3A_1617, %sub3A_1650 : i32
    %mul3A_1652 = arith.constant 6 : i32
    %mul3A_1653 = arith.muli %sub3A_1651, %mul3A_1652 : i32
    %add3A_1654 = arith.constant 5 : i32
    %add3A_1655 = arith.addi %mul3A_1653, %add3A_1654 : i32
    %select_n3A_1656 = arith.select %lt3A_1645, %add3A_1649, %add3A_1655 : i32
    %dma_wait3A_1657 = arith.constant 0 : i32
    %dma_wait3A_1658 = arith.constant 0 : i32
    %dma_wait3A_1659 = arith.constant 0 : i32
    %dma_wait3A_1660 = tpu.memref_slice %arg2[%select_n3A, %dma_wait3A_1657, %dma_wait3A_1658, %dma_wait3A_1659] : memref<4x40x32x2048xf32, #tpu.memory_space<hbm>> -> memref<1x1x8x2048xf32, #tpu.memory_space<hbm>>
    %dma_wait3A_1661 = tpu.memref_squeeze %dma_wait3A_1660 : memref<1x1x8x2048xf32, #tpu.memory_space<hbm>> -> memref<8x2048xf32, #tpu.memory_space<hbm>>
    %dma_wait3A_1662 = arith.constant 0 : i32
    %dma_wait3A_1663 = arith.constant 0 : i32
    %dma_wait3A_1664 = tpu.memref_slice %arg2[%select_n3A, %dma_wait3A_1657, %dma_wait3A_1662, %dma_wait3A_1663] : memref<4x40x32x2048xf32, #tpu.memory_space<hbm>> -> memref<1x1x8x2048xf32, #tpu.memory_space<hbm>>
    %dma_wait3A_1665 = tpu.memref_squeeze %dma_wait3A_1664 : memref<1x1x8x2048xf32, #tpu.memory_space<hbm>> -> memref<8x2048xf32, #tpu.memory_space<hbm>>
    tpu.wait_dma2 semaphore(%arg14 : memref<!tpu.dma_semaphore, #tpu.memory_space<semaphore_mem>>) src(%dma_wait3A_1665 : memref<8x2048xf32, #tpu.memory_space<hbm>>) dst(%arg7 : memref<8x2048xf32, #tpu.memory_space<vmem>>)
    %dma_start3A_1666 = arith.constant 0 : i32
    %dma_start3A_1667 = tpu.memref_slice %arg3[%select_n3A, %select_n3A_1656, %mul3A_1635, %dma_start3A_1666] : memref<4x108x32x2048xf32, #tpu.memory_space<hbm>> -> memref<1x1x8x2048xf32, #tpu.memory_space<hbm>>
    %dma_start3A_1668 = tpu.memref_squeeze %dma_start3A_1667 : memref<1x1x8x2048xf32, #tpu.memory_space<hbm>> -> memref<8x2048xf32, #tpu.memory_space<hbm>>
    %dma_start3A_1669 = arith.constant 0 : i32
    %dma_start3A_1670 = tpu.memref_slice %arg3[%select_n3A, %select_n3A_1656, %mul3A_1635, %dma_start3A_1669] : memref<4x108x32x2048xf32, #tpu.memory_space<hbm>> -> memref<1x1x8x2048xf32, #tpu.memory_space<hbm>>
    %dma_start3A_1671 = tpu.memref_squeeze %dma_start3A_1670 : memref<1x1x8x2048xf32, #tpu.memory_space<hbm>> -> memref<8x2048xf32, #tpu.memory_space<hbm>>
    tpu.enqueue_dma source(%arg7 : memref<8x2048xf32, #tpu.memory_space<vmem>>) target(%dma_start3A_1671 : memref<8x2048xf32, #tpu.memory_space<hbm>>) target_semaphore(%arg19 : memref<!tpu.dma_semaphore, #tpu.memory_space<semaphore_mem>>)
    %dma_wait3A_1672 = arith.constant 0 : i32
    %dma_wait3A_1673 = arith.constant 0 : i32
    %dma_wait3A_1674 = arith.constant 0 : i32
    %dma_wait3A_1675 = tpu.memref_slice %arg3[%select_n3A, %dma_wait3A_1672, %dma_wait3A_1673, %dma_wait3A_1674] : memref<4x108x32x2048xf32, #tpu.memory_space<hbm>> -> memref<1x1x8x2048xf32, #tpu.memory_space<hbm>>
    %dma_wait3A_1676 = tpu.memref_squeeze %dma_wait3A_1675 : memref<1x1x8x2048xf32, #tpu.memory_space<hbm>> -> memref<8x2048xf32, #tpu.memory_space<hbm>>
    %dma_wait3A_1677 = arith.constant 0 : i32
    %dma_wait3A_1678 = arith.constant 0 : i32
    %dma_wait3A_1679 = tpu.memref_slice %arg3[%select_n3A, %dma_wait3A_1672, %dma_wait3A_1677, %dma_wait3A_1678] : memref<4x108x32x2048xf32, #tpu.memory_space<hbm>> -> memref<1x1x8x2048xf32, #tpu.memory_space<hbm>>
    %dma_wait3A_1680 = tpu.memref_squeeze %dma_wait3A_1679 : memref<1x1x8x2048xf32, #tpu.memory_space<hbm>> -> memref<8x2048xf32, #tpu.memory_space<hbm>>
    tpu.wait_dma2 semaphore(%arg17 : memref<!tpu.dma_semaphore, #tpu.memory_space<semaphore_mem>>) src(%arg5 : memref<8x2048xf32, #tpu.memory_space<vmem>>) dst(%dma_wait3A_1680 : memref<8x2048xf32, #tpu.memory_space<hbm>>)
    %mul3A_1681 = arith.constant 18 : i32
    %mul3A_1682 = arith.muli %select_n3A_30, %mul3A_1681 : i32
    %add3A_1683 = arith.constant 10 : i32
    %add3A_1684 = arith.addi %mul3A_1682, %add3A_1683 : i32
    %jit3A_1685 = arith.constant 4 : i32
    %div3A_1686 = arith.divsi %add3A_1684, %jit3A_1685 : i32
    %sign3A_1687 = arith.constant 0 : i32
    %sign3A_1688 = arith.cmpi sgt, %add3A_1684, %sign3A_1687 : i32
    %sign3A_1689 = arith.extui %sign3A_1688 : i1 to i32
    %sign3A_1690 = arith.constant 0 : i32
    %sign3A_1691 = arith.cmpi slt, %add3A_1684, %sign3A_1690 : i32
    %sign3A_1692 = arith.extui %sign3A_1691 : i1 to i32
    %sign3A_1693 = arith.subi %sign3A_1689, %sign3A_1692 : i32
    %sign3A_1694 = arith.constant 0 : i32
    %sign3A_1695 = arith.cmpi sgt, %jit3A_1685, %sign3A_1694 : i32
    %sign3A_1696 = arith.extui %sign3A_1695 : i1 to i32
    %sign3A_1697 = arith.constant 0 : i32
    %sign3A_1698 = arith.cmpi slt, %jit3A_1685, %sign3A_1697 : i32
    %sign3A_1699 = arith.extui %sign3A_1698 : i1 to i32
    %sign3A_1700 = arith.subi %sign3A_1696, %sign3A_1699 : i32
    %ne3A_1701 = arith.cmpi ne, %sign3A_1693, %sign3A_1700 : i32
    %rem3A_1702 = arith.remsi %add3A_1684, %jit3A_1685 : i32
    %ne3A_1703 = arith.constant 0 : i32
    %ne3A_1704 = arith.cmpi ne, %rem3A_1702, %ne3A_1703 : i32
    %and3A_1705 = arith.andi %ne3A_1701, %ne3A_1704 : i1
    %sub3A_1706 = arith.constant 1 : i32
    %sub3A_1707 = arith.subi %div3A_1686, %sub3A_1706 : i32
    %select_n3A_1708 = arith.select %and3A_1705, %sub3A_1707, %div3A_1686 : i32
    %jit3A_1709 = arith.constant 4 : i32
    %eq3A_1710 = arith.constant 0 : i32
    %eq3A_1711 = arith.cmpi eq, %jit3A_1709, %eq3A_1710 : i32
    %jit3A_1712 = arith.constant 1 : i32
    %select_n3A_1713 = arith.select %eq3A_1711, %jit3A_1712, %jit3A_1709 : i32
    %rem3A_1714 = arith.remsi %add3A_1684, %select_n3A_1713 : i32
    %ne3A_1715 = arith.constant 0 : i32
    %ne3A_1716 = arith.cmpi ne, %rem3A_1714, %ne3A_1715 : i32
    %lt3A_1717 = arith.constant 0 : i32
    %lt3A_1718 = arith.cmpi slt, %rem3A_1714, %lt3A_1717 : i32
    %lt3A_1719 = arith.constant 0 : i32
    %lt3A_1720 = arith.cmpi slt, %select_n3A_1713, %lt3A_1719 : i32
    %ne3A_1721 = arith.xori %lt3A_1718, %lt3A_1720 : i1
    %and3A_1722 = arith.andi %ne3A_1721, %ne3A_1716 : i1
    %add3A_1723 = arith.addi %rem3A_1714, %select_n3A_1713 : i32
    %select_n3A_1724 = arith.select %and3A_1722, %add3A_1723, %rem3A_1714 : i32
    %mul3A_1725 = arith.constant 8 : i32
    %mul3A_1726 = arith.muli %select_n3A_1724, %mul3A_1725 : i32
    %add3A_1727 = arith.constant 2 : i32
    %add3A_1728 = arith.addi %select_n3A_1708, %add3A_1727 : i32
    %ge3A_1729 = arith.constant 18 : i32
    %ge3A_1730 = arith.cmpi sge, %select_n3A_1708, %ge3A_1729 : i32
    %jit3A_1731 = arith.constant 2 : i32
    %jit3A_1732 = arith.constant 0 : i32
    %select_n3A_1733 = arith.select %ge3A_1730, %jit3A_1731, %jit3A_1732 : i32
    %add3A_1734 = arith.addi %add3A_1728, %select_n3A_1733 : i32
    %lt3A_1735 = arith.constant 18 : i32
    %lt3A_1736 = arith.cmpi slt, %select_n3A_1708, %lt3A_1735 : i32
    %mul3A_1737 = arith.constant 6 : i32
    %mul3A_1738 = arith.muli %select_n3A_1708, %mul3A_1737 : i32
    %add3A_1739 = arith.constant 2 : i32
    %add3A_1740 = arith.addi %mul3A_1738, %add3A_1739 : i32
    %sub3A_1741 = arith.constant 18 : i32
    %sub3A_1742 = arith.subi %select_n3A_1708, %sub3A_1741 : i32
    %mul3A_1743 = arith.constant 6 : i32
    %mul3A_1744 = arith.muli %sub3A_1742, %mul3A_1743 : i32
    %add3A_1745 = arith.constant 5 : i32
    %add3A_1746 = arith.addi %mul3A_1744, %add3A_1745 : i32
    %select_n3A_1747 = arith.select %lt3A_1736, %add3A_1740, %add3A_1746 : i32
    %dma_start3A_1748 = arith.constant 0 : i32
    %dma_start3A_1749 = tpu.memref_slice %arg2[%select_n3A, %add3A_1734, %mul3A_1726, %dma_start3A_1748] : memref<4x40x32x2048xf32, #tpu.memory_space<hbm>> -> memref<1x1x8x2048xf32, #tpu.memory_space<hbm>>
    %dma_start3A_1750 = tpu.memref_squeeze %dma_start3A_1749 : memref<1x1x8x2048xf32, #tpu.memory_space<hbm>> -> memref<8x2048xf32, #tpu.memory_space<hbm>>
    %dma_start3A_1751 = arith.constant 0 : i32
    %dma_start3A_1752 = tpu.memref_slice %arg2[%select_n3A, %add3A_1734, %mul3A_1726, %dma_start3A_1751] : memref<4x40x32x2048xf32, #tpu.memory_space<hbm>> -> memref<1x1x8x2048xf32, #tpu.memory_space<hbm>>
    %dma_start3A_1753 = tpu.memref_squeeze %dma_start3A_1752 : memref<1x1x8x2048xf32, #tpu.memory_space<hbm>> -> memref<8x2048xf32, #tpu.memory_space<hbm>>
    tpu.enqueue_dma source(%dma_start3A_1753 : memref<8x2048xf32, #tpu.memory_space<hbm>>) target(%arg5 : memref<8x2048xf32, #tpu.memory_space<vmem>>) target_semaphore(%arg12 : memref<!tpu.dma_semaphore, #tpu.memory_space<semaphore_mem>>)
    %mul3A_1754 = arith.constant 18 : i32
    %mul3A_1755 = arith.muli %select_n3A_30, %mul3A_1754 : i32
    %add3A_1756 = arith.constant 8 : i32
    %add3A_1757 = arith.addi %mul3A_1755, %add3A_1756 : i32
    %jit3A_1758 = arith.constant 4 : i32
    %div3A_1759 = arith.divsi %add3A_1757, %jit3A_1758 : i32
    %sign3A_1760 = arith.constant 0 : i32
    %sign3A_1761 = arith.cmpi sgt, %add3A_1757, %sign3A_1760 : i32
    %sign3A_1762 = arith.extui %sign3A_1761 : i1 to i32
    %sign3A_1763 = arith.constant 0 : i32
    %sign3A_1764 = arith.cmpi slt, %add3A_1757, %sign3A_1763 : i32
    %sign3A_1765 = arith.extui %sign3A_1764 : i1 to i32
    %sign3A_1766 = arith.subi %sign3A_1762, %sign3A_1765 : i32
    %sign3A_1767 = arith.constant 0 : i32
    %sign3A_1768 = arith.cmpi sgt, %jit3A_1758, %sign3A_1767 : i32
    %sign3A_1769 = arith.extui %sign3A_1768 : i1 to i32
    %sign3A_1770 = arith.constant 0 : i32
    %sign3A_1771 = arith.cmpi slt, %jit3A_1758, %sign3A_1770 : i32
    %sign3A_1772 = arith.extui %sign3A_1771 : i1 to i32
    %sign3A_1773 = arith.subi %sign3A_1769, %sign3A_1772 : i32
    %ne3A_1774 = arith.cmpi ne, %sign3A_1766, %sign3A_1773 : i32
    %rem3A_1775 = arith.remsi %add3A_1757, %jit3A_1758 : i32
    %ne3A_1776 = arith.constant 0 : i32
    %ne3A_1777 = arith.cmpi ne, %rem3A_1775, %ne3A_1776 : i32
    %and3A_1778 = arith.andi %ne3A_1774, %ne3A_1777 : i1
    %sub3A_1779 = arith.constant 1 : i32
    %sub3A_1780 = arith.subi %div3A_1759, %sub3A_1779 : i32
    %select_n3A_1781 = arith.select %and3A_1778, %sub3A_1780, %div3A_1759 : i32
    %jit3A_1782 = arith.constant 4 : i32
    %eq3A_1783 = arith.constant 0 : i32
    %eq3A_1784 = arith.cmpi eq, %jit3A_1782, %eq3A_1783 : i32
    %jit3A_1785 = arith.constant 1 : i32
    %select_n3A_1786 = arith.select %eq3A_1784, %jit3A_1785, %jit3A_1782 : i32
    %rem3A_1787 = arith.remsi %add3A_1757, %select_n3A_1786 : i32
    %ne3A_1788 = arith.constant 0 : i32
    %ne3A_1789 = arith.cmpi ne, %rem3A_1787, %ne3A_1788 : i32
    %lt3A_1790 = arith.constant 0 : i32
    %lt3A_1791 = arith.cmpi slt, %rem3A_1787, %lt3A_1790 : i32
    %lt3A_1792 = arith.constant 0 : i32
    %lt3A_1793 = arith.cmpi slt, %select_n3A_1786, %lt3A_1792 : i32
    %ne3A_1794 = arith.xori %lt3A_1791, %lt3A_1793 : i1
    %and3A_1795 = arith.andi %ne3A_1794, %ne3A_1789 : i1
    %add3A_1796 = arith.addi %rem3A_1787, %select_n3A_1786 : i32
    %select_n3A_1797 = arith.select %and3A_1795, %add3A_1796, %rem3A_1787 : i32
    %mul3A_1798 = arith.constant 8 : i32
    %mul3A_1799 = arith.muli %select_n3A_1797, %mul3A_1798 : i32
    %add3A_1800 = arith.constant 2 : i32
    %add3A_1801 = arith.addi %select_n3A_1781, %add3A_1800 : i32
    %ge3A_1802 = arith.constant 18 : i32
    %ge3A_1803 = arith.cmpi sge, %select_n3A_1781, %ge3A_1802 : i32
    %jit3A_1804 = arith.constant 2 : i32
    %jit3A_1805 = arith.constant 0 : i32
    %select_n3A_1806 = arith.select %ge3A_1803, %jit3A_1804, %jit3A_1805 : i32
    %add3A_1807 = arith.addi %add3A_1801, %select_n3A_1806 : i32
    %lt3A_1808 = arith.constant 18 : i32
    %lt3A_1809 = arith.cmpi slt, %select_n3A_1781, %lt3A_1808 : i32
    %mul3A_1810 = arith.constant 6 : i32
    %mul3A_1811 = arith.muli %select_n3A_1781, %mul3A_1810 : i32
    %add3A_1812 = arith.constant 2 : i32
    %add3A_1813 = arith.addi %mul3A_1811, %add3A_1812 : i32
    %sub3A_1814 = arith.constant 18 : i32
    %sub3A_1815 = arith.subi %select_n3A_1781, %sub3A_1814 : i32
    %mul3A_1816 = arith.constant 6 : i32
    %mul3A_1817 = arith.muli %sub3A_1815, %mul3A_1816 : i32
    %add3A_1818 = arith.constant 5 : i32
    %add3A_1819 = arith.addi %mul3A_1817, %add3A_1818 : i32
    %select_n3A_1820 = arith.select %lt3A_1809, %add3A_1813, %add3A_1819 : i32
    %dma_wait3A_1821 = arith.constant 0 : i32
    %dma_wait3A_1822 = arith.constant 0 : i32
    %dma_wait3A_1823 = arith.constant 0 : i32
    %dma_wait3A_1824 = tpu.memref_slice %arg2[%select_n3A, %dma_wait3A_1821, %dma_wait3A_1822, %dma_wait3A_1823] : memref<4x40x32x2048xf32, #tpu.memory_space<hbm>> -> memref<1x1x8x2048xf32, #tpu.memory_space<hbm>>
    %dma_wait3A_1825 = tpu.memref_squeeze %dma_wait3A_1824 : memref<1x1x8x2048xf32, #tpu.memory_space<hbm>> -> memref<8x2048xf32, #tpu.memory_space<hbm>>
    %dma_wait3A_1826 = arith.constant 0 : i32
    %dma_wait3A_1827 = arith.constant 0 : i32
    %dma_wait3A_1828 = tpu.memref_slice %arg2[%select_n3A, %dma_wait3A_1821, %dma_wait3A_1826, %dma_wait3A_1827] : memref<4x40x32x2048xf32, #tpu.memory_space<hbm>> -> memref<1x1x8x2048xf32, #tpu.memory_space<hbm>>
    %dma_wait3A_1829 = tpu.memref_squeeze %dma_wait3A_1828 : memref<1x1x8x2048xf32, #tpu.memory_space<hbm>> -> memref<8x2048xf32, #tpu.memory_space<hbm>>
    tpu.wait_dma2 semaphore(%arg15 : memref<!tpu.dma_semaphore, #tpu.memory_space<semaphore_mem>>) src(%dma_wait3A_1829 : memref<8x2048xf32, #tpu.memory_space<hbm>>) dst(%arg8 : memref<8x2048xf32, #tpu.memory_space<vmem>>)
    %dma_start3A_1830 = arith.constant 0 : i32
    %dma_start3A_1831 = tpu.memref_slice %arg3[%select_n3A, %select_n3A_1820, %mul3A_1799, %dma_start3A_1830] : memref<4x108x32x2048xf32, #tpu.memory_space<hbm>> -> memref<1x1x8x2048xf32, #tpu.memory_space<hbm>>
    %dma_start3A_1832 = tpu.memref_squeeze %dma_start3A_1831 : memref<1x1x8x2048xf32, #tpu.memory_space<hbm>> -> memref<8x2048xf32, #tpu.memory_space<hbm>>
    %dma_start3A_1833 = arith.constant 0 : i32
    %dma_start3A_1834 = tpu.memref_slice %arg3[%select_n3A, %select_n3A_1820, %mul3A_1799, %dma_start3A_1833] : memref<4x108x32x2048xf32, #tpu.memory_space<hbm>> -> memref<1x1x8x2048xf32, #tpu.memory_space<hbm>>
    %dma_start3A_1835 = tpu.memref_squeeze %dma_start3A_1834 : memref<1x1x8x2048xf32, #tpu.memory_space<hbm>> -> memref<8x2048xf32, #tpu.memory_space<hbm>>
    tpu.enqueue_dma source(%arg8 : memref<8x2048xf32, #tpu.memory_space<vmem>>) target(%dma_start3A_1835 : memref<8x2048xf32, #tpu.memory_space<hbm>>) target_semaphore(%arg20 : memref<!tpu.dma_semaphore, #tpu.memory_space<semaphore_mem>>)
    %dma_wait3A_1836 = arith.constant 0 : i32
    %dma_wait3A_1837 = arith.constant 0 : i32
    %dma_wait3A_1838 = arith.constant 0 : i32
    %dma_wait3A_1839 = tpu.memref_slice %arg3[%select_n3A, %dma_wait3A_1836, %dma_wait3A_1837, %dma_wait3A_1838] : memref<4x108x32x2048xf32, #tpu.memory_space<hbm>> -> memref<1x1x8x2048xf32, #tpu.memory_space<hbm>>
    %dma_wait3A_1840 = tpu.memref_squeeze %dma_wait3A_1839 : memref<1x1x8x2048xf32, #tpu.memory_space<hbm>> -> memref<8x2048xf32, #tpu.memory_space<hbm>>
    %dma_wait3A_1841 = arith.constant 0 : i32
    %dma_wait3A_1842 = arith.constant 0 : i32
    %dma_wait3A_1843 = tpu.memref_slice %arg3[%select_n3A, %dma_wait3A_1836, %dma_wait3A_1841, %dma_wait3A_1842] : memref<4x108x32x2048xf32, #tpu.memory_space<hbm>> -> memref<1x1x8x2048xf32, #tpu.memory_space<hbm>>
    %dma_wait3A_1844 = tpu.memref_squeeze %dma_wait3A_1843 : memref<1x1x8x2048xf32, #tpu.memory_space<hbm>> -> memref<8x2048xf32, #tpu.memory_space<hbm>>
    tpu.wait_dma2 semaphore(%arg18 : memref<!tpu.dma_semaphore, #tpu.memory_space<semaphore_mem>>) src(%arg6 : memref<8x2048xf32, #tpu.memory_space<vmem>>) dst(%dma_wait3A_1844 : memref<8x2048xf32, #tpu.memory_space<hbm>>)
    %mul3A_1845 = arith.constant 18 : i32
    %mul3A_1846 = arith.muli %select_n3A_30, %mul3A_1845 : i32
    %add3A_1847 = arith.constant 11 : i32
    %add3A_1848 = arith.addi %mul3A_1846, %add3A_1847 : i32
    %jit3A_1849 = arith.constant 4 : i32
    %div3A_1850 = arith.divsi %add3A_1848, %jit3A_1849 : i32
    %sign3A_1851 = arith.constant 0 : i32
    %sign3A_1852 = arith.cmpi sgt, %add3A_1848, %sign3A_1851 : i32
    %sign3A_1853 = arith.extui %sign3A_1852 : i1 to i32
    %sign3A_1854 = arith.constant 0 : i32
    %sign3A_1855 = arith.cmpi slt, %add3A_1848, %sign3A_1854 : i32
    %sign3A_1856 = arith.extui %sign3A_1855 : i1 to i32
    %sign3A_1857 = arith.subi %sign3A_1853, %sign3A_1856 : i32
    %sign3A_1858 = arith.constant 0 : i32
    %sign3A_1859 = arith.cmpi sgt, %jit3A_1849, %sign3A_1858 : i32
    %sign3A_1860 = arith.extui %sign3A_1859 : i1 to i32
    %sign3A_1861 = arith.constant 0 : i32
    %sign3A_1862 = arith.cmpi slt, %jit3A_1849, %sign3A_1861 : i32
    %sign3A_1863 = arith.extui %sign3A_1862 : i1 to i32
    %sign3A_1864 = arith.subi %sign3A_1860, %sign3A_1863 : i32
    %ne3A_1865 = arith.cmpi ne, %sign3A_1857, %sign3A_1864 : i32
    %rem3A_1866 = arith.remsi %add3A_1848, %jit3A_1849 : i32
    %ne3A_1867 = arith.constant 0 : i32
    %ne3A_1868 = arith.cmpi ne, %rem3A_1866, %ne3A_1867 : i32
    %and3A_1869 = arith.andi %ne3A_1865, %ne3A_1868 : i1
    %sub3A_1870 = arith.constant 1 : i32
    %sub3A_1871 = arith.subi %div3A_1850, %sub3A_1870 : i32
    %select_n3A_1872 = arith.select %and3A_1869, %sub3A_1871, %div3A_1850 : i32
    %jit3A_1873 = arith.constant 4 : i32
    %eq3A_1874 = arith.constant 0 : i32
    %eq3A_1875 = arith.cmpi eq, %jit3A_1873, %eq3A_1874 : i32
    %jit3A_1876 = arith.constant 1 : i32
    %select_n3A_1877 = arith.select %eq3A_1875, %jit3A_1876, %jit3A_1873 : i32
    %rem3A_1878 = arith.remsi %add3A_1848, %select_n3A_1877 : i32
    %ne3A_1879 = arith.constant 0 : i32
    %ne3A_1880 = arith.cmpi ne, %rem3A_1878, %ne3A_1879 : i32
    %lt3A_1881 = arith.constant 0 : i32
    %lt3A_1882 = arith.cmpi slt, %rem3A_1878, %lt3A_1881 : i32
    %lt3A_1883 = arith.constant 0 : i32
    %lt3A_1884 = arith.cmpi slt, %select_n3A_1877, %lt3A_1883 : i32
    %ne3A_1885 = arith.xori %lt3A_1882, %lt3A_1884 : i1
    %and3A_1886 = arith.andi %ne3A_1885, %ne3A_1880 : i1
    %add3A_1887 = arith.addi %rem3A_1878, %select_n3A_1877 : i32
    %select_n3A_1888 = arith.select %and3A_1886, %add3A_1887, %rem3A_1878 : i32
    %mul3A_1889 = arith.constant 8 : i32
    %mul3A_1890 = arith.muli %select_n3A_1888, %mul3A_1889 : i32
    %add3A_1891 = arith.constant 2 : i32
    %add3A_1892 = arith.addi %select_n3A_1872, %add3A_1891 : i32
    %ge3A_1893 = arith.constant 18 : i32
    %ge3A_1894 = arith.cmpi sge, %select_n3A_1872, %ge3A_1893 : i32
    %jit3A_1895 = arith.constant 2 : i32
    %jit3A_1896 = arith.constant 0 : i32
    %select_n3A_1897 = arith.select %ge3A_1894, %jit3A_1895, %jit3A_1896 : i32
    %add3A_1898 = arith.addi %add3A_1892, %select_n3A_1897 : i32
    %lt3A_1899 = arith.constant 18 : i32
    %lt3A_1900 = arith.cmpi slt, %select_n3A_1872, %lt3A_1899 : i32
    %mul3A_1901 = arith.constant 6 : i32
    %mul3A_1902 = arith.muli %select_n3A_1872, %mul3A_1901 : i32
    %add3A_1903 = arith.constant 2 : i32
    %add3A_1904 = arith.addi %mul3A_1902, %add3A_1903 : i32
    %sub3A_1905 = arith.constant 18 : i32
    %sub3A_1906 = arith.subi %select_n3A_1872, %sub3A_1905 : i32
    %mul3A_1907 = arith.constant 6 : i32
    %mul3A_1908 = arith.muli %sub3A_1906, %mul3A_1907 : i32
    %add3A_1909 = arith.constant 5 : i32
    %add3A_1910 = arith.addi %mul3A_1908, %add3A_1909 : i32
    %select_n3A_1911 = arith.select %lt3A_1900, %add3A_1904, %add3A_1910 : i32
    %dma_start3A_1912 = arith.constant 0 : i32
    %dma_start3A_1913 = tpu.memref_slice %arg2[%select_n3A, %add3A_1898, %mul3A_1890, %dma_start3A_1912] : memref<4x40x32x2048xf32, #tpu.memory_space<hbm>> -> memref<1x1x8x2048xf32, #tpu.memory_space<hbm>>
    %dma_start3A_1914 = tpu.memref_squeeze %dma_start3A_1913 : memref<1x1x8x2048xf32, #tpu.memory_space<hbm>> -> memref<8x2048xf32, #tpu.memory_space<hbm>>
    %dma_start3A_1915 = arith.constant 0 : i32
    %dma_start3A_1916 = tpu.memref_slice %arg2[%select_n3A, %add3A_1898, %mul3A_1890, %dma_start3A_1915] : memref<4x40x32x2048xf32, #tpu.memory_space<hbm>> -> memref<1x1x8x2048xf32, #tpu.memory_space<hbm>>
    %dma_start3A_1917 = tpu.memref_squeeze %dma_start3A_1916 : memref<1x1x8x2048xf32, #tpu.memory_space<hbm>> -> memref<8x2048xf32, #tpu.memory_space<hbm>>
    tpu.enqueue_dma source(%dma_start3A_1917 : memref<8x2048xf32, #tpu.memory_space<hbm>>) target(%arg6 : memref<8x2048xf32, #tpu.memory_space<vmem>>) target_semaphore(%arg13 : memref<!tpu.dma_semaphore, #tpu.memory_space<semaphore_mem>>)
    %mul3A_1918 = arith.constant 18 : i32
    %mul3A_1919 = arith.muli %select_n3A_30, %mul3A_1918 : i32
    %add3A_1920 = arith.constant 9 : i32
    %add3A_1921 = arith.addi %mul3A_1919, %add3A_1920 : i32
    %jit3A_1922 = arith.constant 4 : i32
    %div3A_1923 = arith.divsi %add3A_1921, %jit3A_1922 : i32
    %sign3A_1924 = arith.constant 0 : i32
    %sign3A_1925 = arith.cmpi sgt, %add3A_1921, %sign3A_1924 : i32
    %sign3A_1926 = arith.extui %sign3A_1925 : i1 to i32
    %sign3A_1927 = arith.constant 0 : i32
    %sign3A_1928 = arith.cmpi slt, %add3A_1921, %sign3A_1927 : i32
    %sign3A_1929 = arith.extui %sign3A_1928 : i1 to i32
    %sign3A_1930 = arith.subi %sign3A_1926, %sign3A_1929 : i32
    %sign3A_1931 = arith.constant 0 : i32
    %sign3A_1932 = arith.cmpi sgt, %jit3A_1922, %sign3A_1931 : i32
    %sign3A_1933 = arith.extui %sign3A_1932 : i1 to i32
    %sign3A_1934 = arith.constant 0 : i32
    %sign3A_1935 = arith.cmpi slt, %jit3A_1922, %sign3A_1934 : i32
    %sign3A_1936 = arith.extui %sign3A_1935 : i1 to i32
    %sign3A_1937 = arith.subi %sign3A_1933, %sign3A_1936 : i32
    %ne3A_1938 = arith.cmpi ne, %sign3A_1930, %sign3A_1937 : i32
    %rem3A_1939 = arith.remsi %add3A_1921, %jit3A_1922 : i32
    %ne3A_1940 = arith.constant 0 : i32
    %ne3A_1941 = arith.cmpi ne, %rem3A_1939, %ne3A_1940 : i32
    %and3A_1942 = arith.andi %ne3A_1938, %ne3A_1941 : i1
    %sub3A_1943 = arith.constant 1 : i32
    %sub3A_1944 = arith.subi %div3A_1923, %sub3A_1943 : i32
    %select_n3A_1945 = arith.select %and3A_1942, %sub3A_1944, %div3A_1923 : i32
    %jit3A_1946 = arith.constant 4 : i32
    %eq3A_1947 = arith.constant 0 : i32
    %eq3A_1948 = arith.cmpi eq, %jit3A_1946, %eq3A_1947 : i32
    %jit3A_1949 = arith.constant 1 : i32
    %select_n3A_1950 = arith.select %eq3A_1948, %jit3A_1949, %jit3A_1946 : i32
    %rem3A_1951 = arith.remsi %add3A_1921, %select_n3A_1950 : i32
    %ne3A_1952 = arith.constant 0 : i32
    %ne3A_1953 = arith.cmpi ne, %rem3A_1951, %ne3A_1952 : i32
    %lt3A_1954 = arith.constant 0 : i32
    %lt3A_1955 = arith.cmpi slt, %rem3A_1951, %lt3A_1954 : i32
    %lt3A_1956 = arith.constant 0 : i32
    %lt3A_1957 = arith.cmpi slt, %select_n3A_1950, %lt3A_1956 : i32
    %ne3A_1958 = arith.xori %lt3A_1955, %lt3A_1957 : i1
    %and3A_1959 = arith.andi %ne3A_1958, %ne3A_1953 : i1
    %add3A_1960 = arith.addi %rem3A_1951, %select_n3A_1950 : i32
    %select_n3A_1961 = arith.select %and3A_1959, %add3A_1960, %rem3A_1951 : i32
    %mul3A_1962 = arith.constant 8 : i32
    %mul3A_1963 = arith.muli %select_n3A_1961, %mul3A_1962 : i32
    %add3A_1964 = arith.constant 2 : i32
    %add3A_1965 = arith.addi %select_n3A_1945, %add3A_1964 : i32
    %ge3A_1966 = arith.constant 18 : i32
    %ge3A_1967 = arith.cmpi sge, %select_n3A_1945, %ge3A_1966 : i32
    %jit3A_1968 = arith.constant 2 : i32
    %jit3A_1969 = arith.constant 0 : i32
    %select_n3A_1970 = arith.select %ge3A_1967, %jit3A_1968, %jit3A_1969 : i32
    %add3A_1971 = arith.addi %add3A_1965, %select_n3A_1970 : i32
    %lt3A_1972 = arith.constant 18 : i32
    %lt3A_1973 = arith.cmpi slt, %select_n3A_1945, %lt3A_1972 : i32
    %mul3A_1974 = arith.constant 6 : i32
    %mul3A_1975 = arith.muli %select_n3A_1945, %mul3A_1974 : i32
    %add3A_1976 = arith.constant 2 : i32
    %add3A_1977 = arith.addi %mul3A_1975, %add3A_1976 : i32
    %sub3A_1978 = arith.constant 18 : i32
    %sub3A_1979 = arith.subi %select_n3A_1945, %sub3A_1978 : i32
    %mul3A_1980 = arith.constant 6 : i32
    %mul3A_1981 = arith.muli %sub3A_1979, %mul3A_1980 : i32
    %add3A_1982 = arith.constant 5 : i32
    %add3A_1983 = arith.addi %mul3A_1981, %add3A_1982 : i32
    %select_n3A_1984 = arith.select %lt3A_1973, %add3A_1977, %add3A_1983 : i32
    %dma_wait3A_1985 = arith.constant 0 : i32
    %dma_wait3A_1986 = arith.constant 0 : i32
    %dma_wait3A_1987 = arith.constant 0 : i32
    %dma_wait3A_1988 = tpu.memref_slice %arg2[%select_n3A, %dma_wait3A_1985, %dma_wait3A_1986, %dma_wait3A_1987] : memref<4x40x32x2048xf32, #tpu.memory_space<hbm>> -> memref<1x1x8x2048xf32, #tpu.memory_space<hbm>>
    %dma_wait3A_1989 = tpu.memref_squeeze %dma_wait3A_1988 : memref<1x1x8x2048xf32, #tpu.memory_space<hbm>> -> memref<8x2048xf32, #tpu.memory_space<hbm>>
    %dma_wait3A_1990 = arith.constant 0 : i32
    %dma_wait3A_1991 = arith.constant 0 : i32
    %dma_wait3A_1992 = tpu.memref_slice %arg2[%select_n3A, %dma_wait3A_1985, %dma_wait3A_1990, %dma_wait3A_1991] : memref<4x40x32x2048xf32, #tpu.memory_space<hbm>> -> memref<1x1x8x2048xf32, #tpu.memory_space<hbm>>
    %dma_wait3A_1993 = tpu.memref_squeeze %dma_wait3A_1992 : memref<1x1x8x2048xf32, #tpu.memory_space<hbm>> -> memref<8x2048xf32, #tpu.memory_space<hbm>>
    tpu.wait_dma2 semaphore(%arg16 : memref<!tpu.dma_semaphore, #tpu.memory_space<semaphore_mem>>) src(%dma_wait3A_1993 : memref<8x2048xf32, #tpu.memory_space<hbm>>) dst(%arg9 : memref<8x2048xf32, #tpu.memory_space<vmem>>)
    %dma_start3A_1994 = arith.constant 0 : i32
    %dma_start3A_1995 = tpu.memref_slice %arg3[%select_n3A, %select_n3A_1984, %mul3A_1963, %dma_start3A_1994] : memref<4x108x32x2048xf32, #tpu.memory_space<hbm>> -> memref<1x1x8x2048xf32, #tpu.memory_space<hbm>>
    %dma_start3A_1996 = tpu.memref_squeeze %dma_start3A_1995 : memref<1x1x8x2048xf32, #tpu.memory_space<hbm>> -> memref<8x2048xf32, #tpu.memory_space<hbm>>
    %dma_start3A_1997 = arith.constant 0 : i32
    %dma_start3A_1998 = tpu.memref_slice %arg3[%select_n3A, %select_n3A_1984, %mul3A_1963, %dma_start3A_1997] : memref<4x108x32x2048xf32, #tpu.memory_space<hbm>> -> memref<1x1x8x2048xf32, #tpu.memory_space<hbm>>
    %dma_start3A_1999 = tpu.memref_squeeze %dma_start3A_1998 : memref<1x1x8x2048xf32, #tpu.memory_space<hbm>> -> memref<8x2048xf32, #tpu.memory_space<hbm>>
    tpu.enqueue_dma source(%arg9 : memref<8x2048xf32, #tpu.memory_space<vmem>>) target(%dma_start3A_1999 : memref<8x2048xf32, #tpu.memory_space<hbm>>) target_semaphore(%arg21 : memref<!tpu.dma_semaphore, #tpu.memory_space<semaphore_mem>>)
    %dma_wait3A_2000 = arith.constant 0 : i32
    %dma_wait3A_2001 = arith.constant 0 : i32
    %dma_wait3A_2002 = arith.constant 0 : i32
    %dma_wait3A_2003 = tpu.memref_slice %arg3[%select_n3A, %dma_wait3A_2000, %dma_wait3A_2001, %dma_wait3A_2002] : memref<4x108x32x2048xf32, #tpu.memory_space<hbm>> -> memref<1x1x8x2048xf32, #tpu.memory_space<hbm>>
    %dma_wait3A_2004 = tpu.memref_squeeze %dma_wait3A_2003 : memref<1x1x8x2048xf32, #tpu.memory_space<hbm>> -> memref<8x2048xf32, #tpu.memory_space<hbm>>
    %dma_wait3A_2005 = arith.constant 0 : i32
    %dma_wait3A_2006 = arith.constant 0 : i32
    %dma_wait3A_2007 = tpu.memref_slice %arg3[%select_n3A, %dma_wait3A_2000, %dma_wait3A_2005, %dma_wait3A_2006] : memref<4x108x32x2048xf32, #tpu.memory_space<hbm>> -> memref<1x1x8x2048xf32, #tpu.memory_space<hbm>>
    %dma_wait3A_2008 = tpu.memref_squeeze %dma_wait3A_2007 : memref<1x1x8x2048xf32, #tpu.memory_space<hbm>> -> memref<8x2048xf32, #tpu.memory_space<hbm>>
    tpu.wait_dma2 semaphore(%arg19 : memref<!tpu.dma_semaphore, #tpu.memory_space<semaphore_mem>>) src(%arg7 : memref<8x2048xf32, #tpu.memory_space<vmem>>) dst(%dma_wait3A_2008 : memref<8x2048xf32, #tpu.memory_space<hbm>>)
    %mul3A_2009 = arith.constant 18 : i32
    %mul3A_2010 = arith.muli %select_n3A_30, %mul3A_2009 : i32
    %add3A_2011 = arith.constant 12 : i32
    %add3A_2012 = arith.addi %mul3A_2010, %add3A_2011 : i32
    %jit3A_2013 = arith.constant 4 : i32
    %div3A_2014 = arith.divsi %add3A_2012, %jit3A_2013 : i32
    %sign3A_2015 = arith.constant 0 : i32
    %sign3A_2016 = arith.cmpi sgt, %add3A_2012, %sign3A_2015 : i32
    %sign3A_2017 = arith.extui %sign3A_2016 : i1 to i32
    %sign3A_2018 = arith.constant 0 : i32
    %sign3A_2019 = arith.cmpi slt, %add3A_2012, %sign3A_2018 : i32
    %sign3A_2020 = arith.extui %sign3A_2019 : i1 to i32
    %sign3A_2021 = arith.subi %sign3A_2017, %sign3A_2020 : i32
    %sign3A_2022 = arith.constant 0 : i32
    %sign3A_2023 = arith.cmpi sgt, %jit3A_2013, %sign3A_2022 : i32
    %sign3A_2024 = arith.extui %sign3A_2023 : i1 to i32
    %sign3A_2025 = arith.constant 0 : i32
    %sign3A_2026 = arith.cmpi slt, %jit3A_2013, %sign3A_2025 : i32
    %sign3A_2027 = arith.extui %sign3A_2026 : i1 to i32
    %sign3A_2028 = arith.subi %sign3A_2024, %sign3A_2027 : i32
    %ne3A_2029 = arith.cmpi ne, %sign3A_2021, %sign3A_2028 : i32
    %rem3A_2030 = arith.remsi %add3A_2012, %jit3A_2013 : i32
    %ne3A_2031 = arith.constant 0 : i32
    %ne3A_2032 = arith.cmpi ne, %rem3A_2030, %ne3A_2031 : i32
    %and3A_2033 = arith.andi %ne3A_2029, %ne3A_2032 : i1
    %sub3A_2034 = arith.constant 1 : i32
    %sub3A_2035 = arith.subi %div3A_2014, %sub3A_2034 : i32
    %select_n3A_2036 = arith.select %and3A_2033, %sub3A_2035, %div3A_2014 : i32
    %jit3A_2037 = arith.constant 4 : i32
    %eq3A_2038 = arith.constant 0 : i32
    %eq3A_2039 = arith.cmpi eq, %jit3A_2037, %eq3A_2038 : i32
    %jit3A_2040 = arith.constant 1 : i32
    %select_n3A_2041 = arith.select %eq3A_2039, %jit3A_2040, %jit3A_2037 : i32
    %rem3A_2042 = arith.remsi %add3A_2012, %select_n3A_2041 : i32
    %ne3A_2043 = arith.constant 0 : i32
    %ne3A_2044 = arith.cmpi ne, %rem3A_2042, %ne3A_2043 : i32
    %lt3A_2045 = arith.constant 0 : i32
    %lt3A_2046 = arith.cmpi slt, %rem3A_2042, %lt3A_2045 : i32
    %lt3A_2047 = arith.constant 0 : i32
    %lt3A_2048 = arith.cmpi slt, %select_n3A_2041, %lt3A_2047 : i32
    %ne3A_2049 = arith.xori %lt3A_2046, %lt3A_2048 : i1
    %and3A_2050 = arith.andi %ne3A_2049, %ne3A_2044 : i1
    %add3A_2051 = arith.addi %rem3A_2042, %select_n3A_2041 : i32
    %select_n3A_2052 = arith.select %and3A_2050, %add3A_2051, %rem3A_2042 : i32
    %mul3A_2053 = arith.constant 8 : i32
    %mul3A_2054 = arith.muli %select_n3A_2052, %mul3A_2053 : i32
    %add3A_2055 = arith.constant 2 : i32
    %add3A_2056 = arith.addi %select_n3A_2036, %add3A_2055 : i32
    %ge3A_2057 = arith.constant 18 : i32
    %ge3A_2058 = arith.cmpi sge, %select_n3A_2036, %ge3A_2057 : i32
    %jit3A_2059 = arith.constant 2 : i32
    %jit3A_2060 = arith.constant 0 : i32
    %select_n3A_2061 = arith.select %ge3A_2058, %jit3A_2059, %jit3A_2060 : i32
    %add3A_2062 = arith.addi %add3A_2056, %select_n3A_2061 : i32
    %lt3A_2063 = arith.constant 18 : i32
    %lt3A_2064 = arith.cmpi slt, %select_n3A_2036, %lt3A_2063 : i32
    %mul3A_2065 = arith.constant 6 : i32
    %mul3A_2066 = arith.muli %select_n3A_2036, %mul3A_2065 : i32
    %add3A_2067 = arith.constant 2 : i32
    %add3A_2068 = arith.addi %mul3A_2066, %add3A_2067 : i32
    %sub3A_2069 = arith.constant 18 : i32
    %sub3A_2070 = arith.subi %select_n3A_2036, %sub3A_2069 : i32
    %mul3A_2071 = arith.constant 6 : i32
    %mul3A_2072 = arith.muli %sub3A_2070, %mul3A_2071 : i32
    %add3A_2073 = arith.constant 5 : i32
    %add3A_2074 = arith.addi %mul3A_2072, %add3A_2073 : i32
    %select_n3A_2075 = arith.select %lt3A_2064, %add3A_2068, %add3A_2074 : i32
    %dma_start3A_2076 = arith.constant 0 : i32
    %dma_start3A_2077 = tpu.memref_slice %arg2[%select_n3A, %add3A_2062, %mul3A_2054, %dma_start3A_2076] : memref<4x40x32x2048xf32, #tpu.memory_space<hbm>> -> memref<1x1x8x2048xf32, #tpu.memory_space<hbm>>
    %dma_start3A_2078 = tpu.memref_squeeze %dma_start3A_2077 : memref<1x1x8x2048xf32, #tpu.memory_space<hbm>> -> memref<8x2048xf32, #tpu.memory_space<hbm>>
    %dma_start3A_2079 = arith.constant 0 : i32
    %dma_start3A_2080 = tpu.memref_slice %arg2[%select_n3A, %add3A_2062, %mul3A_2054, %dma_start3A_2079] : memref<4x40x32x2048xf32, #tpu.memory_space<hbm>> -> memref<1x1x8x2048xf32, #tpu.memory_space<hbm>>
    %dma_start3A_2081 = tpu.memref_squeeze %dma_start3A_2080 : memref<1x1x8x2048xf32, #tpu.memory_space<hbm>> -> memref<8x2048xf32, #tpu.memory_space<hbm>>
    tpu.enqueue_dma source(%dma_start3A_2081 : memref<8x2048xf32, #tpu.memory_space<hbm>>) target(%arg7 : memref<8x2048xf32, #tpu.memory_space<vmem>>) target_semaphore(%arg14 : memref<!tpu.dma_semaphore, #tpu.memory_space<semaphore_mem>>)
    %mul3A_2082 = arith.constant 18 : i32
    %mul3A_2083 = arith.muli %select_n3A_30, %mul3A_2082 : i32
    %add3A_2084 = arith.constant 10 : i32
    %add3A_2085 = arith.addi %mul3A_2083, %add3A_2084 : i32
    %jit3A_2086 = arith.constant 4 : i32
    %div3A_2087 = arith.divsi %add3A_2085, %jit3A_2086 : i32
    %sign3A_2088 = arith.constant 0 : i32
    %sign3A_2089 = arith.cmpi sgt, %add3A_2085, %sign3A_2088 : i32
    %sign3A_2090 = arith.extui %sign3A_2089 : i1 to i32
    %sign3A_2091 = arith.constant 0 : i32
    %sign3A_2092 = arith.cmpi slt, %add3A_2085, %sign3A_2091 : i32
    %sign3A_2093 = arith.extui %sign3A_2092 : i1 to i32
    %sign3A_2094 = arith.subi %sign3A_2090, %sign3A_2093 : i32
    %sign3A_2095 = arith.constant 0 : i32
    %sign3A_2096 = arith.cmpi sgt, %jit3A_2086, %sign3A_2095 : i32
    %sign3A_2097 = arith.extui %sign3A_2096 : i1 to i32
    %sign3A_2098 = arith.constant 0 : i32
    %sign3A_2099 = arith.cmpi slt, %jit3A_2086, %sign3A_2098 : i32
    %sign3A_2100 = arith.extui %sign3A_2099 : i1 to i32
    %sign3A_2101 = arith.subi %sign3A_2097, %sign3A_2100 : i32
    %ne3A_2102 = arith.cmpi ne, %sign3A_2094, %sign3A_2101 : i32
    %rem3A_2103 = arith.remsi %add3A_2085, %jit3A_2086 : i32
    %ne3A_2104 = arith.constant 0 : i32
    %ne3A_2105 = arith.cmpi ne, %rem3A_2103, %ne3A_2104 : i32
    %and3A_2106 = arith.andi %ne3A_2102, %ne3A_2105 : i1
    %sub3A_2107 = arith.constant 1 : i32
    %sub3A_2108 = arith.subi %div3A_2087, %sub3A_2107 : i32
    %select_n3A_2109 = arith.select %and3A_2106, %sub3A_2108, %div3A_2087 : i32
    %jit3A_2110 = arith.constant 4 : i32
    %eq3A_2111 = arith.constant 0 : i32
    %eq3A_2112 = arith.cmpi eq, %jit3A_2110, %eq3A_2111 : i32
    %jit3A_2113 = arith.constant 1 : i32
    %select_n3A_2114 = arith.select %eq3A_2112, %jit3A_2113, %jit3A_2110 : i32
    %rem3A_2115 = arith.remsi %add3A_2085, %select_n3A_2114 : i32
    %ne3A_2116 = arith.constant 0 : i32
    %ne3A_2117 = arith.cmpi ne, %rem3A_2115, %ne3A_2116 : i32
    %lt3A_2118 = arith.constant 0 : i32
    %lt3A_2119 = arith.cmpi slt, %rem3A_2115, %lt3A_2118 : i32
    %lt3A_2120 = arith.constant 0 : i32
    %lt3A_2121 = arith.cmpi slt, %select_n3A_2114, %lt3A_2120 : i32
    %ne3A_2122 = arith.xori %lt3A_2119, %lt3A_2121 : i1
    %and3A_2123 = arith.andi %ne3A_2122, %ne3A_2117 : i1
    %add3A_2124 = arith.addi %rem3A_2115, %select_n3A_2114 : i32
    %select_n3A_2125 = arith.select %and3A_2123, %add3A_2124, %rem3A_2115 : i32
    %mul3A_2126 = arith.constant 8 : i32
    %mul3A_2127 = arith.muli %select_n3A_2125, %mul3A_2126 : i32
    %add3A_2128 = arith.constant 2 : i32
    %add3A_2129 = arith.addi %select_n3A_2109, %add3A_2128 : i32
    %ge3A_2130 = arith.constant 18 : i32
    %ge3A_2131 = arith.cmpi sge, %select_n3A_2109, %ge3A_2130 : i32
    %jit3A_2132 = arith.constant 2 : i32
    %jit3A_2133 = arith.constant 0 : i32
    %select_n3A_2134 = arith.select %ge3A_2131, %jit3A_2132, %jit3A_2133 : i32
    %add3A_2135 = arith.addi %add3A_2129, %select_n3A_2134 : i32
    %lt3A_2136 = arith.constant 18 : i32
    %lt3A_2137 = arith.cmpi slt, %select_n3A_2109, %lt3A_2136 : i32
    %mul3A_2138 = arith.constant 6 : i32
    %mul3A_2139 = arith.muli %select_n3A_2109, %mul3A_2138 : i32
    %add3A_2140 = arith.constant 2 : i32
    %add3A_2141 = arith.addi %mul3A_2139, %add3A_2140 : i32
    %sub3A_2142 = arith.constant 18 : i32
    %sub3A_2143 = arith.subi %select_n3A_2109, %sub3A_2142 : i32
    %mul3A_2144 = arith.constant 6 : i32
    %mul3A_2145 = arith.muli %sub3A_2143, %mul3A_2144 : i32
    %add3A_2146 = arith.constant 5 : i32
    %add3A_2147 = arith.addi %mul3A_2145, %add3A_2146 : i32
    %select_n3A_2148 = arith.select %lt3A_2137, %add3A_2141, %add3A_2147 : i32
    %dma_wait3A_2149 = arith.constant 0 : i32
    %dma_wait3A_2150 = arith.constant 0 : i32
    %dma_wait3A_2151 = arith.constant 0 : i32
    %dma_wait3A_2152 = tpu.memref_slice %arg2[%select_n3A, %dma_wait3A_2149, %dma_wait3A_2150, %dma_wait3A_2151] : memref<4x40x32x2048xf32, #tpu.memory_space<hbm>> -> memref<1x1x8x2048xf32, #tpu.memory_space<hbm>>
    %dma_wait3A_2153 = tpu.memref_squeeze %dma_wait3A_2152 : memref<1x1x8x2048xf32, #tpu.memory_space<hbm>> -> memref<8x2048xf32, #tpu.memory_space<hbm>>
    %dma_wait3A_2154 = arith.constant 0 : i32
    %dma_wait3A_2155 = arith.constant 0 : i32
    %dma_wait3A_2156 = tpu.memref_slice %arg2[%select_n3A, %dma_wait3A_2149, %dma_wait3A_2154, %dma_wait3A_2155] : memref<4x40x32x2048xf32, #tpu.memory_space<hbm>> -> memref<1x1x8x2048xf32, #tpu.memory_space<hbm>>
    %dma_wait3A_2157 = tpu.memref_squeeze %dma_wait3A_2156 : memref<1x1x8x2048xf32, #tpu.memory_space<hbm>> -> memref<8x2048xf32, #tpu.memory_space<hbm>>
    tpu.wait_dma2 semaphore(%arg12 : memref<!tpu.dma_semaphore, #tpu.memory_space<semaphore_mem>>) src(%dma_wait3A_2157 : memref<8x2048xf32, #tpu.memory_space<hbm>>) dst(%arg5 : memref<8x2048xf32, #tpu.memory_space<vmem>>)
    %dma_start3A_2158 = arith.constant 0 : i32
    %dma_start3A_2159 = tpu.memref_slice %arg3[%select_n3A, %select_n3A_2148, %mul3A_2127, %dma_start3A_2158] : memref<4x108x32x2048xf32, #tpu.memory_space<hbm>> -> memref<1x1x8x2048xf32, #tpu.memory_space<hbm>>
    %dma_start3A_2160 = tpu.memref_squeeze %dma_start3A_2159 : memref<1x1x8x2048xf32, #tpu.memory_space<hbm>> -> memref<8x2048xf32, #tpu.memory_space<hbm>>
    %dma_start3A_2161 = arith.constant 0 : i32
    %dma_start3A_2162 = tpu.memref_slice %arg3[%select_n3A, %select_n3A_2148, %mul3A_2127, %dma_start3A_2161] : memref<4x108x32x2048xf32, #tpu.memory_space<hbm>> -> memref<1x1x8x2048xf32, #tpu.memory_space<hbm>>
    %dma_start3A_2163 = tpu.memref_squeeze %dma_start3A_2162 : memref<1x1x8x2048xf32, #tpu.memory_space<hbm>> -> memref<8x2048xf32, #tpu.memory_space<hbm>>
    tpu.enqueue_dma source(%arg5 : memref<8x2048xf32, #tpu.memory_space<vmem>>) target(%dma_start3A_2163 : memref<8x2048xf32, #tpu.memory_space<hbm>>) target_semaphore(%arg17 : memref<!tpu.dma_semaphore, #tpu.memory_space<semaphore_mem>>)
    %dma_wait3A_2164 = arith.constant 0 : i32
    %dma_wait3A_2165 = arith.constant 0 : i32
    %dma_wait3A_2166 = arith.constant 0 : i32
    %dma_wait3A_2167 = tpu.memref_slice %arg3[%select_n3A, %dma_wait3A_2164, %dma_wait3A_2165, %dma_wait3A_2166] : memref<4x108x32x2048xf32, #tpu.memory_space<hbm>> -> memref<1x1x8x2048xf32, #tpu.memory_space<hbm>>
    %dma_wait3A_2168 = tpu.memref_squeeze %dma_wait3A_2167 : memref<1x1x8x2048xf32, #tpu.memory_space<hbm>> -> memref<8x2048xf32, #tpu.memory_space<hbm>>
    %dma_wait3A_2169 = arith.constant 0 : i32
    %dma_wait3A_2170 = arith.constant 0 : i32
    %dma_wait3A_2171 = tpu.memref_slice %arg3[%select_n3A, %dma_wait3A_2164, %dma_wait3A_2169, %dma_wait3A_2170] : memref<4x108x32x2048xf32, #tpu.memory_space<hbm>> -> memref<1x1x8x2048xf32, #tpu.memory_space<hbm>>
    %dma_wait3A_2172 = tpu.memref_squeeze %dma_wait3A_2171 : memref<1x1x8x2048xf32, #tpu.memory_space<hbm>> -> memref<8x2048xf32, #tpu.memory_space<hbm>>
    tpu.wait_dma2 semaphore(%arg20 : memref<!tpu.dma_semaphore, #tpu.memory_space<semaphore_mem>>) src(%arg8 : memref<8x2048xf32, #tpu.memory_space<vmem>>) dst(%dma_wait3A_2172 : memref<8x2048xf32, #tpu.memory_space<hbm>>)
    %mul3A_2173 = arith.constant 18 : i32
    %mul3A_2174 = arith.muli %select_n3A_30, %mul3A_2173 : i32
    %add3A_2175 = arith.constant 13 : i32
    %add3A_2176 = arith.addi %mul3A_2174, %add3A_2175 : i32
    %jit3A_2177 = arith.constant 4 : i32
    %div3A_2178 = arith.divsi %add3A_2176, %jit3A_2177 : i32
    %sign3A_2179 = arith.constant 0 : i32
    %sign3A_2180 = arith.cmpi sgt, %add3A_2176, %sign3A_2179 : i32
    %sign3A_2181 = arith.extui %sign3A_2180 : i1 to i32
    %sign3A_2182 = arith.constant 0 : i32
    %sign3A_2183 = arith.cmpi slt, %add3A_2176, %sign3A_2182 : i32
    %sign3A_2184 = arith.extui %sign3A_2183 : i1 to i32
    %sign3A_2185 = arith.subi %sign3A_2181, %sign3A_2184 : i32
    %sign3A_2186 = arith.constant 0 : i32
    %sign3A_2187 = arith.cmpi sgt, %jit3A_2177, %sign3A_2186 : i32
    %sign3A_2188 = arith.extui %sign3A_2187 : i1 to i32
    %sign3A_2189 = arith.constant 0 : i32
    %sign3A_2190 = arith.cmpi slt, %jit3A_2177, %sign3A_2189 : i32
    %sign3A_2191 = arith.extui %sign3A_2190 : i1 to i32
    %sign3A_2192 = arith.subi %sign3A_2188, %sign3A_2191 : i32
    %ne3A_2193 = arith.cmpi ne, %sign3A_2185, %sign3A_2192 : i32
    %rem3A_2194 = arith.remsi %add3A_2176, %jit3A_2177 : i32
    %ne3A_2195 = arith.constant 0 : i32
    %ne3A_2196 = arith.cmpi ne, %rem3A_2194, %ne3A_2195 : i32
    %and3A_2197 = arith.andi %ne3A_2193, %ne3A_2196 : i1
    %sub3A_2198 = arith.constant 1 : i32
    %sub3A_2199 = arith.subi %div3A_2178, %sub3A_2198 : i32
    %select_n3A_2200 = arith.select %and3A_2197, %sub3A_2199, %div3A_2178 : i32
    %jit3A_2201 = arith.constant 4 : i32
    %eq3A_2202 = arith.constant 0 : i32
    %eq3A_2203 = arith.cmpi eq, %jit3A_2201, %eq3A_2202 : i32
    %jit3A_2204 = arith.constant 1 : i32
    %select_n3A_2205 = arith.select %eq3A_2203, %jit3A_2204, %jit3A_2201 : i32
    %rem3A_2206 = arith.remsi %add3A_2176, %select_n3A_2205 : i32
    %ne3A_2207 = arith.constant 0 : i32
    %ne3A_2208 = arith.cmpi ne, %rem3A_2206, %ne3A_2207 : i32
    %lt3A_2209 = arith.constant 0 : i32
    %lt3A_2210 = arith.cmpi slt, %rem3A_2206, %lt3A_2209 : i32
    %lt3A_2211 = arith.constant 0 : i32
    %lt3A_2212 = arith.cmpi slt, %select_n3A_2205, %lt3A_2211 : i32
    %ne3A_2213 = arith.xori %lt3A_2210, %lt3A_2212 : i1
    %and3A_2214 = arith.andi %ne3A_2213, %ne3A_2208 : i1
    %add3A_2215 = arith.addi %rem3A_2206, %select_n3A_2205 : i32
    %select_n3A_2216 = arith.select %and3A_2214, %add3A_2215, %rem3A_2206 : i32
    %mul3A_2217 = arith.constant 8 : i32
    %mul3A_2218 = arith.muli %select_n3A_2216, %mul3A_2217 : i32
    %add3A_2219 = arith.constant 2 : i32
    %add3A_2220 = arith.addi %select_n3A_2200, %add3A_2219 : i32
    %ge3A_2221 = arith.constant 18 : i32
    %ge3A_2222 = arith.cmpi sge, %select_n3A_2200, %ge3A_2221 : i32
    %jit3A_2223 = arith.constant 2 : i32
    %jit3A_2224 = arith.constant 0 : i32
    %select_n3A_2225 = arith.select %ge3A_2222, %jit3A_2223, %jit3A_2224 : i32
    %add3A_2226 = arith.addi %add3A_2220, %select_n3A_2225 : i32
    %lt3A_2227 = arith.constant 18 : i32
    %lt3A_2228 = arith.cmpi slt, %select_n3A_2200, %lt3A_2227 : i32
    %mul3A_2229 = arith.constant 6 : i32
    %mul3A_2230 = arith.muli %select_n3A_2200, %mul3A_2229 : i32
    %add3A_2231 = arith.constant 2 : i32
    %add3A_2232 = arith.addi %mul3A_2230, %add3A_2231 : i32
    %sub3A_2233 = arith.constant 18 : i32
    %sub3A_2234 = arith.subi %select_n3A_2200, %sub3A_2233 : i32
    %mul3A_2235 = arith.constant 6 : i32
    %mul3A_2236 = arith.muli %sub3A_2234, %mul3A_2235 : i32
    %add3A_2237 = arith.constant 5 : i32
    %add3A_2238 = arith.addi %mul3A_2236, %add3A_2237 : i32
    %select_n3A_2239 = arith.select %lt3A_2228, %add3A_2232, %add3A_2238 : i32
    %dma_start3A_2240 = arith.constant 0 : i32
    %dma_start3A_2241 = tpu.memref_slice %arg2[%select_n3A, %add3A_2226, %mul3A_2218, %dma_start3A_2240] : memref<4x40x32x2048xf32, #tpu.memory_space<hbm>> -> memref<1x1x8x2048xf32, #tpu.memory_space<hbm>>
    %dma_start3A_2242 = tpu.memref_squeeze %dma_start3A_2241 : memref<1x1x8x2048xf32, #tpu.memory_space<hbm>> -> memref<8x2048xf32, #tpu.memory_space<hbm>>
    %dma_start3A_2243 = arith.constant 0 : i32
    %dma_start3A_2244 = tpu.memref_slice %arg2[%select_n3A, %add3A_2226, %mul3A_2218, %dma_start3A_2243] : memref<4x40x32x2048xf32, #tpu.memory_space<hbm>> -> memref<1x1x8x2048xf32, #tpu.memory_space<hbm>>
    %dma_start3A_2245 = tpu.memref_squeeze %dma_start3A_2244 : memref<1x1x8x2048xf32, #tpu.memory_space<hbm>> -> memref<8x2048xf32, #tpu.memory_space<hbm>>
    tpu.enqueue_dma source(%dma_start3A_2245 : memref<8x2048xf32, #tpu.memory_space<hbm>>) target(%arg8 : memref<8x2048xf32, #tpu.memory_space<vmem>>) target_semaphore(%arg15 : memref<!tpu.dma_semaphore, #tpu.memory_space<semaphore_mem>>)
    %mul3A_2246 = arith.constant 18 : i32
    %mul3A_2247 = arith.muli %select_n3A_30, %mul3A_2246 : i32
    %add3A_2248 = arith.constant 11 : i32
    %add3A_2249 = arith.addi %mul3A_2247, %add3A_2248 : i32
    %jit3A_2250 = arith.constant 4 : i32
    %div3A_2251 = arith.divsi %add3A_2249, %jit3A_2250 : i32
    %sign3A_2252 = arith.constant 0 : i32
    %sign3A_2253 = arith.cmpi sgt, %add3A_2249, %sign3A_2252 : i32
    %sign3A_2254 = arith.extui %sign3A_2253 : i1 to i32
    %sign3A_2255 = arith.constant 0 : i32
    %sign3A_2256 = arith.cmpi slt, %add3A_2249, %sign3A_2255 : i32
    %sign3A_2257 = arith.extui %sign3A_2256 : i1 to i32
    %sign3A_2258 = arith.subi %sign3A_2254, %sign3A_2257 : i32
    %sign3A_2259 = arith.constant 0 : i32
    %sign3A_2260 = arith.cmpi sgt, %jit3A_2250, %sign3A_2259 : i32
    %sign3A_2261 = arith.extui %sign3A_2260 : i1 to i32
    %sign3A_2262 = arith.constant 0 : i32
    %sign3A_2263 = arith.cmpi slt, %jit3A_2250, %sign3A_2262 : i32
    %sign3A_2264 = arith.extui %sign3A_2263 : i1 to i32
    %sign3A_2265 = arith.subi %sign3A_2261, %sign3A_2264 : i32
    %ne3A_2266 = arith.cmpi ne, %sign3A_2258, %sign3A_2265 : i32
    %rem3A_2267 = arith.remsi %add3A_2249, %jit3A_2250 : i32
    %ne3A_2268 = arith.constant 0 : i32
    %ne3A_2269 = arith.cmpi ne, %rem3A_2267, %ne3A_2268 : i32
    %and3A_2270 = arith.andi %ne3A_2266, %ne3A_2269 : i1
    %sub3A_2271 = arith.constant 1 : i32
    %sub3A_2272 = arith.subi %div3A_2251, %sub3A_2271 : i32
    %select_n3A_2273 = arith.select %and3A_2270, %sub3A_2272, %div3A_2251 : i32
    %jit3A_2274 = arith.constant 4 : i32
    %eq3A_2275 = arith.constant 0 : i32
    %eq3A_2276 = arith.cmpi eq, %jit3A_2274, %eq3A_2275 : i32
    %jit3A_2277 = arith.constant 1 : i32
    %select_n3A_2278 = arith.select %eq3A_2276, %jit3A_2277, %jit3A_2274 : i32
    %rem3A_2279 = arith.remsi %add3A_2249, %select_n3A_2278 : i32
    %ne3A_2280 = arith.constant 0 : i32
    %ne3A_2281 = arith.cmpi ne, %rem3A_2279, %ne3A_2280 : i32
    %lt3A_2282 = arith.constant 0 : i32
    %lt3A_2283 = arith.cmpi slt, %rem3A_2279, %lt3A_2282 : i32
    %lt3A_2284 = arith.constant 0 : i32
    %lt3A_2285 = arith.cmpi slt, %select_n3A_2278, %lt3A_2284 : i32
    %ne3A_2286 = arith.xori %lt3A_2283, %lt3A_2285 : i1
    %and3A_2287 = arith.andi %ne3A_2286, %ne3A_2281 : i1
    %add3A_2288 = arith.addi %rem3A_2279, %select_n3A_2278 : i32
    %select_n3A_2289 = arith.select %and3A_2287, %add3A_2288, %rem3A_2279 : i32
    %mul3A_2290 = arith.constant 8 : i32
    %mul3A_2291 = arith.muli %select_n3A_2289, %mul3A_2290 : i32
    %add3A_2292 = arith.constant 2 : i32
    %add3A_2293 = arith.addi %select_n3A_2273, %add3A_2292 : i32
    %ge3A_2294 = arith.constant 18 : i32
    %ge3A_2295 = arith.cmpi sge, %select_n3A_2273, %ge3A_2294 : i32
    %jit3A_2296 = arith.constant 2 : i32
    %jit3A_2297 = arith.constant 0 : i32
    %select_n3A_2298 = arith.select %ge3A_2295, %jit3A_2296, %jit3A_2297 : i32
    %add3A_2299 = arith.addi %add3A_2293, %select_n3A_2298 : i32
    %lt3A_2300 = arith.constant 18 : i32
    %lt3A_2301 = arith.cmpi slt, %select_n3A_2273, %lt3A_2300 : i32
    %mul3A_2302 = arith.constant 6 : i32
    %mul3A_2303 = arith.muli %select_n3A_2273, %mul3A_2302 : i32
    %add3A_2304 = arith.constant 2 : i32
    %add3A_2305 = arith.addi %mul3A_2303, %add3A_2304 : i32
    %sub3A_2306 = arith.constant 18 : i32
    %sub3A_2307 = arith.subi %select_n3A_2273, %sub3A_2306 : i32
    %mul3A_2308 = arith.constant 6 : i32
    %mul3A_2309 = arith.muli %sub3A_2307, %mul3A_2308 : i32
    %add3A_2310 = arith.constant 5 : i32
    %add3A_2311 = arith.addi %mul3A_2309, %add3A_2310 : i32
    %select_n3A_2312 = arith.select %lt3A_2301, %add3A_2305, %add3A_2311 : i32
    %dma_wait3A_2313 = arith.constant 0 : i32
    %dma_wait3A_2314 = arith.constant 0 : i32
    %dma_wait3A_2315 = arith.constant 0 : i32
    %dma_wait3A_2316 = tpu.memref_slice %arg2[%select_n3A, %dma_wait3A_2313, %dma_wait3A_2314, %dma_wait3A_2315] : memref<4x40x32x2048xf32, #tpu.memory_space<hbm>> -> memref<1x1x8x2048xf32, #tpu.memory_space<hbm>>
    %dma_wait3A_2317 = tpu.memref_squeeze %dma_wait3A_2316 : memref<1x1x8x2048xf32, #tpu.memory_space<hbm>> -> memref<8x2048xf32, #tpu.memory_space<hbm>>
    %dma_wait3A_2318 = arith.constant 0 : i32
    %dma_wait3A_2319 = arith.constant 0 : i32
    %dma_wait3A_2320 = tpu.memref_slice %arg2[%select_n3A, %dma_wait3A_2313, %dma_wait3A_2318, %dma_wait3A_2319] : memref<4x40x32x2048xf32, #tpu.memory_space<hbm>> -> memref<1x1x8x2048xf32, #tpu.memory_space<hbm>>
    %dma_wait3A_2321 = tpu.memref_squeeze %dma_wait3A_2320 : memref<1x1x8x2048xf32, #tpu.memory_space<hbm>> -> memref<8x2048xf32, #tpu.memory_space<hbm>>
    tpu.wait_dma2 semaphore(%arg13 : memref<!tpu.dma_semaphore, #tpu.memory_space<semaphore_mem>>) src(%dma_wait3A_2321 : memref<8x2048xf32, #tpu.memory_space<hbm>>) dst(%arg6 : memref<8x2048xf32, #tpu.memory_space<vmem>>)
    %dma_start3A_2322 = arith.constant 0 : i32
    %dma_start3A_2323 = tpu.memref_slice %arg3[%select_n3A, %select_n3A_2312, %mul3A_2291, %dma_start3A_2322] : memref<4x108x32x2048xf32, #tpu.memory_space<hbm>> -> memref<1x1x8x2048xf32, #tpu.memory_space<hbm>>
    %dma_start3A_2324 = tpu.memref_squeeze %dma_start3A_2323 : memref<1x1x8x2048xf32, #tpu.memory_space<hbm>> -> memref<8x2048xf32, #tpu.memory_space<hbm>>
    %dma_start3A_2325 = arith.constant 0 : i32
    %dma_start3A_2326 = tpu.memref_slice %arg3[%select_n3A, %select_n3A_2312, %mul3A_2291, %dma_start3A_2325] : memref<4x108x32x2048xf32, #tpu.memory_space<hbm>> -> memref<1x1x8x2048xf32, #tpu.memory_space<hbm>>
    %dma_start3A_2327 = tpu.memref_squeeze %dma_start3A_2326 : memref<1x1x8x2048xf32, #tpu.memory_space<hbm>> -> memref<8x2048xf32, #tpu.memory_space<hbm>>
    tpu.enqueue_dma source(%arg6 : memref<8x2048xf32, #tpu.memory_space<vmem>>) target(%dma_start3A_2327 : memref<8x2048xf32, #tpu.memory_space<hbm>>) target_semaphore(%arg18 : memref<!tpu.dma_semaphore, #tpu.memory_space<semaphore_mem>>)
    %dma_wait3A_2328 = arith.constant 0 : i32
    %dma_wait3A_2329 = arith.constant 0 : i32
    %dma_wait3A_2330 = arith.constant 0 : i32
    %dma_wait3A_2331 = tpu.memref_slice %arg3[%select_n3A, %dma_wait3A_2328, %dma_wait3A_2329, %dma_wait3A_2330] : memref<4x108x32x2048xf32, #tpu.memory_space<hbm>> -> memref<1x1x8x2048xf32, #tpu.memory_space<hbm>>
    %dma_wait3A_2332 = tpu.memref_squeeze %dma_wait3A_2331 : memref<1x1x8x2048xf32, #tpu.memory_space<hbm>> -> memref<8x2048xf32, #tpu.memory_space<hbm>>
    %dma_wait3A_2333 = arith.constant 0 : i32
    %dma_wait3A_2334 = arith.constant 0 : i32
    %dma_wait3A_2335 = tpu.memref_slice %arg3[%select_n3A, %dma_wait3A_2328, %dma_wait3A_2333, %dma_wait3A_2334] : memref<4x108x32x2048xf32, #tpu.memory_space<hbm>> -> memref<1x1x8x2048xf32, #tpu.memory_space<hbm>>
    %dma_wait3A_2336 = tpu.memref_squeeze %dma_wait3A_2335 : memref<1x1x8x2048xf32, #tpu.memory_space<hbm>> -> memref<8x2048xf32, #tpu.memory_space<hbm>>
    tpu.wait_dma2 semaphore(%arg21 : memref<!tpu.dma_semaphore, #tpu.memory_space<semaphore_mem>>) src(%arg9 : memref<8x2048xf32, #tpu.memory_space<vmem>>) dst(%dma_wait3A_2336 : memref<8x2048xf32, #tpu.memory_space<hbm>>)
    %mul3A_2337 = arith.constant 18 : i32
    %mul3A_2338 = arith.muli %select_n3A_30, %mul3A_2337 : i32
    %add3A_2339 = arith.constant 14 : i32
    %add3A_2340 = arith.addi %mul3A_2338, %add3A_2339 : i32
    %jit3A_2341 = arith.constant 4 : i32
    %div3A_2342 = arith.divsi %add3A_2340, %jit3A_2341 : i32
    %sign3A_2343 = arith.constant 0 : i32
    %sign3A_2344 = arith.cmpi sgt, %add3A_2340, %sign3A_2343 : i32
    %sign3A_2345 = arith.extui %sign3A_2344 : i1 to i32
    %sign3A_2346 = arith.constant 0 : i32
    %sign3A_2347 = arith.cmpi slt, %add3A_2340, %sign3A_2346 : i32
    %sign3A_2348 = arith.extui %sign3A_2347 : i1 to i32
    %sign3A_2349 = arith.subi %sign3A_2345, %sign3A_2348 : i32
    %sign3A_2350 = arith.constant 0 : i32
    %sign3A_2351 = arith.cmpi sgt, %jit3A_2341, %sign3A_2350 : i32
    %sign3A_2352 = arith.extui %sign3A_2351 : i1 to i32
    %sign3A_2353 = arith.constant 0 : i32
    %sign3A_2354 = arith.cmpi slt, %jit3A_2341, %sign3A_2353 : i32
    %sign3A_2355 = arith.extui %sign3A_2354 : i1 to i32
    %sign3A_2356 = arith.subi %sign3A_2352, %sign3A_2355 : i32
    %ne3A_2357 = arith.cmpi ne, %sign3A_2349, %sign3A_2356 : i32
    %rem3A_2358 = arith.remsi %add3A_2340, %jit3A_2341 : i32
    %ne3A_2359 = arith.constant 0 : i32
    %ne3A_2360 = arith.cmpi ne, %rem3A_2358, %ne3A_2359 : i32
    %and3A_2361 = arith.andi %ne3A_2357, %ne3A_2360 : i1
    %sub3A_2362 = arith.constant 1 : i32
    %sub3A_2363 = arith.subi %div3A_2342, %sub3A_2362 : i32
    %select_n3A_2364 = arith.select %and3A_2361, %sub3A_2363, %div3A_2342 : i32
    %jit3A_2365 = arith.constant 4 : i32
    %eq3A_2366 = arith.constant 0 : i32
    %eq3A_2367 = arith.cmpi eq, %jit3A_2365, %eq3A_2366 : i32
    %jit3A_2368 = arith.constant 1 : i32
    %select_n3A_2369 = arith.select %eq3A_2367, %jit3A_2368, %jit3A_2365 : i32
    %rem3A_2370 = arith.remsi %add3A_2340, %select_n3A_2369 : i32
    %ne3A_2371 = arith.constant 0 : i32
    %ne3A_2372 = arith.cmpi ne, %rem3A_2370, %ne3A_2371 : i32
    %lt3A_2373 = arith.constant 0 : i32
    %lt3A_2374 = arith.cmpi slt, %rem3A_2370, %lt3A_2373 : i32
    %lt3A_2375 = arith.constant 0 : i32
    %lt3A_2376 = arith.cmpi slt, %select_n3A_2369, %lt3A_2375 : i32
    %ne3A_2377 = arith.xori %lt3A_2374, %lt3A_2376 : i1
    %and3A_2378 = arith.andi %ne3A_2377, %ne3A_2372 : i1
    %add3A_2379 = arith.addi %rem3A_2370, %select_n3A_2369 : i32
    %select_n3A_2380 = arith.select %and3A_2378, %add3A_2379, %rem3A_2370 : i32
    %mul3A_2381 = arith.constant 8 : i32
    %mul3A_2382 = arith.muli %select_n3A_2380, %mul3A_2381 : i32
    %add3A_2383 = arith.constant 2 : i32
    %add3A_2384 = arith.addi %select_n3A_2364, %add3A_2383 : i32
    %ge3A_2385 = arith.constant 18 : i32
    %ge3A_2386 = arith.cmpi sge, %select_n3A_2364, %ge3A_2385 : i32
    %jit3A_2387 = arith.constant 2 : i32
    %jit3A_2388 = arith.constant 0 : i32
    %select_n3A_2389 = arith.select %ge3A_2386, %jit3A_2387, %jit3A_2388 : i32
    %add3A_2390 = arith.addi %add3A_2384, %select_n3A_2389 : i32
    %lt3A_2391 = arith.constant 18 : i32
    %lt3A_2392 = arith.cmpi slt, %select_n3A_2364, %lt3A_2391 : i32
    %mul3A_2393 = arith.constant 6 : i32
    %mul3A_2394 = arith.muli %select_n3A_2364, %mul3A_2393 : i32
    %add3A_2395 = arith.constant 2 : i32
    %add3A_2396 = arith.addi %mul3A_2394, %add3A_2395 : i32
    %sub3A_2397 = arith.constant 18 : i32
    %sub3A_2398 = arith.subi %select_n3A_2364, %sub3A_2397 : i32
    %mul3A_2399 = arith.constant 6 : i32
    %mul3A_2400 = arith.muli %sub3A_2398, %mul3A_2399 : i32
    %add3A_2401 = arith.constant 5 : i32
    %add3A_2402 = arith.addi %mul3A_2400, %add3A_2401 : i32
    %select_n3A_2403 = arith.select %lt3A_2392, %add3A_2396, %add3A_2402 : i32
    %dma_start3A_2404 = arith.constant 0 : i32
    %dma_start3A_2405 = tpu.memref_slice %arg2[%select_n3A, %add3A_2390, %mul3A_2382, %dma_start3A_2404] : memref<4x40x32x2048xf32, #tpu.memory_space<hbm>> -> memref<1x1x8x2048xf32, #tpu.memory_space<hbm>>
    %dma_start3A_2406 = tpu.memref_squeeze %dma_start3A_2405 : memref<1x1x8x2048xf32, #tpu.memory_space<hbm>> -> memref<8x2048xf32, #tpu.memory_space<hbm>>
    %dma_start3A_2407 = arith.constant 0 : i32
    %dma_start3A_2408 = tpu.memref_slice %arg2[%select_n3A, %add3A_2390, %mul3A_2382, %dma_start3A_2407] : memref<4x40x32x2048xf32, #tpu.memory_space<hbm>> -> memref<1x1x8x2048xf32, #tpu.memory_space<hbm>>
    %dma_start3A_2409 = tpu.memref_squeeze %dma_start3A_2408 : memref<1x1x8x2048xf32, #tpu.memory_space<hbm>> -> memref<8x2048xf32, #tpu.memory_space<hbm>>
    tpu.enqueue_dma source(%dma_start3A_2409 : memref<8x2048xf32, #tpu.memory_space<hbm>>) target(%arg9 : memref<8x2048xf32, #tpu.memory_space<vmem>>) target_semaphore(%arg16 : memref<!tpu.dma_semaphore, #tpu.memory_space<semaphore_mem>>)
    %mul3A_2410 = arith.constant 18 : i32
    %mul3A_2411 = arith.muli %select_n3A_30, %mul3A_2410 : i32
    %add3A_2412 = arith.constant 12 : i32
    %add3A_2413 = arith.addi %mul3A_2411, %add3A_2412 : i32
    %jit3A_2414 = arith.constant 4 : i32
    %div3A_2415 = arith.divsi %add3A_2413, %jit3A_2414 : i32
    %sign3A_2416 = arith.constant 0 : i32
    %sign3A_2417 = arith.cmpi sgt, %add3A_2413, %sign3A_2416 : i32
    %sign3A_2418 = arith.extui %sign3A_2417 : i1 to i32
    %sign3A_2419 = arith.constant 0 : i32
    %sign3A_2420 = arith.cmpi slt, %add3A_2413, %sign3A_2419 : i32
    %sign3A_2421 = arith.extui %sign3A_2420 : i1 to i32
    %sign3A_2422 = arith.subi %sign3A_2418, %sign3A_2421 : i32
    %sign3A_2423 = arith.constant 0 : i32
    %sign3A_2424 = arith.cmpi sgt, %jit3A_2414, %sign3A_2423 : i32
    %sign3A_2425 = arith.extui %sign3A_2424 : i1 to i32
    %sign3A_2426 = arith.constant 0 : i32
    %sign3A_2427 = arith.cmpi slt, %jit3A_2414, %sign3A_2426 : i32
    %sign3A_2428 = arith.extui %sign3A_2427 : i1 to i32
    %sign3A_2429 = arith.subi %sign3A_2425, %sign3A_2428 : i32
    %ne3A_2430 = arith.cmpi ne, %sign3A_2422, %sign3A_2429 : i32
    %rem3A_2431 = arith.remsi %add3A_2413, %jit3A_2414 : i32
    %ne3A_2432 = arith.constant 0 : i32
    %ne3A_2433 = arith.cmpi ne, %rem3A_2431, %ne3A_2432 : i32
    %and3A_2434 = arith.andi %ne3A_2430, %ne3A_2433 : i1
    %sub3A_2435 = arith.constant 1 : i32
    %sub3A_2436 = arith.subi %div3A_2415, %sub3A_2435 : i32
    %select_n3A_2437 = arith.select %and3A_2434, %sub3A_2436, %div3A_2415 : i32
    %jit3A_2438 = arith.constant 4 : i32
    %eq3A_2439 = arith.constant 0 : i32
    %eq3A_2440 = arith.cmpi eq, %jit3A_2438, %eq3A_2439 : i32
    %jit3A_2441 = arith.constant 1 : i32
    %select_n3A_2442 = arith.select %eq3A_2440, %jit3A_2441, %jit3A_2438 : i32
    %rem3A_2443 = arith.remsi %add3A_2413, %select_n3A_2442 : i32
    %ne3A_2444 = arith.constant 0 : i32
    %ne3A_2445 = arith.cmpi ne, %rem3A_2443, %ne3A_2444 : i32
    %lt3A_2446 = arith.constant 0 : i32
    %lt3A_2447 = arith.cmpi slt, %rem3A_2443, %lt3A_2446 : i32
    %lt3A_2448 = arith.constant 0 : i32
    %lt3A_2449 = arith.cmpi slt, %select_n3A_2442, %lt3A_2448 : i32
    %ne3A_2450 = arith.xori %lt3A_2447, %lt3A_2449 : i1
    %and3A_2451 = arith.andi %ne3A_2450, %ne3A_2445 : i1
    %add3A_2452 = arith.addi %rem3A_2443, %select_n3A_2442 : i32
    %select_n3A_2453 = arith.select %and3A_2451, %add3A_2452, %rem3A_2443 : i32
    %mul3A_2454 = arith.constant 8 : i32
    %mul3A_2455 = arith.muli %select_n3A_2453, %mul3A_2454 : i32
    %add3A_2456 = arith.constant 2 : i32
    %add3A_2457 = arith.addi %select_n3A_2437, %add3A_2456 : i32
    %ge3A_2458 = arith.constant 18 : i32
    %ge3A_2459 = arith.cmpi sge, %select_n3A_2437, %ge3A_2458 : i32
    %jit3A_2460 = arith.constant 2 : i32
    %jit3A_2461 = arith.constant 0 : i32
    %select_n3A_2462 = arith.select %ge3A_2459, %jit3A_2460, %jit3A_2461 : i32
    %add3A_2463 = arith.addi %add3A_2457, %select_n3A_2462 : i32
    %lt3A_2464 = arith.constant 18 : i32
    %lt3A_2465 = arith.cmpi slt, %select_n3A_2437, %lt3A_2464 : i32
    %mul3A_2466 = arith.constant 6 : i32
    %mul3A_2467 = arith.muli %select_n3A_2437, %mul3A_2466 : i32
    %add3A_2468 = arith.constant 2 : i32
    %add3A_2469 = arith.addi %mul3A_2467, %add3A_2468 : i32
    %sub3A_2470 = arith.constant 18 : i32
    %sub3A_2471 = arith.subi %select_n3A_2437, %sub3A_2470 : i32
    %mul3A_2472 = arith.constant 6 : i32
    %mul3A_2473 = arith.muli %sub3A_2471, %mul3A_2472 : i32
    %add3A_2474 = arith.constant 5 : i32
    %add3A_2475 = arith.addi %mul3A_2473, %add3A_2474 : i32
    %select_n3A_2476 = arith.select %lt3A_2465, %add3A_2469, %add3A_2475 : i32
    %dma_wait3A_2477 = arith.constant 0 : i32
    %dma_wait3A_2478 = arith.constant 0 : i32
    %dma_wait3A_2479 = arith.constant 0 : i32
    %dma_wait3A_2480 = tpu.memref_slice %arg2[%select_n3A, %dma_wait3A_2477, %dma_wait3A_2478, %dma_wait3A_2479] : memref<4x40x32x2048xf32, #tpu.memory_space<hbm>> -> memref<1x1x8x2048xf32, #tpu.memory_space<hbm>>
    %dma_wait3A_2481 = tpu.memref_squeeze %dma_wait3A_2480 : memref<1x1x8x2048xf32, #tpu.memory_space<hbm>> -> memref<8x2048xf32, #tpu.memory_space<hbm>>
    %dma_wait3A_2482 = arith.constant 0 : i32
    %dma_wait3A_2483 = arith.constant 0 : i32
    %dma_wait3A_2484 = tpu.memref_slice %arg2[%select_n3A, %dma_wait3A_2477, %dma_wait3A_2482, %dma_wait3A_2483] : memref<4x40x32x2048xf32, #tpu.memory_space<hbm>> -> memref<1x1x8x2048xf32, #tpu.memory_space<hbm>>
    %dma_wait3A_2485 = tpu.memref_squeeze %dma_wait3A_2484 : memref<1x1x8x2048xf32, #tpu.memory_space<hbm>> -> memref<8x2048xf32, #tpu.memory_space<hbm>>
    tpu.wait_dma2 semaphore(%arg14 : memref<!tpu.dma_semaphore, #tpu.memory_space<semaphore_mem>>) src(%dma_wait3A_2485 : memref<8x2048xf32, #tpu.memory_space<hbm>>) dst(%arg7 : memref<8x2048xf32, #tpu.memory_space<vmem>>)
    %dma_start3A_2486 = arith.constant 0 : i32
    %dma_start3A_2487 = tpu.memref_slice %arg3[%select_n3A, %select_n3A_2476, %mul3A_2455, %dma_start3A_2486] : memref<4x108x32x2048xf32, #tpu.memory_space<hbm>> -> memref<1x1x8x2048xf32, #tpu.memory_space<hbm>>
    %dma_start3A_2488 = tpu.memref_squeeze %dma_start3A_2487 : memref<1x1x8x2048xf32, #tpu.memory_space<hbm>> -> memref<8x2048xf32, #tpu.memory_space<hbm>>
    %dma_start3A_2489 = arith.constant 0 : i32
    %dma_start3A_2490 = tpu.memref_slice %arg3[%select_n3A, %select_n3A_2476, %mul3A_2455, %dma_start3A_2489] : memref<4x108x32x2048xf32, #tpu.memory_space<hbm>> -> memref<1x1x8x2048xf32, #tpu.memory_space<hbm>>
    %dma_start3A_2491 = tpu.memref_squeeze %dma_start3A_2490 : memref<1x1x8x2048xf32, #tpu.memory_space<hbm>> -> memref<8x2048xf32, #tpu.memory_space<hbm>>
    tpu.enqueue_dma source(%arg7 : memref<8x2048xf32, #tpu.memory_space<vmem>>) target(%dma_start3A_2491 : memref<8x2048xf32, #tpu.memory_space<hbm>>) target_semaphore(%arg19 : memref<!tpu.dma_semaphore, #tpu.memory_space<semaphore_mem>>)
    %dma_wait3A_2492 = arith.constant 0 : i32
    %dma_wait3A_2493 = arith.constant 0 : i32
    %dma_wait3A_2494 = arith.constant 0 : i32
    %dma_wait3A_2495 = tpu.memref_slice %arg3[%select_n3A, %dma_wait3A_2492, %dma_wait3A_2493, %dma_wait3A_2494] : memref<4x108x32x2048xf32, #tpu.memory_space<hbm>> -> memref<1x1x8x2048xf32, #tpu.memory_space<hbm>>
    %dma_wait3A_2496 = tpu.memref_squeeze %dma_wait3A_2495 : memref<1x1x8x2048xf32, #tpu.memory_space<hbm>> -> memref<8x2048xf32, #tpu.memory_space<hbm>>
    %dma_wait3A_2497 = arith.constant 0 : i32
    %dma_wait3A_2498 = arith.constant 0 : i32
    %dma_wait3A_2499 = tpu.memref_slice %arg3[%select_n3A, %dma_wait3A_2492, %dma_wait3A_2497, %dma_wait3A_2498] : memref<4x108x32x2048xf32, #tpu.memory_space<hbm>> -> memref<1x1x8x2048xf32, #tpu.memory_space<hbm>>
    %dma_wait3A_2500 = tpu.memref_squeeze %dma_wait3A_2499 : memref<1x1x8x2048xf32, #tpu.memory_space<hbm>> -> memref<8x2048xf32, #tpu.memory_space<hbm>>
    tpu.wait_dma2 semaphore(%arg17 : memref<!tpu.dma_semaphore, #tpu.memory_space<semaphore_mem>>) src(%arg5 : memref<8x2048xf32, #tpu.memory_space<vmem>>) dst(%dma_wait3A_2500 : memref<8x2048xf32, #tpu.memory_space<hbm>>)
    %mul3A_2501 = arith.constant 18 : i32
    %mul3A_2502 = arith.muli %select_n3A_30, %mul3A_2501 : i32
    %add3A_2503 = arith.constant 15 : i32
    %add3A_2504 = arith.addi %mul3A_2502, %add3A_2503 : i32
    %jit3A_2505 = arith.constant 4 : i32
    %div3A_2506 = arith.divsi %add3A_2504, %jit3A_2505 : i32
    %sign3A_2507 = arith.constant 0 : i32
    %sign3A_2508 = arith.cmpi sgt, %add3A_2504, %sign3A_2507 : i32
    %sign3A_2509 = arith.extui %sign3A_2508 : i1 to i32
    %sign3A_2510 = arith.constant 0 : i32
    %sign3A_2511 = arith.cmpi slt, %add3A_2504, %sign3A_2510 : i32
    %sign3A_2512 = arith.extui %sign3A_2511 : i1 to i32
    %sign3A_2513 = arith.subi %sign3A_2509, %sign3A_2512 : i32
    %sign3A_2514 = arith.constant 0 : i32
    %sign3A_2515 = arith.cmpi sgt, %jit3A_2505, %sign3A_2514 : i32
    %sign3A_2516 = arith.extui %sign3A_2515 : i1 to i32
    %sign3A_2517 = arith.constant 0 : i32
    %sign3A_2518 = arith.cmpi slt, %jit3A_2505, %sign3A_2517 : i32
    %sign3A_2519 = arith.extui %sign3A_2518 : i1 to i32
    %sign3A_2520 = arith.subi %sign3A_2516, %sign3A_2519 : i32
    %ne3A_2521 = arith.cmpi ne, %sign3A_2513, %sign3A_2520 : i32
    %rem3A_2522 = arith.remsi %add3A_2504, %jit3A_2505 : i32
    %ne3A_2523 = arith.constant 0 : i32
    %ne3A_2524 = arith.cmpi ne, %rem3A_2522, %ne3A_2523 : i32
    %and3A_2525 = arith.andi %ne3A_2521, %ne3A_2524 : i1
    %sub3A_2526 = arith.constant 1 : i32
    %sub3A_2527 = arith.subi %div3A_2506, %sub3A_2526 : i32
    %select_n3A_2528 = arith.select %and3A_2525, %sub3A_2527, %div3A_2506 : i32
    %jit3A_2529 = arith.constant 4 : i32
    %eq3A_2530 = arith.constant 0 : i32
    %eq3A_2531 = arith.cmpi eq, %jit3A_2529, %eq3A_2530 : i32
    %jit3A_2532 = arith.constant 1 : i32
    %select_n3A_2533 = arith.select %eq3A_2531, %jit3A_2532, %jit3A_2529 : i32
    %rem3A_2534 = arith.remsi %add3A_2504, %select_n3A_2533 : i32
    %ne3A_2535 = arith.constant 0 : i32
    %ne3A_2536 = arith.cmpi ne, %rem3A_2534, %ne3A_2535 : i32
    %lt3A_2537 = arith.constant 0 : i32
    %lt3A_2538 = arith.cmpi slt, %rem3A_2534, %lt3A_2537 : i32
    %lt3A_2539 = arith.constant 0 : i32
    %lt3A_2540 = arith.cmpi slt, %select_n3A_2533, %lt3A_2539 : i32
    %ne3A_2541 = arith.xori %lt3A_2538, %lt3A_2540 : i1
    %and3A_2542 = arith.andi %ne3A_2541, %ne3A_2536 : i1
    %add3A_2543 = arith.addi %rem3A_2534, %select_n3A_2533 : i32
    %select_n3A_2544 = arith.select %and3A_2542, %add3A_2543, %rem3A_2534 : i32
    %mul3A_2545 = arith.constant 8 : i32
    %mul3A_2546 = arith.muli %select_n3A_2544, %mul3A_2545 : i32
    %add3A_2547 = arith.constant 2 : i32
    %add3A_2548 = arith.addi %select_n3A_2528, %add3A_2547 : i32
    %ge3A_2549 = arith.constant 18 : i32
    %ge3A_2550 = arith.cmpi sge, %select_n3A_2528, %ge3A_2549 : i32
    %jit3A_2551 = arith.constant 2 : i32
    %jit3A_2552 = arith.constant 0 : i32
    %select_n3A_2553 = arith.select %ge3A_2550, %jit3A_2551, %jit3A_2552 : i32
    %add3A_2554 = arith.addi %add3A_2548, %select_n3A_2553 : i32
    %lt3A_2555 = arith.constant 18 : i32
    %lt3A_2556 = arith.cmpi slt, %select_n3A_2528, %lt3A_2555 : i32
    %mul3A_2557 = arith.constant 6 : i32
    %mul3A_2558 = arith.muli %select_n3A_2528, %mul3A_2557 : i32
    %add3A_2559 = arith.constant 2 : i32
    %add3A_2560 = arith.addi %mul3A_2558, %add3A_2559 : i32
    %sub3A_2561 = arith.constant 18 : i32
    %sub3A_2562 = arith.subi %select_n3A_2528, %sub3A_2561 : i32
    %mul3A_2563 = arith.constant 6 : i32
    %mul3A_2564 = arith.muli %sub3A_2562, %mul3A_2563 : i32
    %add3A_2565 = arith.constant 5 : i32
    %add3A_2566 = arith.addi %mul3A_2564, %add3A_2565 : i32
    %select_n3A_2567 = arith.select %lt3A_2556, %add3A_2560, %add3A_2566 : i32
    %dma_start3A_2568 = arith.constant 0 : i32
    %dma_start3A_2569 = tpu.memref_slice %arg2[%select_n3A, %add3A_2554, %mul3A_2546, %dma_start3A_2568] : memref<4x40x32x2048xf32, #tpu.memory_space<hbm>> -> memref<1x1x8x2048xf32, #tpu.memory_space<hbm>>
    %dma_start3A_2570 = tpu.memref_squeeze %dma_start3A_2569 : memref<1x1x8x2048xf32, #tpu.memory_space<hbm>> -> memref<8x2048xf32, #tpu.memory_space<hbm>>
    %dma_start3A_2571 = arith.constant 0 : i32
    %dma_start3A_2572 = tpu.memref_slice %arg2[%select_n3A, %add3A_2554, %mul3A_2546, %dma_start3A_2571] : memref<4x40x32x2048xf32, #tpu.memory_space<hbm>> -> memref<1x1x8x2048xf32, #tpu.memory_space<hbm>>
    %dma_start3A_2573 = tpu.memref_squeeze %dma_start3A_2572 : memref<1x1x8x2048xf32, #tpu.memory_space<hbm>> -> memref<8x2048xf32, #tpu.memory_space<hbm>>
    tpu.enqueue_dma source(%dma_start3A_2573 : memref<8x2048xf32, #tpu.memory_space<hbm>>) target(%arg5 : memref<8x2048xf32, #tpu.memory_space<vmem>>) target_semaphore(%arg12 : memref<!tpu.dma_semaphore, #tpu.memory_space<semaphore_mem>>)
    %mul3A_2574 = arith.constant 18 : i32
    %mul3A_2575 = arith.muli %select_n3A_30, %mul3A_2574 : i32
    %add3A_2576 = arith.constant 13 : i32
    %add3A_2577 = arith.addi %mul3A_2575, %add3A_2576 : i32
    %jit3A_2578 = arith.constant 4 : i32
    %div3A_2579 = arith.divsi %add3A_2577, %jit3A_2578 : i32
    %sign3A_2580 = arith.constant 0 : i32
    %sign3A_2581 = arith.cmpi sgt, %add3A_2577, %sign3A_2580 : i32
    %sign3A_2582 = arith.extui %sign3A_2581 : i1 to i32
    %sign3A_2583 = arith.constant 0 : i32
    %sign3A_2584 = arith.cmpi slt, %add3A_2577, %sign3A_2583 : i32
    %sign3A_2585 = arith.extui %sign3A_2584 : i1 to i32
    %sign3A_2586 = arith.subi %sign3A_2582, %sign3A_2585 : i32
    %sign3A_2587 = arith.constant 0 : i32
    %sign3A_2588 = arith.cmpi sgt, %jit3A_2578, %sign3A_2587 : i32
    %sign3A_2589 = arith.extui %sign3A_2588 : i1 to i32
    %sign3A_2590 = arith.constant 0 : i32
    %sign3A_2591 = arith.cmpi slt, %jit3A_2578, %sign3A_2590 : i32
    %sign3A_2592 = arith.extui %sign3A_2591 : i1 to i32
    %sign3A_2593 = arith.subi %sign3A_2589, %sign3A_2592 : i32
    %ne3A_2594 = arith.cmpi ne, %sign3A_2586, %sign3A_2593 : i32
    %rem3A_2595 = arith.remsi %add3A_2577, %jit3A_2578 : i32
    %ne3A_2596 = arith.constant 0 : i32
    %ne3A_2597 = arith.cmpi ne, %rem3A_2595, %ne3A_2596 : i32
    %and3A_2598 = arith.andi %ne3A_2594, %ne3A_2597 : i1
    %sub3A_2599 = arith.constant 1 : i32
    %sub3A_2600 = arith.subi %div3A_2579, %sub3A_2599 : i32
    %select_n3A_2601 = arith.select %and3A_2598, %sub3A_2600, %div3A_2579 : i32
    %jit3A_2602 = arith.constant 4 : i32
    %eq3A_2603 = arith.constant 0 : i32
    %eq3A_2604 = arith.cmpi eq, %jit3A_2602, %eq3A_2603 : i32
    %jit3A_2605 = arith.constant 1 : i32
    %select_n3A_2606 = arith.select %eq3A_2604, %jit3A_2605, %jit3A_2602 : i32
    %rem3A_2607 = arith.remsi %add3A_2577, %select_n3A_2606 : i32
    %ne3A_2608 = arith.constant 0 : i32
    %ne3A_2609 = arith.cmpi ne, %rem3A_2607, %ne3A_2608 : i32
    %lt3A_2610 = arith.constant 0 : i32
    %lt3A_2611 = arith.cmpi slt, %rem3A_2607, %lt3A_2610 : i32
    %lt3A_2612 = arith.constant 0 : i32
    %lt3A_2613 = arith.cmpi slt, %select_n3A_2606, %lt3A_2612 : i32
    %ne3A_2614 = arith.xori %lt3A_2611, %lt3A_2613 : i1
    %and3A_2615 = arith.andi %ne3A_2614, %ne3A_2609 : i1
    %add3A_2616 = arith.addi %rem3A_2607, %select_n3A_2606 : i32
    %select_n3A_2617 = arith.select %and3A_2615, %add3A_2616, %rem3A_2607 : i32
    %mul3A_2618 = arith.constant 8 : i32
    %mul3A_2619 = arith.muli %select_n3A_2617, %mul3A_2618 : i32
    %add3A_2620 = arith.constant 2 : i32
    %add3A_2621 = arith.addi %select_n3A_2601, %add3A_2620 : i32
    %ge3A_2622 = arith.constant 18 : i32
    %ge3A_2623 = arith.cmpi sge, %select_n3A_2601, %ge3A_2622 : i32
    %jit3A_2624 = arith.constant 2 : i32
    %jit3A_2625 = arith.constant 0 : i32
    %select_n3A_2626 = arith.select %ge3A_2623, %jit3A_2624, %jit3A_2625 : i32
    %add3A_2627 = arith.addi %add3A_2621, %select_n3A_2626 : i32
    %lt3A_2628 = arith.constant 18 : i32
    %lt3A_2629 = arith.cmpi slt, %select_n3A_2601, %lt3A_2628 : i32
    %mul3A_2630 = arith.constant 6 : i32
    %mul3A_2631 = arith.muli %select_n3A_2601, %mul3A_2630 : i32
    %add3A_2632 = arith.constant 2 : i32
    %add3A_2633 = arith.addi %mul3A_2631, %add3A_2632 : i32
    %sub3A_2634 = arith.constant 18 : i32
    %sub3A_2635 = arith.subi %select_n3A_2601, %sub3A_2634 : i32
    %mul3A_2636 = arith.constant 6 : i32
    %mul3A_2637 = arith.muli %sub3A_2635, %mul3A_2636 : i32
    %add3A_2638 = arith.constant 5 : i32
    %add3A_2639 = arith.addi %mul3A_2637, %add3A_2638 : i32
    %select_n3A_2640 = arith.select %lt3A_2629, %add3A_2633, %add3A_2639 : i32
    %dma_wait3A_2641 = arith.constant 0 : i32
    %dma_wait3A_2642 = arith.constant 0 : i32
    %dma_wait3A_2643 = arith.constant 0 : i32
    %dma_wait3A_2644 = tpu.memref_slice %arg2[%select_n3A, %dma_wait3A_2641, %dma_wait3A_2642, %dma_wait3A_2643] : memref<4x40x32x2048xf32, #tpu.memory_space<hbm>> -> memref<1x1x8x2048xf32, #tpu.memory_space<hbm>>
    %dma_wait3A_2645 = tpu.memref_squeeze %dma_wait3A_2644 : memref<1x1x8x2048xf32, #tpu.memory_space<hbm>> -> memref<8x2048xf32, #tpu.memory_space<hbm>>
    %dma_wait3A_2646 = arith.constant 0 : i32
    %dma_wait3A_2647 = arith.constant 0 : i32
    %dma_wait3A_2648 = tpu.memref_slice %arg2[%select_n3A, %dma_wait3A_2641, %dma_wait3A_2646, %dma_wait3A_2647] : memref<4x40x32x2048xf32, #tpu.memory_space<hbm>> -> memref<1x1x8x2048xf32, #tpu.memory_space<hbm>>
    %dma_wait3A_2649 = tpu.memref_squeeze %dma_wait3A_2648 : memref<1x1x8x2048xf32, #tpu.memory_space<hbm>> -> memref<8x2048xf32, #tpu.memory_space<hbm>>
    tpu.wait_dma2 semaphore(%arg15 : memref<!tpu.dma_semaphore, #tpu.memory_space<semaphore_mem>>) src(%dma_wait3A_2649 : memref<8x2048xf32, #tpu.memory_space<hbm>>) dst(%arg8 : memref<8x2048xf32, #tpu.memory_space<vmem>>)
    %dma_start3A_2650 = arith.constant 0 : i32
    %dma_start3A_2651 = tpu.memref_slice %arg3[%select_n3A, %select_n3A_2640, %mul3A_2619, %dma_start3A_2650] : memref<4x108x32x2048xf32, #tpu.memory_space<hbm>> -> memref<1x1x8x2048xf32, #tpu.memory_space<hbm>>
    %dma_start3A_2652 = tpu.memref_squeeze %dma_start3A_2651 : memref<1x1x8x2048xf32, #tpu.memory_space<hbm>> -> memref<8x2048xf32, #tpu.memory_space<hbm>>
    %dma_start3A_2653 = arith.constant 0 : i32
    %dma_start3A_2654 = tpu.memref_slice %arg3[%select_n3A, %select_n3A_2640, %mul3A_2619, %dma_start3A_2653] : memref<4x108x32x2048xf32, #tpu.memory_space<hbm>> -> memref<1x1x8x2048xf32, #tpu.memory_space<hbm>>
    %dma_start3A_2655 = tpu.memref_squeeze %dma_start3A_2654 : memref<1x1x8x2048xf32, #tpu.memory_space<hbm>> -> memref<8x2048xf32, #tpu.memory_space<hbm>>
    tpu.enqueue_dma source(%arg8 : memref<8x2048xf32, #tpu.memory_space<vmem>>) target(%dma_start3A_2655 : memref<8x2048xf32, #tpu.memory_space<hbm>>) target_semaphore(%arg20 : memref<!tpu.dma_semaphore, #tpu.memory_space<semaphore_mem>>)
    %dma_wait3A_2656 = arith.constant 0 : i32
    %dma_wait3A_2657 = arith.constant 0 : i32
    %dma_wait3A_2658 = arith.constant 0 : i32
    %dma_wait3A_2659 = tpu.memref_slice %arg3[%select_n3A, %dma_wait3A_2656, %dma_wait3A_2657, %dma_wait3A_2658] : memref<4x108x32x2048xf32, #tpu.memory_space<hbm>> -> memref<1x1x8x2048xf32, #tpu.memory_space<hbm>>
    %dma_wait3A_2660 = tpu.memref_squeeze %dma_wait3A_2659 : memref<1x1x8x2048xf32, #tpu.memory_space<hbm>> -> memref<8x2048xf32, #tpu.memory_space<hbm>>
    %dma_wait3A_2661 = arith.constant 0 : i32
    %dma_wait3A_2662 = arith.constant 0 : i32
    %dma_wait3A_2663 = tpu.memref_slice %arg3[%select_n3A, %dma_wait3A_2656, %dma_wait3A_2661, %dma_wait3A_2662] : memref<4x108x32x2048xf32, #tpu.memory_space<hbm>> -> memref<1x1x8x2048xf32, #tpu.memory_space<hbm>>
    %dma_wait3A_2664 = tpu.memref_squeeze %dma_wait3A_2663 : memref<1x1x8x2048xf32, #tpu.memory_space<hbm>> -> memref<8x2048xf32, #tpu.memory_space<hbm>>
    tpu.wait_dma2 semaphore(%arg18 : memref<!tpu.dma_semaphore, #tpu.memory_space<semaphore_mem>>) src(%arg6 : memref<8x2048xf32, #tpu.memory_space<vmem>>) dst(%dma_wait3A_2664 : memref<8x2048xf32, #tpu.memory_space<hbm>>)
    %mul3A_2665 = arith.constant 18 : i32
    %mul3A_2666 = arith.muli %select_n3A_30, %mul3A_2665 : i32
    %add3A_2667 = arith.constant 16 : i32
    %add3A_2668 = arith.addi %mul3A_2666, %add3A_2667 : i32
    %jit3A_2669 = arith.constant 4 : i32
    %div3A_2670 = arith.divsi %add3A_2668, %jit3A_2669 : i32
    %sign3A_2671 = arith.constant 0 : i32
    %sign3A_2672 = arith.cmpi sgt, %add3A_2668, %sign3A_2671 : i32
    %sign3A_2673 = arith.extui %sign3A_2672 : i1 to i32
    %sign3A_2674 = arith.constant 0 : i32
    %sign3A_2675 = arith.cmpi slt, %add3A_2668, %sign3A_2674 : i32
    %sign3A_2676 = arith.extui %sign3A_2675 : i1 to i32
    %sign3A_2677 = arith.subi %sign3A_2673, %sign3A_2676 : i32
    %sign3A_2678 = arith.constant 0 : i32
    %sign3A_2679 = arith.cmpi sgt, %jit3A_2669, %sign3A_2678 : i32
    %sign3A_2680 = arith.extui %sign3A_2679 : i1 to i32
    %sign3A_2681 = arith.constant 0 : i32
    %sign3A_2682 = arith.cmpi slt, %jit3A_2669, %sign3A_2681 : i32
    %sign3A_2683 = arith.extui %sign3A_2682 : i1 to i32
    %sign3A_2684 = arith.subi %sign3A_2680, %sign3A_2683 : i32
    %ne3A_2685 = arith.cmpi ne, %sign3A_2677, %sign3A_2684 : i32
    %rem3A_2686 = arith.remsi %add3A_2668, %jit3A_2669 : i32
    %ne3A_2687 = arith.constant 0 : i32
    %ne3A_2688 = arith.cmpi ne, %rem3A_2686, %ne3A_2687 : i32
    %and3A_2689 = arith.andi %ne3A_2685, %ne3A_2688 : i1
    %sub3A_2690 = arith.constant 1 : i32
    %sub3A_2691 = arith.subi %div3A_2670, %sub3A_2690 : i32
    %select_n3A_2692 = arith.select %and3A_2689, %sub3A_2691, %div3A_2670 : i32
    %jit3A_2693 = arith.constant 4 : i32
    %eq3A_2694 = arith.constant 0 : i32
    %eq3A_2695 = arith.cmpi eq, %jit3A_2693, %eq3A_2694 : i32
    %jit3A_2696 = arith.constant 1 : i32
    %select_n3A_2697 = arith.select %eq3A_2695, %jit3A_2696, %jit3A_2693 : i32
    %rem3A_2698 = arith.remsi %add3A_2668, %select_n3A_2697 : i32
    %ne3A_2699 = arith.constant 0 : i32
    %ne3A_2700 = arith.cmpi ne, %rem3A_2698, %ne3A_2699 : i32
    %lt3A_2701 = arith.constant 0 : i32
    %lt3A_2702 = arith.cmpi slt, %rem3A_2698, %lt3A_2701 : i32
    %lt3A_2703 = arith.constant 0 : i32
    %lt3A_2704 = arith.cmpi slt, %select_n3A_2697, %lt3A_2703 : i32
    %ne3A_2705 = arith.xori %lt3A_2702, %lt3A_2704 : i1
    %and3A_2706 = arith.andi %ne3A_2705, %ne3A_2700 : i1
    %add3A_2707 = arith.addi %rem3A_2698, %select_n3A_2697 : i32
    %select_n3A_2708 = arith.select %and3A_2706, %add3A_2707, %rem3A_2698 : i32
    %mul3A_2709 = arith.constant 8 : i32
    %mul3A_2710 = arith.muli %select_n3A_2708, %mul3A_2709 : i32
    %add3A_2711 = arith.constant 2 : i32
    %add3A_2712 = arith.addi %select_n3A_2692, %add3A_2711 : i32
    %ge3A_2713 = arith.constant 18 : i32
    %ge3A_2714 = arith.cmpi sge, %select_n3A_2692, %ge3A_2713 : i32
    %jit3A_2715 = arith.constant 2 : i32
    %jit3A_2716 = arith.constant 0 : i32
    %select_n3A_2717 = arith.select %ge3A_2714, %jit3A_2715, %jit3A_2716 : i32
    %add3A_2718 = arith.addi %add3A_2712, %select_n3A_2717 : i32
    %lt3A_2719 = arith.constant 18 : i32
    %lt3A_2720 = arith.cmpi slt, %select_n3A_2692, %lt3A_2719 : i32
    %mul3A_2721 = arith.constant 6 : i32
    %mul3A_2722 = arith.muli %select_n3A_2692, %mul3A_2721 : i32
    %add3A_2723 = arith.constant 2 : i32
    %add3A_2724 = arith.addi %mul3A_2722, %add3A_2723 : i32
    %sub3A_2725 = arith.constant 18 : i32
    %sub3A_2726 = arith.subi %select_n3A_2692, %sub3A_2725 : i32
    %mul3A_2727 = arith.constant 6 : i32
    %mul3A_2728 = arith.muli %sub3A_2726, %mul3A_2727 : i32
    %add3A_2729 = arith.constant 5 : i32
    %add3A_2730 = arith.addi %mul3A_2728, %add3A_2729 : i32
    %select_n3A_2731 = arith.select %lt3A_2720, %add3A_2724, %add3A_2730 : i32
    %dma_start3A_2732 = arith.constant 0 : i32
    %dma_start3A_2733 = tpu.memref_slice %arg2[%select_n3A, %add3A_2718, %mul3A_2710, %dma_start3A_2732] : memref<4x40x32x2048xf32, #tpu.memory_space<hbm>> -> memref<1x1x8x2048xf32, #tpu.memory_space<hbm>>
    %dma_start3A_2734 = tpu.memref_squeeze %dma_start3A_2733 : memref<1x1x8x2048xf32, #tpu.memory_space<hbm>> -> memref<8x2048xf32, #tpu.memory_space<hbm>>
    %dma_start3A_2735 = arith.constant 0 : i32
    %dma_start3A_2736 = tpu.memref_slice %arg2[%select_n3A, %add3A_2718, %mul3A_2710, %dma_start3A_2735] : memref<4x40x32x2048xf32, #tpu.memory_space<hbm>> -> memref<1x1x8x2048xf32, #tpu.memory_space<hbm>>
    %dma_start3A_2737 = tpu.memref_squeeze %dma_start3A_2736 : memref<1x1x8x2048xf32, #tpu.memory_space<hbm>> -> memref<8x2048xf32, #tpu.memory_space<hbm>>
    tpu.enqueue_dma source(%dma_start3A_2737 : memref<8x2048xf32, #tpu.memory_space<hbm>>) target(%arg6 : memref<8x2048xf32, #tpu.memory_space<vmem>>) target_semaphore(%arg13 : memref<!tpu.dma_semaphore, #tpu.memory_space<semaphore_mem>>)
    %mul3A_2738 = arith.constant 18 : i32
    %mul3A_2739 = arith.muli %select_n3A_30, %mul3A_2738 : i32
    %add3A_2740 = arith.constant 14 : i32
    %add3A_2741 = arith.addi %mul3A_2739, %add3A_2740 : i32
    %jit3A_2742 = arith.constant 4 : i32
    %div3A_2743 = arith.divsi %add3A_2741, %jit3A_2742 : i32
    %sign3A_2744 = arith.constant 0 : i32
    %sign3A_2745 = arith.cmpi sgt, %add3A_2741, %sign3A_2744 : i32
    %sign3A_2746 = arith.extui %sign3A_2745 : i1 to i32
    %sign3A_2747 = arith.constant 0 : i32
    %sign3A_2748 = arith.cmpi slt, %add3A_2741, %sign3A_2747 : i32
    %sign3A_2749 = arith.extui %sign3A_2748 : i1 to i32
    %sign3A_2750 = arith.subi %sign3A_2746, %sign3A_2749 : i32
    %sign3A_2751 = arith.constant 0 : i32
    %sign3A_2752 = arith.cmpi sgt, %jit3A_2742, %sign3A_2751 : i32
    %sign3A_2753 = arith.extui %sign3A_2752 : i1 to i32
    %sign3A_2754 = arith.constant 0 : i32
    %sign3A_2755 = arith.cmpi slt, %jit3A_2742, %sign3A_2754 : i32
    %sign3A_2756 = arith.extui %sign3A_2755 : i1 to i32
    %sign3A_2757 = arith.subi %sign3A_2753, %sign3A_2756 : i32
    %ne3A_2758 = arith.cmpi ne, %sign3A_2750, %sign3A_2757 : i32
    %rem3A_2759 = arith.remsi %add3A_2741, %jit3A_2742 : i32
    %ne3A_2760 = arith.constant 0 : i32
    %ne3A_2761 = arith.cmpi ne, %rem3A_2759, %ne3A_2760 : i32
    %and3A_2762 = arith.andi %ne3A_2758, %ne3A_2761 : i1
    %sub3A_2763 = arith.constant 1 : i32
    %sub3A_2764 = arith.subi %div3A_2743, %sub3A_2763 : i32
    %select_n3A_2765 = arith.select %and3A_2762, %sub3A_2764, %div3A_2743 : i32
    %jit3A_2766 = arith.constant 4 : i32
    %eq3A_2767 = arith.constant 0 : i32
    %eq3A_2768 = arith.cmpi eq, %jit3A_2766, %eq3A_2767 : i32
    %jit3A_2769 = arith.constant 1 : i32
    %select_n3A_2770 = arith.select %eq3A_2768, %jit3A_2769, %jit3A_2766 : i32
    %rem3A_2771 = arith.remsi %add3A_2741, %select_n3A_2770 : i32
    %ne3A_2772 = arith.constant 0 : i32
    %ne3A_2773 = arith.cmpi ne, %rem3A_2771, %ne3A_2772 : i32
    %lt3A_2774 = arith.constant 0 : i32
    %lt3A_2775 = arith.cmpi slt, %rem3A_2771, %lt3A_2774 : i32
    %lt3A_2776 = arith.constant 0 : i32
    %lt3A_2777 = arith.cmpi slt, %select_n3A_2770, %lt3A_2776 : i32
    %ne3A_2778 = arith.xori %lt3A_2775, %lt3A_2777 : i1
    %and3A_2779 = arith.andi %ne3A_2778, %ne3A_2773 : i1
    %add3A_2780 = arith.addi %rem3A_2771, %select_n3A_2770 : i32
    %select_n3A_2781 = arith.select %and3A_2779, %add3A_2780, %rem3A_2771 : i32
    %mul3A_2782 = arith.constant 8 : i32
    %mul3A_2783 = arith.muli %select_n3A_2781, %mul3A_2782 : i32
    %add3A_2784 = arith.constant 2 : i32
    %add3A_2785 = arith.addi %select_n3A_2765, %add3A_2784 : i32
    %ge3A_2786 = arith.constant 18 : i32
    %ge3A_2787 = arith.cmpi sge, %select_n3A_2765, %ge3A_2786 : i32
    %jit3A_2788 = arith.constant 2 : i32
    %jit3A_2789 = arith.constant 0 : i32
    %select_n3A_2790 = arith.select %ge3A_2787, %jit3A_2788, %jit3A_2789 : i32
    %add3A_2791 = arith.addi %add3A_2785, %select_n3A_2790 : i32
    %lt3A_2792 = arith.constant 18 : i32
    %lt3A_2793 = arith.cmpi slt, %select_n3A_2765, %lt3A_2792 : i32
    %mul3A_2794 = arith.constant 6 : i32
    %mul3A_2795 = arith.muli %select_n3A_2765, %mul3A_2794 : i32
    %add3A_2796 = arith.constant 2 : i32
    %add3A_2797 = arith.addi %mul3A_2795, %add3A_2796 : i32
    %sub3A_2798 = arith.constant 18 : i32
    %sub3A_2799 = arith.subi %select_n3A_2765, %sub3A_2798 : i32
    %mul3A_2800 = arith.constant 6 : i32
    %mul3A_2801 = arith.muli %sub3A_2799, %mul3A_2800 : i32
    %add3A_2802 = arith.constant 5 : i32
    %add3A_2803 = arith.addi %mul3A_2801, %add3A_2802 : i32
    %select_n3A_2804 = arith.select %lt3A_2793, %add3A_2797, %add3A_2803 : i32
    %dma_wait3A_2805 = arith.constant 0 : i32
    %dma_wait3A_2806 = arith.constant 0 : i32
    %dma_wait3A_2807 = arith.constant 0 : i32
    %dma_wait3A_2808 = tpu.memref_slice %arg2[%select_n3A, %dma_wait3A_2805, %dma_wait3A_2806, %dma_wait3A_2807] : memref<4x40x32x2048xf32, #tpu.memory_space<hbm>> -> memref<1x1x8x2048xf32, #tpu.memory_space<hbm>>
    %dma_wait3A_2809 = tpu.memref_squeeze %dma_wait3A_2808 : memref<1x1x8x2048xf32, #tpu.memory_space<hbm>> -> memref<8x2048xf32, #tpu.memory_space<hbm>>
    %dma_wait3A_2810 = arith.constant 0 : i32
    %dma_wait3A_2811 = arith.constant 0 : i32
    %dma_wait3A_2812 = tpu.memref_slice %arg2[%select_n3A, %dma_wait3A_2805, %dma_wait3A_2810, %dma_wait3A_2811] : memref<4x40x32x2048xf32, #tpu.memory_space<hbm>> -> memref<1x1x8x2048xf32, #tpu.memory_space<hbm>>
    %dma_wait3A_2813 = tpu.memref_squeeze %dma_wait3A_2812 : memref<1x1x8x2048xf32, #tpu.memory_space<hbm>> -> memref<8x2048xf32, #tpu.memory_space<hbm>>
    tpu.wait_dma2 semaphore(%arg16 : memref<!tpu.dma_semaphore, #tpu.memory_space<semaphore_mem>>) src(%dma_wait3A_2813 : memref<8x2048xf32, #tpu.memory_space<hbm>>) dst(%arg9 : memref<8x2048xf32, #tpu.memory_space<vmem>>)
    %dma_start3A_2814 = arith.constant 0 : i32
    %dma_start3A_2815 = tpu.memref_slice %arg3[%select_n3A, %select_n3A_2804, %mul3A_2783, %dma_start3A_2814] : memref<4x108x32x2048xf32, #tpu.memory_space<hbm>> -> memref<1x1x8x2048xf32, #tpu.memory_space<hbm>>
    %dma_start3A_2816 = tpu.memref_squeeze %dma_start3A_2815 : memref<1x1x8x2048xf32, #tpu.memory_space<hbm>> -> memref<8x2048xf32, #tpu.memory_space<hbm>>
    %dma_start3A_2817 = arith.constant 0 : i32
    %dma_start3A_2818 = tpu.memref_slice %arg3[%select_n3A, %select_n3A_2804, %mul3A_2783, %dma_start3A_2817] : memref<4x108x32x2048xf32, #tpu.memory_space<hbm>> -> memref<1x1x8x2048xf32, #tpu.memory_space<hbm>>
    %dma_start3A_2819 = tpu.memref_squeeze %dma_start3A_2818 : memref<1x1x8x2048xf32, #tpu.memory_space<hbm>> -> memref<8x2048xf32, #tpu.memory_space<hbm>>
    tpu.enqueue_dma source(%arg9 : memref<8x2048xf32, #tpu.memory_space<vmem>>) target(%dma_start3A_2819 : memref<8x2048xf32, #tpu.memory_space<hbm>>) target_semaphore(%arg21 : memref<!tpu.dma_semaphore, #tpu.memory_space<semaphore_mem>>)
    %dma_wait3A_2820 = arith.constant 0 : i32
    %dma_wait3A_2821 = arith.constant 0 : i32
    %dma_wait3A_2822 = arith.constant 0 : i32
    %dma_wait3A_2823 = tpu.memref_slice %arg3[%select_n3A, %dma_wait3A_2820, %dma_wait3A_2821, %dma_wait3A_2822] : memref<4x108x32x2048xf32, #tpu.memory_space<hbm>> -> memref<1x1x8x2048xf32, #tpu.memory_space<hbm>>
    %dma_wait3A_2824 = tpu.memref_squeeze %dma_wait3A_2823 : memref<1x1x8x2048xf32, #tpu.memory_space<hbm>> -> memref<8x2048xf32, #tpu.memory_space<hbm>>
    %dma_wait3A_2825 = arith.constant 0 : i32
    %dma_wait3A_2826 = arith.constant 0 : i32
    %dma_wait3A_2827 = tpu.memref_slice %arg3[%select_n3A, %dma_wait3A_2820, %dma_wait3A_2825, %dma_wait3A_2826] : memref<4x108x32x2048xf32, #tpu.memory_space<hbm>> -> memref<1x1x8x2048xf32, #tpu.memory_space<hbm>>
    %dma_wait3A_2828 = tpu.memref_squeeze %dma_wait3A_2827 : memref<1x1x8x2048xf32, #tpu.memory_space<hbm>> -> memref<8x2048xf32, #tpu.memory_space<hbm>>
    tpu.wait_dma2 semaphore(%arg19 : memref<!tpu.dma_semaphore, #tpu.memory_space<semaphore_mem>>) src(%arg7 : memref<8x2048xf32, #tpu.memory_space<vmem>>) dst(%dma_wait3A_2828 : memref<8x2048xf32, #tpu.memory_space<hbm>>)
    %mul3A_2829 = arith.constant 18 : i32
    %mul3A_2830 = arith.muli %select_n3A_30, %mul3A_2829 : i32
    %add3A_2831 = arith.constant 17 : i32
    %add3A_2832 = arith.addi %mul3A_2830, %add3A_2831 : i32
    %jit3A_2833 = arith.constant 4 : i32
    %div3A_2834 = arith.divsi %add3A_2832, %jit3A_2833 : i32
    %sign3A_2835 = arith.constant 0 : i32
    %sign3A_2836 = arith.cmpi sgt, %add3A_2832, %sign3A_2835 : i32
    %sign3A_2837 = arith.extui %sign3A_2836 : i1 to i32
    %sign3A_2838 = arith.constant 0 : i32
    %sign3A_2839 = arith.cmpi slt, %add3A_2832, %sign3A_2838 : i32
    %sign3A_2840 = arith.extui %sign3A_2839 : i1 to i32
    %sign3A_2841 = arith.subi %sign3A_2837, %sign3A_2840 : i32
    %sign3A_2842 = arith.constant 0 : i32
    %sign3A_2843 = arith.cmpi sgt, %jit3A_2833, %sign3A_2842 : i32
    %sign3A_2844 = arith.extui %sign3A_2843 : i1 to i32
    %sign3A_2845 = arith.constant 0 : i32
    %sign3A_2846 = arith.cmpi slt, %jit3A_2833, %sign3A_2845 : i32
    %sign3A_2847 = arith.extui %sign3A_2846 : i1 to i32
    %sign3A_2848 = arith.subi %sign3A_2844, %sign3A_2847 : i32
    %ne3A_2849 = arith.cmpi ne, %sign3A_2841, %sign3A_2848 : i32
    %rem3A_2850 = arith.remsi %add3A_2832, %jit3A_2833 : i32
    %ne3A_2851 = arith.constant 0 : i32
    %ne3A_2852 = arith.cmpi ne, %rem3A_2850, %ne3A_2851 : i32
    %and3A_2853 = arith.andi %ne3A_2849, %ne3A_2852 : i1
    %sub3A_2854 = arith.constant 1 : i32
    %sub3A_2855 = arith.subi %div3A_2834, %sub3A_2854 : i32
    %select_n3A_2856 = arith.select %and3A_2853, %sub3A_2855, %div3A_2834 : i32
    %jit3A_2857 = arith.constant 4 : i32
    %eq3A_2858 = arith.constant 0 : i32
    %eq3A_2859 = arith.cmpi eq, %jit3A_2857, %eq3A_2858 : i32
    %jit3A_2860 = arith.constant 1 : i32
    %select_n3A_2861 = arith.select %eq3A_2859, %jit3A_2860, %jit3A_2857 : i32
    %rem3A_2862 = arith.remsi %add3A_2832, %select_n3A_2861 : i32
    %ne3A_2863 = arith.constant 0 : i32
    %ne3A_2864 = arith.cmpi ne, %rem3A_2862, %ne3A_2863 : i32
    %lt3A_2865 = arith.constant 0 : i32
    %lt3A_2866 = arith.cmpi slt, %rem3A_2862, %lt3A_2865 : i32
    %lt3A_2867 = arith.constant 0 : i32
    %lt3A_2868 = arith.cmpi slt, %select_n3A_2861, %lt3A_2867 : i32
    %ne3A_2869 = arith.xori %lt3A_2866, %lt3A_2868 : i1
    %and3A_2870 = arith.andi %ne3A_2869, %ne3A_2864 : i1
    %add3A_2871 = arith.addi %rem3A_2862, %select_n3A_2861 : i32
    %select_n3A_2872 = arith.select %and3A_2870, %add3A_2871, %rem3A_2862 : i32
    %mul3A_2873 = arith.constant 8 : i32
    %mul3A_2874 = arith.muli %select_n3A_2872, %mul3A_2873 : i32
    %add3A_2875 = arith.constant 2 : i32
    %add3A_2876 = arith.addi %select_n3A_2856, %add3A_2875 : i32
    %ge3A_2877 = arith.constant 18 : i32
    %ge3A_2878 = arith.cmpi sge, %select_n3A_2856, %ge3A_2877 : i32
    %jit3A_2879 = arith.constant 2 : i32
    %jit3A_2880 = arith.constant 0 : i32
    %select_n3A_2881 = arith.select %ge3A_2878, %jit3A_2879, %jit3A_2880 : i32
    %add3A_2882 = arith.addi %add3A_2876, %select_n3A_2881 : i32
    %lt3A_2883 = arith.constant 18 : i32
    %lt3A_2884 = arith.cmpi slt, %select_n3A_2856, %lt3A_2883 : i32
    %mul3A_2885 = arith.constant 6 : i32
    %mul3A_2886 = arith.muli %select_n3A_2856, %mul3A_2885 : i32
    %add3A_2887 = arith.constant 2 : i32
    %add3A_2888 = arith.addi %mul3A_2886, %add3A_2887 : i32
    %sub3A_2889 = arith.constant 18 : i32
    %sub3A_2890 = arith.subi %select_n3A_2856, %sub3A_2889 : i32
    %mul3A_2891 = arith.constant 6 : i32
    %mul3A_2892 = arith.muli %sub3A_2890, %mul3A_2891 : i32
    %add3A_2893 = arith.constant 5 : i32
    %add3A_2894 = arith.addi %mul3A_2892, %add3A_2893 : i32
    %select_n3A_2895 = arith.select %lt3A_2884, %add3A_2888, %add3A_2894 : i32
    %dma_start3A_2896 = arith.constant 0 : i32
    %dma_start3A_2897 = tpu.memref_slice %arg2[%select_n3A, %add3A_2882, %mul3A_2874, %dma_start3A_2896] : memref<4x40x32x2048xf32, #tpu.memory_space<hbm>> -> memref<1x1x8x2048xf32, #tpu.memory_space<hbm>>
    %dma_start3A_2898 = tpu.memref_squeeze %dma_start3A_2897 : memref<1x1x8x2048xf32, #tpu.memory_space<hbm>> -> memref<8x2048xf32, #tpu.memory_space<hbm>>
    %dma_start3A_2899 = arith.constant 0 : i32
    %dma_start3A_2900 = tpu.memref_slice %arg2[%select_n3A, %add3A_2882, %mul3A_2874, %dma_start3A_2899] : memref<4x40x32x2048xf32, #tpu.memory_space<hbm>> -> memref<1x1x8x2048xf32, #tpu.memory_space<hbm>>
    %dma_start3A_2901 = tpu.memref_squeeze %dma_start3A_2900 : memref<1x1x8x2048xf32, #tpu.memory_space<hbm>> -> memref<8x2048xf32, #tpu.memory_space<hbm>>
    tpu.enqueue_dma source(%dma_start3A_2901 : memref<8x2048xf32, #tpu.memory_space<hbm>>) target(%arg7 : memref<8x2048xf32, #tpu.memory_space<vmem>>) target_semaphore(%arg14 : memref<!tpu.dma_semaphore, #tpu.memory_space<semaphore_mem>>)
    %mul3A_2902 = arith.constant 18 : i32
    %mul3A_2903 = arith.muli %select_n3A_30, %mul3A_2902 : i32
    %add3A_2904 = arith.constant 15 : i32
    %add3A_2905 = arith.addi %mul3A_2903, %add3A_2904 : i32
    %jit3A_2906 = arith.constant 4 : i32
    %div3A_2907 = arith.divsi %add3A_2905, %jit3A_2906 : i32
    %sign3A_2908 = arith.constant 0 : i32
    %sign3A_2909 = arith.cmpi sgt, %add3A_2905, %sign3A_2908 : i32
    %sign3A_2910 = arith.extui %sign3A_2909 : i1 to i32
    %sign3A_2911 = arith.constant 0 : i32
    %sign3A_2912 = arith.cmpi slt, %add3A_2905, %sign3A_2911 : i32
    %sign3A_2913 = arith.extui %sign3A_2912 : i1 to i32
    %sign3A_2914 = arith.subi %sign3A_2910, %sign3A_2913 : i32
    %sign3A_2915 = arith.constant 0 : i32
    %sign3A_2916 = arith.cmpi sgt, %jit3A_2906, %sign3A_2915 : i32
    %sign3A_2917 = arith.extui %sign3A_2916 : i1 to i32
    %sign3A_2918 = arith.constant 0 : i32
    %sign3A_2919 = arith.cmpi slt, %jit3A_2906, %sign3A_2918 : i32
    %sign3A_2920 = arith.extui %sign3A_2919 : i1 to i32
    %sign3A_2921 = arith.subi %sign3A_2917, %sign3A_2920 : i32
    %ne3A_2922 = arith.cmpi ne, %sign3A_2914, %sign3A_2921 : i32
    %rem3A_2923 = arith.remsi %add3A_2905, %jit3A_2906 : i32
    %ne3A_2924 = arith.constant 0 : i32
    %ne3A_2925 = arith.cmpi ne, %rem3A_2923, %ne3A_2924 : i32
    %and3A_2926 = arith.andi %ne3A_2922, %ne3A_2925 : i1
    %sub3A_2927 = arith.constant 1 : i32
    %sub3A_2928 = arith.subi %div3A_2907, %sub3A_2927 : i32
    %select_n3A_2929 = arith.select %and3A_2926, %sub3A_2928, %div3A_2907 : i32
    %jit3A_2930 = arith.constant 4 : i32
    %eq3A_2931 = arith.constant 0 : i32
    %eq3A_2932 = arith.cmpi eq, %jit3A_2930, %eq3A_2931 : i32
    %jit3A_2933 = arith.constant 1 : i32
    %select_n3A_2934 = arith.select %eq3A_2932, %jit3A_2933, %jit3A_2930 : i32
    %rem3A_2935 = arith.remsi %add3A_2905, %select_n3A_2934 : i32
    %ne3A_2936 = arith.constant 0 : i32
    %ne3A_2937 = arith.cmpi ne, %rem3A_2935, %ne3A_2936 : i32
    %lt3A_2938 = arith.constant 0 : i32
    %lt3A_2939 = arith.cmpi slt, %rem3A_2935, %lt3A_2938 : i32
    %lt3A_2940 = arith.constant 0 : i32
    %lt3A_2941 = arith.cmpi slt, %select_n3A_2934, %lt3A_2940 : i32
    %ne3A_2942 = arith.xori %lt3A_2939, %lt3A_2941 : i1
    %and3A_2943 = arith.andi %ne3A_2942, %ne3A_2937 : i1
    %add3A_2944 = arith.addi %rem3A_2935, %select_n3A_2934 : i32
    %select_n3A_2945 = arith.select %and3A_2943, %add3A_2944, %rem3A_2935 : i32
    %mul3A_2946 = arith.constant 8 : i32
    %mul3A_2947 = arith.muli %select_n3A_2945, %mul3A_2946 : i32
    %add3A_2948 = arith.constant 2 : i32
    %add3A_2949 = arith.addi %select_n3A_2929, %add3A_2948 : i32
    %ge3A_2950 = arith.constant 18 : i32
    %ge3A_2951 = arith.cmpi sge, %select_n3A_2929, %ge3A_2950 : i32
    %jit3A_2952 = arith.constant 2 : i32
    %jit3A_2953 = arith.constant 0 : i32
    %select_n3A_2954 = arith.select %ge3A_2951, %jit3A_2952, %jit3A_2953 : i32
    %add3A_2955 = arith.addi %add3A_2949, %select_n3A_2954 : i32
    %lt3A_2956 = arith.constant 18 : i32
    %lt3A_2957 = arith.cmpi slt, %select_n3A_2929, %lt3A_2956 : i32
    %mul3A_2958 = arith.constant 6 : i32
    %mul3A_2959 = arith.muli %select_n3A_2929, %mul3A_2958 : i32
    %add3A_2960 = arith.constant 2 : i32
    %add3A_2961 = arith.addi %mul3A_2959, %add3A_2960 : i32
    %sub3A_2962 = arith.constant 18 : i32
    %sub3A_2963 = arith.subi %select_n3A_2929, %sub3A_2962 : i32
    %mul3A_2964 = arith.constant 6 : i32
    %mul3A_2965 = arith.muli %sub3A_2963, %mul3A_2964 : i32
    %add3A_2966 = arith.constant 5 : i32
    %add3A_2967 = arith.addi %mul3A_2965, %add3A_2966 : i32
    %select_n3A_2968 = arith.select %lt3A_2957, %add3A_2961, %add3A_2967 : i32
    %dma_wait3A_2969 = arith.constant 0 : i32
    %dma_wait3A_2970 = arith.constant 0 : i32
    %dma_wait3A_2971 = arith.constant 0 : i32
    %dma_wait3A_2972 = tpu.memref_slice %arg2[%select_n3A, %dma_wait3A_2969, %dma_wait3A_2970, %dma_wait3A_2971] : memref<4x40x32x2048xf32, #tpu.memory_space<hbm>> -> memref<1x1x8x2048xf32, #tpu.memory_space<hbm>>
    %dma_wait3A_2973 = tpu.memref_squeeze %dma_wait3A_2972 : memref<1x1x8x2048xf32, #tpu.memory_space<hbm>> -> memref<8x2048xf32, #tpu.memory_space<hbm>>
    %dma_wait3A_2974 = arith.constant 0 : i32
    %dma_wait3A_2975 = arith.constant 0 : i32
    %dma_wait3A_2976 = tpu.memref_slice %arg2[%select_n3A, %dma_wait3A_2969, %dma_wait3A_2974, %dma_wait3A_2975] : memref<4x40x32x2048xf32, #tpu.memory_space<hbm>> -> memref<1x1x8x2048xf32, #tpu.memory_space<hbm>>
    %dma_wait3A_2977 = tpu.memref_squeeze %dma_wait3A_2976 : memref<1x1x8x2048xf32, #tpu.memory_space<hbm>> -> memref<8x2048xf32, #tpu.memory_space<hbm>>
    tpu.wait_dma2 semaphore(%arg12 : memref<!tpu.dma_semaphore, #tpu.memory_space<semaphore_mem>>) src(%dma_wait3A_2977 : memref<8x2048xf32, #tpu.memory_space<hbm>>) dst(%arg5 : memref<8x2048xf32, #tpu.memory_space<vmem>>)
    %dma_start3A_2978 = arith.constant 0 : i32
    %dma_start3A_2979 = tpu.memref_slice %arg3[%select_n3A, %select_n3A_2968, %mul3A_2947, %dma_start3A_2978] : memref<4x108x32x2048xf32, #tpu.memory_space<hbm>> -> memref<1x1x8x2048xf32, #tpu.memory_space<hbm>>
    %dma_start3A_2980 = tpu.memref_squeeze %dma_start3A_2979 : memref<1x1x8x2048xf32, #tpu.memory_space<hbm>> -> memref<8x2048xf32, #tpu.memory_space<hbm>>
    %dma_start3A_2981 = arith.constant 0 : i32
    %dma_start3A_2982 = tpu.memref_slice %arg3[%select_n3A, %select_n3A_2968, %mul3A_2947, %dma_start3A_2981] : memref<4x108x32x2048xf32, #tpu.memory_space<hbm>> -> memref<1x1x8x2048xf32, #tpu.memory_space<hbm>>
    %dma_start3A_2983 = tpu.memref_squeeze %dma_start3A_2982 : memref<1x1x8x2048xf32, #tpu.memory_space<hbm>> -> memref<8x2048xf32, #tpu.memory_space<hbm>>
    tpu.enqueue_dma source(%arg5 : memref<8x2048xf32, #tpu.memory_space<vmem>>) target(%dma_start3A_2983 : memref<8x2048xf32, #tpu.memory_space<hbm>>) target_semaphore(%arg17 : memref<!tpu.dma_semaphore, #tpu.memory_space<semaphore_mem>>)
    %mul3A_2984 = arith.constant 18 : i32
    %mul3A_2985 = arith.muli %select_n3A_30, %mul3A_2984 : i32
    %add3A_2986 = arith.constant 16 : i32
    %add3A_2987 = arith.addi %mul3A_2985, %add3A_2986 : i32
    %jit3A_2988 = arith.constant 4 : i32
    %div3A_2989 = arith.divsi %add3A_2987, %jit3A_2988 : i32
    %sign3A_2990 = arith.constant 0 : i32
    %sign3A_2991 = arith.cmpi sgt, %add3A_2987, %sign3A_2990 : i32
    %sign3A_2992 = arith.extui %sign3A_2991 : i1 to i32
    %sign3A_2993 = arith.constant 0 : i32
    %sign3A_2994 = arith.cmpi slt, %add3A_2987, %sign3A_2993 : i32
    %sign3A_2995 = arith.extui %sign3A_2994 : i1 to i32
    %sign3A_2996 = arith.subi %sign3A_2992, %sign3A_2995 : i32
    %sign3A_2997 = arith.constant 0 : i32
    %sign3A_2998 = arith.cmpi sgt, %jit3A_2988, %sign3A_2997 : i32
    %sign3A_2999 = arith.extui %sign3A_2998 : i1 to i32
    %sign3A_3000 = arith.constant 0 : i32
    %sign3A_3001 = arith.cmpi slt, %jit3A_2988, %sign3A_3000 : i32
    %sign3A_3002 = arith.extui %sign3A_3001 : i1 to i32
    %sign3A_3003 = arith.subi %sign3A_2999, %sign3A_3002 : i32
    %ne3A_3004 = arith.cmpi ne, %sign3A_2996, %sign3A_3003 : i32
    %rem3A_3005 = arith.remsi %add3A_2987, %jit3A_2988 : i32
    %ne3A_3006 = arith.constant 0 : i32
    %ne3A_3007 = arith.cmpi ne, %rem3A_3005, %ne3A_3006 : i32
    %and3A_3008 = arith.andi %ne3A_3004, %ne3A_3007 : i1
    %sub3A_3009 = arith.constant 1 : i32
    %sub3A_3010 = arith.subi %div3A_2989, %sub3A_3009 : i32
    %select_n3A_3011 = arith.select %and3A_3008, %sub3A_3010, %div3A_2989 : i32
    %jit3A_3012 = arith.constant 4 : i32
    %eq3A_3013 = arith.constant 0 : i32
    %eq3A_3014 = arith.cmpi eq, %jit3A_3012, %eq3A_3013 : i32
    %jit3A_3015 = arith.constant 1 : i32
    %select_n3A_3016 = arith.select %eq3A_3014, %jit3A_3015, %jit3A_3012 : i32
    %rem3A_3017 = arith.remsi %add3A_2987, %select_n3A_3016 : i32
    %ne3A_3018 = arith.constant 0 : i32
    %ne3A_3019 = arith.cmpi ne, %rem3A_3017, %ne3A_3018 : i32
    %lt3A_3020 = arith.constant 0 : i32
    %lt3A_3021 = arith.cmpi slt, %rem3A_3017, %lt3A_3020 : i32
    %lt3A_3022 = arith.constant 0 : i32
    %lt3A_3023 = arith.cmpi slt, %select_n3A_3016, %lt3A_3022 : i32
    %ne3A_3024 = arith.xori %lt3A_3021, %lt3A_3023 : i1
    %and3A_3025 = arith.andi %ne3A_3024, %ne3A_3019 : i1
    %add3A_3026 = arith.addi %rem3A_3017, %select_n3A_3016 : i32
    %select_n3A_3027 = arith.select %and3A_3025, %add3A_3026, %rem3A_3017 : i32
    %mul3A_3028 = arith.constant 8 : i32
    %mul3A_3029 = arith.muli %select_n3A_3027, %mul3A_3028 : i32
    %add3A_3030 = arith.constant 2 : i32
    %add3A_3031 = arith.addi %select_n3A_3011, %add3A_3030 : i32
    %ge3A_3032 = arith.constant 18 : i32
    %ge3A_3033 = arith.cmpi sge, %select_n3A_3011, %ge3A_3032 : i32
    %jit3A_3034 = arith.constant 2 : i32
    %jit3A_3035 = arith.constant 0 : i32
    %select_n3A_3036 = arith.select %ge3A_3033, %jit3A_3034, %jit3A_3035 : i32
    %add3A_3037 = arith.addi %add3A_3031, %select_n3A_3036 : i32
    %lt3A_3038 = arith.constant 18 : i32
    %lt3A_3039 = arith.cmpi slt, %select_n3A_3011, %lt3A_3038 : i32
    %mul3A_3040 = arith.constant 6 : i32
    %mul3A_3041 = arith.muli %select_n3A_3011, %mul3A_3040 : i32
    %add3A_3042 = arith.constant 2 : i32
    %add3A_3043 = arith.addi %mul3A_3041, %add3A_3042 : i32
    %sub3A_3044 = arith.constant 18 : i32
    %sub3A_3045 = arith.subi %select_n3A_3011, %sub3A_3044 : i32
    %mul3A_3046 = arith.constant 6 : i32
    %mul3A_3047 = arith.muli %sub3A_3045, %mul3A_3046 : i32
    %add3A_3048 = arith.constant 5 : i32
    %add3A_3049 = arith.addi %mul3A_3047, %add3A_3048 : i32
    %select_n3A_3050 = arith.select %lt3A_3039, %add3A_3043, %add3A_3049 : i32
    %dma_wait3A_3051 = arith.constant 0 : i32
    %dma_wait3A_3052 = arith.constant 0 : i32
    %dma_wait3A_3053 = arith.constant 0 : i32
    %dma_wait3A_3054 = tpu.memref_slice %arg2[%select_n3A, %dma_wait3A_3051, %dma_wait3A_3052, %dma_wait3A_3053] : memref<4x40x32x2048xf32, #tpu.memory_space<hbm>> -> memref<1x1x8x2048xf32, #tpu.memory_space<hbm>>
    %dma_wait3A_3055 = tpu.memref_squeeze %dma_wait3A_3054 : memref<1x1x8x2048xf32, #tpu.memory_space<hbm>> -> memref<8x2048xf32, #tpu.memory_space<hbm>>
    %dma_wait3A_3056 = arith.constant 0 : i32
    %dma_wait3A_3057 = arith.constant 0 : i32
    %dma_wait3A_3058 = tpu.memref_slice %arg2[%select_n3A, %dma_wait3A_3051, %dma_wait3A_3056, %dma_wait3A_3057] : memref<4x40x32x2048xf32, #tpu.memory_space<hbm>> -> memref<1x1x8x2048xf32, #tpu.memory_space<hbm>>
    %dma_wait3A_3059 = tpu.memref_squeeze %dma_wait3A_3058 : memref<1x1x8x2048xf32, #tpu.memory_space<hbm>> -> memref<8x2048xf32, #tpu.memory_space<hbm>>
    tpu.wait_dma2 semaphore(%arg13 : memref<!tpu.dma_semaphore, #tpu.memory_space<semaphore_mem>>) src(%dma_wait3A_3059 : memref<8x2048xf32, #tpu.memory_space<hbm>>) dst(%arg6 : memref<8x2048xf32, #tpu.memory_space<vmem>>)
    %dma_start3A_3060 = arith.constant 0 : i32
    %dma_start3A_3061 = tpu.memref_slice %arg3[%select_n3A, %select_n3A_3050, %mul3A_3029, %dma_start3A_3060] : memref<4x108x32x2048xf32, #tpu.memory_space<hbm>> -> memref<1x1x8x2048xf32, #tpu.memory_space<hbm>>
    %dma_start3A_3062 = tpu.memref_squeeze %dma_start3A_3061 : memref<1x1x8x2048xf32, #tpu.memory_space<hbm>> -> memref<8x2048xf32, #tpu.memory_space<hbm>>
    %dma_start3A_3063 = arith.constant 0 : i32
    %dma_start3A_3064 = tpu.memref_slice %arg3[%select_n3A, %select_n3A_3050, %mul3A_3029, %dma_start3A_3063] : memref<4x108x32x2048xf32, #tpu.memory_space<hbm>> -> memref<1x1x8x2048xf32, #tpu.memory_space<hbm>>
    %dma_start3A_3065 = tpu.memref_squeeze %dma_start3A_3064 : memref<1x1x8x2048xf32, #tpu.memory_space<hbm>> -> memref<8x2048xf32, #tpu.memory_space<hbm>>
    tpu.enqueue_dma source(%arg6 : memref<8x2048xf32, #tpu.memory_space<vmem>>) target(%dma_start3A_3065 : memref<8x2048xf32, #tpu.memory_space<hbm>>) target_semaphore(%arg18 : memref<!tpu.dma_semaphore, #tpu.memory_space<semaphore_mem>>)
    %mul3A_3066 = arith.constant 18 : i32
    %mul3A_3067 = arith.muli %select_n3A_30, %mul3A_3066 : i32
    %add3A_3068 = arith.constant 17 : i32
    %add3A_3069 = arith.addi %mul3A_3067, %add3A_3068 : i32
    %jit3A_3070 = arith.constant 4 : i32
    %div3A_3071 = arith.divsi %add3A_3069, %jit3A_3070 : i32
    %sign3A_3072 = arith.constant 0 : i32
    %sign3A_3073 = arith.cmpi sgt, %add3A_3069, %sign3A_3072 : i32
    %sign3A_3074 = arith.extui %sign3A_3073 : i1 to i32
    %sign3A_3075 = arith.constant 0 : i32
    %sign3A_3076 = arith.cmpi slt, %add3A_3069, %sign3A_3075 : i32
    %sign3A_3077 = arith.extui %sign3A_3076 : i1 to i32
    %sign3A_3078 = arith.subi %sign3A_3074, %sign3A_3077 : i32
    %sign3A_3079 = arith.constant 0 : i32
    %sign3A_3080 = arith.cmpi sgt, %jit3A_3070, %sign3A_3079 : i32
    %sign3A_3081 = arith.extui %sign3A_3080 : i1 to i32
    %sign3A_3082 = arith.constant 0 : i32
    %sign3A_3083 = arith.cmpi slt, %jit3A_3070, %sign3A_3082 : i32
    %sign3A_3084 = arith.extui %sign3A_3083 : i1 to i32
    %sign3A_3085 = arith.subi %sign3A_3081, %sign3A_3084 : i32
    %ne3A_3086 = arith.cmpi ne, %sign3A_3078, %sign3A_3085 : i32
    %rem3A_3087 = arith.remsi %add3A_3069, %jit3A_3070 : i32
    %ne3A_3088 = arith.constant 0 : i32
    %ne3A_3089 = arith.cmpi ne, %rem3A_3087, %ne3A_3088 : i32
    %and3A_3090 = arith.andi %ne3A_3086, %ne3A_3089 : i1
    %sub3A_3091 = arith.constant 1 : i32
    %sub3A_3092 = arith.subi %div3A_3071, %sub3A_3091 : i32
    %select_n3A_3093 = arith.select %and3A_3090, %sub3A_3092, %div3A_3071 : i32
    %jit3A_3094 = arith.constant 4 : i32
    %eq3A_3095 = arith.constant 0 : i32
    %eq3A_3096 = arith.cmpi eq, %jit3A_3094, %eq3A_3095 : i32
    %jit3A_3097 = arith.constant 1 : i32
    %select_n3A_3098 = arith.select %eq3A_3096, %jit3A_3097, %jit3A_3094 : i32
    %rem3A_3099 = arith.remsi %add3A_3069, %select_n3A_3098 : i32
    %ne3A_3100 = arith.constant 0 : i32
    %ne3A_3101 = arith.cmpi ne, %rem3A_3099, %ne3A_3100 : i32
    %lt3A_3102 = arith.constant 0 : i32
    %lt3A_3103 = arith.cmpi slt, %rem3A_3099, %lt3A_3102 : i32
    %lt3A_3104 = arith.constant 0 : i32
    %lt3A_3105 = arith.cmpi slt, %select_n3A_3098, %lt3A_3104 : i32
    %ne3A_3106 = arith.xori %lt3A_3103, %lt3A_3105 : i1
    %and3A_3107 = arith.andi %ne3A_3106, %ne3A_3101 : i1
    %add3A_3108 = arith.addi %rem3A_3099, %select_n3A_3098 : i32
    %select_n3A_3109 = arith.select %and3A_3107, %add3A_3108, %rem3A_3099 : i32
    %mul3A_3110 = arith.constant 8 : i32
    %mul3A_3111 = arith.muli %select_n3A_3109, %mul3A_3110 : i32
    %add3A_3112 = arith.constant 2 : i32
    %add3A_3113 = arith.addi %select_n3A_3093, %add3A_3112 : i32
    %ge3A_3114 = arith.constant 18 : i32
    %ge3A_3115 = arith.cmpi sge, %select_n3A_3093, %ge3A_3114 : i32
    %jit3A_3116 = arith.constant 2 : i32
    %jit3A_3117 = arith.constant 0 : i32
    %select_n3A_3118 = arith.select %ge3A_3115, %jit3A_3116, %jit3A_3117 : i32
    %add3A_3119 = arith.addi %add3A_3113, %select_n3A_3118 : i32
    %lt3A_3120 = arith.constant 18 : i32
    %lt3A_3121 = arith.cmpi slt, %select_n3A_3093, %lt3A_3120 : i32
    %mul3A_3122 = arith.constant 6 : i32
    %mul3A_3123 = arith.muli %select_n3A_3093, %mul3A_3122 : i32
    %add3A_3124 = arith.constant 2 : i32
    %add3A_3125 = arith.addi %mul3A_3123, %add3A_3124 : i32
    %sub3A_3126 = arith.constant 18 : i32
    %sub3A_3127 = arith.subi %select_n3A_3093, %sub3A_3126 : i32
    %mul3A_3128 = arith.constant 6 : i32
    %mul3A_3129 = arith.muli %sub3A_3127, %mul3A_3128 : i32
    %add3A_3130 = arith.constant 5 : i32
    %add3A_3131 = arith.addi %mul3A_3129, %add3A_3130 : i32
    %select_n3A_3132 = arith.select %lt3A_3121, %add3A_3125, %add3A_3131 : i32
    %dma_wait3A_3133 = arith.constant 0 : i32
    %dma_wait3A_3134 = arith.constant 0 : i32
    %dma_wait3A_3135 = arith.constant 0 : i32
    %dma_wait3A_3136 = tpu.memref_slice %arg2[%select_n3A, %dma_wait3A_3133, %dma_wait3A_3134, %dma_wait3A_3135] : memref<4x40x32x2048xf32, #tpu.memory_space<hbm>> -> memref<1x1x8x2048xf32, #tpu.memory_space<hbm>>
    %dma_wait3A_3137 = tpu.memref_squeeze %dma_wait3A_3136 : memref<1x1x8x2048xf32, #tpu.memory_space<hbm>> -> memref<8x2048xf32, #tpu.memory_space<hbm>>
    %dma_wait3A_3138 = arith.constant 0 : i32
    %dma_wait3A_3139 = arith.constant 0 : i32
    %dma_wait3A_3140 = tpu.memref_slice %arg2[%select_n3A, %dma_wait3A_3133, %dma_wait3A_3138, %dma_wait3A_3139] : memref<4x40x32x2048xf32, #tpu.memory_space<hbm>> -> memref<1x1x8x2048xf32, #tpu.memory_space<hbm>>
    %dma_wait3A_3141 = tpu.memref_squeeze %dma_wait3A_3140 : memref<1x1x8x2048xf32, #tpu.memory_space<hbm>> -> memref<8x2048xf32, #tpu.memory_space<hbm>>
    tpu.wait_dma2 semaphore(%arg14 : memref<!tpu.dma_semaphore, #tpu.memory_space<semaphore_mem>>) src(%dma_wait3A_3141 : memref<8x2048xf32, #tpu.memory_space<hbm>>) dst(%arg7 : memref<8x2048xf32, #tpu.memory_space<vmem>>)
    %dma_start3A_3142 = arith.constant 0 : i32
    %dma_start3A_3143 = tpu.memref_slice %arg3[%select_n3A, %select_n3A_3132, %mul3A_3111, %dma_start3A_3142] : memref<4x108x32x2048xf32, #tpu.memory_space<hbm>> -> memref<1x1x8x2048xf32, #tpu.memory_space<hbm>>
    %dma_start3A_3144 = tpu.memref_squeeze %dma_start3A_3143 : memref<1x1x8x2048xf32, #tpu.memory_space<hbm>> -> memref<8x2048xf32, #tpu.memory_space<hbm>>
    %dma_start3A_3145 = arith.constant 0 : i32
    %dma_start3A_3146 = tpu.memref_slice %arg3[%select_n3A, %select_n3A_3132, %mul3A_3111, %dma_start3A_3145] : memref<4x108x32x2048xf32, #tpu.memory_space<hbm>> -> memref<1x1x8x2048xf32, #tpu.memory_space<hbm>>
    %dma_start3A_3147 = tpu.memref_squeeze %dma_start3A_3146 : memref<1x1x8x2048xf32, #tpu.memory_space<hbm>> -> memref<8x2048xf32, #tpu.memory_space<hbm>>
    tpu.enqueue_dma source(%arg7 : memref<8x2048xf32, #tpu.memory_space<vmem>>) target(%dma_start3A_3147 : memref<8x2048xf32, #tpu.memory_space<hbm>>) target_semaphore(%arg19 : memref<!tpu.dma_semaphore, #tpu.memory_space<semaphore_mem>>)
    %dma_wait3A_3148 = arith.constant 0 : i32
    %dma_wait3A_3149 = arith.constant 0 : i32
    %dma_wait3A_3150 = arith.constant 0 : i32
    %dma_wait3A_3151 = tpu.memref_slice %arg3[%select_n3A, %dma_wait3A_3148, %dma_wait3A_3149, %dma_wait3A_3150] : memref<4x108x32x2048xf32, #tpu.memory_space<hbm>> -> memref<1x1x16x2048xf32, #tpu.memory_space<hbm>>
    %dma_wait3A_3152 = tpu.memref_squeeze %dma_wait3A_3151 : memref<1x1x16x2048xf32, #tpu.memory_space<hbm>> -> memref<16x2048xf32, #tpu.memory_space<hbm>>
    %dma_wait3A_3153 = arith.constant 0 : i32
    %dma_wait3A_3154 = arith.constant 0 : i32
    %dma_wait3A_3155 = tpu.memref_slice %arg3[%select_n3A, %dma_wait3A_3148, %dma_wait3A_3153, %dma_wait3A_3154] : memref<4x108x32x2048xf32, #tpu.memory_space<hbm>> -> memref<1x1x16x2048xf32, #tpu.memory_space<hbm>>
    %dma_wait3A_3156 = tpu.memref_squeeze %dma_wait3A_3155 : memref<1x1x16x2048xf32, #tpu.memory_space<hbm>> -> memref<16x2048xf32, #tpu.memory_space<hbm>>
    tpu.wait_dma2 semaphore(%arg11 : memref<!tpu.dma_semaphore, #tpu.memory_space<semaphore_mem>>) src(%arg4 : memref<16x2048xf32, #tpu.memory_space<vmem>>) dst(%dma_wait3A_3156 : memref<16x2048xf32, #tpu.memory_space<hbm>>)
    %dma_wait3A_3157 = arith.constant 0 : i32
    %dma_wait3A_3158 = arith.constant 0 : i32
    %dma_wait3A_3159 = arith.constant 0 : i32
    %dma_wait3A_3160 = tpu.memref_slice %arg3[%select_n3A, %dma_wait3A_3157, %dma_wait3A_3158, %dma_wait3A_3159] : memref<4x108x32x2048xf32, #tpu.memory_space<hbm>> -> memref<1x1x16x2048xf32, #tpu.memory_space<hbm>>
    %dma_wait3A_3161 = tpu.memref_squeeze %dma_wait3A_3160 : memref<1x1x16x2048xf32, #tpu.memory_space<hbm>> -> memref<16x2048xf32, #tpu.memory_space<hbm>>
    %dma_wait3A_3162 = arith.constant 0 : i32
    %dma_wait3A_3163 = arith.constant 0 : i32
    %dma_wait3A_3164 = tpu.memref_slice %arg3[%select_n3A, %dma_wait3A_3157, %dma_wait3A_3162, %dma_wait3A_3163] : memref<4x108x32x2048xf32, #tpu.memory_space<hbm>> -> memref<1x1x16x2048xf32, #tpu.memory_space<hbm>>
    %dma_wait3A_3165 = tpu.memref_squeeze %dma_wait3A_3164 : memref<1x1x16x2048xf32, #tpu.memory_space<hbm>> -> memref<16x2048xf32, #tpu.memory_space<hbm>>
    tpu.wait_dma2 semaphore(%arg11 : memref<!tpu.dma_semaphore, #tpu.memory_space<semaphore_mem>>) src(%arg4 : memref<16x2048xf32, #tpu.memory_space<vmem>>) dst(%dma_wait3A_3165 : memref<16x2048xf32, #tpu.memory_space<hbm>>)
    %dma_wait3A_3166 = arith.constant 0 : i32
    %dma_wait3A_3167 = arith.constant 0 : i32
    %dma_wait3A_3168 = arith.constant 0 : i32
    %dma_wait3A_3169 = tpu.memref_slice %arg3[%select_n3A, %dma_wait3A_3166, %dma_wait3A_3167, %dma_wait3A_3168] : memref<4x108x32x2048xf32, #tpu.memory_space<hbm>> -> memref<1x1x16x2048xf32, #tpu.memory_space<hbm>>
    %dma_wait3A_3170 = tpu.memref_squeeze %dma_wait3A_3169 : memref<1x1x16x2048xf32, #tpu.memory_space<hbm>> -> memref<16x2048xf32, #tpu.memory_space<hbm>>
    %dma_wait3A_3171 = arith.constant 0 : i32
    %dma_wait3A_3172 = arith.constant 0 : i32
    %dma_wait3A_3173 = tpu.memref_slice %arg3[%select_n3A, %dma_wait3A_3166, %dma_wait3A_3171, %dma_wait3A_3172] : memref<4x108x32x2048xf32, #tpu.memory_space<hbm>> -> memref<1x1x16x2048xf32, #tpu.memory_space<hbm>>
    %dma_wait3A_3174 = tpu.memref_squeeze %dma_wait3A_3173 : memref<1x1x16x2048xf32, #tpu.memory_space<hbm>> -> memref<16x2048xf32, #tpu.memory_space<hbm>>
    tpu.wait_dma2 semaphore(%arg11 : memref<!tpu.dma_semaphore, #tpu.memory_space<semaphore_mem>>) src(%arg4 : memref<16x2048xf32, #tpu.memory_space<vmem>>) dst(%dma_wait3A_3174 : memref<16x2048xf32, #tpu.memory_space<hbm>>)
    %dma_wait3A_3175 = arith.constant 0 : i32
    %dma_wait3A_3176 = arith.constant 0 : i32
    %dma_wait3A_3177 = arith.constant 0 : i32
    %dma_wait3A_3178 = tpu.memref_slice %arg3[%select_n3A, %dma_wait3A_3175, %dma_wait3A_3176, %dma_wait3A_3177] : memref<4x108x32x2048xf32, #tpu.memory_space<hbm>> -> memref<1x1x16x2048xf32, #tpu.memory_space<hbm>>
    %dma_wait3A_3179 = tpu.memref_squeeze %dma_wait3A_3178 : memref<1x1x16x2048xf32, #tpu.memory_space<hbm>> -> memref<16x2048xf32, #tpu.memory_space<hbm>>
    %dma_wait3A_3180 = arith.constant 0 : i32
    %dma_wait3A_3181 = arith.constant 0 : i32
    %dma_wait3A_3182 = tpu.memref_slice %arg3[%select_n3A, %dma_wait3A_3175, %dma_wait3A_3180, %dma_wait3A_3181] : memref<4x108x32x2048xf32, #tpu.memory_space<hbm>> -> memref<1x1x16x2048xf32, #tpu.memory_space<hbm>>
    %dma_wait3A_3183 = tpu.memref_squeeze %dma_wait3A_3182 : memref<1x1x16x2048xf32, #tpu.memory_space<hbm>> -> memref<16x2048xf32, #tpu.memory_space<hbm>>
    tpu.wait_dma2 semaphore(%arg11 : memref<!tpu.dma_semaphore, #tpu.memory_space<semaphore_mem>>) src(%arg4 : memref<16x2048xf32, #tpu.memory_space<vmem>>) dst(%dma_wait3A_3183 : memref<16x2048xf32, #tpu.memory_space<hbm>>)
    %dma_wait3A_3184 = arith.constant 0 : i32
    %dma_wait3A_3185 = arith.constant 0 : i32
    %dma_wait3A_3186 = arith.constant 0 : i32
    %dma_wait3A_3187 = tpu.memref_slice %arg3[%select_n3A, %dma_wait3A_3184, %dma_wait3A_3185, %dma_wait3A_3186] : memref<4x108x32x2048xf32, #tpu.memory_space<hbm>> -> memref<1x1x16x2048xf32, #tpu.memory_space<hbm>>
    %dma_wait3A_3188 = tpu.memref_squeeze %dma_wait3A_3187 : memref<1x1x16x2048xf32, #tpu.memory_space<hbm>> -> memref<16x2048xf32, #tpu.memory_space<hbm>>
    %dma_wait3A_3189 = arith.constant 0 : i32
    %dma_wait3A_3190 = arith.constant 0 : i32
    %dma_wait3A_3191 = tpu.memref_slice %arg3[%select_n3A, %dma_wait3A_3184, %dma_wait3A_3189, %dma_wait3A_3190] : memref<4x108x32x2048xf32, #tpu.memory_space<hbm>> -> memref<1x1x16x2048xf32, #tpu.memory_space<hbm>>
    %dma_wait3A_3192 = tpu.memref_squeeze %dma_wait3A_3191 : memref<1x1x16x2048xf32, #tpu.memory_space<hbm>> -> memref<16x2048xf32, #tpu.memory_space<hbm>>
    tpu.wait_dma2 semaphore(%arg11 : memref<!tpu.dma_semaphore, #tpu.memory_space<semaphore_mem>>) src(%arg4 : memref<16x2048xf32, #tpu.memory_space<vmem>>) dst(%dma_wait3A_3192 : memref<16x2048xf32, #tpu.memory_space<hbm>>)
    %dma_wait3A_3193 = arith.constant 0 : i32
    %dma_wait3A_3194 = arith.constant 0 : i32
    %dma_wait3A_3195 = arith.constant 0 : i32
    %dma_wait3A_3196 = tpu.memref_slice %arg3[%select_n3A, %dma_wait3A_3193, %dma_wait3A_3194, %dma_wait3A_3195] : memref<4x108x32x2048xf32, #tpu.memory_space<hbm>> -> memref<1x1x16x2048xf32, #tpu.memory_space<hbm>>
    %dma_wait3A_3197 = tpu.memref_squeeze %dma_wait3A_3196 : memref<1x1x16x2048xf32, #tpu.memory_space<hbm>> -> memref<16x2048xf32, #tpu.memory_space<hbm>>
    %dma_wait3A_3198 = arith.constant 0 : i32
    %dma_wait3A_3199 = arith.constant 0 : i32
    %dma_wait3A_3200 = tpu.memref_slice %arg3[%select_n3A, %dma_wait3A_3193, %dma_wait3A_3198, %dma_wait3A_3199] : memref<4x108x32x2048xf32, #tpu.memory_space<hbm>> -> memref<1x1x16x2048xf32, #tpu.memory_space<hbm>>
    %dma_wait3A_3201 = tpu.memref_squeeze %dma_wait3A_3200 : memref<1x1x16x2048xf32, #tpu.memory_space<hbm>> -> memref<16x2048xf32, #tpu.memory_space<hbm>>
    tpu.wait_dma2 semaphore(%arg11 : memref<!tpu.dma_semaphore, #tpu.memory_space<semaphore_mem>>) src(%arg4 : memref<16x2048xf32, #tpu.memory_space<vmem>>) dst(%dma_wait3A_3201 : memref<16x2048xf32, #tpu.memory_space<hbm>>)
    %dma_wait3A_3202 = arith.constant 0 : i32
    %dma_wait3A_3203 = arith.constant 0 : i32
    %dma_wait3A_3204 = arith.constant 0 : i32
    %dma_wait3A_3205 = tpu.memref_slice %arg3[%select_n3A, %dma_wait3A_3202, %dma_wait3A_3203, %dma_wait3A_3204] : memref<4x108x32x2048xf32, #tpu.memory_space<hbm>> -> memref<1x1x16x2048xf32, #tpu.memory_space<hbm>>
    %dma_wait3A_3206 = tpu.memref_squeeze %dma_wait3A_3205 : memref<1x1x16x2048xf32, #tpu.memory_space<hbm>> -> memref<16x2048xf32, #tpu.memory_space<hbm>>
    %dma_wait3A_3207 = arith.constant 0 : i32
    %dma_wait3A_3208 = arith.constant 0 : i32
    %dma_wait3A_3209 = tpu.memref_slice %arg3[%select_n3A, %dma_wait3A_3202, %dma_wait3A_3207, %dma_wait3A_3208] : memref<4x108x32x2048xf32, #tpu.memory_space<hbm>> -> memref<1x1x16x2048xf32, #tpu.memory_space<hbm>>
    %dma_wait3A_3210 = tpu.memref_squeeze %dma_wait3A_3209 : memref<1x1x16x2048xf32, #tpu.memory_space<hbm>> -> memref<16x2048xf32, #tpu.memory_space<hbm>>
    tpu.wait_dma2 semaphore(%arg11 : memref<!tpu.dma_semaphore, #tpu.memory_space<semaphore_mem>>) src(%arg4 : memref<16x2048xf32, #tpu.memory_space<vmem>>) dst(%dma_wait3A_3210 : memref<16x2048xf32, #tpu.memory_space<hbm>>)
    %dma_wait3A_3211 = arith.constant 0 : i32
    %dma_wait3A_3212 = arith.constant 0 : i32
    %dma_wait3A_3213 = arith.constant 0 : i32
    %dma_wait3A_3214 = tpu.memref_slice %arg3[%select_n3A, %dma_wait3A_3211, %dma_wait3A_3212, %dma_wait3A_3213] : memref<4x108x32x2048xf32, #tpu.memory_space<hbm>> -> memref<1x1x16x2048xf32, #tpu.memory_space<hbm>>
    %dma_wait3A_3215 = tpu.memref_squeeze %dma_wait3A_3214 : memref<1x1x16x2048xf32, #tpu.memory_space<hbm>> -> memref<16x2048xf32, #tpu.memory_space<hbm>>
    %dma_wait3A_3216 = arith.constant 0 : i32
    %dma_wait3A_3217 = arith.constant 0 : i32
    %dma_wait3A_3218 = tpu.memref_slice %arg3[%select_n3A, %dma_wait3A_3211, %dma_wait3A_3216, %dma_wait3A_3217] : memref<4x108x32x2048xf32, #tpu.memory_space<hbm>> -> memref<1x1x16x2048xf32, #tpu.memory_space<hbm>>
    %dma_wait3A_3219 = tpu.memref_squeeze %dma_wait3A_3218 : memref<1x1x16x2048xf32, #tpu.memory_space<hbm>> -> memref<16x2048xf32, #tpu.memory_space<hbm>>
    tpu.wait_dma2 semaphore(%arg11 : memref<!tpu.dma_semaphore, #tpu.memory_space<semaphore_mem>>) src(%arg4 : memref<16x2048xf32, #tpu.memory_space<vmem>>) dst(%dma_wait3A_3219 : memref<16x2048xf32, #tpu.memory_space<hbm>>)
    %dma_wait3A_3220 = arith.constant 0 : i32
    %dma_wait3A_3221 = arith.constant 0 : i32
    %dma_wait3A_3222 = arith.constant 0 : i32
    %dma_wait3A_3223 = tpu.memref_slice %arg3[%select_n3A, %dma_wait3A_3220, %dma_wait3A_3221, %dma_wait3A_3222] : memref<4x108x32x2048xf32, #tpu.memory_space<hbm>> -> memref<1x1x16x2048xf32, #tpu.memory_space<hbm>>
    %dma_wait3A_3224 = tpu.memref_squeeze %dma_wait3A_3223 : memref<1x1x16x2048xf32, #tpu.memory_space<hbm>> -> memref<16x2048xf32, #tpu.memory_space<hbm>>
    %dma_wait3A_3225 = arith.constant 0 : i32
    %dma_wait3A_3226 = arith.constant 0 : i32
    %dma_wait3A_3227 = tpu.memref_slice %arg3[%select_n3A, %dma_wait3A_3220, %dma_wait3A_3225, %dma_wait3A_3226] : memref<4x108x32x2048xf32, #tpu.memory_space<hbm>> -> memref<1x1x16x2048xf32, #tpu.memory_space<hbm>>
    %dma_wait3A_3228 = tpu.memref_squeeze %dma_wait3A_3227 : memref<1x1x16x2048xf32, #tpu.memory_space<hbm>> -> memref<16x2048xf32, #tpu.memory_space<hbm>>
    tpu.wait_dma2 semaphore(%arg11 : memref<!tpu.dma_semaphore, #tpu.memory_space<semaphore_mem>>) src(%arg4 : memref<16x2048xf32, #tpu.memory_space<vmem>>) dst(%dma_wait3A_3228 : memref<16x2048xf32, #tpu.memory_space<hbm>>)
    %dma_wait3A_3229 = arith.constant 0 : i32
    %dma_wait3A_3230 = arith.constant 0 : i32
    %dma_wait3A_3231 = arith.constant 0 : i32
    %dma_wait3A_3232 = tpu.memref_slice %arg3[%select_n3A, %dma_wait3A_3229, %dma_wait3A_3230, %dma_wait3A_3231] : memref<4x108x32x2048xf32, #tpu.memory_space<hbm>> -> memref<1x1x16x2048xf32, #tpu.memory_space<hbm>>
    %dma_wait3A_3233 = tpu.memref_squeeze %dma_wait3A_3232 : memref<1x1x16x2048xf32, #tpu.memory_space<hbm>> -> memref<16x2048xf32, #tpu.memory_space<hbm>>
    %dma_wait3A_3234 = arith.constant 0 : i32
    %dma_wait3A_3235 = arith.constant 0 : i32
    %dma_wait3A_3236 = tpu.memref_slice %arg3[%select_n3A, %dma_wait3A_3229, %dma_wait3A_3234, %dma_wait3A_3235] : memref<4x108x32x2048xf32, #tpu.memory_space<hbm>> -> memref<1x1x16x2048xf32, #tpu.memory_space<hbm>>
    %dma_wait3A_3237 = tpu.memref_squeeze %dma_wait3A_3236 : memref<1x1x16x2048xf32, #tpu.memory_space<hbm>> -> memref<16x2048xf32, #tpu.memory_space<hbm>>
    tpu.wait_dma2 semaphore(%arg11 : memref<!tpu.dma_semaphore, #tpu.memory_space<semaphore_mem>>) src(%arg4 : memref<16x2048xf32, #tpu.memory_space<vmem>>) dst(%dma_wait3A_3237 : memref<16x2048xf32, #tpu.memory_space<hbm>>)
    %dma_wait3A_3238 = arith.constant 0 : i32
    %dma_wait3A_3239 = arith.constant 0 : i32
    %dma_wait3A_3240 = arith.constant 0 : i32
    %dma_wait3A_3241 = tpu.memref_slice %arg3[%select_n3A, %dma_wait3A_3238, %dma_wait3A_3239, %dma_wait3A_3240] : memref<4x108x32x2048xf32, #tpu.memory_space<hbm>> -> memref<1x1x16x2048xf32, #tpu.memory_space<hbm>>
    %dma_wait3A_3242 = tpu.memref_squeeze %dma_wait3A_3241 : memref<1x1x16x2048xf32, #tpu.memory_space<hbm>> -> memref<16x2048xf32, #tpu.memory_space<hbm>>
    %dma_wait3A_3243 = arith.constant 0 : i32
    %dma_wait3A_3244 = arith.constant 0 : i32
    %dma_wait3A_3245 = tpu.memref_slice %arg3[%select_n3A, %dma_wait3A_3238, %dma_wait3A_3243, %dma_wait3A_3244] : memref<4x108x32x2048xf32, #tpu.memory_space<hbm>> -> memref<1x1x16x2048xf32, #tpu.memory_space<hbm>>
    %dma_wait3A_3246 = tpu.memref_squeeze %dma_wait3A_3245 : memref<1x1x16x2048xf32, #tpu.memory_space<hbm>> -> memref<16x2048xf32, #tpu.memory_space<hbm>>
    tpu.wait_dma2 semaphore(%arg11 : memref<!tpu.dma_semaphore, #tpu.memory_space<semaphore_mem>>) src(%arg4 : memref<16x2048xf32, #tpu.memory_space<vmem>>) dst(%dma_wait3A_3246 : memref<16x2048xf32, #tpu.memory_space<hbm>>)
    %dma_wait3A_3247 = arith.constant 0 : i32
    %dma_wait3A_3248 = arith.constant 0 : i32
    %dma_wait3A_3249 = arith.constant 0 : i32
    %dma_wait3A_3250 = tpu.memref_slice %arg3[%select_n3A, %dma_wait3A_3247, %dma_wait3A_3248, %dma_wait3A_3249] : memref<4x108x32x2048xf32, #tpu.memory_space<hbm>> -> memref<1x1x16x2048xf32, #tpu.memory_space<hbm>>
    %dma_wait3A_3251 = tpu.memref_squeeze %dma_wait3A_3250 : memref<1x1x16x2048xf32, #tpu.memory_space<hbm>> -> memref<16x2048xf32, #tpu.memory_space<hbm>>
    %dma_wait3A_3252 = arith.constant 0 : i32
    %dma_wait3A_3253 = arith.constant 0 : i32
    %dma_wait3A_3254 = tpu.memref_slice %arg3[%select_n3A, %dma_wait3A_3247, %dma_wait3A_3252, %dma_wait3A_3253] : memref<4x108x32x2048xf32, #tpu.memory_space<hbm>> -> memref<1x1x16x2048xf32, #tpu.memory_space<hbm>>
    %dma_wait3A_3255 = tpu.memref_squeeze %dma_wait3A_3254 : memref<1x1x16x2048xf32, #tpu.memory_space<hbm>> -> memref<16x2048xf32, #tpu.memory_space<hbm>>
    tpu.wait_dma2 semaphore(%arg11 : memref<!tpu.dma_semaphore, #tpu.memory_space<semaphore_mem>>) src(%arg4 : memref<16x2048xf32, #tpu.memory_space<vmem>>) dst(%dma_wait3A_3255 : memref<16x2048xf32, #tpu.memory_space<hbm>>)
    %dma_wait3A_3256 = arith.constant 0 : i32
    %dma_wait3A_3257 = arith.constant 0 : i32
    %dma_wait3A_3258 = arith.constant 0 : i32
    %dma_wait3A_3259 = tpu.memref_slice %arg3[%select_n3A, %dma_wait3A_3256, %dma_wait3A_3257, %dma_wait3A_3258] : memref<4x108x32x2048xf32, #tpu.memory_space<hbm>> -> memref<1x1x16x2048xf32, #tpu.memory_space<hbm>>
    %dma_wait3A_3260 = tpu.memref_squeeze %dma_wait3A_3259 : memref<1x1x16x2048xf32, #tpu.memory_space<hbm>> -> memref<16x2048xf32, #tpu.memory_space<hbm>>
    %dma_wait3A_3261 = arith.constant 0 : i32
    %dma_wait3A_3262 = arith.constant 0 : i32
    %dma_wait3A_3263 = tpu.memref_slice %arg3[%select_n3A, %dma_wait3A_3256, %dma_wait3A_3261, %dma_wait3A_3262] : memref<4x108x32x2048xf32, #tpu.memory_space<hbm>> -> memref<1x1x16x2048xf32, #tpu.memory_space<hbm>>
    %dma_wait3A_3264 = tpu.memref_squeeze %dma_wait3A_3263 : memref<1x1x16x2048xf32, #tpu.memory_space<hbm>> -> memref<16x2048xf32, #tpu.memory_space<hbm>>
    tpu.wait_dma2 semaphore(%arg11 : memref<!tpu.dma_semaphore, #tpu.memory_space<semaphore_mem>>) src(%arg4 : memref<16x2048xf32, #tpu.memory_space<vmem>>) dst(%dma_wait3A_3264 : memref<16x2048xf32, #tpu.memory_space<hbm>>)
    %dma_wait3A_3265 = arith.constant 0 : i32
    %dma_wait3A_3266 = arith.constant 0 : i32
    %dma_wait3A_3267 = arith.constant 0 : i32
    %dma_wait3A_3268 = tpu.memref_slice %arg3[%select_n3A, %dma_wait3A_3265, %dma_wait3A_3266, %dma_wait3A_3267] : memref<4x108x32x2048xf32, #tpu.memory_space<hbm>> -> memref<1x1x16x2048xf32, #tpu.memory_space<hbm>>
    %dma_wait3A_3269 = tpu.memref_squeeze %dma_wait3A_3268 : memref<1x1x16x2048xf32, #tpu.memory_space<hbm>> -> memref<16x2048xf32, #tpu.memory_space<hbm>>
    %dma_wait3A_3270 = arith.constant 0 : i32
    %dma_wait3A_3271 = arith.constant 0 : i32
    %dma_wait3A_3272 = tpu.memref_slice %arg3[%select_n3A, %dma_wait3A_3265, %dma_wait3A_3270, %dma_wait3A_3271] : memref<4x108x32x2048xf32, #tpu.memory_space<hbm>> -> memref<1x1x16x2048xf32, #tpu.memory_space<hbm>>
    %dma_wait3A_3273 = tpu.memref_squeeze %dma_wait3A_3272 : memref<1x1x16x2048xf32, #tpu.memory_space<hbm>> -> memref<16x2048xf32, #tpu.memory_space<hbm>>
    tpu.wait_dma2 semaphore(%arg11 : memref<!tpu.dma_semaphore, #tpu.memory_space<semaphore_mem>>) src(%arg4 : memref<16x2048xf32, #tpu.memory_space<vmem>>) dst(%dma_wait3A_3273 : memref<16x2048xf32, #tpu.memory_space<hbm>>)
    %dma_wait3A_3274 = arith.constant 0 : i32
    %dma_wait3A_3275 = arith.constant 0 : i32
    %dma_wait3A_3276 = arith.constant 0 : i32
    %dma_wait3A_3277 = tpu.memref_slice %arg3[%select_n3A, %dma_wait3A_3274, %dma_wait3A_3275, %dma_wait3A_3276] : memref<4x108x32x2048xf32, #tpu.memory_space<hbm>> -> memref<1x1x16x2048xf32, #tpu.memory_space<hbm>>
    %dma_wait3A_3278 = tpu.memref_squeeze %dma_wait3A_3277 : memref<1x1x16x2048xf32, #tpu.memory_space<hbm>> -> memref<16x2048xf32, #tpu.memory_space<hbm>>
    %dma_wait3A_3279 = arith.constant 0 : i32
    %dma_wait3A_3280 = arith.constant 0 : i32
    %dma_wait3A_3281 = tpu.memref_slice %arg3[%select_n3A, %dma_wait3A_3274, %dma_wait3A_3279, %dma_wait3A_3280] : memref<4x108x32x2048xf32, #tpu.memory_space<hbm>> -> memref<1x1x16x2048xf32, #tpu.memory_space<hbm>>
    %dma_wait3A_3282 = tpu.memref_squeeze %dma_wait3A_3281 : memref<1x1x16x2048xf32, #tpu.memory_space<hbm>> -> memref<16x2048xf32, #tpu.memory_space<hbm>>
    tpu.wait_dma2 semaphore(%arg11 : memref<!tpu.dma_semaphore, #tpu.memory_space<semaphore_mem>>) src(%arg4 : memref<16x2048xf32, #tpu.memory_space<vmem>>) dst(%dma_wait3A_3282 : memref<16x2048xf32, #tpu.memory_space<hbm>>)
    %dma_wait3A_3283 = arith.constant 0 : i32
    %dma_wait3A_3284 = arith.constant 0 : i32
    %dma_wait3A_3285 = arith.constant 0 : i32
    %dma_wait3A_3286 = tpu.memref_slice %arg3[%select_n3A, %dma_wait3A_3283, %dma_wait3A_3284, %dma_wait3A_3285] : memref<4x108x32x2048xf32, #tpu.memory_space<hbm>> -> memref<1x1x16x2048xf32, #tpu.memory_space<hbm>>
    %dma_wait3A_3287 = tpu.memref_squeeze %dma_wait3A_3286 : memref<1x1x16x2048xf32, #tpu.memory_space<hbm>> -> memref<16x2048xf32, #tpu.memory_space<hbm>>
    %dma_wait3A_3288 = arith.constant 0 : i32
    %dma_wait3A_3289 = arith.constant 0 : i32
    %dma_wait3A_3290 = tpu.memref_slice %arg3[%select_n3A, %dma_wait3A_3283, %dma_wait3A_3288, %dma_wait3A_3289] : memref<4x108x32x2048xf32, #tpu.memory_space<hbm>> -> memref<1x1x16x2048xf32, #tpu.memory_space<hbm>>
    %dma_wait3A_3291 = tpu.memref_squeeze %dma_wait3A_3290 : memref<1x1x16x2048xf32, #tpu.memory_space<hbm>> -> memref<16x2048xf32, #tpu.memory_space<hbm>>
    tpu.wait_dma2 semaphore(%arg11 : memref<!tpu.dma_semaphore, #tpu.memory_space<semaphore_mem>>) src(%arg4 : memref<16x2048xf32, #tpu.memory_space<vmem>>) dst(%dma_wait3A_3291 : memref<16x2048xf32, #tpu.memory_space<hbm>>)
    %dma_wait3A_3292 = arith.constant 0 : i32
    %dma_wait3A_3293 = arith.constant 0 : i32
    %dma_wait3A_3294 = arith.constant 0 : i32
    %dma_wait3A_3295 = tpu.memref_slice %arg3[%select_n3A, %dma_wait3A_3292, %dma_wait3A_3293, %dma_wait3A_3294] : memref<4x108x32x2048xf32, #tpu.memory_space<hbm>> -> memref<1x1x16x2048xf32, #tpu.memory_space<hbm>>
    %dma_wait3A_3296 = tpu.memref_squeeze %dma_wait3A_3295 : memref<1x1x16x2048xf32, #tpu.memory_space<hbm>> -> memref<16x2048xf32, #tpu.memory_space<hbm>>
    %dma_wait3A_3297 = arith.constant 0 : i32
    %dma_wait3A_3298 = arith.constant 0 : i32
    %dma_wait3A_3299 = tpu.memref_slice %arg3[%select_n3A, %dma_wait3A_3292, %dma_wait3A_3297, %dma_wait3A_3298] : memref<4x108x32x2048xf32, #tpu.memory_space<hbm>> -> memref<1x1x16x2048xf32, #tpu.memory_space<hbm>>
    %dma_wait3A_3300 = tpu.memref_squeeze %dma_wait3A_3299 : memref<1x1x16x2048xf32, #tpu.memory_space<hbm>> -> memref<16x2048xf32, #tpu.memory_space<hbm>>
    tpu.wait_dma2 semaphore(%arg11 : memref<!tpu.dma_semaphore, #tpu.memory_space<semaphore_mem>>) src(%arg4 : memref<16x2048xf32, #tpu.memory_space<vmem>>) dst(%dma_wait3A_3300 : memref<16x2048xf32, #tpu.memory_space<hbm>>)
    %dma_wait3A_3301 = arith.constant 0 : i32
    %dma_wait3A_3302 = arith.constant 0 : i32
    %dma_wait3A_3303 = arith.constant 0 : i32
    %dma_wait3A_3304 = tpu.memref_slice %arg3[%select_n3A, %dma_wait3A_3301, %dma_wait3A_3302, %dma_wait3A_3303] : memref<4x108x32x2048xf32, #tpu.memory_space<hbm>> -> memref<1x1x16x2048xf32, #tpu.memory_space<hbm>>
    %dma_wait3A_3305 = tpu.memref_squeeze %dma_wait3A_3304 : memref<1x1x16x2048xf32, #tpu.memory_space<hbm>> -> memref<16x2048xf32, #tpu.memory_space<hbm>>
    %dma_wait3A_3306 = arith.constant 0 : i32
    %dma_wait3A_3307 = arith.constant 0 : i32
    %dma_wait3A_3308 = tpu.memref_slice %arg3[%select_n3A, %dma_wait3A_3301, %dma_wait3A_3306, %dma_wait3A_3307] : memref<4x108x32x2048xf32, #tpu.memory_space<hbm>> -> memref<1x1x16x2048xf32, #tpu.memory_space<hbm>>
    %dma_wait3A_3309 = tpu.memref_squeeze %dma_wait3A_3308 : memref<1x1x16x2048xf32, #tpu.memory_space<hbm>> -> memref<16x2048xf32, #tpu.memory_space<hbm>>
    tpu.wait_dma2 semaphore(%arg11 : memref<!tpu.dma_semaphore, #tpu.memory_space<semaphore_mem>>) src(%arg4 : memref<16x2048xf32, #tpu.memory_space<vmem>>) dst(%dma_wait3A_3309 : memref<16x2048xf32, #tpu.memory_space<hbm>>)
    %dma_wait3A_3310 = arith.constant 0 : i32
    %dma_wait3A_3311 = arith.constant 0 : i32
    %dma_wait3A_3312 = arith.constant 0 : i32
    %dma_wait3A_3313 = tpu.memref_slice %arg3[%select_n3A, %dma_wait3A_3310, %dma_wait3A_3311, %dma_wait3A_3312] : memref<4x108x32x2048xf32, #tpu.memory_space<hbm>> -> memref<1x1x8x2048xf32, #tpu.memory_space<hbm>>
    %dma_wait3A_3314 = tpu.memref_squeeze %dma_wait3A_3313 : memref<1x1x8x2048xf32, #tpu.memory_space<hbm>> -> memref<8x2048xf32, #tpu.memory_space<hbm>>
    %dma_wait3A_3315 = arith.constant 0 : i32
    %dma_wait3A_3316 = arith.constant 0 : i32
    %dma_wait3A_3317 = tpu.memref_slice %arg3[%select_n3A, %dma_wait3A_3310, %dma_wait3A_3315, %dma_wait3A_3316] : memref<4x108x32x2048xf32, #tpu.memory_space<hbm>> -> memref<1x1x8x2048xf32, #tpu.memory_space<hbm>>
    %dma_wait3A_3318 = tpu.memref_squeeze %dma_wait3A_3317 : memref<1x1x8x2048xf32, #tpu.memory_space<hbm>> -> memref<8x2048xf32, #tpu.memory_space<hbm>>
    tpu.wait_dma2 semaphore(%arg20 : memref<!tpu.dma_semaphore, #tpu.memory_space<semaphore_mem>>) src(%arg8 : memref<8x2048xf32, #tpu.memory_space<vmem>>) dst(%dma_wait3A_3318 : memref<8x2048xf32, #tpu.memory_space<hbm>>)
    %dma_wait3A_3319 = arith.constant 0 : i32
    %dma_wait3A_3320 = arith.constant 0 : i32
    %dma_wait3A_3321 = arith.constant 0 : i32
    %dma_wait3A_3322 = tpu.memref_slice %arg3[%select_n3A, %dma_wait3A_3319, %dma_wait3A_3320, %dma_wait3A_3321] : memref<4x108x32x2048xf32, #tpu.memory_space<hbm>> -> memref<1x1x8x2048xf32, #tpu.memory_space<hbm>>
    %dma_wait3A_3323 = tpu.memref_squeeze %dma_wait3A_3322 : memref<1x1x8x2048xf32, #tpu.memory_space<hbm>> -> memref<8x2048xf32, #tpu.memory_space<hbm>>
    %dma_wait3A_3324 = arith.constant 0 : i32
    %dma_wait3A_3325 = arith.constant 0 : i32
    %dma_wait3A_3326 = tpu.memref_slice %arg3[%select_n3A, %dma_wait3A_3319, %dma_wait3A_3324, %dma_wait3A_3325] : memref<4x108x32x2048xf32, #tpu.memory_space<hbm>> -> memref<1x1x8x2048xf32, #tpu.memory_space<hbm>>
    %dma_wait3A_3327 = tpu.memref_squeeze %dma_wait3A_3326 : memref<1x1x8x2048xf32, #tpu.memory_space<hbm>> -> memref<8x2048xf32, #tpu.memory_space<hbm>>
    tpu.wait_dma2 semaphore(%arg21 : memref<!tpu.dma_semaphore, #tpu.memory_space<semaphore_mem>>) src(%arg9 : memref<8x2048xf32, #tpu.memory_space<vmem>>) dst(%dma_wait3A_3327 : memref<8x2048xf32, #tpu.memory_space<hbm>>)
    %dma_wait3A_3328 = arith.constant 0 : i32
    %dma_wait3A_3329 = arith.constant 0 : i32
    %dma_wait3A_3330 = arith.constant 0 : i32
    %dma_wait3A_3331 = tpu.memref_slice %arg3[%select_n3A, %dma_wait3A_3328, %dma_wait3A_3329, %dma_wait3A_3330] : memref<4x108x32x2048xf32, #tpu.memory_space<hbm>> -> memref<1x1x8x2048xf32, #tpu.memory_space<hbm>>
    %dma_wait3A_3332 = tpu.memref_squeeze %dma_wait3A_3331 : memref<1x1x8x2048xf32, #tpu.memory_space<hbm>> -> memref<8x2048xf32, #tpu.memory_space<hbm>>
    %dma_wait3A_3333 = arith.constant 0 : i32
    %dma_wait3A_3334 = arith.constant 0 : i32
    %dma_wait3A_3335 = tpu.memref_slice %arg3[%select_n3A, %dma_wait3A_3328, %dma_wait3A_3333, %dma_wait3A_3334] : memref<4x108x32x2048xf32, #tpu.memory_space<hbm>> -> memref<1x1x8x2048xf32, #tpu.memory_space<hbm>>
    %dma_wait3A_3336 = tpu.memref_squeeze %dma_wait3A_3335 : memref<1x1x8x2048xf32, #tpu.memory_space<hbm>> -> memref<8x2048xf32, #tpu.memory_space<hbm>>
    tpu.wait_dma2 semaphore(%arg17 : memref<!tpu.dma_semaphore, #tpu.memory_space<semaphore_mem>>) src(%arg5 : memref<8x2048xf32, #tpu.memory_space<vmem>>) dst(%dma_wait3A_3336 : memref<8x2048xf32, #tpu.memory_space<hbm>>)
    %dma_wait3A_3337 = arith.constant 0 : i32
    %dma_wait3A_3338 = arith.constant 0 : i32
    %dma_wait3A_3339 = arith.constant 0 : i32
    %dma_wait3A_3340 = tpu.memref_slice %arg3[%select_n3A, %dma_wait3A_3337, %dma_wait3A_3338, %dma_wait3A_3339] : memref<4x108x32x2048xf32, #tpu.memory_space<hbm>> -> memref<1x1x8x2048xf32, #tpu.memory_space<hbm>>
    %dma_wait3A_3341 = tpu.memref_squeeze %dma_wait3A_3340 : memref<1x1x8x2048xf32, #tpu.memory_space<hbm>> -> memref<8x2048xf32, #tpu.memory_space<hbm>>
    %dma_wait3A_3342 = arith.constant 0 : i32
    %dma_wait3A_3343 = arith.constant 0 : i32
    %dma_wait3A_3344 = tpu.memref_slice %arg3[%select_n3A, %dma_wait3A_3337, %dma_wait3A_3342, %dma_wait3A_3343] : memref<4x108x32x2048xf32, #tpu.memory_space<hbm>> -> memref<1x1x8x2048xf32, #tpu.memory_space<hbm>>
    %dma_wait3A_3345 = tpu.memref_squeeze %dma_wait3A_3344 : memref<1x1x8x2048xf32, #tpu.memory_space<hbm>> -> memref<8x2048xf32, #tpu.memory_space<hbm>>
    tpu.wait_dma2 semaphore(%arg18 : memref<!tpu.dma_semaphore, #tpu.memory_space<semaphore_mem>>) src(%arg6 : memref<8x2048xf32, #tpu.memory_space<vmem>>) dst(%dma_wait3A_3345 : memref<8x2048xf32, #tpu.memory_space<hbm>>)
    %dma_wait3A_3346 = arith.constant 0 : i32
    %dma_wait3A_3347 = arith.constant 0 : i32
    %dma_wait3A_3348 = arith.constant 0 : i32
    %dma_wait3A_3349 = tpu.memref_slice %arg3[%select_n3A, %dma_wait3A_3346, %dma_wait3A_3347, %dma_wait3A_3348] : memref<4x108x32x2048xf32, #tpu.memory_space<hbm>> -> memref<1x1x8x2048xf32, #tpu.memory_space<hbm>>
    %dma_wait3A_3350 = tpu.memref_squeeze %dma_wait3A_3349 : memref<1x1x8x2048xf32, #tpu.memory_space<hbm>> -> memref<8x2048xf32, #tpu.memory_space<hbm>>
    %dma_wait3A_3351 = arith.constant 0 : i32
    %dma_wait3A_3352 = arith.constant 0 : i32
    %dma_wait3A_3353 = tpu.memref_slice %arg3[%select_n3A, %dma_wait3A_3346, %dma_wait3A_3351, %dma_wait3A_3352] : memref<4x108x32x2048xf32, #tpu.memory_space<hbm>> -> memref<1x1x8x2048xf32, #tpu.memory_space<hbm>>
    %dma_wait3A_3354 = tpu.memref_squeeze %dma_wait3A_3353 : memref<1x1x8x2048xf32, #tpu.memory_space<hbm>> -> memref<8x2048xf32, #tpu.memory_space<hbm>>
    tpu.wait_dma2 semaphore(%arg19 : memref<!tpu.dma_semaphore, #tpu.memory_space<semaphore_mem>>) src(%arg7 : memref<8x2048xf32, #tpu.memory_space<vmem>>) dst(%dma_wait3A_3354 : memref<8x2048xf32, #tpu.memory_space<hbm>>)
    return
  }
}

</mosaic_0001>

<sc_bundles>
// kernel: kernel.3.cloned.1.call-start
scs
__scs_entry_jumppad:
0x0: {  	(pc) =	sbr.rel $0x88, $3  }
0x1: {  	(tag) =	ssettag $0x0;
	lr =	simm.s32 $0x1  }
0x2: {  	[smem:$0x3FA0] =	sst lr;
	_ =	strace $0xD0000000  }
0x3: {  	_ = 	snop  }
0x4: {  	_ = 	snop  }
0x5: {  	_ = 	snop  }
0x6: {  	_ = 	snop  }
0x7: {  	_ = 	snop  }
__scs_overlays_trampoline_lowered:
0x8: {  	[smem:$0x3FAF] =	sst s0  }
0x9: {  	[smem:$0x3FB0] =	sst s1  }
0xa: {  	[smem:$0x3FB1] =	sst s2  }
0xb: {  	[smem:$0x3FB2] =	sst s3  }
0xc: {  	[smem:$0x3FB3] =	sst s4  }
0xd: {  	[smem:$0x3FB4] =	sst s5  }
0xe: {  	[smem:$0x3FB5] =	sst s6  }
0xf: {  	[smem:$0x3FB6] =	sst s7  }
0x10: {  	[smem:$0x3FB7] =	sst s8  }
0x11: {  	[smem:$0x3FB8] =	sst s9;
	s0 =	simm.s32 @!p0 $0x0  }
0x12: {  	s1 =	sld [smem:$0x3F9E];
	s0 =	simm.s32 @p0 $0x1  }
0x13: {  	[smem:$0x3FB9] =	sst s0;
	s0 =	simm.s32 @!p1 $0x0  }
0x14: {  	s2 =	sld [smem:$0x3F9D];
	s0 =	simm.s32 @p1 $0x1  }
0x15: {  	[smem:$0x3FBA] =	sst s0;
	s0 =	simm.s32 @!p2 $0x0  }
0x16: {  	s3 =	sld [smem:$0x3FDB];
	s0 =	simm.s32 @p2 $0x1  }
0x17: {  	s4 =	simm.s32 $0x1BF5;
	[smem:$0x3FBC] =	sst s0  }
0x18: {  	s0 =	sld [smem:$0x3F9F];
	_ =	swait.ge [sflag:s4], $0x0  }
0x19: {  	s7 =	sld [smem:$0x3FA0]  }
0x1a: {  	s8 =	sadd.s32 $0xFFFFE003, lr  }
0x1b: {  	s9 =	sadd.s32 $0xFFFFFEF7, lr;
	s5 =	simm.s32 $0xFFFFFFFF;
	p2 =	slt.u32 s8, $0xFFFFF086  }
0x1c: {  	p1 =	slt.u32 s9, $0xF7A;
	s5 =	simm.s32 @!p2 $0x0  }
0x1d: {  	s5 =	simm.s32 @p1 $0x1;
	p0 =	seq.s32 s7, s2  }
0x1e: {  	s7 =	smul.u32 @!p0 $0xF7A, s2;
	p2 =	seq.s32 @!p0 s5, $0x0  }
0x1f: {  	s9 =	smul.u32 $0xF7A, s1;
	s8 =	simm.s32 @!p0 $0x1BF5;
	p2 =	por !p2, p0  }
0x20: {  	[sflag:s8] =	ssyncset.s32 @!p0 $0xFFFFF086;
	s6 =	sadd.s32 @!p0 s3, s7;
	s7 =	simm.s32 @!p0 $0x108  }
0x21: {  	s3 =	sadd.s32 s3, s9;
	s6 =	sadd.s32 @!p0 $0x88, s6;
	s7 =	simm.s32 @p2 $0x1082  }
0x22: {  	[simem:s7], [sflag:s8] =	dma.local @!p0 [hbm:s6], $0xF7A  }
0x23: {  	s9 =	sor.u32 $0xD0000000, s2;
	s6 =	simm.s32 $0x108;
	_ =	swait.ge @!p0 [sflag:s8], $0x0  }
0x24: {  	s3 =	sadd.s32 $0x88, s3;
	s6 =	simm.s32 @!p1 $0x1082;
	[sflag:s4] =	ssyncset.s32 $0xFFFFF086  }
0x25: {  	[simem:s6], [sflag:s4] =	dma.local [hbm:s3], $0xF7A  }
0x26: {  	[smem:$0x3FA0] =	sst s1;
	(tag) =	ssettag s2;
	_ =	strace s9  }
0x27: {  	s1 =	sld [smem:$0x3FB0]  }
0x28: {  	s2 =	sld [smem:$0x3FB1]  }
0x29: {  	s4 =	sld [smem:$0x3FB3]  }
0x2a: {  	p0 =	seq.s32 s5, $0x0;
	s5 =	sld [smem:$0x3FB4]  }
0x2b: {  	s6 =	sld [smem:$0x3FB5]  }
0x2c: {  	s7 =	sld [smem:$0x3FB6]  }
0x2d: {  	s3 =	simm.s32 $0x108;
	s8 =	sld [smem:$0x3FB7]  }
0x2e: {  	s3 =	simm.s32 @!p0 $0x1082;
	s9 =	sld [smem:$0x3FB8]  }
0x2f: {  	lr =	sadd.s32 s0, s3;
	s0 =	sld [smem:$0x3FAF]  }
0x30: {  	s3 =	sld [smem:$0x3FB2]  }
0x31: {  	[smem:$0x3FBB] =	sst s10  }
0x32: {  	s10 =	sld [smem:$0x3FB9];
	_ =	sdelay $0x3  }
0x33: {  	p0 =	seq.s32 s10, $0x1;
	s10 =	sld [smem:$0x3FBB];
	_ =	sdelay $0x3  }
0x34: {  	[smem:$0x3FBB] =	sst s10  }
0x35: {  	s10 =	sld [smem:$0x3FBA];
	_ =	sdelay $0x3  }
0x36: {  	p1 =	seq.s32 s10, $0x1;
	s10 =	sld [smem:$0x3FBB];
	_ =	sdelay $0x3  }
0x37: {  	[smem:$0x3FBB] =	sst s10  }
0x38: {  	s10 =	sld [smem:$0x3FBC]  }
0x39: {  	_ = 	snop;
	(pc) =	sbr.ind lr, $3  }
0x3a: {  	_ = 	snop  }
0x3b: {  	_ = 	snop  }
0x3c: {  	p2 =	seq.s32 s10, $0x1;
	s10 =	sld [smem:$0x3FBB]  }
0x3d: {  	_ =	shalt  }
0x3e: {  	_ =	shalt  }
0x3f: {  	_ =	shalt  }
0x40: {  	_ =	shalt  }
0x41: {  	_ =	shalt  }
0x42: {  	_ =	shalt  }
0x43: {  	_ =	shalt  }
0x44: {  	_ =	shalt  }
0x45: {  	_ =	shalt  }
0x46: {  	_ =	shalt  }
0x47: {  	_ =	shalt  }
0x48: {  	_ =	shalt  }
0x49: {  	_ =	shalt  }
0x4a: {  	_ =	shalt  }
0x4b: {  	_ =	shalt  }
0x4c: {  	_ =	shalt  }
0x4d: {  	_ =	shalt  }
0x4e: {  	_ =	shalt  }
0x4f: {  	_ =	shalt  }
0x50: {  	_ =	shalt  }
0x51: {  	_ =	shalt  }
0x52: {  	_ =	shalt  }
0x53: {  	_ =	shalt  }
0x54: {  	_ =	shalt  }
0x55: {  	_ =	shalt  }
0x56: {  	_ =	shalt  }
0x57: {  	_ =	shalt  }
0x58: {  	_ =	shalt  }
0x59: {  	_ =	shalt  }
0x5a: {  	_ =	shalt  }
0x5b: {  	_ =	shalt  }
0x5c: {  	_ =	shalt  }
0x5d: {  	_ =	shalt  }
0x5e: {  	_ =	shalt  }
0x5f: {  	_ =	shalt  }
0x60: {  	_ =	shalt  }
0x61: {  	_ =	shalt  }
0x62: {  	_ =	shalt  }
0x63: {  	_ =	shalt  }
0x64: {  	_ =	shalt  }
0x65: {  	_ =	shalt  }
0x66: {  	_ =	shalt  }
0x67: {  	_ =	shalt  }
0x68: {  	_ =	shalt  }
0x69: {  	_ =	shalt  }
0x6a: {  	_ =	shalt  }
0x6b: {  	_ =	shalt  }
0x6c: {  	_ =	shalt  }
0x6d: {  	_ =	shalt  }
0x6e: {  	_ =	shalt  }
0x6f: {  	_ =	shalt  }
0x70: {  	_ =	shalt  }
0x71: {  	_ =	shalt  }
0x72: {  	_ =	shalt  }
0x73: {  	_ =	shalt  }
0x74: {  	_ =	shalt  }
0x75: {  	_ =	shalt  }
0x76: {  	_ =	shalt  }
0x77: {  	_ =	shalt  }
0x78: {  	_ =	shalt  }
0x79: {  	_ =	shalt  }
0x7a: {  	_ =	shalt  }
0x7b: {  	_ =	shalt  }
0x7c: {  	_ =	shalt  }
0x7d: {  	_ =	shalt  }
0x7e: {  	_ =	shalt  }
0x7f: {  	_ =	shalt  }
0x80: {  	_ =	shalt  }
0x81: {  	_ =	shalt  }
0x82: {  	_ =	shalt  }
0x83: {  	_ =	shalt  }
0x84: {  	_ =	shalt  }
0x85: {  	_ =	shalt  }
0x86: {  	_ =	shalt  }
0x87: {  	_ =	shalt  }
.Lfunc_end0:
.L_simem_size_0:
called_computation_lowered:
.L_overlay_start_0:
0x88: {  	s2 =	sld [smem:$0x3FD9]  }
0x89: {  	s3 =	sld [smem:$0x3FFE];
	_ =	sdelay $0x1  }
0x8a: {  	s1 =	srdreg.scid  }
0x8b: {  	s0 =	sand.u32 $0x1, s1  }
0x8c: {  	s18 =	sshll.u32 s0, $0xA;
	s2 =	sadd.s32 s3, s2  }
0x8d: {  	s2 =	sadd.s32 s2, s18  }
0x8e: {  	[smem:$0x3FC7] =	sst s2  }
0x8f: {  	_ = 	snop  }
0x90: {  	s2 =	sld [smem:$0x3FC9]  }
0x91: {  	s19 =	sld [smem:$0x3FD0];
	(tm) =	ssettm $0x1  }
0x92: {  	s4 =	sld [smem:$0x3FFB];
	_ =	sdelay $0x3  }
0x93: {  	_ =	strace s4  }
0x94: {  	s4 =	sld [smem:$0x3FFC];
	_ =	sdelay $0x3  }
0x95: {  	_ =	strace s4  }
0x96: {  	s4 =	sld [smem:$0x3FFD];
	_ =	sdelay $0x3  }
0x97: {  	_ =	strace s4  }
0x98: {  	_ =	strace $0x8FFFFFFF  }
0x99: {  	s20 =	sld [smem:$0x3FDB];
	_ =	sdelay $0x1  }
0x9a: {  	s5 =	simm.s32 $_scs_section_size  }
0x9b: {  	s6 =	simm.s32 $_size__tile_overlayer_lowered;
	s7 =	simm.s32 $_tile_overlayer_lowered  }
0x9c: {  	s23 =	simm.s32 $0x1BFF;
	s22 =	sshll.u32 s7, $0x1;
	s4 =	sadd.s32 s5, s20  }
0x9d: {  	s8 =	simm.s32 $0x0;
	s21 =	sshll.u32 s6, $0x1;
	s6 =	sadd.s32 s22, s4  }
0x9e: {  	[timem:s8], [sflag:s23] =	dma.local [hbm:s6], s21  }
0x9f: {  	_ =	swait.ge [sflag:s23], s21  }
0xa0: {  	s5 =	ssub.s32 $0x0, s21;
	[sflag:s23] =	ssyncset.done $0x0  }
0xa1: {  	[sflag:s23] =	ssyncadd.s32 s5;
	_ =	sdelay $0x1  }
0xa2: {  	s24 =	simm.s32 $0x1B8B  }
0xa3: {  	_ =	swait.ge [sflag:s24], $0x1  }
0xa4: {  	[sflag:s24] =	ssyncset.done $0x0  }
0xa5: {  	s25 =	simm.s32 $0x1B8E;
	[sflag:s24] =	ssyncadd.s32 $0xFFFFFFFF  }
0xa6: {  	s26 =	simm.s32 $execute0_lowered;
	[smem:$0x3FD2] =	sst s25  }
0xa7: {  	s5 =	sshll.u32 s26, $0x1;
	_ =	strace $0x80000046;
	[dreg:$0x1] =	wrdreg $0xFFFFFFFF  }
0xa8: {  	s28 =	simm.s32 $_size_execute0_lowered;
	s4 =	sadd.s32 s4, s5;
	[dreg:$0x0] =	wrdreg $0x0  }
0xa9: {  	s5 =	sshll.u32 s28, $0x1;
	[dreg:$0x2] =	wrdreg s4  }
0xaa: {  	[dreg:$0x3] =	wrdreg s5  }
0xab: {  	[dreg:$0x4] =	wrdreg $0xC0  }
0xac: {  	_ =	task [dreg:s8], $0x5FFFF  }
0xad: {  	[dreg:$0x1] =	wrdreg $0xFFFFFFFF  }
0xae: {  	[dreg:$0x0] =	wrdreg $0x60  }
0xaf: {  	[dreg:$0x2] =	wrdreg s2  }
0xb0: {  	[dreg:$0x3] =	wrdreg s19  }
0xb1: {  	[dreg:$0x4] =	wrdreg $0x9  }
0xb2: {  	_ =	task.clear_ibuf [dreg:s8], $0x5FFFF;
	_ =	strace $0x90000046  }
0xb3: {  	s29 =	simm.s32 $0x9;
	_ =	strace $0x80000048  }
0xb4: {  	_ =	swait.ge [sflag:s29], $0x1  }
0xb5: {  	[sflag:s29] =	ssyncadd.s32 $0xFFFFFFFF  }
0xb6: {  	_ =	strace $0x90000048  }
0xb7: {  	_ =	sfence  }
0xb8: {  	s30 =	sld [smem:$0x0];
	_ =	sdelay $0x2  }
0xb9: {  	s31 =	sshll.u32 s1, $0xD;
	s1 =	sshrl.u32 s1, $0x2  }
0xba: {  	s3 =	sand.u32 $0x4000, s31;
	s1 =	sadd.s32 s1, s30  }
0xbb: {  	s0 =	sor.u32 s3, s0;
	s1 =	sshll.u32 s1, $0x11  }
0xbc: {  	s0 =	sor.u32 s1, s0  }
0xbd: {  	s0 =	sadd.s32 $0x8F2B, s0  }
0xbe: {  	[sflag:s0] =	ssyncadd.remote.s32 $0x1  }
0xbf: {  	_ =	sfence.sel $0xFFFF  }
0xc0: {  	[dreg:$0x0] =	wrdreg $0xFFFFFFFF;
	(pc) =	sbr.abs _section_cstart, $3  }
0xc1: {  	[dreg:$0x1] =	wrdreg $0xFFFFFFFF  }
0xc2: {  	_ =	task.clear_ibuf [dreg:s8], $0x2FFFF;
	_ =	strace $0x9FFFFFFF  }
0xc3: {  	(tm) =	ssettm $0x7FFFFFFF  }
tec
execute0_lowered:
.L_overlay_start_1:
0x0: {  	(tag) =	ssettag $0x1  }
0x1: {  	s4 =	rddreg [dreg:$0x0]  }
0x2: {  	s0 =	rddreg [dreg:$0x1];
	s11 =	stileid.u32;
	s2 =	simm.s32 $0x0  }
0x3: {  	s1 =	srdreg.scid;
	s7 =	simm.s32 $0x12;
	s13 =	simm.s32 $0x1  }
0x4: {  	s31 =	simm.s32 $0x1;
	s28 =	simm.s32 $0x14000;
	s30 =	simm.s32 $0x6  }
0x5: {  	s29 =	simm.s32 $0x7;
	s5 =	sshll.u32 s11, $0x1;
	s3 =	sand.u32 $0x1, s1  }
0x6: {  	s20 =	sshrl.u32 s11, $0x2;
	[smem:$0x7FF] =	sst s2;
	s11 =	sand.u32 $0x2, s11  }
0x7: {  	s9 =	sand.u32 $0x6, s5;
	s5 =	smul.u32 $0x280000, s20;
	s10 =	sshll.u32 s3, $0xF  }
0x8: {  	_ =	strace $0x80000047;
	s6 =	sor.u32 s3, s9;
	p0 =	sgt.u32 s9, $0x3  }
0x9: {  	s8 =	sshrl.u32 s9, $0x1;
	s3 =	ssub.s32 $0x2, s3;
	s7 =	simm.s32 @!p0 $0x0  }
0xa: {  	s6 =	smul.u32 $0x12, s6;
	s13 =	simm.s32 @!p0 $0x0;
	p0 =	slt.u32 s9, $0x4  }
0xb: {  	s9 =	sshrl.u32 s3, $0x1;
	s7 =	sadd.s32 s8, s7;
	s17 =	sadd.s32 s13, s8  }
0xc: {  	s7 =	sshll.u32 s7, $0x10;
	s15 =	sshrl.u32 s6, $0x2;
	s24 =	sadd.s32 $0x2, s6  }
0xd: {  	s17 =	sshll.u32 s17, $0x10;
	s12 =	sadd.s32 s5, s7;
	s7 =	sadd.s32 $0x2, s11  }
0xe: {  	s13 =	sshrl.u32 s24, $0x2;
	s21 =	sor.u32 s10, s12;
	s22 =	sadd.s32 s15, s7  }
0xf: {  	s25 =	sadd.s32 s13, s7;
	s15 =	smul.u32 $0x6, s15;
	s12 =	sshll.u32 s22, $0x10  }
0x10: {  	s11 =	sshrl.u32 s21, $0x3;
	s18 =	sshll.u32 s25, $0x10;
	s16 =	sadd.s32 s5, s12  }
0x11: {  	s11 =	sadd.s32 s4, s11;
	s12 =	sor.u32 $0x4000, s10;
	s14 =	sor.u32 s10, s16  }
0x12: {  	s26 =	sadd.s32 s5, s18;
	[dreg:$0x3] =	wrdreg s11;
	s23 =	sshrl.u32 s14, $0x3  }
0x13: {  	s16 =	sor.u32 s12, s16;
	s11 =	sshll.u32 s24, $0xE;
	s8 =	sadd.s32 s4, s23  }
0x14: {  	s11 =	sand.u32 $0x8000, s11;
	[dreg:$0x4] =	wrdreg s8;
	s8 =	smul.u32 $0x6C0000, s20  }
0x15: {  	s13 =	smul.u32 $0x6, s13;
	s16 =	sshrl.u32 s16, $0x3;
	s1 =	sor.u32 s11, s26  }
0x16: {  	s16 =	sadd.s32 s4, s16;
	s1 =	sshrl.u32 s1, $0x3;
	s17 =	sadd.s32 s8, s17  }
0x17: {  	[dreg:$0x5] =	wrdreg s16;
	s1 =	sadd.s32 s4, s1;
	s17 =	sor.u32 s10, s17  }
0x18: {  	[dreg:$0x6] =	wrdreg s1;
	s18 =	sshrl.u32 s17, $0x3;
	s19 =	sadd.s32 $0x60000, s17  }
0x19: {  	s23 =	sadd.s32 $0xC0000, s17;
	s25 =	sadd.s32 $0x120000, s17;
	s26 =	sadd.s32 $0x180000, s17  }
0x1a: {  	s20 =	sadd.s32 s0, s18;
	s21 =	sshrl.u32 s19, $0x3;
	s24 =	sshrl.u32 s23, $0x3  }
0x1b: {  	s16 =	sshrl.u32 s25, $0x3;
	[dreg:$0x7] =	wrdreg s20;
	s22 =	sadd.s32 s0, s21  }
0x1c: {  	s19 =	sshrl.u32 s26, $0x3;
	s1 =	sadd.s32 s0, s24;
	[dreg:$0x8] =	wrdreg s22  }
0x1d: {  	s23 =	sadd.s32 $0x240000, s17;
	s16 =	sadd.s32 s0, s16;
	[dreg:$0x9] =	wrdreg s1  }
0x1e: {  	s20 =	sadd.s32 s0, s19;
	s21 =	sadd.s32 $0x1E0000, s17;
	[dreg:$0xa] =	wrdreg s16  }
0x1f: {  	s24 =	sadd.s32 $0x2A0000, s17;
	s19 =	sadd.s32 $0x300000, s17;
	[dreg:$0xb] =	wrdreg s20  }
0x20: {  	s22 =	sshrl.u32 s21, $0x3;
	s16 =	sshrl.u32 s23, $0x3;
	s26 =	sshrl.u32 s24, $0x3  }
0x21: {  	s20 =	sshrl.u32 s19, $0x3;
	s21 =	sadd.s32 $0x360000, s17;
	s19 =	sadd.s32 $0x4E0000, s17  }
0x22: {  	s1 =	sadd.s32 s0, s22;
	s25 =	sadd.s32 s0, s16;
	s18 =	sadd.s32 s0, s26  }
0x23: {  	s16 =	sshrl.u32 s21, $0x3;
	s22 =	sadd.s32 $0x3C0000, s17;
	[dreg:$0xc] =	wrdreg s1  }
0x24: {  	s26 =	sadd.s32 $0x420000, s17;
	s21 =	sshrl.u32 s19, $0x3;
	[dreg:$0xd] =	wrdreg s25  }
0x25: {  	[dreg:$0xe] =	wrdreg s18;
	s1 =	sadd.s32 s0, s20;
	s23 =	sadd.s32 s0, s16  }
0x26: {  	s24 =	sshrl.u32 s22, $0x3;
	s16 =	sshrl.u32 s26, $0x3;
	[dreg:$0xf] =	wrdreg s1  }
0x27: {  	s18 =	sadd.s32 $0x480000, s17;
	s22 =	sadd.s32 s0, s21;
	[dreg:$0x10] =	wrdreg s23  }
0x28: {  	s26 =	sadd.s32 $0x600000, s17;
	s25 =	sadd.s32 s0, s24;
	[dreg:$0x14] =	wrdreg s22  }
0x29: {  	s1 =	sadd.s32 s0, s16;
	s16 =	sshrl.u32 s18, $0x3;
	[dreg:$0x11] =	wrdreg s25  }
0x2a: {  	s23 =	sadd.s32 $0x540000, s17;
	s22 =	sadd.s32 $0x660000, s17;
	[dreg:$0x12] =	wrdreg s1  }
0x2b: {  	s20 =	sadd.s32 s0, s16;
	s24 =	sshrl.u32 s23, $0x3;
	s25 =	sadd.s32 $0x5A0000, s17  }
0x2c: {  	s23 =	sadd.s32 $0x3, s6;
	[dreg:$0x13] =	wrdreg s20;
	s1 =	sadd.s32 s0, s24  }
0x2d: {  	s16 =	sshrl.u32 s25, $0x3;
	s20 =	sshrl.u32 s26, $0x3;
	s18 =	sshll.u32 s23, $0xE  }
0x2e: {  	s26 =	sadd.s32 $0x4, s6;
	[dreg:$0x15] =	wrdreg s1;
	s19 =	sadd.s32 s0, s16  }
0x2f: {  	s21 =	sadd.s32 s0, s20;
	s16 =	simm.s32 $0x2;
	[dreg:$0x16] =	wrdreg s19  }
0x30: {  	s1 =	sshrl.u32 s22, $0x3;
	s18 =	sand.u32 $0xC000, s18;
	[dreg:$0x17] =	wrdreg s21  }
0x31: {  	s16 =	simm.s32 @!p0 $0xFFFFFF99;
	s19 =	sshrl.u32 s23, $0x2;
	s1 =	sadd.s32 s0, s1  }
0x32: {  	p0 =	por $0x0, $0x0;
	s15 =	sadd.s32 s16, s15;
	s20 =	sadd.s32 s19, s7  }
0x33: {  	[dreg:$0x18] =	wrdreg s1;
	s15 =	sshll.u32 s15, $0x10;
	s20 =	sshll.u32 s20, $0x10  }
0x34: {  	s19 =	smul.u32 $0x6, s19;
	s15 =	sadd.s32 s8, s15;
	s20 =	sadd.s32 s5, s20  }
0x35: {  	s17 =	sor.u32 s10, s15;
	s20 =	sor.u32 s18, s20;
	s12 =	sor.u32 s12, s15  }
0x36: {  	s15 =	sshrl.u32 s26, $0x2;
	s21 =	sshrl.u32 s17, $0x3;
	s25 =	sshrl.u32 s20, $0x3  }
0x37: {  	s12 =	sshrl.u32 s12, $0x3;
	s20 =	sadd.s32 s15, s7;
	s24 =	sadd.s32 s0, s21  }
0x38: {  	s15 =	smul.u32 $0x6, s15;
	s1 =	sadd.s32 s4, s25;
	[dreg:$0x19] =	wrdreg s24  }
0x39: {  	s21 =	sadd.s32 s0, s12;
	s22 =	sshll.u32 s20, $0x10;
	[dreg:$0x1a] =	wrdreg s1  }
0x3a: {  	s25 =	sadd.s32 $0x5, s6;
	[dreg:$0x1b] =	wrdreg s21;
	s23 =	sadd.s32 s5, s22  }
0x3b: {  	s24 =	sadd.s32 s16, s13;
	s20 =	sshrl.u32 s25, $0x2;
	s13 =	sshll.u32 s25, $0xE  }
0x3c: {  	s22 =	sadd.s32 s16, s19;
	s15 =	sadd.s32 s16, s15;
	s1 =	sor.u32 s10, s23  }
0x3d: {  	s12 =	sshll.u32 s24, $0x10;
	s26 =	sadd.s32 s20, s7;
	s13 =	sand.u32 $0xC000, s13  }
0x3e: {  	s23 =	sadd.s32 $0x6, s6;
	s15 =	sshll.u32 s15, $0x10;
	s20 =	smul.u32 $0x6, s20  }
0x3f: {  	s1 =	sshrl.u32 s1, $0x3;
	s12 =	sadd.s32 s8, s12;
	s25 =	sshrl.u32 s23, $0x2  }
0x40: {  	s15 =	sadd.s32 s8, s15;
	s1 =	sadd.s32 s4, s1;
	s11 =	sor.u32 s11, s12  }
0x41: {  	s12 =	sshll.u32 s26, $0x10;
	s26 =	sadd.s32 s25, s7;
	s15 =	sor.u32 s10, s15  }
0x42: {  	s20 =	sadd.s32 s16, s20;
	s11 =	sshrl.u32 s11, $0x3;
	s12 =	sadd.s32 s5, s12  }
0x43: {  	[dreg:$0x1c] =	wrdreg s1;
	s15 =	sshrl.u32 s15, $0x3;
	s20 =	sshll.u32 s20, $0x10  }
0x44: {  	s11 =	sadd.s32 s0, s11;
	s12 =	sor.u32 s13, s12;
	s20 =	sadd.s32 s8, s20  }
0x45: {  	[dreg:$0x1d] =	wrdreg s11;
	s21 =	sshrl.u32 s12, $0x3;
	s11 =	sshll.u32 s22, $0x10  }
0x46: {  	s12 =	sshll.u32 s23, $0xE;
	s23 =	sadd.s32 s0, s15;
	s13 =	sor.u32 s13, s20  }
0x47: {  	s1 =	sadd.s32 s4, s21;
	s24 =	sadd.s32 s8, s11;
	s12 =	sand.u32 $0x8000, s12  }
0x48: {  	s21 =	sadd.s32 $0x7, s6;
	s11 =	smul.u32 $0x6, s25;
	[smem:$0x7F0] =	sst s23  }
0x49: {  	s13 =	sshrl.u32 s13, $0x3;
	[dreg:$0x1e] =	wrdreg s1;
	s1 =	sor.u32 s18, s24  }
0x4a: {  	s18 =	sshll.u32 s26, $0x10;
	s22 =	sshrl.u32 s21, $0x2;
	s26 =	sadd.s32 s0, s13  }
0x4b: {  	s13 =	sadd.s32 $0x20000, s14;
	s14 =	sadd.s32 $0x40000, s14;
	s1 =	sshrl.u32 s1, $0x3  }
0x4c: {  	s18 =	sadd.s32 s5, s18;
	s24 =	sadd.s32 s22, s7;
	s11 =	sadd.s32 s16, s11  }
0x4d: {  	[smem:$0x7F2] =	sst s26;
	s22 =	smul.u32 $0x6, s22;
	s14 =	sshrl.u32 s14, $0x3  }
0x4e: {  	s1 =	sadd.s32 s0, s1;
	s18 =	sor.u32 s12, s18;
	s15 =	sshll.u32 s24, $0x10  }
0x4f: {  	s11 =	sshll.u32 s11, $0x10;
	s24 =	sadd.s32 $0xA, s6;
	s14 =	sadd.s32 s4, s14  }
0x50: {  	[dreg:$0x1f] =	wrdreg s1;
	s19 =	sshrl.u32 s18, $0x3;
	s18 =	sshll.u32 s21, $0xE  }
0x51: {  	s15 =	sadd.s32 s5, s15;
	s11 =	sadd.s32 s8, s11;
	s23 =	sadd.s32 s16, s22  }
0x52: {  	s1 =	sadd.s32 s4, s19;
	s18 =	sand.u32 $0xC000, s18;
	s11 =	sor.u32 s12, s11  }
0x53: {  	s19 =	ssub.s32 s3, s9;
	s15 =	sor.u32 s18, s15;
	s11 =	sshrl.u32 s11, $0x3  }
0x54: {  	[smem:$0x7EF] =	sst s1;
	s25 =	sshrl.u32 s15, $0x3;
	s20 =	sadd.s32 s0, s11  }
0x55: {  	s15 =	sadd.s32 $0x9, s6;
	s1 =	sadd.s32 s4, s25;
	[smem:$0x7F4] =	sst s20  }
0x56: {  	s12 =	sshll.u32 s15, $0xE;
	s20 =	sshrl.u32 s24, $0x2;
	[smem:$0x7F1] =	sst s1  }
0x57: {  	s1 =	sshrl.u32 s13, $0x3;
	s13 =	sshrl.u32 s15, $0x2;
	s25 =	sadd.s32 s20, s7  }
0x58: {  	s15 =	sshll.u32 s24, $0xE;
	s24 =	sadd.s32 $0xB, s6;
	s1 =	sadd.s32 s4, s1  }
0x59: {  	s21 =	sadd.s32 s13, s7;
	s26 =	sshll.u32 s25, $0x10;
	s15 =	sand.u32 $0x8000, s15  }
0x5a: {  	s9 =	sshrl.u32 s24, $0x2;
	s13 =	smul.u32 $0x6, s13;
	[smem:$0x7F3] =	sst s1  }
0x5b: {  	s11 =	sshll.u32 s21, $0x10;
	s1 =	sand.u32 $0xC000, s12;
	s12 =	sshll.u32 s23, $0x10  }
0x5c: {  	s23 =	sadd.s32 $0xC0000, s17;
	s11 =	sadd.s32 s5, s11;
	s12 =	sadd.s32 s8, s12  }
0x5d: {  	s25 =	sshrl.u32 s23, $0x3;
	s23 =	sadd.s32 $0xC, s6;
	s11 =	sor.u32 s1, s11  }
0x5e: {  	s12 =	sor.u32 s18, s12;
	s18 =	sadd.s32 s5, s26;
	s26 =	sadd.s32 s9, s7  }
0x5f: {  	s9 =	smul.u32 $0x6, s9;
	s11 =	sshrl.u32 s11, $0x3;
	s12 =	sshrl.u32 s12, $0x3  }
0x60: {  	s21 =	sor.u32 s15, s18;
	s18 =	sshll.u32 s26, $0x10;
	s26 =	smul.u32 $0x6, s20  }
0x61: {  	s11 =	sadd.s32 s4, s11;
	s12 =	sadd.s32 s0, s12;
	s22 =	sshrl.u32 s21, $0x3  }
0x62: {  	s21 =	sadd.s32 s5, s18;
	s9 =	sadd.s32 s16, s9;
	[smem:$0x7F5] =	sst s11  }
0x63: {  	[smem:$0x7F6] =	sst s12;
	s3 =	sadd.s32 s4, s22;
	s11 =	sshll.u32 s24, $0xE  }
0x64: {  	s22 =	sadd.s32 s16, s13;
	s13 =	sshrl.u32 s23, $0x2;
	s20 =	sadd.s32 s16, s26  }
0x65: {  	s26 =	sadd.s32 $0xE, s6;
	s9 =	sshll.u32 s9, $0x10;
	[smem:$0x7F7] =	sst s3  }
0x66: {  	s3 =	sadd.s32 s0, s25;
	s12 =	sand.u32 $0xC000, s11;
	s11 =	sshll.u32 s22, $0x10  }
0x67: {  	s24 =	sadd.s32 s13, s7;
	s13 =	smul.u32 $0x6, s13;
	[smem:$0x7F8] =	sst s3  }
0x68: {  	s3 =	sor.u32 s12, s21;
	s11 =	sadd.s32 s8, s11;
	s25 =	sshll.u32 s24, $0x10  }
0x69: {  	s21 =	sadd.s32 $0xD, s6;
	s3 =	sshrl.u32 s3, $0x3;
	s1 =	sor.u32 s1, s11  }
0x6a: {  	s11 =	sshll.u32 s21, $0xE;
	s3 =	sadd.s32 s4, s3;
	s1 =	sshrl.u32 s1, $0x3  }
0x6b: {  	[smem:$0x7F9] =	sst s3;
	s1 =	sadd.s32 s0, s1;
	s3 =	sadd.s32 s5, s25  }
0x6c: {  	s11 =	sand.u32 $0xC000, s11;
	[smem:$0x7FA] =	sst s1;
	s18 =	sor.u32 s10, s3  }
0x6d: {  	s3 =	sshll.u32 s20, $0x10;
	s20 =	sshrl.u32 s26, $0x2;
	s1 =	sshrl.u32 s18, $0x3  }
0x6e: {  	s18 =	sshrl.u32 s21, $0x2;
	s22 =	sadd.s32 s8, s3;
	s21 =	sadd.s32 s20, s7  }
0x6f: {  	s20 =	smul.u32 $0x6, s20;
	s1 =	sadd.s32 s4, s1;
	s23 =	sadd.s32 s18, s7  }
0x70: {  	s18 =	smul.u32 $0x6, s18;
	[smem:$0x7FB] =	sst s1;
	s1 =	sor.u32 s15, s22  }
0x71: {  	s3 =	sshll.u32 s23, $0x10;
	s22 =	sshll.u32 s26, $0xE;
	s23 =	sadd.s32 s16, s13  }
0x72: {  	s26 =	sadd.s32 $0xF, s6;
	s6 =	sadd.s32 $0x11, s6;
	s3 =	sadd.s32 s5, s3  }
0x73: {  	s1 =	sshrl.u32 s1, $0x3;
	s15 =	sand.u32 $0x8000, s22;
	s24 =	sor.u32 s11, s3  }
0x74: {  	s22 =	sshll.u32 s26, $0xE;
	s1 =	sadd.s32 s0, s1;
	s25 =	sshrl.u32 s24, $0x3  }
0x75: {  	s18 =	sadd.s32 s16, s18;
	[smem:$0x7FC] =	sst s1;
	s1 =	sadd.s32 s4, s25  }
0x76: {  	s3 =	simm.s32 $0x2;
	s22 =	sand.u32 $0xC000, s22;
	[smem:$0x7FD] =	sst s1  }
0x77: {  	s1 =	sadd.s32 s8, s9;
	s9 =	sshll.u32 s21, $0x10;
	s21 =	sshrl.u32 s26, $0x2  }
0x78: {  	s1 =	sor.u32 s12, s1;
	s9 =	sadd.s32 s5, s9;
	s12 =	sshll.u32 s23, $0x10  }
0x79: {  	s23 =	sadd.s32 s21, s7;
	s1 =	sshrl.u32 s1, $0x3;
	s24 =	sor.u32 s15, s9  }
0x7a: {  	s12 =	sadd.s32 s8, s12;
	s9 =	sadd.s32 s0, s1;
	s25 =	sshrl.u32 s24, $0x3  }
0x7b: {  	s12 =	sor.u32 s10, s12;
	s24 =	sshll.u32 s23, $0x10;
	s23 =	sadd.s32 s16, s20  }
0x7c: {  	s10 =	sadd.s32 s4, s25;
	s1 =	sshrl.u32 s12, $0x3;
	s25 =	sshll.u32 s18, $0x10  }
0x7d: {  	s26 =	sadd.s32 s5, s24;
	s24 =	sshll.u32 s23, $0x10;
	s13 =	sadd.s32 s8, s25  }
0x7e: {  	s12 =	sadd.s32 s0, s1;
	s18 =	sor.u32 s22, s26;
	s25 =	sshrl.u32 s6, $0x2  }
0x7f: {  	s6 =	sshll.u32 s6, $0xE;
	s26 =	smul.u32 $0x6, s21;
	s11 =	sor.u32 s11, s13  }
0x80: {  	s1 =	sshrl.u32 s18, $0x3;
	s7 =	sadd.s32 s25, s7;
	s6 =	sand.u32 $0xC000, s6  }
0x81: {  	s20 =	smul.u32 $0x6, s25;
	s11 =	sshrl.u32 s11, $0x3;
	s13 =	sadd.s32 s4, s1  }
0x82: {  	s1 =	sadd.s32 s8, s24;
	s7 =	sshll.u32 s7, $0x10;
	s23 =	sadd.s32 s16, s26  }
0x83: {  	s26 =	sadd.s32 $0x180000, s17;
	s11 =	sadd.s32 s0, s11;
	s1 =	sor.u32 s15, s1  }
0x84: {  	s5 =	sadd.s32 s5, s7;
	s7 =	sadd.s32 s16, s20;
	s1 =	sshrl.u32 s1, $0x3  }
0x85: {  	s21 =	sor.u32 s6, s5;
	s5 =	sshll.u32 s23, $0x10;
	s25 =	sshll.u32 s7, $0x10  }
0x86: {  	s23 =	simm.s32 $0x5;
	s15 =	sadd.s32 s0, s1;
	s1 =	sshrl.u32 s21, $0x3  }
0x87: {  	s24 =	sadd.s32 s8, s5;
	s5 =	sshrl.u32 s26, $0x3;
	s21 =	simm.s32 $0xC000  }
0x88: {  	s26 =	simm.s32 $0x18000;
	s16 =	sadd.s32 s4, s1;
	s1 =	sor.u32 s22, s24  }
0x89: {  	s4 =	sadd.s32 s8, s25;
	s18 =	sadd.s32 s0, s5;
	s8 =	smax.u32 s19, $0x1  }
0x8a: {  	s22 =	simm.s32 $0x8000;
	s19 =	simm.s32 $0x10000;
	p1 =	sne.s32 s8, $0x1  }
.Ltmp0:
0x8b: {  	s25 =	simm.s32 $0x3;
	s24 =	simm.s32 $0x4;
	(pc) =	sbr.rel @!p1 .LBB2_5-.Ltmp0, $4  }
0x8c: {  	s5 =	simm.s32 $0xA;
	s1 =	sshrl.u32 s1, $0x3;
	s4 =	sor.u32 s6, s4  }
0x8d: {  	s6 =	simm.s32 $0x9;
	s20 =	sadd.s32 s0, s1;
	s7 =	sshrl.u32 s4, $0x3  }
0x8e: {  	s4 =	simm.s32 $0x8;
	s1 =	rddreg [dreg:$0x3];
	s17 =	sadd.s32 s0, s7  }
0x8f: {  	s0 =	sadd.s32 $0xFFFFFFFF, s8;
	s8 =	simm.s32 $0xB;
	s7 =	simm.s32 $0xC  }
0x90: {  	[smem:$0x7EE] =	sst s0  }
0x91: {  	[tilespmem:s2], [sflag:$0x1] =	stream.linear.gather [hbm4b:s1+s2], $0x8000, $0x38;
	[tilespmem:$0x1C000] =	vst v63  }
0x92: {  	s0 =	rddreg [dreg:$0x4]  }
0x93: {  	[tilespmem:s22], [sflag:$0x3] =	stream.linear.gather [hbm4b:s0+s2], $0x4000, $0x38;
	[tilespmem:$0x1C000] =	vst v63  }
0x94: {  	s1 =	rddreg [dreg:$0x5]  }
0x95: {  	[tilespmem:s21], [sflag:$0x4] =	stream.linear.gather [hbm4b:s1+s2], $0x4000, $0x38;
	[tilespmem:$0x1C000] =	vst v63  }
0x96: {  	s0 =	rddreg [dreg:$0x6]  }
0x97: {  	[tilespmem:s19], [sflag:$0x5] =	stream.linear.gather [hbm4b:s0+s2], $0x4000, $0x38;
	[tilespmem:$0x1C000] =	vst v63  }
0x98: {  	_ =	swait.ge [sflag:s31], $0x8000  }
0x99: {  	[sflag:s31] =	ssyncset.done $0x0  }
0x9a: {  	s1 =	rddreg [dreg:$0x7];
	[sflag:s31] =	ssyncadd.s32 $0xFFFF8000  }
0x9b: {  	[hbm4b:s1+s2] =	stream.linear.scatter [tilespmem:s2], [sflag:$0x2], $0x8000, $0x38;
	[tilespmem:$0x1C000] =	vst v63  }
0x9c: {  	s31 =	rddreg [dreg:$0x8]  }
0x9d: {  	[hbm4b:s31+s2] =	stream.linear.scatter [tilespmem:s2], [sflag:$0x2], $0x8000, $0x38;
	[tilespmem:$0x1C000] =	vst v63  }
0x9e: {  	s0 =	rddreg [dreg:$0x9]  }
0x9f: {  	[hbm4b:s0+s2] =	stream.linear.scatter [tilespmem:s2], [sflag:$0x2], $0x8000, $0x38;
	[tilespmem:$0x1C000] =	vst v63  }
0xa0: {  	s31 =	rddreg [dreg:$0xa]  }
0xa1: {  	[hbm4b:s31+s2] =	stream.linear.scatter [tilespmem:s2], [sflag:$0x2], $0x8000, $0x38;
	[tilespmem:$0x1C000] =	vst v63  }
0xa2: {  	s0 =	rddreg [dreg:$0xb]  }
0xa3: {  	[hbm4b:s0+s2] =	stream.linear.scatter [tilespmem:s2], [sflag:$0x2], $0x8000, $0x38;
	[tilespmem:$0x1C000] =	vst v63  }
0xa4: {  	s31 =	rddreg [dreg:$0xc]  }
0xa5: {  	[hbm4b:s31+s2] =	stream.linear.scatter [tilespmem:s2], [sflag:$0x2], $0x8000, $0x38;
	[tilespmem:$0x1C000] =	vst v63  }
0xa6: {  	s0 =	rddreg [dreg:$0xd]  }
0xa7: {  	[hbm4b:s0+s2] =	stream.linear.scatter [tilespmem:s2], [sflag:$0x2], $0x8000, $0x38;
	[tilespmem:$0x1C000] =	vst v63  }
0xa8: {  	s31 =	rddreg [dreg:$0xe]  }
0xa9: {  	[hbm4b:s31+s2] =	stream.linear.scatter [tilespmem:s2], [sflag:$0x2], $0x8000, $0x38;
	[tilespmem:$0x1C000] =	vst v63  }
0xaa: {  	s0 =	rddreg [dreg:$0xf]  }
0xab: {  	[hbm4b:s0+s2] =	stream.linear.scatter [tilespmem:s2], [sflag:$0x2], $0x8000, $0x38;
	[tilespmem:$0x1C000] =	vst v63  }
0xac: {  	s31 =	rddreg [dreg:$0x10]  }
0xad: {  	[hbm4b:s31+s2] =	stream.linear.scatter [tilespmem:s2], [sflag:$0x2], $0x8000, $0x38;
	[tilespmem:$0x1C000] =	vst v63  }
0xae: {  	s0 =	rddreg [dreg:$0x11]  }
0xaf: {  	[hbm4b:s0+s2] =	stream.linear.scatter [tilespmem:s2], [sflag:$0x2], $0x8000, $0x38;
	[tilespmem:$0x1C000] =	vst v63  }
0xb0: {  	s31 =	rddreg [dreg:$0x12]  }
0xb1: {  	[hbm4b:s31+s2] =	stream.linear.scatter [tilespmem:s2], [sflag:$0x2], $0x8000, $0x38;
	[tilespmem:$0x1C000] =	vst v63  }
0xb2: {  	s0 =	rddreg [dreg:$0x13]  }
0xb3: {  	[hbm4b:s0+s2] =	stream.linear.scatter [tilespmem:s2], [sflag:$0x2], $0x8000, $0x38;
	[tilespmem:$0x1C000] =	vst v63  }
0xb4: {  	s31 =	rddreg [dreg:$0x14]  }
0xb5: {  	[hbm4b:s31+s2] =	stream.linear.scatter [tilespmem:s2], [sflag:$0x2], $0x8000, $0x38;
	[tilespmem:$0x1C000] =	vst v63  }
0xb6: {  	s0 =	rddreg [dreg:$0x15]  }
0xb7: {  	[hbm4b:s0+s2] =	stream.linear.scatter [tilespmem:s2], [sflag:$0x2], $0x8000, $0x38;
	[tilespmem:$0x1C000] =	vst v63  }
0xb8: {  	s31 =	rddreg [dreg:$0x16]  }
0xb9: {  	[hbm4b:s31+s2] =	stream.linear.scatter [tilespmem:s2], [sflag:$0x2], $0x8000, $0x38;
	[tilespmem:$0x1C000] =	vst v63  }
0xba: {  	s0 =	rddreg [dreg:$0x17]  }
0xbb: {  	[hbm4b:s0+s2] =	stream.linear.scatter [tilespmem:s2], [sflag:$0x2], $0x8000, $0x38;
	[tilespmem:$0x1C000] =	vst v63  }
0xbc: {  	s31 =	rddreg [dreg:$0x18]  }
0xbd: {  	[hbm4b:s31+s2] =	stream.linear.scatter [tilespmem:s2], [sflag:$0x2], $0x8000, $0x38;
	[tilespmem:$0x1C000] =	vst v63  }
0xbe: {  	_ =	swait.ge [sflag:s25], $0x4000  }
0xbf: {  	[sflag:s25] =	ssyncset.done $0x0  }
0xc0: {  	s1 =	rddreg [dreg:$0x19];
	[sflag:s25] =	ssyncadd.s32 $0xFFFFC000  }
0xc1: {  	[hbm4b:s1+s2] =	stream.linear.scatter [tilespmem:s22], [sflag:$0x8], $0x4000, $0x38;
	[tilespmem:$0x1C000] =	vst v63  }
0xc2: {  	s31 =	rddreg [dreg:$0x1a]  }
0xc3: {  	[tilespmem:s28], [sflag:$0x6] =	stream.linear.gather [hbm4b:s31+s2], $0x4000, $0x38;
	[tilespmem:$0x1C000] =	vst v63  }
0xc4: {  	_ =	swait.ge [sflag:s24], $0x4000  }
0xc5: {  	[sflag:s24] =	ssyncset.done $0x0  }
0xc6: {  	s1 =	rddreg [dreg:$0x1b];
	[sflag:s24] =	ssyncadd.s32 $0xFFFFC000  }
0xc7: {  	[hbm4b:s1+s2] =	stream.linear.scatter [tilespmem:s21], [sflag:$0x9], $0x4000, $0x38;
	[tilespmem:$0x1C000] =	vst v63  }
0xc8: {  	s31 =	rddreg [dreg:$0x1c]  }
0xc9: {  	[tilespmem:s26], [sflag:$0x7] =	stream.linear.gather [hbm4b:s31+s2], $0x4000, $0x38;
	[tilespmem:$0x1C000] =	vst v63  }
0xca: {  	_ =	swait.ge [sflag:s23], $0x4000  }
0xcb: {  	[sflag:s23] =	ssyncset.done $0x0  }
0xcc: {  	s31 =	rddreg [dreg:$0x1d];
	[sflag:s23] =	ssyncadd.s32 $0xFFFFC000  }
0xcd: {  	[hbm4b:s31+s2] =	stream.linear.scatter [tilespmem:s19], [sflag:$0xA], $0x4000, $0x38;
	[tilespmem:$0x1C000] =	vst v63  }
0xce: {  	_ =	swait.ge [sflag:s4], $0x4000  }
0xcf: {  	[sflag:s4] =	ssyncset.done $0x0  }
0xd0: {  	s1 =	rddreg [dreg:$0x1e];
	[sflag:s4] =	ssyncadd.s32 $0xFFFFC000  }
0xd1: {  	[tilespmem:s22], [sflag:$0x3] =	stream.linear.gather [hbm4b:s1+s2], $0x4000, $0x38;
	[tilespmem:$0x1C000] =	vst v63  }
0xd2: {  	_ =	swait.ge [sflag:s30], $0x4000  }
0xd3: {  	[sflag:s30] =	ssyncset.done $0x0  }
0xd4: {  	s31 =	rddreg [dreg:$0x1f];
	[sflag:s30] =	ssyncadd.s32 $0xFFFFC000  }
0xd5: {  	[hbm4b:s31+s2] =	stream.linear.scatter [tilespmem:s28], [sflag:$0xB], $0x4000, $0x38;
	[tilespmem:$0x1C000] =	vst v63  }
0xd6: {  	_ =	swait.ge [sflag:s6], $0x4000  }
0xd7: {  	s1 =	sld [smem:$0x7EF]  }
0xd8: {  	[sflag:s6] =	ssyncset.done $0x0  }
0xd9: {  	[sflag:s6] =	ssyncadd.s32 $0xFFFFC000  }
0xda: {  	[tilespmem:s21], [sflag:$0x4] =	stream.linear.gather [hbm4b:s1+s2], $0x4000, $0x38;
	[tilespmem:$0x1C000] =	vst v63  }
0xdb: {  	_ =	swait.ge [sflag:s29], $0x4000  }
0xdc: {  	s31 =	sld [smem:$0x7F0]  }
0xdd: {  	[sflag:s29] =	ssyncset.done $0x0  }
0xde: {  	[sflag:s29] =	ssyncadd.s32 $0xFFFFC000  }
0xdf: {  	[hbm4b:s31+s2] =	stream.linear.scatter [tilespmem:s26], [sflag:$0xC], $0x4000, $0x38;
	[tilespmem:$0x1C000] =	vst v63  }
0xe0: {  	_ =	swait.ge [sflag:s5], $0x4000  }
0xe1: {  	s1 =	sld [smem:$0x7F1]  }
0xe2: {  	[sflag:s5] =	ssyncset.done $0x0  }
0xe3: {  	[sflag:s5] =	ssyncadd.s32 $0xFFFFC000  }
0xe4: {  	[tilespmem:s19], [sflag:$0x5] =	stream.linear.gather [hbm4b:s1+s2], $0x4000, $0x38;
	[tilespmem:$0x1C000] =	vst v63  }
0xe5: {  	_ =	swait.ge [sflag:s25], $0x4000  }
0xe6: {  	s31 =	sld [smem:$0x7F2]  }
0xe7: {  	[sflag:s25] =	ssyncset.done $0x0  }
0xe8: {  	[sflag:s25] =	ssyncadd.s32 $0xFFFFC000  }
0xe9: {  	[hbm4b:s31+s2] =	stream.linear.scatter [tilespmem:s22], [sflag:$0x8], $0x4000, $0x38;
	[tilespmem:$0x1C000] =	vst v63  }
0xea: {  	_ =	swait.ge [sflag:s8], $0x4000  }
0xeb: {  	s1 =	sld [smem:$0x7F3]  }
0xec: {  	[sflag:s8] =	ssyncset.done $0x0  }
0xed: {  	[sflag:s8] =	ssyncadd.s32 $0xFFFFC000  }
0xee: {  	[tilespmem:s28], [sflag:$0x6] =	stream.linear.gather [hbm4b:s1+s2], $0x4000, $0x38;
	[tilespmem:$0x1C000] =	vst v63  }
0xef: {  	_ =	swait.ge [sflag:s24], $0x4000  }
0xf0: {  	s31 =	sld [smem:$0x7F4]  }
0xf1: {  	[sflag:s24] =	ssyncset.done $0x0  }
0xf2: {  	[sflag:s24] =	ssyncadd.s32 $0xFFFFC000  }
0xf3: {  	[hbm4b:s31+s2] =	stream.linear.scatter [tilespmem:s21], [sflag:$0x9], $0x4000, $0x38;
	[tilespmem:$0x1C000] =	vst v63  }
0xf4: {  	_ =	swait.ge [sflag:s7], $0x4000  }
0xf5: {  	s1 =	sld [smem:$0x7F5]  }
0xf6: {  	[sflag:s7] =	ssyncset.done $0x0  }
0xf7: {  	[sflag:s7] =	ssyncadd.s32 $0xFFFFC000  }
0xf8: {  	[tilespmem:s26], [sflag:$0x7] =	stream.linear.gather [hbm4b:s1+s2], $0x4000, $0x38;
	[tilespmem:$0x1C000] =	vst v63  }
0xf9: {  	_ =	swait.ge [sflag:s23], $0x4000  }
0xfa: {  	s31 =	sld [smem:$0x7F6]  }
0xfb: {  	[sflag:s23] =	ssyncset.done $0x0  }
0xfc: {  	[sflag:s23] =	ssyncadd.s32 $0xFFFFC000  }
0xfd: {  	[hbm4b:s31+s2] =	stream.linear.scatter [tilespmem:s19], [sflag:$0xA], $0x4000, $0x38;
	[tilespmem:$0x1C000] =	vst v63  }
0xfe: {  	_ =	swait.ge [sflag:s4], $0x4000  }
0xff: {  	s1 =	sld [smem:$0x7F7]  }
0x100: {  	[sflag:s4] =	ssyncset.done $0x0  }
0x101: {  	[sflag:s4] =	ssyncadd.s32 $0xFFFFC000  }
0x102: {  	[tilespmem:s22], [sflag:$0x3] =	stream.linear.gather [hbm4b:s1+s2], $0x4000, $0x38;
	[tilespmem:$0x1C000] =	vst v63  }
0x103: {  	_ =	swait.ge [sflag:s30], $0x4000  }
0x104: {  	s31 =	sld [smem:$0x7F8]  }
0x105: {  	[sflag:s30] =	ssyncset.done $0x0  }
0x106: {  	[sflag:s30] =	ssyncadd.s32 $0xFFFFC000  }
0x107: {  	[hbm4b:s31+s2] =	stream.linear.scatter [tilespmem:s28], [sflag:$0xB], $0x4000, $0x38;
	[tilespmem:$0x1C000] =	vst v63  }
0x108: {  	_ =	swait.ge [sflag:s6], $0x4000  }
0x109: {  	s1 =	sld [smem:$0x7F9]  }
0x10a: {  	[sflag:s6] =	ssyncset.done $0x0  }
0x10b: {  	[sflag:s6] =	ssyncadd.s32 $0xFFFFC000  }
0x10c: {  	[tilespmem:s21], [sflag:$0x4] =	stream.linear.gather [hbm4b:s1+s2], $0x4000, $0x38;
	[tilespmem:$0x1C000] =	vst v63  }
0x10d: {  	_ =	swait.ge [sflag:s29], $0x4000  }
0x10e: {  	s31 =	sld [smem:$0x7FA]  }
0x10f: {  	[sflag:s29] =	ssyncset.done $0x0  }
0x110: {  	[sflag:s29] =	ssyncadd.s32 $0xFFFFC000  }
0x111: {  	[hbm4b:s31+s2] =	stream.linear.scatter [tilespmem:s26], [sflag:$0xC], $0x4000, $0x38;
	[tilespmem:$0x1C000] =	vst v63  }
0x112: {  	_ =	swait.ge [sflag:s5], $0x4000  }
0x113: {  	s1 =	sld [smem:$0x7FB]  }
0x114: {  	[sflag:s5] =	ssyncset.done $0x0  }
0x115: {  	[sflag:s5] =	ssyncadd.s32 $0xFFFFC000  }
0x116: {  	[tilespmem:s19], [sflag:$0x5] =	stream.linear.gather [hbm4b:s1+s2], $0x4000, $0x38;
	[tilespmem:$0x1C000] =	vst v63  }
0x117: {  	_ =	swait.ge [sflag:s25], $0x4000  }
0x118: {  	s31 =	sld [smem:$0x7FC]  }
0x119: {  	[sflag:s25] =	ssyncset.done $0x0  }
0x11a: {  	[sflag:s25] =	ssyncadd.s32 $0xFFFFC000  }
0x11b: {  	[hbm4b:s31+s2] =	stream.linear.scatter [tilespmem:s22], [sflag:$0x8], $0x4000, $0x38;
	[tilespmem:$0x1C000] =	vst v63  }
0x11c: {  	_ =	swait.ge [sflag:s8], $0x4000  }
0x11d: {  	s1 =	sld [smem:$0x7FD]  }
0x11e: {  	[sflag:s8] =	ssyncset.done $0x0  }
0x11f: {  	[sflag:s8] =	ssyncadd.s32 $0xFFFFC000  }
0x120: {  	[tilespmem:s28], [sflag:$0x6] =	stream.linear.gather [hbm4b:s1+s2], $0x4000, $0x38;
	[tilespmem:$0x1C000] =	vst v63  }
0x121: {  	_ =	swait.ge [sflag:s24], $0x4000  }
0x122: {  	[sflag:s24] =	ssyncset.done $0x0  }
0x123: {  	[sflag:s24] =	ssyncadd.s32 $0xFFFFC000  }
0x124: {  	[hbm4b:s9+s2] =	stream.linear.scatter [tilespmem:s21], [sflag:$0x9], $0x4000, $0x38;
	[tilespmem:$0x1C000] =	vst v63  }
0x125: {  	_ =	swait.ge [sflag:s7], $0x4000  }
0x126: {  	[sflag:s7] =	ssyncset.done $0x0  }
0x127: {  	[sflag:s7] =	ssyncadd.s32 $0xFFFFC000  }
0x128: {  	[tilespmem:s26], [sflag:$0x7] =	stream.linear.gather [hbm4b:s10+s2], $0x4000, $0x38;
	[tilespmem:$0x1C000] =	vst v63  }
0x129: {  	_ =	swait.ge [sflag:s23], $0x4000  }
0x12a: {  	[sflag:s23] =	ssyncset.done $0x0  }
0x12b: {  	[sflag:s23] =	ssyncadd.s32 $0xFFFFC000  }
0x12c: {  	[hbm4b:s12+s2] =	stream.linear.scatter [tilespmem:s19], [sflag:$0xA], $0x4000, $0x38;
	[tilespmem:$0x1C000] =	vst v63  }
0x12d: {  	_ =	swait.ge [sflag:s4], $0x4000  }
0x12e: {  	[sflag:s4] =	ssyncset.done $0x0  }
0x12f: {  	[sflag:s4] =	ssyncadd.s32 $0xFFFFC000  }
0x130: {  	[tilespmem:s22], [sflag:$0x3] =	stream.linear.gather [hbm4b:s13+s2], $0x4000, $0x38;
	[tilespmem:$0x1C000] =	vst v63  }
0x131: {  	_ =	swait.ge [sflag:s30], $0x4000  }
0x132: {  	[sflag:s30] =	ssyncset.done $0x0  }
0x133: {  	[sflag:s30] =	ssyncadd.s32 $0xFFFFC000  }
0x134: {  	[hbm4b:s11+s2] =	stream.linear.scatter [tilespmem:s28], [sflag:$0xB], $0x4000, $0x38;
	[tilespmem:$0x1C000] =	vst v63  }
0x135: {  	_ =	swait.ge [sflag:s6], $0x4000  }
0x136: {  	[sflag:s6] =	ssyncset.done $0x0  }
0x137: {  	[sflag:s6] =	ssyncadd.s32 $0xFFFFC000  }
0x138: {  	[tilespmem:s21], [sflag:$0x4] =	stream.linear.gather [hbm4b:s14+s2], $0x4000, $0x38;
	[tilespmem:$0x1C000] =	vst v63  }
0x139: {  	_ =	swait.ge [sflag:s29], $0x4000  }
0x13a: {  	[sflag:s29] =	ssyncset.done $0x0  }
0x13b: {  	[sflag:s29] =	ssyncadd.s32 $0xFFFFC000  }
0x13c: {  	[hbm4b:s15+s2] =	stream.linear.scatter [tilespmem:s26], [sflag:$0xC], $0x4000, $0x38;
	[tilespmem:$0x1C000] =	vst v63  }
0x13d: {  	_ =	swait.ge [sflag:s5], $0x4000  }
0x13e: {  	[sflag:s5] =	ssyncset.done $0x0  }
0x13f: {  	[sflag:s5] =	ssyncadd.s32 $0xFFFFC000  }
0x140: {  	[tilespmem:s19], [sflag:$0x5] =	stream.linear.gather [hbm4b:s16+s2], $0x4000, $0x38;
	[tilespmem:$0x1C000] =	vst v63  }
0x141: {  	_ =	swait.ge [sflag:s25], $0x4000  }
0x142: {  	[sflag:s25] =	ssyncset.done $0x0  }
0x143: {  	[sflag:s25] =	ssyncadd.s32 $0xFFFFC000  }
0x144: {  	[hbm4b:s20+s2] =	stream.linear.scatter [tilespmem:s22], [sflag:$0x8], $0x4000, $0x38;
	[tilespmem:$0x1C000] =	vst v63  }
0x145: {  	_ =	swait.ge [sflag:s24], $0x4000  }
0x146: {  	[sflag:s24] =	ssyncset.done $0x0  }
0x147: {  	[sflag:s24] =	ssyncadd.s32 $0xFFFFC000  }
0x148: {  	[hbm4b:s18+s2] =	stream.linear.scatter [tilespmem:s21], [sflag:$0x9], $0x4000, $0x38;
	[tilespmem:$0x1C000] =	vst v63  }
0x149: {  	_ =	swait.ge [sflag:s23], $0x4000  }
0x14a: {  	[sflag:s23] =	ssyncset.done $0x0  }
0x14b: {  	[sflag:s23] =	ssyncadd.s32 $0xFFFFC000  }
0x14c: {  	[hbm4b:s17+s2] =	stream.linear.scatter [tilespmem:s19], [sflag:$0xA], $0x4000, $0x38;
	[tilespmem:$0x1C000] =	vst v63  }
0x14d: {  	_ =	swait.ge [sflag:s3], $0x8000  }
0x14e: {  	[sflag:s3] =	ssyncset.done $0x0  }
0x14f: {  	[sflag:s3] =	ssyncadd.s32 $0xFFFF8000  }
0x150: {  	_ =	swait.ge [sflag:s3], $0x8000  }
0x151: {  	[sflag:s3] =	ssyncset.done $0x0  }
0x152: {  	[sflag:s3] =	ssyncadd.s32 $0xFFFF8000  }
0x153: {  	_ =	swait.ge [sflag:s3], $0x8000  }
0x154: {  	[sflag:s3] =	ssyncset.done $0x0  }
0x155: {  	[sflag:s3] =	ssyncadd.s32 $0xFFFF8000  }
0x156: {  	_ =	swait.ge [sflag:s3], $0x8000  }
0x157: {  	[sflag:s3] =	ssyncset.done $0x0  }
0x158: {  	[sflag:s3] =	ssyncadd.s32 $0xFFFF8000  }
0x159: {  	_ =	swait.ge [sflag:s3], $0x8000  }
0x15a: {  	[sflag:s3] =	ssyncset.done $0x0  }
0x15b: {  	[sflag:s3] =	ssyncadd.s32 $0xFFFF8000  }
0x15c: {  	_ =	swait.ge [sflag:s3], $0x8000  }
0x15d: {  	[sflag:s3] =	ssyncset.done $0x0  }
0x15e: {  	[sflag:s3] =	ssyncadd.s32 $0xFFFF8000  }
0x15f: {  	_ =	swait.ge [sflag:s3], $0x8000  }
0x160: {  	[sflag:s3] =	ssyncset.done $0x0  }
0x161: {  	[sflag:s3] =	ssyncadd.s32 $0xFFFF8000  }
0x162: {  	_ =	swait.ge [sflag:s3], $0x8000  }
0x163: {  	[sflag:s3] =	ssyncset.done $0x0  }
0x164: {  	[sflag:s3] =	ssyncadd.s32 $0xFFFF8000  }
0x165: {  	_ =	swait.ge [sflag:s3], $0x8000  }
0x166: {  	[sflag:s3] =	ssyncset.done $0x0  }
0x167: {  	[sflag:s3] =	ssyncadd.s32 $0xFFFF8000  }
0x168: {  	_ =	swait.ge [sflag:s3], $0x8000  }
0x169: {  	[sflag:s3] =	ssyncset.done $0x0  }
0x16a: {  	[sflag:s3] =	ssyncadd.s32 $0xFFFF8000  }
0x16b: {  	_ =	swait.ge [sflag:s3], $0x8000  }
0x16c: {  	[sflag:s3] =	ssyncset.done $0x0  }
0x16d: {  	[sflag:s3] =	ssyncadd.s32 $0xFFFF8000  }
0x16e: {  	_ =	swait.ge [sflag:s3], $0x8000  }
0x16f: {  	[sflag:s3] =	ssyncset.done $0x0  }
0x170: {  	[sflag:s3] =	ssyncadd.s32 $0xFFFF8000  }
0x171: {  	_ =	swait.ge [sflag:s3], $0x8000  }
0x172: {  	[sflag:s3] =	ssyncset.done $0x0  }
0x173: {  	[sflag:s3] =	ssyncadd.s32 $0xFFFF8000  }
0x174: {  	_ =	swait.ge [sflag:s3], $0x8000  }
0x175: {  	[sflag:s3] =	ssyncset.done $0x0  }
0x176: {  	[sflag:s3] =	ssyncadd.s32 $0xFFFF8000  }
0x177: {  	_ =	swait.ge [sflag:s3], $0x8000  }
0x178: {  	[sflag:s3] =	ssyncset.done $0x0  }
0x179: {  	[sflag:s3] =	ssyncadd.s32 $0xFFFF8000  }
0x17a: {  	_ =	swait.ge [sflag:s3], $0x8000  }
0x17b: {  	[sflag:s3] =	ssyncset.done $0x0  }
0x17c: {  	[sflag:s3] =	ssyncadd.s32 $0xFFFF8000  }
0x17d: {  	_ =	swait.ge [sflag:s3], $0x8000  }
0x17e: {  	[sflag:s3] =	ssyncset.done $0x0  }
0x17f: {  	[sflag:s3] =	ssyncadd.s32 $0xFFFF8000  }
0x180: {  	_ =	swait.ge [sflag:s3], $0x8000  }
0x181: {  	[sflag:s3] =	ssyncset.done $0x0  }
0x182: {  	[sflag:s3] =	ssyncadd.s32 $0xFFFF8000  }
0x183: {  	_ =	swait.ge [sflag:s8], $0x4000  }
0x184: {  	[sflag:s8] =	ssyncset.done $0x0  }
0x185: {  	[sflag:s8] =	ssyncadd.s32 $0xFFFFC000  }
0x186: {  	_ =	swait.ge [sflag:s7], $0x4000  }
0x187: {  	[sflag:s7] =	ssyncset.done $0x0  }
0x188: {  	[sflag:s7] =	ssyncadd.s32 $0xFFFFC000  }
0x189: {  	_ =	swait.ge [sflag:s4], $0x4000  }
0x18a: {  	[sflag:s4] =	ssyncset.done $0x0  }
0x18b: {  	[sflag:s4] =	ssyncadd.s32 $0xFFFFC000  }
0x18c: {  	_ =	swait.ge [sflag:s6], $0x4000  }
0x18d: {  	s31 =	sld [smem:$0x7EE];
	_ =	sdelay $0x2  }
0x18e: {  	p1 =	sne.s32 s31, $0x1  }
.Ltmp1:
0x18f: {  	_ = 	snop;
	(pc) =	sbr.rel @!p1 .LBB2_2-.Ltmp1, $4  }
0x190: {  	[sflag:s6] =	ssyncset.done $0x0  }
0x191: {  	[sflag:s6] =	ssyncadd.s32 $0xFFFFC000  }
0x192: {  	p0 =	por $0x1, $0x1;
	_ =	swait.ge [sflag:s5], $0x4000  }
0x193: {  	s0 =	sadd.s32 $0xFFFFFFFF, s31;
	s1 =	rddreg [dreg:$0x3];
	[sflag:s5] =	ssyncset.done $0x0  }
.LBB2_3:
0x194: {  	[sflag:s5] =	ssyncadd.s32 $0xFFFFC000  }
0x195: {  	s31 =	smov.u32 s20;
	s20 =	smov.u32 s18;
	s18 =	smov.u32 s17  }
0x196: {  	s17 =	smov.u32 s16;
	s16 =	smov.u32 s15;
	s15 =	smov.u32 s14  }
0x197: {  	s14 =	smov.u32 s13;
	s13 =	smov.u32 s12;
	s12 =	smov.u32 s11  }
0x198: {  	[tilespmem:s2], [sflag:$0x1] =	stream.linear.gather [hbm4b:s1+s2], $0x8000, $0x38;
	[tilespmem:$0x1C000] =	vst v63  }
0x199: {  	s11 =	smov.u32 s10;
	s10 =	smov.u32 s9;
	s9 =	rddreg [dreg:$0x4]  }
0x19a: {  	[tilespmem:s22], [sflag:$0x3] =	stream.linear.gather [hbm4b:s9+s2], $0x4000, $0x38;
	[tilespmem:$0x1C000] =	vst v63  }
0x19b: {  	s1 =	rddreg [dreg:$0x5]  }
0x19c: {  	[tilespmem:s21], [sflag:$0x4] =	stream.linear.gather [hbm4b:s1+s2], $0x4000, $0x38;
	[tilespmem:$0x1C000] =	vst v63  }
0x19d: {  	s9 =	rddreg [dreg:$0x6]  }
0x19e: {  	[tilespmem:s19], [sflag:$0x5] =	stream.linear.gather [hbm4b:s9+s2], $0x4000, $0x38;
	[tilespmem:$0x1C000] =	vst v63  }
0x19f: {  	s9 =	simm.s32 $0x1  }
0x1a0: {  	_ =	swait.ge [sflag:s9], $0x8000  }
0x1a1: {  	[sflag:s9] =	ssyncset.done $0x0  }
0x1a2: {  	s1 =	rddreg [dreg:$0x7];
	[sflag:s9] =	ssyncadd.s32 $0xFFFF8000  }
0x1a3: {  	[hbm4b:s1+s2] =	stream.linear.scatter [tilespmem:s2], [sflag:$0x2], $0x8000, $0x38;
	[tilespmem:$0x1C000] =	vst v63  }
0x1a4: {  	s9 =	rddreg [dreg:$0x8]  }
0x1a5: {  	[hbm4b:s9+s2] =	stream.linear.scatter [tilespmem:s2], [sflag:$0x2], $0x8000, $0x38;
	[tilespmem:$0x1C000] =	vst v63  }
0x1a6: {  	s1 =	rddreg [dreg:$0x9]  }
0x1a7: {  	[hbm4b:s1+s2] =	stream.linear.scatter [tilespmem:s2], [sflag:$0x2], $0x8000, $0x38;
	[tilespmem:$0x1C000] =	vst v63  }
0x1a8: {  	s9 =	rddreg [dreg:$0xa]  }
0x1a9: {  	[hbm4b:s9+s2] =	stream.linear.scatter [tilespmem:s2], [sflag:$0x2], $0x8000, $0x38;
	[tilespmem:$0x1C000] =	vst v63  }
0x1aa: {  	s1 =	rddreg [dreg:$0xb]  }
0x1ab: {  	[hbm4b:s1+s2] =	stream.linear.scatter [tilespmem:s2], [sflag:$0x2], $0x8000, $0x38;
	[tilespmem:$0x1C000] =	vst v63  }
0x1ac: {  	s9 =	rddreg [dreg:$0xc]  }
0x1ad: {  	[hbm4b:s9+s2] =	stream.linear.scatter [tilespmem:s2], [sflag:$0x2], $0x8000, $0x38;
	[tilespmem:$0x1C000] =	vst v63  }
0x1ae: {  	s1 =	rddreg [dreg:$0xd]  }
0x1af: {  	[hbm4b:s1+s2] =	stream.linear.scatter [tilespmem:s2], [sflag:$0x2], $0x8000, $0x38;
	[tilespmem:$0x1C000] =	vst v63  }
0x1b0: {  	s9 =	rddreg [dreg:$0xe]  }
0x1b1: {  	[hbm4b:s9+s2] =	stream.linear.scatter [tilespmem:s2], [sflag:$0x2], $0x8000, $0x38;
	[tilespmem:$0x1C000] =	vst v63  }
0x1b2: {  	s1 =	rddreg [dreg:$0xf]  }
0x1b3: {  	[hbm4b:s1+s2] =	stream.linear.scatter [tilespmem:s2], [sflag:$0x2], $0x8000, $0x38;
	[tilespmem:$0x1C000] =	vst v63  }
0x1b4: {  	s9 =	rddreg [dreg:$0x10]  }
0x1b5: {  	[hbm4b:s9+s2] =	stream.linear.scatter [tilespmem:s2], [sflag:$0x2], $0x8000, $0x38;
	[tilespmem:$0x1C000] =	vst v63  }
0x1b6: {  	s1 =	rddreg [dreg:$0x11]  }
0x1b7: {  	[hbm4b:s1+s2] =	stream.linear.scatter [tilespmem:s2], [sflag:$0x2], $0x8000, $0x38;
	[tilespmem:$0x1C000] =	vst v63  }
0x1b8: {  	s9 =	rddreg [dreg:$0x12]  }
0x1b9: {  	[hbm4b:s9+s2] =	stream.linear.scatter [tilespmem:s2], [sflag:$0x2], $0x8000, $0x38;
	[tilespmem:$0x1C000] =	vst v63  }
0x1ba: {  	s1 =	rddreg [dreg:$0x13]  }
0x1bb: {  	[hbm4b:s1+s2] =	stream.linear.scatter [tilespmem:s2], [sflag:$0x2], $0x8000, $0x38;
	[tilespmem:$0x1C000] =	vst v63  }
0x1bc: {  	s9 =	rddreg [dreg:$0x14]  }
0x1bd: {  	[hbm4b:s9+s2] =	stream.linear.scatter [tilespmem:s2], [sflag:$0x2], $0x8000, $0x38;
	[tilespmem:$0x1C000] =	vst v63  }
0x1be: {  	s1 =	rddreg [dreg:$0x15]  }
0x1bf: {  	[hbm4b:s1+s2] =	stream.linear.scatter [tilespmem:s2], [sflag:$0x2], $0x8000, $0x38;
	[tilespmem:$0x1C000] =	vst v63  }
0x1c0: {  	s9 =	rddreg [dreg:$0x16]  }
0x1c1: {  	[hbm4b:s9+s2] =	stream.linear.scatter [tilespmem:s2], [sflag:$0x2], $0x8000, $0x38;
	[tilespmem:$0x1C000] =	vst v63  }
0x1c2: {  	s1 =	rddreg [dreg:$0x17]  }
0x1c3: {  	[hbm4b:s1+s2] =	stream.linear.scatter [tilespmem:s2], [sflag:$0x2], $0x8000, $0x38;
	[tilespmem:$0x1C000] =	vst v63  }
0x1c4: {  	s9 =	rddreg [dreg:$0x18]  }
0x1c5: {  	[hbm4b:s9+s2] =	stream.linear.scatter [tilespmem:s2], [sflag:$0x2], $0x8000, $0x38;
	[tilespmem:$0x1C000] =	vst v63  }
0x1c6: {  	_ =	swait.ge [sflag:s25], $0x4000  }
0x1c7: {  	[sflag:s25] =	ssyncset.done $0x0  }
0x1c8: {  	s1 =	rddreg [dreg:$0x19];
	[sflag:s25] =	ssyncadd.s32 $0xFFFFC000  }
0x1c9: {  	[hbm4b:s1+s2] =	stream.linear.scatter [tilespmem:s22], [sflag:$0x8], $0x4000, $0x38;
	[tilespmem:$0x1C000] =	vst v63  }
0x1ca: {  	s9 =	rddreg [dreg:$0x1a]  }
0x1cb: {  	[tilespmem:s28], [sflag:$0x6] =	stream.linear.gather [hbm4b:s9+s2], $0x4000, $0x38;
	[tilespmem:$0x1C000] =	vst v63  }
0x1cc: {  	_ =	swait.ge [sflag:s24], $0x4000  }
0x1cd: {  	[sflag:s24] =	ssyncset.done $0x0  }
0x1ce: {  	s1 =	rddreg [dreg:$0x1b];
	[sflag:s24] =	ssyncadd.s32 $0xFFFFC000  }
0x1cf: {  	[hbm4b:s1+s2] =	stream.linear.scatter [tilespmem:s21], [sflag:$0x9], $0x4000, $0x38;
	[tilespmem:$0x1C000] =	vst v63  }
0x1d0: {  	s9 =	rddreg [dreg:$0x1c]  }
0x1d1: {  	[tilespmem:s26], [sflag:$0x7] =	stream.linear.gather [hbm4b:s9+s2], $0x4000, $0x38;
	[tilespmem:$0x1C000] =	vst v63  }
0x1d2: {  	_ =	swait.ge [sflag:s23], $0x4000  }
0x1d3: {  	[sflag:s23] =	ssyncset.done $0x0  }
0x1d4: {  	s1 =	rddreg [dreg:$0x1d];
	[sflag:s23] =	ssyncadd.s32 $0xFFFFC000  }
0x1d5: {  	[hbm4b:s1+s2] =	stream.linear.scatter [tilespmem:s19], [sflag:$0xA], $0x4000, $0x38;
	[tilespmem:$0x1C000] =	vst v63  }
0x1d6: {  	_ =	swait.ge [sflag:s4], $0x4000  }
0x1d7: {  	[sflag:s4] =	ssyncset.done $0x0  }
0x1d8: {  	s1 =	rddreg [dreg:$0x1e];
	[sflag:s4] =	ssyncadd.s32 $0xFFFFC000  }
0x1d9: {  	[tilespmem:s22], [sflag:$0x3] =	stream.linear.gather [hbm4b:s1+s2], $0x4000, $0x38;
	[tilespmem:$0x1C000] =	vst v63  }
0x1da: {  	_ =	swait.ge [sflag:s30], $0x4000  }
0x1db: {  	[sflag:s30] =	ssyncset.done $0x0  }
0x1dc: {  	s1 =	rddreg [dreg:$0x1f];
	[sflag:s30] =	ssyncadd.s32 $0xFFFFC000  }
0x1dd: {  	[hbm4b:s1+s2] =	stream.linear.scatter [tilespmem:s28], [sflag:$0xB], $0x4000, $0x38;
	[tilespmem:$0x1C000] =	vst v63  }
0x1de: {  	_ =	swait.ge [sflag:s6], $0x4000  }
0x1df: {  	s1 =	sld [smem:$0x7EF]  }
0x1e0: {  	[sflag:s6] =	ssyncset.done $0x0  }
0x1e1: {  	[sflag:s6] =	ssyncadd.s32 $0xFFFFC000  }
0x1e2: {  	[tilespmem:s21], [sflag:$0x4] =	stream.linear.gather [hbm4b:s1+s2], $0x4000, $0x38;
	[tilespmem:$0x1C000] =	vst v63  }
0x1e3: {  	_ =	swait.ge [sflag:s29], $0x4000  }
0x1e4: {  	s1 =	sld [smem:$0x7F0]  }
0x1e5: {  	[sflag:s29] =	ssyncset.done $0x0  }
0x1e6: {  	[sflag:s29] =	ssyncadd.s32 $0xFFFFC000  }
0x1e7: {  	[hbm4b:s1+s2] =	stream.linear.scatter [tilespmem:s26], [sflag:$0xC], $0x4000, $0x38;
	[tilespmem:$0x1C000] =	vst v63  }
0x1e8: {  	_ =	swait.ge [sflag:s5], $0x4000  }
0x1e9: {  	s1 =	sld [smem:$0x7F1]  }
0x1ea: {  	[sflag:s5] =	ssyncset.done $0x0  }
0x1eb: {  	[sflag:s5] =	ssyncadd.s32 $0xFFFFC000  }
0x1ec: {  	[tilespmem:s19], [sflag:$0x5] =	stream.linear.gather [hbm4b:s1+s2], $0x4000, $0x38;
	[tilespmem:$0x1C000] =	vst v63  }
0x1ed: {  	_ =	swait.ge [sflag:s25], $0x4000  }
0x1ee: {  	s1 =	sld [smem:$0x7F2]  }
0x1ef: {  	[sflag:s25] =	ssyncset.done $0x0  }
0x1f0: {  	[sflag:s25] =	ssyncadd.s32 $0xFFFFC000  }
0x1f1: {  	[hbm4b:s1+s2] =	stream.linear.scatter [tilespmem:s22], [sflag:$0x8], $0x4000, $0x38;
	[tilespmem:$0x1C000] =	vst v63  }
0x1f2: {  	_ =	swait.ge [sflag:s8], $0x4000  }
0x1f3: {  	s1 =	sld [smem:$0x7F3]  }
0x1f4: {  	[sflag:s8] =	ssyncset.done $0x0  }
0x1f5: {  	[sflag:s8] =	ssyncadd.s32 $0xFFFFC000  }
0x1f6: {  	[tilespmem:s28], [sflag:$0x6] =	stream.linear.gather [hbm4b:s1+s2], $0x4000, $0x38;
	[tilespmem:$0x1C000] =	vst v63  }
0x1f7: {  	_ =	swait.ge [sflag:s24], $0x4000  }
0x1f8: {  	s1 =	sld [smem:$0x7F4]  }
0x1f9: {  	[sflag:s24] =	ssyncset.done $0x0  }
0x1fa: {  	[sflag:s24] =	ssyncadd.s32 $0xFFFFC000  }
0x1fb: {  	[hbm4b:s1+s2] =	stream.linear.scatter [tilespmem:s21], [sflag:$0x9], $0x4000, $0x38;
	[tilespmem:$0x1C000] =	vst v63  }
0x1fc: {  	_ =	swait.ge [sflag:s7], $0x4000  }
0x1fd: {  	s1 =	sld [smem:$0x7F5]  }
0x1fe: {  	[sflag:s7] =	ssyncset.done $0x0  }
0x1ff: {  	[sflag:s7] =	ssyncadd.s32 $0xFFFFC000  }
0x200: {  	[tilespmem:s26], [sflag:$0x7] =	stream.linear.gather [hbm4b:s1+s2], $0x4000, $0x38;
	[tilespmem:$0x1C000] =	vst v63  }
0x201: {  	_ =	swait.ge [sflag:s23], $0x4000  }
0x202: {  	s1 =	sld [smem:$0x7F6]  }
0x203: {  	[sflag:s23] =	ssyncset.done $0x0  }
0x204: {  	[sflag:s23] =	ssyncadd.s32 $0xFFFFC000  }
0x205: {  	[hbm4b:s1+s2] =	stream.linear.scatter [tilespmem:s19], [sflag:$0xA], $0x4000, $0x38;
	[tilespmem:$0x1C000] =	vst v63  }
0x206: {  	_ =	swait.ge [sflag:s4], $0x4000  }
0x207: {  	s1 =	sld [smem:$0x7F7]  }
0x208: {  	[sflag:s4] =	ssyncset.done $0x0  }
0x209: {  	[sflag:s4] =	ssyncadd.s32 $0xFFFFC000  }
0x20a: {  	[tilespmem:s22], [sflag:$0x3] =	stream.linear.gather [hbm4b:s1+s2], $0x4000, $0x38;
	[tilespmem:$0x1C000] =	vst v63  }
0x20b: {  	_ =	swait.ge [sflag:s30], $0x4000  }
0x20c: {  	s1 =	sld [smem:$0x7F8]  }
0x20d: {  	[sflag:s30] =	ssyncset.done $0x0  }
0x20e: {  	[sflag:s30] =	ssyncadd.s32 $0xFFFFC000  }
0x20f: {  	[hbm4b:s1+s2] =	stream.linear.scatter [tilespmem:s28], [sflag:$0xB], $0x4000, $0x38;
	[tilespmem:$0x1C000] =	vst v63  }
0x210: {  	_ =	swait.ge [sflag:s6], $0x4000  }
0x211: {  	s1 =	sld [smem:$0x7F9]  }
0x212: {  	[sflag:s6] =	ssyncset.done $0x0  }
0x213: {  	[sflag:s6] =	ssyncadd.s32 $0xFFFFC000  }
0x214: {  	[tilespmem:s21], [sflag:$0x4] =	stream.linear.gather [hbm4b:s1+s2], $0x4000, $0x38;
	[tilespmem:$0x1C000] =	vst v63  }
0x215: {  	_ =	swait.ge [sflag:s29], $0x4000  }
0x216: {  	s1 =	sld [smem:$0x7FA]  }
0x217: {  	[sflag:s29] =	ssyncset.done $0x0  }
0x218: {  	[sflag:s29] =	ssyncadd.s32 $0xFFFFC000  }
0x219: {  	[hbm4b:s1+s2] =	stream.linear.scatter [tilespmem:s26], [sflag:$0xC], $0x4000, $0x38;
	[tilespmem:$0x1C000] =	vst v63  }
0x21a: {  	_ =	swait.ge [sflag:s5], $0x4000  }
0x21b: {  	s1 =	sld [smem:$0x7FB]  }
0x21c: {  	[sflag:s5] =	ssyncset.done $0x0  }
0x21d: {  	[sflag:s5] =	ssyncadd.s32 $0xFFFFC000  }
0x21e: {  	[tilespmem:s19], [sflag:$0x5] =	stream.linear.gather [hbm4b:s1+s2], $0x4000, $0x38;
	[tilespmem:$0x1C000] =	vst v63  }
0x21f: {  	_ =	swait.ge [sflag:s25], $0x4000  }
0x220: {  	s1 =	sld [smem:$0x7FC]  }
0x221: {  	[sflag:s25] =	ssyncset.done $0x0  }
0x222: {  	[sflag:s25] =	ssyncadd.s32 $0xFFFFC000  }
0x223: {  	[hbm4b:s1+s2] =	stream.linear.scatter [tilespmem:s22], [sflag:$0x8], $0x4000, $0x38;
	[tilespmem:$0x1C000] =	vst v63  }
0x224: {  	_ =	swait.ge [sflag:s8], $0x4000  }
0x225: {  	s1 =	sld [smem:$0x7FD]  }
0x226: {  	[sflag:s8] =	ssyncset.done $0x0  }
0x227: {  	[sflag:s8] =	ssyncadd.s32 $0xFFFFC000  }
0x228: {  	[tilespmem:s28], [sflag:$0x6] =	stream.linear.gather [hbm4b:s1+s2], $0x4000, $0x38;
	[tilespmem:$0x1C000] =	vst v63  }
0x229: {  	_ =	swait.ge [sflag:s24], $0x4000  }
0x22a: {  	[sflag:s24] =	ssyncset.done $0x0  }
0x22b: {  	s9 =	smov.u32 s10;
	[sflag:s24] =	ssyncadd.s32 $0xFFFFC000  }
0x22c: {  	[hbm4b:s9+s2] =	stream.linear.scatter [tilespmem:s21], [sflag:$0x9], $0x4000, $0x38;
	[tilespmem:$0x1C000] =	vst v63  }
0x22d: {  	_ =	swait.ge [sflag:s7], $0x4000  }
0x22e: {  	[sflag:s7] =	ssyncset.done $0x0  }
0x22f: {  	s10 =	smov.u32 s11;
	[sflag:s7] =	ssyncadd.s32 $0xFFFFC000  }
0x230: {  	[tilespmem:s26], [sflag:$0x7] =	stream.linear.gather [hbm4b:s10+s2], $0x4000, $0x38;
	[tilespmem:$0x1C000] =	vst v63  }
0x231: {  	_ =	swait.ge [sflag:s23], $0x4000  }
0x232: {  	[sflag:s23] =	ssyncset.done $0x0  }
0x233: {  	s11 =	smov.u32 s12;
	s12 =	smov.u32 s13;
	[sflag:s23] =	ssyncadd.s32 $0xFFFFC000  }
0x234: {  	[hbm4b:s12+s2] =	stream.linear.scatter [tilespmem:s19], [sflag:$0xA], $0x4000, $0x38;
	[tilespmem:$0x1C000] =	vst v63  }
0x235: {  	_ =	swait.ge [sflag:s4], $0x4000  }
0x236: {  	[sflag:s4] =	ssyncset.done $0x0  }
0x237: {  	s13 =	smov.u32 s14;
	[sflag:s4] =	ssyncadd.s32 $0xFFFFC000  }
0x238: {  	[tilespmem:s22], [sflag:$0x3] =	stream.linear.gather [hbm4b:s13+s2], $0x4000, $0x38;
	[tilespmem:$0x1C000] =	vst v63  }
0x239: {  	_ =	swait.ge [sflag:s30], $0x4000  }
0x23a: {  	[sflag:s30] =	ssyncset.done $0x0  }
0x23b: {  	[sflag:s30] =	ssyncadd.s32 $0xFFFFC000  }
0x23c: {  	[hbm4b:s11+s2] =	stream.linear.scatter [tilespmem:s28], [sflag:$0xB], $0x4000, $0x38;
	[tilespmem:$0x1C000] =	vst v63  }
0x23d: {  	_ =	swait.ge [sflag:s6], $0x4000  }
0x23e: {  	[sflag:s6] =	ssyncset.done $0x0  }
0x23f: {  	s14 =	smov.u32 s15;
	[sflag:s6] =	ssyncadd.s32 $0xFFFFC000  }
0x240: {  	[tilespmem:s21], [sflag:$0x4] =	stream.linear.gather [hbm4b:s14+s2], $0x4000, $0x38;
	[tilespmem:$0x1C000] =	vst v63  }
0x241: {  	_ =	swait.ge [sflag:s29], $0x4000  }
0x242: {  	[sflag:s29] =	ssyncset.done $0x0  }
0x243: {  	s15 =	smov.u32 s16;
	[sflag:s29] =	ssyncadd.s32 $0xFFFFC000  }
0x244: {  	[hbm4b:s15+s2] =	stream.linear.scatter [tilespmem:s26], [sflag:$0xC], $0x4000, $0x38;
	[tilespmem:$0x1C000] =	vst v63  }
0x245: {  	_ =	swait.ge [sflag:s5], $0x4000  }
0x246: {  	[sflag:s5] =	ssyncset.done $0x0  }
0x247: {  	s16 =	smov.u32 s17;
	[sflag:s5] =	ssyncadd.s32 $0xFFFFC000  }
0x248: {  	[tilespmem:s19], [sflag:$0x5] =	stream.linear.gather [hbm4b:s16+s2], $0x4000, $0x38;
	[tilespmem:$0x1C000] =	vst v63  }
0x249: {  	_ =	swait.ge [sflag:s25], $0x4000  }
0x24a: {  	[sflag:s25] =	ssyncset.done $0x0  }
0x24b: {  	[sflag:s25] =	ssyncadd.s32 $0xFFFFC000  }
0x24c: {  	[hbm4b:s31+s2] =	stream.linear.scatter [tilespmem:s22], [sflag:$0x8], $0x4000, $0x38;
	[tilespmem:$0x1C000] =	vst v63  }
0x24d: {  	_ =	swait.ge [sflag:s24], $0x4000  }
0x24e: {  	[sflag:s24] =	ssyncset.done $0x0  }
0x24f: {  	s17 =	smov.u32 s18;
	s18 =	smov.u32 s20;
	[sflag:s24] =	ssyncadd.s32 $0xFFFFC000  }
0x250: {  	[hbm4b:s18+s2] =	stream.linear.scatter [tilespmem:s21], [sflag:$0x9], $0x4000, $0x38;
	[tilespmem:$0x1C000] =	vst v63  }
0x251: {  	_ =	swait.ge [sflag:s23], $0x4000  }
0x252: {  	[sflag:s23] =	ssyncset.done $0x0  }
0x253: {  	[sflag:s23] =	ssyncadd.s32 $0xFFFFC000  }
0x254: {  	[hbm4b:s17+s2] =	stream.linear.scatter [tilespmem:s19], [sflag:$0xA], $0x4000, $0x38;
	[tilespmem:$0x1C000] =	vst v63  }
0x255: {  	_ =	swait.ge [sflag:s3], $0x8000  }
0x256: {  	[sflag:s3] =	ssyncset.done $0x0  }
0x257: {  	[sflag:s3] =	ssyncadd.s32 $0xFFFF8000  }
0x258: {  	_ =	swait.ge [sflag:s3], $0x8000  }
0x259: {  	[sflag:s3] =	ssyncset.done $0x0  }
0x25a: {  	[sflag:s3] =	ssyncadd.s32 $0xFFFF8000  }
0x25b: {  	_ =	swait.ge [sflag:s3], $0x8000  }
0x25c: {  	[sflag:s3] =	ssyncset.done $0x0  }
0x25d: {  	[sflag:s3] =	ssyncadd.s32 $0xFFFF8000  }
0x25e: {  	_ =	swait.ge [sflag:s3], $0x8000  }
0x25f: {  	[sflag:s3] =	ssyncset.done $0x0  }
0x260: {  	[sflag:s3] =	ssyncadd.s32 $0xFFFF8000  }
0x261: {  	_ =	swait.ge [sflag:s3], $0x8000  }
0x262: {  	[sflag:s3] =	ssyncset.done $0x0  }
0x263: {  	[sflag:s3] =	ssyncadd.s32 $0xFFFF8000  }
0x264: {  	_ =	swait.ge [sflag:s3], $0x8000  }
0x265: {  	[sflag:s3] =	ssyncset.done $0x0  }
0x266: {  	[sflag:s3] =	ssyncadd.s32 $0xFFFF8000  }
0x267: {  	_ =	swait.ge [sflag:s3], $0x8000  }
0x268: {  	[sflag:s3] =	ssyncset.done $0x0  }
0x269: {  	[sflag:s3] =	ssyncadd.s32 $0xFFFF8000  }
0x26a: {  	_ =	swait.ge [sflag:s3], $0x8000  }
0x26b: {  	[sflag:s3] =	ssyncset.done $0x0  }
0x26c: {  	[sflag:s3] =	ssyncadd.s32 $0xFFFF8000  }
0x26d: {  	_ =	swait.ge [sflag:s3], $0x8000  }
0x26e: {  	[sflag:s3] =	ssyncset.done $0x0  }
0x26f: {  	[sflag:s3] =	ssyncadd.s32 $0xFFFF8000  }
0x270: {  	_ =	swait.ge [sflag:s3], $0x8000  }
0x271: {  	[sflag:s3] =	ssyncset.done $0x0  }
0x272: {  	[sflag:s3] =	ssyncadd.s32 $0xFFFF8000  }
0x273: {  	_ =	swait.ge [sflag:s3], $0x8000  }
0x274: {  	[sflag:s3] =	ssyncset.done $0x0  }
0x275: {  	[sflag:s3] =	ssyncadd.s32 $0xFFFF8000  }
0x276: {  	_ =	swait.ge [sflag:s3], $0x8000  }
0x277: {  	[sflag:s3] =	ssyncset.done $0x0  }
0x278: {  	[sflag:s3] =	ssyncadd.s32 $0xFFFF8000  }
0x279: {  	_ =	swait.ge [sflag:s3], $0x8000  }
0x27a: {  	[sflag:s3] =	ssyncset.done $0x0  }
0x27b: {  	[sflag:s3] =	ssyncadd.s32 $0xFFFF8000  }
0x27c: {  	_ =	swait.ge [sflag:s3], $0x8000  }
0x27d: {  	[sflag:s3] =	ssyncset.done $0x0  }
0x27e: {  	[sflag:s3] =	ssyncadd.s32 $0xFFFF8000  }
0x27f: {  	_ =	swait.ge [sflag:s3], $0x8000  }
0x280: {  	[sflag:s3] =	ssyncset.done $0x0  }
0x281: {  	[sflag:s3] =	ssyncadd.s32 $0xFFFF8000  }
0x282: {  	_ =	swait.ge [sflag:s3], $0x8000  }
0x283: {  	[sflag:s3] =	ssyncset.done $0x0  }
0x284: {  	[sflag:s3] =	ssyncadd.s32 $0xFFFF8000  }
0x285: {  	_ =	swait.ge [sflag:s3], $0x8000  }
0x286: {  	[sflag:s3] =	ssyncset.done $0x0  }
0x287: {  	[sflag:s3] =	ssyncadd.s32 $0xFFFF8000  }
0x288: {  	_ =	swait.ge [sflag:s3], $0x8000  }
0x289: {  	[sflag:s3] =	ssyncset.done $0x0  }
0x28a: {  	[sflag:s3] =	ssyncadd.s32 $0xFFFF8000  }
0x28b: {  	_ =	swait.ge [sflag:s8], $0x4000  }
0x28c: {  	[sflag:s8] =	ssyncset.done $0x0  }
0x28d: {  	[sflag:s8] =	ssyncadd.s32 $0xFFFFC000  }
0x28e: {  	_ =	swait.ge [sflag:s7], $0x4000  }
0x28f: {  	[sflag:s7] =	ssyncset.done $0x0  }
0x290: {  	[sflag:s7] =	ssyncadd.s32 $0xFFFFC000  }
0x291: {  	_ =	swait.ge [sflag:s4], $0x4000  }
0x292: {  	[sflag:s4] =	ssyncset.done $0x0  }
0x293: {  	p1 =	sne.s32 s0, $0x1;
	[sflag:s4] =	ssyncadd.s32 $0xFFFFC000  }
.Ltmp2:
0x294: {  	_ =	swait.ge [sflag:s6], $0x4000;
	(pc) =	sbr.rel @p1 .LBB2_3-.Ltmp2, $4  }
0x295: {  	[sflag:s6] =	ssyncset.done $0x0  }
0x296: {  	[sflag:s6] =	ssyncadd.s32 $0xFFFFC000  }
0x297: {  	s0 =	sadd.s32 $0xFFFFFFFF, s0;
	_ =	swait.ge [sflag:s5], $0x4000  }
0x298: {  	s20 =	smov.u32 s31;
	s1 =	rddreg [dreg:$0x3];
	[sflag:s5] =	ssyncset.done $0x0  }
0x299: {  	s31 =	simm.s32 $0x1  }
.LBB2_5:
0x29a: {  	[sflag:s5] =	ssyncadd.s32 @p0 $0xFFFFC000  }
0x29b: {  	[tilespmem:s2], [sflag:$0x1] =	stream.linear.gather [hbm4b:s1+s2], $0x8000, $0x38;
	[tilespmem:$0x1C000] =	vst v63  }
0x29c: {  	s0 =	rddreg [dreg:$0x4]  }
0x29d: {  	[tilespmem:s22], [sflag:$0x3] =	stream.linear.gather [hbm4b:s0+s2], $0x4000, $0x38;
	[tilespmem:$0x1C000] =	vst v63  }
0x29e: {  	s1 =	rddreg [dreg:$0x5]  }
0x29f: {  	[tilespmem:s21], [sflag:$0x4] =	stream.linear.gather [hbm4b:s1+s2], $0x4000, $0x38;
	[tilespmem:$0x1C000] =	vst v63  }
0x2a0: {  	s0 =	rddreg [dreg:$0x6]  }
0x2a1: {  	[tilespmem:s19], [sflag:$0x5] =	stream.linear.gather [hbm4b:s0+s2], $0x4000, $0x38;
	[tilespmem:$0x1C000] =	vst v63  }
0x2a2: {  	_ =	swait.ge [sflag:s31], $0x8000  }
0x2a3: {  	[sflag:s31] =	ssyncset.done $0x0  }
0x2a4: {  	s1 =	rddreg [dreg:$0x7];
	[sflag:s31] =	ssyncadd.s32 $0xFFFF8000  }
0x2a5: {  	[hbm4b:s1+s2] =	stream.linear.scatter [tilespmem:s2], [sflag:$0x2], $0x8000, $0x38;
	[tilespmem:$0x1C000] =	vst v63  }
0x2a6: {  	s31 =	rddreg [dreg:$0x8]  }
0x2a7: {  	[hbm4b:s31+s2] =	stream.linear.scatter [tilespmem:s2], [sflag:$0x2], $0x8000, $0x38;
	[tilespmem:$0x1C000] =	vst v63  }
0x2a8: {  	s0 =	rddreg [dreg:$0x9]  }
0x2a9: {  	[hbm4b:s0+s2] =	stream.linear.scatter [tilespmem:s2], [sflag:$0x2], $0x8000, $0x38;
	[tilespmem:$0x1C000] =	vst v63  }
0x2aa: {  	s31 =	rddreg [dreg:$0xa]  }
0x2ab: {  	[hbm4b:s31+s2] =	stream.linear.scatter [tilespmem:s2], [sflag:$0x2], $0x8000, $0x38;
	[tilespmem:$0x1C000] =	vst v63  }
0x2ac: {  	s0 =	rddreg [dreg:$0xb]  }
0x2ad: {  	[hbm4b:s0+s2] =	stream.linear.scatter [tilespmem:s2], [sflag:$0x2], $0x8000, $0x38;
	[tilespmem:$0x1C000] =	vst v63  }
0x2ae: {  	s31 =	rddreg [dreg:$0xc]  }
0x2af: {  	[hbm4b:s31+s2] =	stream.linear.scatter [tilespmem:s2], [sflag:$0x2], $0x8000, $0x38;
	[tilespmem:$0x1C000] =	vst v63  }
0x2b0: {  	s0 =	rddreg [dreg:$0xd]  }
0x2b1: {  	[hbm4b:s0+s2] =	stream.linear.scatter [tilespmem:s2], [sflag:$0x2], $0x8000, $0x38;
	[tilespmem:$0x1C000] =	vst v63  }
0x2b2: {  	s31 =	rddreg [dreg:$0xe]  }
0x2b3: {  	[hbm4b:s31+s2] =	stream.linear.scatter [tilespmem:s2], [sflag:$0x2], $0x8000, $0x38;
	[tilespmem:$0x1C000] =	vst v63  }
0x2b4: {  	s0 =	rddreg [dreg:$0xf]  }
0x2b5: {  	[hbm4b:s0+s2] =	stream.linear.scatter [tilespmem:s2], [sflag:$0x2], $0x8000, $0x38;
	[tilespmem:$0x1C000] =	vst v63  }
0x2b6: {  	s31 =	rddreg [dreg:$0x10]  }
0x2b7: {  	[hbm4b:s31+s2] =	stream.linear.scatter [tilespmem:s2], [sflag:$0x2], $0x8000, $0x38;
	[tilespmem:$0x1C000] =	vst v63  }
0x2b8: {  	s0 =	rddreg [dreg:$0x11]  }
0x2b9: {  	[hbm4b:s0+s2] =	stream.linear.scatter [tilespmem:s2], [sflag:$0x2], $0x8000, $0x38;
	[tilespmem:$0x1C000] =	vst v63  }
0x2ba: {  	s31 =	rddreg [dreg:$0x12]  }
0x2bb: {  	[hbm4b:s31+s2] =	stream.linear.scatter [tilespmem:s2], [sflag:$0x2], $0x8000, $0x38;
	[tilespmem:$0x1C000] =	vst v63  }
0x2bc: {  	s0 =	rddreg [dreg:$0x13]  }
0x2bd: {  	[hbm4b:s0+s2] =	stream.linear.scatter [tilespmem:s2], [sflag:$0x2], $0x8000, $0x38;
	[tilespmem:$0x1C000] =	vst v63  }
0x2be: {  	s31 =	rddreg [dreg:$0x14]  }
0x2bf: {  	[hbm4b:s31+s2] =	stream.linear.scatter [tilespmem:s2], [sflag:$0x2], $0x8000, $0x38;
	[tilespmem:$0x1C000] =	vst v63  }
0x2c0: {  	s0 =	rddreg [dreg:$0x15]  }
0x2c1: {  	[hbm4b:s0+s2] =	stream.linear.scatter [tilespmem:s2], [sflag:$0x2], $0x8000, $0x38;
	[tilespmem:$0x1C000] =	vst v63  }
0x2c2: {  	s31 =	rddreg [dreg:$0x16]  }
0x2c3: {  	[hbm4b:s31+s2] =	stream.linear.scatter [tilespmem:s2], [sflag:$0x2], $0x8000, $0x38;
	[tilespmem:$0x1C000] =	vst v63  }
0x2c4: {  	s0 =	rddreg [dreg:$0x17]  }
0x2c5: {  	[hbm4b:s0+s2] =	stream.linear.scatter [tilespmem:s2], [sflag:$0x2], $0x8000, $0x38;
	[tilespmem:$0x1C000] =	vst v63  }
0x2c6: {  	s31 =	rddreg [dreg:$0x18]  }
0x2c7: {  	[hbm4b:s31+s2] =	stream.linear.scatter [tilespmem:s2], [sflag:$0x2], $0x8000, $0x38;
	[tilespmem:$0x1C000] =	vst v63  }
0x2c8: {  	_ =	swait.ge [sflag:s25], $0x4000  }
0x2c9: {  	[sflag:s25] =	ssyncset.done $0x0  }
0x2ca: {  	s1 =	rddreg [dreg:$0x19];
	[sflag:s25] =	ssyncadd.s32 $0xFFFFC000  }
0x2cb: {  	[hbm4b:s1+s2] =	stream.linear.scatter [tilespmem:s22], [sflag:$0x8], $0x4000, $0x38;
	[tilespmem:$0x1C000] =	vst v63  }
0x2cc: {  	s31 =	rddreg [dreg:$0x1a]  }
0x2cd: {  	[tilespmem:s28], [sflag:$0x6] =	stream.linear.gather [hbm4b:s31+s2], $0x4000, $0x38;
	[tilespmem:$0x1C000] =	vst v63  }
0x2ce: {  	_ =	swait.ge [sflag:s24], $0x4000  }
0x2cf: {  	[sflag:s24] =	ssyncset.done $0x0  }
0x2d0: {  	s1 =	rddreg [dreg:$0x1b];
	[sflag:s24] =	ssyncadd.s32 $0xFFFFC000  }
0x2d1: {  	[hbm4b:s1+s2] =	stream.linear.scatter [tilespmem:s21], [sflag:$0x9], $0x4000, $0x38;
	[tilespmem:$0x1C000] =	vst v63  }
0x2d2: {  	s31 =	rddreg [dreg:$0x1c]  }
0x2d3: {  	[tilespmem:s26], [sflag:$0x7] =	stream.linear.gather [hbm4b:s31+s2], $0x4000, $0x38;
	[tilespmem:$0x1C000] =	vst v63  }
0x2d4: {  	_ =	swait.ge [sflag:s23], $0x4000  }
0x2d5: {  	[sflag:s23] =	ssyncset.done $0x0  }
0x2d6: {  	s31 =	rddreg [dreg:$0x1d];
	[sflag:s23] =	ssyncadd.s32 $0xFFFFC000  }
0x2d7: {  	[hbm4b:s31+s2] =	stream.linear.scatter [tilespmem:s19], [sflag:$0xA], $0x4000, $0x38;
	[tilespmem:$0x1C000] =	vst v63  }
0x2d8: {  	_ =	swait.ge [sflag:s4], $0x4000  }
0x2d9: {  	[sflag:s4] =	ssyncset.done $0x0  }
0x2da: {  	s1 =	rddreg [dreg:$0x1e];
	[sflag:s4] =	ssyncadd.s32 $0xFFFFC000  }
0x2db: {  	[tilespmem:s22], [sflag:$0x3] =	stream.linear.gather [hbm4b:s1+s2], $0x4000, $0x38;
	[tilespmem:$0x1C000] =	vst v63  }
0x2dc: {  	_ =	swait.ge [sflag:s30], $0x4000  }
0x2dd: {  	[sflag:s30] =	ssyncset.done $0x0  }
0x2de: {  	s31 =	rddreg [dreg:$0x1f];
	[sflag:s30] =	ssyncadd.s32 $0xFFFFC000  }
0x2df: {  	[hbm4b:s31+s2] =	stream.linear.scatter [tilespmem:s28], [sflag:$0xB], $0x4000, $0x38;
	[tilespmem:$0x1C000] =	vst v63  }
0x2e0: {  	_ =	swait.ge [sflag:s6], $0x4000  }
0x2e1: {  	s1 =	sld [smem:$0x7EF]  }
0x2e2: {  	[sflag:s6] =	ssyncset.done $0x0  }
0x2e3: {  	[sflag:s6] =	ssyncadd.s32 $0xFFFFC000  }
0x2e4: {  	[tilespmem:s21], [sflag:$0x4] =	stream.linear.gather [hbm4b:s1+s2], $0x4000, $0x38;
	[tilespmem:$0x1C000] =	vst v63  }
0x2e5: {  	_ =	swait.ge [sflag:s29], $0x4000  }
0x2e6: {  	s31 =	sld [smem:$0x7F0]  }
0x2e7: {  	[sflag:s29] =	ssyncset.done $0x0  }
0x2e8: {  	[sflag:s29] =	ssyncadd.s32 $0xFFFFC000  }
0x2e9: {  	[hbm4b:s31+s2] =	stream.linear.scatter [tilespmem:s26], [sflag:$0xC], $0x4000, $0x38;
	[tilespmem:$0x1C000] =	vst v63  }
0x2ea: {  	_ =	swait.ge [sflag:s5], $0x4000  }
0x2eb: {  	s1 =	sld [smem:$0x7F1]  }
0x2ec: {  	[sflag:s5] =	ssyncset.done $0x0  }
0x2ed: {  	[sflag:s5] =	ssyncadd.s32 $0xFFFFC000  }
0x2ee: {  	[tilespmem:s19], [sflag:$0x5] =	stream.linear.gather [hbm4b:s1+s2], $0x4000, $0x38;
	[tilespmem:$0x1C000] =	vst v63  }
0x2ef: {  	_ =	swait.ge [sflag:s25], $0x4000  }
0x2f0: {  	s31 =	sld [smem:$0x7F2]  }
0x2f1: {  	[sflag:s25] =	ssyncset.done $0x0  }
0x2f2: {  	[sflag:s25] =	ssyncadd.s32 $0xFFFFC000  }
0x2f3: {  	[hbm4b:s31+s2] =	stream.linear.scatter [tilespmem:s22], [sflag:$0x8], $0x4000, $0x38;
	[tilespmem:$0x1C000] =	vst v63  }
0x2f4: {  	_ =	swait.ge [sflag:s8], $0x4000  }
0x2f5: {  	s1 =	sld [smem:$0x7F3]  }
0x2f6: {  	[sflag:s8] =	ssyncset.done $0x0  }
0x2f7: {  	[sflag:s8] =	ssyncadd.s32 $0xFFFFC000  }
0x2f8: {  	[tilespmem:s28], [sflag:$0x6] =	stream.linear.gather [hbm4b:s1+s2], $0x4000, $0x38;
	[tilespmem:$0x1C000] =	vst v63  }
0x2f9: {  	_ =	swait.ge [sflag:s24], $0x4000  }
0x2fa: {  	s31 =	sld [smem:$0x7F4]  }
0x2fb: {  	[sflag:s24] =	ssyncset.done $0x0  }
0x2fc: {  	[sflag:s24] =	ssyncadd.s32 $0xFFFFC000  }
0x2fd: {  	[hbm4b:s31+s2] =	stream.linear.scatter [tilespmem:s21], [sflag:$0x9], $0x4000, $0x38;
	[tilespmem:$0x1C000] =	vst v63  }
0x2fe: {  	_ =	swait.ge [sflag:s7], $0x4000  }
0x2ff: {  	s1 =	sld [smem:$0x7F5]  }
0x300: {  	[sflag:s7] =	ssyncset.done $0x0  }
0x301: {  	[sflag:s7] =	ssyncadd.s32 $0xFFFFC000  }
0x302: {  	[tilespmem:s26], [sflag:$0x7] =	stream.linear.gather [hbm4b:s1+s2], $0x4000, $0x38;
	[tilespmem:$0x1C000] =	vst v63  }
0x303: {  	_ =	swait.ge [sflag:s23], $0x4000  }
0x304: {  	s31 =	sld [smem:$0x7F6]  }
0x305: {  	[sflag:s23] =	ssyncset.done $0x0  }
0x306: {  	[sflag:s23] =	ssyncadd.s32 $0xFFFFC000  }
0x307: {  	[hbm4b:s31+s2] =	stream.linear.scatter [tilespmem:s19], [sflag:$0xA], $0x4000, $0x38;
	[tilespmem:$0x1C000] =	vst v63  }
0x308: {  	_ =	swait.ge [sflag:s4], $0x4000  }
0x309: {  	s1 =	sld [smem:$0x7F7]  }
0x30a: {  	[sflag:s4] =	ssyncset.done $0x0  }
0x30b: {  	[sflag:s4] =	ssyncadd.s32 $0xFFFFC000  }
0x30c: {  	[tilespmem:s22], [sflag:$0x3] =	stream.linear.gather [hbm4b:s1+s2], $0x4000, $0x38;
	[tilespmem:$0x1C000] =	vst v63  }
0x30d: {  	_ =	swait.ge [sflag:s30], $0x4000  }
0x30e: {  	s31 =	sld [smem:$0x7F8]  }
0x30f: {  	[sflag:s30] =	ssyncset.done $0x0  }
0x310: {  	[sflag:s30] =	ssyncadd.s32 $0xFFFFC000  }
0x311: {  	[hbm4b:s31+s2] =	stream.linear.scatter [tilespmem:s28], [sflag:$0xB], $0x4000, $0x38;
	[tilespmem:$0x1C000] =	vst v63  }
0x312: {  	_ =	swait.ge [sflag:s6], $0x4000  }
0x313: {  	s1 =	sld [smem:$0x7F9]  }
0x314: {  	[sflag:s6] =	ssyncset.done $0x0  }
0x315: {  	[sflag:s6] =	ssyncadd.s32 $0xFFFFC000  }
0x316: {  	[tilespmem:s21], [sflag:$0x4] =	stream.linear.gather [hbm4b:s1+s2], $0x4000, $0x38;
	[tilespmem:$0x1C000] =	vst v63  }
0x317: {  	_ =	swait.ge [sflag:s29], $0x4000  }
0x318: {  	s31 =	sld [smem:$0x7FA]  }
0x319: {  	[sflag:s29] =	ssyncset.done $0x0  }
0x31a: {  	[sflag:s29] =	ssyncadd.s32 $0xFFFFC000  }
0x31b: {  	[hbm4b:s31+s2] =	stream.linear.scatter [tilespmem:s26], [sflag:$0xC], $0x4000, $0x38;
	[tilespmem:$0x1C000] =	vst v63  }
0x31c: {  	_ =	swait.ge [sflag:s5], $0x4000  }
0x31d: {  	s1 =	sld [smem:$0x7FB]  }
0x31e: {  	[sflag:s5] =	ssyncset.done $0x0  }
0x31f: {  	[sflag:s5] =	ssyncadd.s32 $0xFFFFC000  }
0x320: {  	[tilespmem:s19], [sflag:$0x5] =	stream.linear.gather [hbm4b:s1+s2], $0x4000, $0x38;
	[tilespmem:$0x1C000] =	vst v63  }
0x321: {  	_ =	swait.ge [sflag:s25], $0x4000  }
0x322: {  	s31 =	sld [smem:$0x7FC]  }
0x323: {  	[sflag:s25] =	ssyncset.done $0x0  }
0x324: {  	[sflag:s25] =	ssyncadd.s32 $0xFFFFC000  }
0x325: {  	[hbm4b:s31+s2] =	stream.linear.scatter [tilespmem:s22], [sflag:$0x8], $0x4000, $0x38;
	[tilespmem:$0x1C000] =	vst v63  }
0x326: {  	_ =	swait.ge [sflag:s8], $0x4000  }
0x327: {  	s1 =	sld [smem:$0x7FD]  }
0x328: {  	[sflag:s8] =	ssyncset.done $0x0  }
0x329: {  	[sflag:s8] =	ssyncadd.s32 $0xFFFFC000  }
0x32a: {  	[tilespmem:s28], [sflag:$0x6] =	stream.linear.gather [hbm4b:s1+s2], $0x4000, $0x38;
	[tilespmem:$0x1C000] =	vst v63  }
0x32b: {  	_ =	swait.ge [sflag:s24], $0x4000  }
0x32c: {  	[sflag:s24] =	ssyncset.done $0x0  }
0x32d: {  	[sflag:s24] =	ssyncadd.s32 $0xFFFFC000  }
0x32e: {  	[hbm4b:s9+s2] =	stream.linear.scatter [tilespmem:s21], [sflag:$0x9], $0x4000, $0x38;
	[tilespmem:$0x1C000] =	vst v63  }
0x32f: {  	_ =	swait.ge [sflag:s7], $0x4000  }
0x330: {  	[sflag:s7] =	ssyncset.done $0x0  }
0x331: {  	[sflag:s7] =	ssyncadd.s32 $0xFFFFC000  }
0x332: {  	[tilespmem:s26], [sflag:$0x7] =	stream.linear.gather [hbm4b:s10+s2], $0x4000, $0x38;
	[tilespmem:$0x1C000] =	vst v63  }
0x333: {  	_ =	swait.ge [sflag:s23], $0x4000  }
0x334: {  	[sflag:s23] =	ssyncset.done $0x0  }
0x335: {  	[sflag:s23] =	ssyncadd.s32 $0xFFFFC000  }
0x336: {  	[hbm4b:s12+s2] =	stream.linear.scatter [tilespmem:s19], [sflag:$0xA], $0x4000, $0x38;
	[tilespmem:$0x1C000] =	vst v63  }
0x337: {  	_ =	swait.ge [sflag:s4], $0x4000  }
0x338: {  	[sflag:s4] =	ssyncset.done $0x0  }
0x339: {  	[sflag:s4] =	ssyncadd.s32 $0xFFFFC000  }
0x33a: {  	[tilespmem:s22], [sflag:$0x3] =	stream.linear.gather [hbm4b:s13+s2], $0x4000, $0x38;
	[tilespmem:$0x1C000] =	vst v63  }
0x33b: {  	_ =	swait.ge [sflag:s30], $0x4000  }
0x33c: {  	[sflag:s30] =	ssyncset.done $0x0  }
0x33d: {  	[sflag:s30] =	ssyncadd.s32 $0xFFFFC000  }
0x33e: {  	[hbm4b:s11+s2] =	stream.linear.scatter [tilespmem:s28], [sflag:$0xB], $0x4000, $0x38;
	[tilespmem:$0x1C000] =	vst v63  }
0x33f: {  	_ =	swait.ge [sflag:s6], $0x4000  }
0x340: {  	[sflag:s6] =	ssyncset.done $0x0  }
0x341: {  	[sflag:s6] =	ssyncadd.s32 $0xFFFFC000  }
0x342: {  	[tilespmem:s21], [sflag:$0x4] =	stream.linear.gather [hbm4b:s14+s2], $0x4000, $0x38;
	[tilespmem:$0x1C000] =	vst v63  }
0x343: {  	_ =	swait.ge [sflag:s29], $0x4000  }
0x344: {  	[sflag:s29] =	ssyncset.done $0x0  }
0x345: {  	[sflag:s29] =	ssyncadd.s32 $0xFFFFC000  }
0x346: {  	[hbm4b:s15+s2] =	stream.linear.scatter [tilespmem:s26], [sflag:$0xC], $0x4000, $0x38;
	[tilespmem:$0x1C000] =	vst v63  }
0x347: {  	_ =	swait.ge [sflag:s5], $0x4000  }
0x348: {  	[sflag:s5] =	ssyncset.done $0x0  }
0x349: {  	[sflag:s5] =	ssyncadd.s32 $0xFFFFC000  }
0x34a: {  	[tilespmem:s19], [sflag:$0x5] =	stream.linear.gather [hbm4b:s16+s2], $0x4000, $0x38;
	[tilespmem:$0x1C000] =	vst v63  }
0x34b: {  	_ =	swait.ge [sflag:s25], $0x4000  }
0x34c: {  	[sflag:s25] =	ssyncset.done $0x0  }
0x34d: {  	[sflag:s25] =	ssyncadd.s32 $0xFFFFC000  }
0x34e: {  	[hbm4b:s20+s2] =	stream.linear.scatter [tilespmem:s22], [sflag:$0x8], $0x4000, $0x38;
	[tilespmem:$0x1C000] =	vst v63  }
0x34f: {  	_ =	swait.ge [sflag:s24], $0x4000  }
0x350: {  	[sflag:s24] =	ssyncset.done $0x0  }
0x351: {  	[sflag:s24] =	ssyncadd.s32 $0xFFFFC000  }
0x352: {  	[hbm4b:s18+s2] =	stream.linear.scatter [tilespmem:s21], [sflag:$0x9], $0x4000, $0x38;
	[tilespmem:$0x1C000] =	vst v63  }
0x353: {  	_ =	swait.ge [sflag:s23], $0x4000  }
0x354: {  	[sflag:s23] =	ssyncset.done $0x0  }
0x355: {  	[sflag:s23] =	ssyncadd.s32 $0xFFFFC000  }
0x356: {  	[hbm4b:s17+s2] =	stream.linear.scatter [tilespmem:s19], [sflag:$0xA], $0x4000, $0x38;
	[tilespmem:$0x1C000] =	vst v63  }
0x357: {  	_ =	swait.ge [sflag:s3], $0x8000  }
0x358: {  	[sflag:s3] =	ssyncset.done $0x0  }
0x359: {  	[sflag:s3] =	ssyncadd.s32 $0xFFFF8000  }
0x35a: {  	_ =	swait.ge [sflag:s3], $0x8000  }
0x35b: {  	[sflag:s3] =	ssyncset.done $0x0  }
0x35c: {  	[sflag:s3] =	ssyncadd.s32 $0xFFFF8000  }
0x35d: {  	_ =	swait.ge [sflag:s3], $0x8000  }
0x35e: {  	[sflag:s3] =	ssyncset.done $0x0  }
0x35f: {  	[sflag:s3] =	ssyncadd.s32 $0xFFFF8000  }
0x360: {  	_ =	swait.ge [sflag:s3], $0x8000  }
0x361: {  	[sflag:s3] =	ssyncset.done $0x0  }
0x362: {  	[sflag:s3] =	ssyncadd.s32 $0xFFFF8000  }
0x363: {  	_ =	swait.ge [sflag:s3], $0x8000  }
0x364: {  	[sflag:s3] =	ssyncset.done $0x0  }
0x365: {  	[sflag:s3] =	ssyncadd.s32 $0xFFFF8000  }
0x366: {  	_ =	swait.ge [sflag:s3], $0x8000  }
0x367: {  	[sflag:s3] =	ssyncset.done $0x0  }
0x368: {  	[sflag:s3] =	ssyncadd.s32 $0xFFFF8000  }
0x369: {  	_ =	swait.ge [sflag:s3], $0x8000  }
0x36a: {  	[sflag:s3] =	ssyncset.done $0x0  }
0x36b: {  	[sflag:s3] =	ssyncadd.s32 $0xFFFF8000  }
0x36c: {  	_ =	swait.ge [sflag:s3], $0x8000  }
0x36d: {  	[sflag:s3] =	ssyncset.done $0x0  }
0x36e: {  	[sflag:s3] =	ssyncadd.s32 $0xFFFF8000  }
0x36f: {  	_ =	swait.ge [sflag:s3], $0x8000  }
0x370: {  	[sflag:s3] =	ssyncset.done $0x0  }
0x371: {  	[sflag:s3] =	ssyncadd.s32 $0xFFFF8000  }
0x372: {  	_ =	swait.ge [sflag:s3], $0x8000  }
0x373: {  	[sflag:s3] =	ssyncset.done $0x0  }
0x374: {  	[sflag:s3] =	ssyncadd.s32 $0xFFFF8000  }
0x375: {  	_ =	swait.ge [sflag:s3], $0x8000  }
0x376: {  	[sflag:s3] =	ssyncset.done $0x0  }
0x377: {  	[sflag:s3] =	ssyncadd.s32 $0xFFFF8000  }
0x378: {  	_ =	swait.ge [sflag:s3], $0x8000  }
0x379: {  	[sflag:s3] =	ssyncset.done $0x0  }
0x37a: {  	[sflag:s3] =	ssyncadd.s32 $0xFFFF8000  }
0x37b: {  	_ =	swait.ge [sflag:s3], $0x8000  }
0x37c: {  	[sflag:s3] =	ssyncset.done $0x0  }
0x37d: {  	[sflag:s3] =	ssyncadd.s32 $0xFFFF8000  }
0x37e: {  	_ =	swait.ge [sflag:s3], $0x8000  }
0x37f: {  	[sflag:s3] =	ssyncset.done $0x0  }
0x380: {  	[sflag:s3] =	ssyncadd.s32 $0xFFFF8000  }
0x381: {  	_ =	swait.ge [sflag:s3], $0x8000  }
0x382: {  	[sflag:s3] =	ssyncset.done $0x0  }
0x383: {  	[sflag:s3] =	ssyncadd.s32 $0xFFFF8000  }
0x384: {  	_ =	swait.ge [sflag:s3], $0x8000  }
0x385: {  	[sflag:s3] =	ssyncset.done $0x0  }
0x386: {  	[sflag:s3] =	ssyncadd.s32 $0xFFFF8000  }
0x387: {  	_ =	swait.ge [sflag:s3], $0x8000  }
0x388: {  	[sflag:s3] =	ssyncset.done $0x0  }
0x389: {  	[sflag:s3] =	ssyncadd.s32 $0xFFFF8000  }
0x38a: {  	_ =	swait.ge [sflag:s3], $0x8000  }
0x38b: {  	[sflag:s3] =	ssyncset.done $0x0  }
0x38c: {  	[sflag:s3] =	ssyncadd.s32 $0xFFFF8000  }
0x38d: {  	_ =	swait.ge [sflag:s8], $0x4000  }
0x38e: {  	[sflag:s8] =	ssyncset.done $0x0  }
0x38f: {  	[sflag:s8] =	ssyncadd.s32 $0xFFFFC000  }
0x390: {  	_ =	swait.ge [sflag:s7], $0x4000  }
0x391: {  	[sflag:s7] =	ssyncset.done $0x0  }
0x392: {  	[sflag:s7] =	ssyncadd.s32 $0xFFFFC000  }
0x393: {  	_ =	swait.ge [sflag:s4], $0x4000  }
0x394: {  	[sflag:s4] =	ssyncset.done $0x0  }
0x395: {  	[sflag:s4] =	ssyncadd.s32 $0xFFFFC000  }
0x396: {  	_ =	swait.ge [sflag:s6], $0x4000  }
0x397: {  	[sflag:s6] =	ssyncset.done $0x0  }
0x398: {  	[sflag:s6] =	ssyncadd.s32 $0xFFFFC000  }
0x399: {  	_ =	swait.ge [sflag:s5], $0x4000  }
0x39a: {  	[sflag:s5] =	ssyncset.done $0x0  }
0x39b: {  	[sflag:s5] =	ssyncadd.s32 $0xFFFFC000  }
0x39c: {  	_ =	sfence.sel $0x180000  }
0x39d: {  	[bflag:$0x0] =	sbarrier.arrive $0xFFFF  }
0x39e: {  	_ =	strace $0x90000047  }
0x39f: {  	s31 =	stileid.u32;
	[bflag:$0x2] =	sbarrier.arrive $0xFFFF  }
0x3a0: {  	p0 =	sne.s32 s31, $0x0;
	s0 =	rddreg [dreg:$0x2]  }
0x3a1: {  	s0 =	sadd.s32 @!p0 $0x100000, s0  }
0x3a2: {  	[sflag:s0] =	ssyncadd.tile.s32 @!p0 $0x1;
	_ =	shalt  }
.LBB2_2:
.Ltmp3:
0x3a3: {  	(pc) =	sbr.rel .LBB2_5-.Ltmp3, $2  }
0x3a4: {  	_ =	sdelay $0x2  }
0x3a5: {  	s31 =	simm.s32 $0x1  }
.Lfunc_end2:
_tile_overlayer_lowered:
.L_overlay_start_2:
0x3a6: {  	(tag) =	ssettag $0x2  }
0x3a7: {  	s0 =	rddreg [dreg:$0x0];
	s2 =	stileid.u32  }
0x3a8: {  	s1 =	rddreg [dreg:$0x1];
	p0 =	sne.s32 s2, $0x0  }
0x3a9: {  	s3 =	rddreg [dreg:$0x2];
	[bflag:$0x3] =	sbarrier.arrive $0xFFFF;
	s2 =	simm.s32 @!p0 $0x1C0D  }
0x3aa: {  	[timem:s3], [sflag:s2] =	dma.local @!p0 [hbm:s0], s1  }
0x3ab: {  	s0 =	simm.s32 @!p0 $0xD  }
0x3ac: {  	_ =	swait.ge @!p0 [sflag:s0], s1  }
0x3ad: {  	s1 =	ssub.s32 @!p0 $0x0, s1;
	[sflag:s0] =	ssyncset.done @!p0 $0x0  }
0x3ae: {  	[sflag:s0] =	ssyncadd.s32 @!p0 s1  }
0x3af: {  	[bflag:$0x3] =	sbarrier.arrive $0xFFFF  }
0x3b0: {  	_ =	shalt  }

</sc_bundles>
